<compile_context>
chip_gen: v7x
topology: tpu7x:2x2x1
jax: 0.10.2.dev20260603
libtpu: 0.0.44.dev20260713+nightly
codegen_flags: <defaults>
</compile_context>

<pallas_src>
import functools

import jax
import jax.numpy as jnp
from jax import lax
from jax.experimental import pallas as pl
from jax.experimental.pallas import tpu as pltpu
from jax.experimental.pallas import tpu_sc as plsc

NC = 2
NS = 16
NW = NC * NS
LANE = 16
PACK = 128 // LANE
EDGE_BLK = 125
KBUF = 10


def _make_sc_agg(n_pad, nblk):
    rows_per_tile = n_pad // NS
    nz = rows_per_tile // EDGE_BLK
    mesh = plsc.VectorSubcoreMesh(
        core_axis_name="c", subcore_axis_name="s", num_cores=NC, num_subcores=NS)

    @functools.partial(
        pl.kernel, mesh=mesh,
        out_type=jax.ShapeDtypeStruct((NC, n_pad, LANE), jnp.float32),
        scratch_types=[
            pltpu.VMEM((nblk, EDGE_BLK), jnp.int32),
            pltpu.VMEM((nblk, EDGE_BLK), jnp.int32),
            pltpu.VMEM((2 * KBUF, EDGE_BLK, LANE), jnp.float32),
            pltpu.VMEM((EDGE_BLK, LANE), jnp.float32),
            pltpu.VMEM_SHARED((n_pad, LANE), jnp.float32),
            pltpu.VMEM_SHARED((n_pad, LANE), jnp.float32),
            pltpu.SemaphoreType.DMA,
            pltpu.SemaphoreType.DMA,
            pltpu.SemaphoreType.DMA,
        ],
        compiler_params=pltpu.CompilerParams(use_tc_tiling_on_sc=False, skip_device_barrier=True),
    )
    def kern(table_hbm, src_hbm, dst_hbm, out_hbm,
             sidx, didx, rows, zbuf, tbl, acc, sem, ssem, stage_sem):
        c = lax.axis_index("c")
        s = lax.axis_index("s")
        wid = s * NC + c
        base = s * rows_per_tile

        stage = [
            pltpu.async_copy(table_hbm.at[pl.ds(base, rows_per_tile)],
                             tbl.at[pl.ds(base, rows_per_tile)], stage_sem),
            pltpu.async_copy(src_hbm.at[wid], sidx, stage_sem),
            pltpu.async_copy(dst_hbm.at[wid], didx, stage_sem),
        ]

        def fill(i, _):
            zbuf[i] = jnp.zeros((LANE,), jnp.float32)
            return 0
        lax.fori_loop(0, EDGE_BLK, fill, 0)

        def zloop(k, _):
            pltpu.sync_copy(zbuf, acc.at[pl.ds(base + k * EDGE_BLK, EDGE_BLK)])
            return 0
        lax.fori_loop(0, nz, zloop, 0)

        for d in stage:
            d.wait()
        plsc.subcore_barrier()

        ngroups = nblk // KBUF

        def group(g, _):
            half = (g % 2) * KBUF
            @pl.when(g >= 2)
            def _():
                for b in range(KBUF):
                    pltpu.make_async_copy(
                        rows.at[half + b], acc.at[didx.at[0]], ssem).wait()
            descs = []
            for b in range(KBUF):
                j = g * KBUF + b
                descs.append(
                    pltpu.async_copy(tbl.at[sidx.at[j]], rows.at[half + b], sem))
            for b in range(KBUF):
                descs[b].wait()
            for b in range(KBUF):
                j = g * KBUF + b
                pltpu.async_copy(rows.at[half + b], acc.at[didx.at[j]], ssem,
                                 add=True)
            return 0
        lax.fori_loop(0, ngroups, group, 0)

        for g in (ngroups - 2, ngroups - 1):
            half = (g % 2) * KBUF
            for b in range(KBUF):
                pltpu.make_async_copy(
                    rows.at[half + b], acc.at[didx.at[0]], ssem).wait()

        plsc.subcore_barrier()
        pltpu.sync_copy(acc.at[pl.ds(base, rows_per_tile)],
                        out_hbm.at[c, pl.ds(base, rows_per_tile)])

    return kern


def _make_sc_deg(n_pad, nblk):
    rows_per_tile = n_pad // NS
    nz = rows_per_tile // EDGE_BLK
    mesh = plsc.VectorSubcoreMesh(
        core_axis_name="c", subcore_axis_name="s", num_cores=NC, num_subcores=NS)

    @functools.partial(
        pl.kernel, mesh=mesh,
        out_type=jax.ShapeDtypeStruct((NC, n_pad, LANE), jnp.float32),
        scratch_types=[
            pltpu.VMEM((nblk, EDGE_BLK), jnp.int32),
            pltpu.VMEM((EDGE_BLK, LANE), jnp.float32),
            pltpu.VMEM((EDGE_BLK, LANE), jnp.float32),
            pltpu.VMEM_SHARED((n_pad, LANE), jnp.float32),
            pltpu.SemaphoreType.DMA,
        ],
        compiler_params=pltpu.CompilerParams(use_tc_tiling_on_sc=False, skip_device_barrier=True),
    )
    def kern(dst_hbm, out_hbm, didx, ones, zbuf, acc, sem):
        c = lax.axis_index("c")
        s = lax.axis_index("s")
        wid = s * NC + c
        base = s * rows_per_tile

        stage = pltpu.async_copy(dst_hbm.at[wid], didx, sem)

        def fill(i, _):
            zbuf[i] = jnp.zeros((LANE,), jnp.float32)
            ones[i] = jnp.ones((LANE,), jnp.float32)
            return 0
        lax.fori_loop(0, EDGE_BLK, fill, 0)

        def zloop(k, _):
            pltpu.sync_copy(zbuf, acc.at[pl.ds(base + k * EDGE_BLK, EDGE_BLK)])
            return 0
        lax.fori_loop(0, nz, zloop, 0)

        stage.wait()
        plsc.subcore_barrier()

        def group(g, _):
            descs = []
            for b in range(KBUF):
                j = g * KBUF + b
                descs.append(
                    pltpu.async_copy(ones, acc.at[didx.at[j]], sem, add=True))
            for b in range(KBUF):
                descs[b].wait()
            return 0
        lax.fori_loop(0, nblk // KBUF, group, 0)

        plsc.subcore_barrier()
        pltpu.sync_copy(acc.at[pl.ds(base, rows_per_tile)],
                        out_hbm.at[c, pl.ds(base, rows_per_tile)])

    return kern


def _tc_prescale(x, W1, degp_pk):
    npk = degp_pk.shape[1]

    def body(x_ref, w_ref, d_ref, hs_ref, dinv_ref):
        degpk = d_ref[0] + d_ref[1] + 1.0
        dinvp = lax.rsqrt(degpk)
        h = lax.dot_general(x_ref[...], w_ref[...], (((1,), (1,)), ((), ())),
                            preferred_element_type=jnp.float32)
        h3 = jnp.reshape(h, (npk, PACK, LANE))
        hp = jnp.concatenate([h3[:, a, :] for a in range(PACK)], axis=-1)
        hs_ref[...] = hp * dinvp
        dinv_ref[...] = dinvp

    return pl.pallas_call(
        body,
        out_shape=(jax.ShapeDtypeStruct((npk, 128), jnp.float32),
                   jax.ShapeDtypeStruct((npk, 128), jnp.float32)),
    )(x, W1, degp_pk)


def _tc_mid(p1_pk, hs1, dinv, b1p, W2k):
    npk = hs1.shape[0]

    def body(p_ref, hs_ref, dinv_ref, b_ref, w_ref, o_ref):
        out1 = jnp.maximum(
            dinv_ref[...] * (p_ref[0] + p_ref[1] + hs_ref[...]) + b_ref[...], 0.0)
        h2 = lax.dot_general(out1, w_ref[...], (((1,), (0,)), ((), ())),
                             preferred_element_type=jnp.float32)
        o_ref[...] = h2 * dinv_ref[...]

    return pl.pallas_call(
        body,
        out_shape=jax.ShapeDtypeStruct((npk, 128), jnp.float32),
    )(p1_pk, hs1, dinv, b1p, W2k)


def _tc_final(p2_pk, hs2, dinv, b2p, n):
    npk = hs2.shape[0]

    def body(p_ref, hs_ref, dinv_ref, b_ref, o_ref):
        o_ref[...] = (
            dinv_ref[...] * (p_ref[0] + p_ref[1] + hs_ref[...]) + b_ref[...])

    outp = pl.pallas_call(
        body,
        out_shape=jax.ShapeDtypeStruct((npk, 128), jnp.float32),
    )(p2_pk, hs2, dinv, b2p)
    return outp.reshape(n, LANE)


def kernel(x, edge_index, W1, b1, W2, b2):
    n, _ = x.shape
    e = edge_index.shape[1]

    npk = n * LANE // 128

    assert e % (NW * EDGE_BLK) == 0 and n % NS == 0 and (n * LANE) % 128 == 0
    ew = e // NW
    nblk = ew // EDGE_BLK
    assert nblk % KBUF == 0 and (n // NS) % EDGE_BLK == 0

    src_p = edge_index[0].astype(jnp.int32).reshape(NW, nblk, EDGE_BLK)
    dst_p = edge_index[1].astype(jnp.int32).reshape(NW, nblk, EDGE_BLK)
    b1p = jnp.tile(b1.reshape(1, LANE), (1, 128 // LANE))
    b2p = jnp.tile(b2.reshape(1, LANE), (1, 128 // LANE))
    W2k = jnp.kron(jnp.eye(128 // LANE, dtype=W2.dtype), W2.T)

    sc_deg = _make_sc_deg(n, nblk)
    sc_agg = _make_sc_agg(n, nblk)

    degp = sc_deg(dst_p)
    hs1, dinv = _tc_prescale(x, W1, degp.reshape(NC, npk, 128))
    p1 = sc_agg(hs1.reshape(n, LANE), src_p, dst_p)
    hs2 = _tc_mid(p1.reshape(NC, npk, 128), hs1, dinv, b1p, W2k)
    p2 = sc_agg(hs2.reshape(n, LANE), src_p, dst_p)
    return _tc_final(p2.reshape(NC, npk, 128), hs2, dinv, b2p, n)

# --- scband reference (transcript-rebuilt; emitter-appended) ---
"""Pipeline reference for scband-gcn-19404662243941 (READ-ONLY COPY).

The authoritative reference and input builder live on the scoring server;
editing this copy changes nothing except your own understanding.
"""

import jax, jax.numpy as jnp
import numpy as np

N_NODES = 10000
N_EDGES = 320000
IN_FEAT = 128
HID = 16
OUT_FEAT = 16


def setup_inputs(seed: int = 0) -> dict:
    key = jax.random.key(seed)
    k1, k2, k3, k4, k5, k6 = jax.random.split(key, 6)
    x = jax.random.normal(k1, (N_NODES, IN_FEAT), dtype=jnp.float32)
    edge_index = jax.random.randint(k2, (2, N_EDGES), 0, N_NODES, dtype=jnp.int64)
    # GCNConv layer 1: lin weight [hid, in], bias [hid] (torch Linear convention)
    W1 = jax.random.normal(k3, (HID, IN_FEAT), dtype=jnp.float32) * (1.0 / np.sqrt(IN_FEAT))
    b1 = jnp.zeros((HID,), dtype=jnp.float32)
    # GCNConv layer 2: lin weight [out, hid], bias [out]
    W2 = jax.random.normal(k4, (OUT_FEAT, HID), dtype=jnp.float32) * (1.0 / np.sqrt(HID))
    b2 = jnp.zeros((OUT_FEAT,), dtype=jnp.float32)
    return {"x": x, "edge_index": edge_index, "W1": W1, "b1": b1, "W2": W2, "b2": b2}


def _gcn_conv(x, edge_index, W, b):
    # Faithful GCNConv: gcn_norm (add self loops, symmetric deg^-1/2 norm),
    # lin(x), scatter-add propagate, + bias. Eval mode (dropout = identity).
    n = x.shape[0]
    src = edge_index[0]
    dst = edge_index[1]
    loop = jnp.arange(n, dtype=edge_index.dtype)
    src_full = jnp.concatenate([src, loop])
    dst_full = jnp.concatenate([dst, loop])
    ew = jnp.ones((src_full.shape[0],), dtype=x.dtype)  # fill_value=1.0 (improved=False)
    deg = jnp.zeros((n,), dtype=x.dtype).at[dst_full].add(ew)
    deg_inv_sqrt = jnp.where(deg > 0, deg ** -0.5, 0.0)
    norm = deg_inv_sqrt[src_full] * ew * deg_inv_sqrt[dst_full]
    h = x @ W.T
    msg = h[src_full] * norm[:, None]
    out = jnp.zeros((n, h.shape[1]), dtype=x.dtype).at[dst_full].add(msg)
    return out + b


def reference(x, edge_index, W1, b1, W2, b2):
    # dropout is identity in eval mode
    h = _gcn_conv(x, edge_index, W1, b1)
    h = jax.nn.relu(h)
    out = _gcn_conv(h, edge_index, W2, b2)
    return out

if __name__ == "__main__":
    import jax
    _d = setup_inputs()
    print(jax.jit(kernel)(*tuple(_d.values())))

</pallas_src>

<mosaic_0001>
#map = affine_map<(d0, d1) -> (0, 0, 0)>
module attributes {stable_mosaic.version = 14 : i64} {
  func.func @kern(%arg0: i32, %arg1: i32, %arg2: memref<32x80x125xi32, #tpu.memory_space<hbm>>, %arg3: memref<2x10000x16xf32, #tpu.memory_space<hbm>>, %arg4: memref<80x125xi32, #tpu.memory_space<vmem>>, %arg5: memref<125x16xf32, #tpu.memory_space<vmem>>, %arg6: memref<125x16xf32, #tpu.memory_space<vmem>>, %arg7: memref<10000x16xf32, #tpu.memory_space<vmem_shared>>, %arg8: memref<!tpu.dma_semaphore, #tpu.memory_space<semaphore_mem>>) attributes {dimension_semantics = [#tpu.dimension_semantics<core_parallel>, #tpu.dimension_semantics<subcore_parallel>], iteration_bounds = array<i64: 2, 16>, scalar_prefetch = 0 : i64, scratch_operands = 5 : i64, tpu.core_type = #tpu.core_type<sc_vector_subcore>, window_params = [{transform_indices = #map}, {transform_indices = #map}]} {
    %mul3A = arith.constant 2 : i32
    %mul3A_0 = arith.muli %arg1, %mul3A : i32
    %add3A = arith.addi %mul3A_0, %arg0 : i32
    %mul3A_1 = arith.constant 625 : i32
    %mul3A_2 = arith.muli %arg1, %mul3A_1 : i32
    %dma_start3A = arith.constant 0 : i32
    %dma_start3A_3 = arith.constant 0 : i32
    %dma_start3A_4 = tpu.memref_slice %arg2[%add3A, %dma_start3A, %dma_start3A_3] : memref<32x80x125xi32, #tpu.memory_space<hbm>> -> memref<1x80x125xi32, #tpu.memory_space<hbm>>
    %dma_start3A_5 = tpu.memref_squeeze %dma_start3A_4 : memref<1x80x125xi32, #tpu.memory_space<hbm>> -> memref<80x125xi32, #tpu.memory_space<hbm>>
    %dma_start3A_6 = arith.constant 0 : i32
    %dma_start3A_7 = arith.constant 0 : i32
    %dma_start3A_8 = tpu.memref_slice %arg2[%add3A, %dma_start3A_6, %dma_start3A_7] : memref<32x80x125xi32, #tpu.memory_space<hbm>> -> memref<1x80x125xi32, #tpu.memory_space<hbm>>
    %dma_start3A_9 = tpu.memref_squeeze %dma_start3A_8 : memref<1x80x125xi32, #tpu.memory_space<hbm>> -> memref<80x125xi32, #tpu.memory_space<hbm>>
    tpu.enqueue_dma source(%dma_start3A_9 : memref<80x125xi32, #tpu.memory_space<hbm>>) target(%arg4 : memref<80x125xi32, #tpu.memory_space<vmem>>) target_semaphore(%arg8 : memref<!tpu.dma_semaphore, #tpu.memory_space<semaphore_mem>>)
    %scan3A = arith.constant 0 : i32
    %scan3A_10 = arith.constant 0 : i32
    %scan3A_11 = arith.constant 125 : i32
    %scan3A_12 = arith.addi %scan3A_10, %scan3A_11 : i32
    %scan3A_13 = arith.constant 1 : i32
    %scan3A_14 = scf.for %scan3A_38 = %scan3A_10 to %scan3A_12 step %scan3A_13 iter_args(%scan3A_39 = %scan3A) -> (i32)  : i32 {
      %broadcast_in_dim3A = arith.constant 0.000000e+00 : f32
      %broadcast_in_dim3A_40 = vector.broadcast %broadcast_in_dim3A : f32 to vector<16xf32>
      %swap3A = arith.index_cast %scan3A_38 : i32 to index
      %swap3A_41 = arith.constant 0 : index
      %swap3A_42 = tpu.vector_load %arg6[%swap3A, %swap3A_41] {strides = array<i32>} : memref<125x16xf32, #tpu.memory_space<vmem>>, vector<1x16xf32>,
      %swap3A_43 = vector.shape_cast %swap3A_42 : vector<1x16xf32> to vector<16xf32>
      %swap3A_44 = vector.shape_cast %broadcast_in_dim3A_40 : vector<16xf32> to vector<1x16xf32>
      tpu.vector_store %arg6[%swap3A, %swap3A_41], %swap3A_44 {strides = array<i32>} : memref<125x16xf32, #tpu.memory_space<vmem>>, vector<1x16xf32>,
      %broadcast_in_dim3A_45 = arith.constant 1.000000e+00 : f32
      %broadcast_in_dim3A_46 = vector.broadcast %broadcast_in_dim3A_45 : f32 to vector<16xf32>
      %swap3A_47 = arith.index_cast %scan3A_38 : i32 to index
      %swap3A_48 = arith.constant 0 : index
      %swap3A_49 = tpu.vector_load %arg5[%swap3A_47, %swap3A_48] {strides = array<i32>} : memref<125x16xf32, #tpu.memory_space<vmem>>, vector<1x16xf32>,
      %swap3A_50 = vector.shape_cast %swap3A_49 : vector<1x16xf32> to vector<16xf32>
      %swap3A_51 = vector.shape_cast %broadcast_in_dim3A_46 : vector<16xf32> to vector<1x16xf32>
      tpu.vector_store %arg5[%swap3A_47, %swap3A_48], %swap3A_51 {strides = array<i32>} : memref<125x16xf32, #tpu.memory_space<vmem>>, vector<1x16xf32>,
      %scan3A_52 = arith.constant 0 : i32
      scf.yield %scan3A_52 : i32
    }
    %scan3A_15 = arith.constant 125 : i32
    %scan3A_16 = arith.constant 0 : i32
    %scan3A_17 = arith.constant 0 : i32
    %scan3A_18 = arith.constant 5 : i32
    %scan3A_19 = arith.addi %scan3A_17, %scan3A_18 : i32
    %scan3A_20 = arith.constant 1 : i32
    %scan3A_21 = scf.for %scan3A_38 = %scan3A_17 to %scan3A_19 step %scan3A_20 iter_args(%scan3A_39 = %scan3A_16) -> (i32)  : i32 {
      %mul3A_40 = arith.constant 125 : i32
      %mul3A_41 = arith.muli %scan3A_38, %mul3A_40 : i32
      %add3A_42 = arith.addi %mul3A_2, %mul3A_41 : i32
      "tpu.region"() ({
        %run_scoped3A = tpu.sem_alloc : memref<!tpu.dma_semaphore, #tpu.memory_space<semaphore_mem>>
        %dma_start3A_44 = arith.constant 0 : i32
        %dma_start3A_45 = tpu.memref_slice %arg7[%add3A_42, %dma_start3A_44] : memref<10000x16xf32, #tpu.memory_space<vmem_shared>> -> memref<125x16xf32, #tpu.memory_space<vmem_shared>>
        %dma_start3A_46 = arith.constant 0 : i32
        %dma_start3A_47 = tpu.memref_slice %arg7[%add3A_42, %dma_start3A_46] : memref<10000x16xf32, #tpu.memory_space<vmem_shared>> -> memref<125x16xf32, #tpu.memory_space<vmem_shared>>
        tpu.enqueue_dma source(%arg6 : memref<125x16xf32, #tpu.memory_space<vmem>>) target(%dma_start3A_47 : memref<125x16xf32, #tpu.memory_space<vmem_shared>>) target_semaphore(%run_scoped3A : memref<!tpu.dma_semaphore, #tpu.memory_space<semaphore_mem>>)
        %dma_wait3A_48 = arith.constant 0 : i32
        %dma_wait3A_49 = tpu.memref_slice %arg7[%add3A_42, %dma_wait3A_48] : memref<10000x16xf32, #tpu.memory_space<vmem_shared>> -> memref<125x16xf32, #tpu.memory_space<vmem_shared>>
        %dma_wait3A_50 = arith.constant 0 : i32
        %dma_wait3A_51 = tpu.memref_slice %arg7[%add3A_42, %dma_wait3A_50] : memref<10000x16xf32, #tpu.memory_space<vmem_shared>> -> memref<125x16xf32, #tpu.memory_space<vmem_shared>>
        tpu.wait_dma2 semaphore(%run_scoped3A : memref<!tpu.dma_semaphore, #tpu.memory_space<semaphore_mem>>) src(%arg6 : memref<125x16xf32, #tpu.memory_space<vmem>>) dst(%dma_wait3A_51 : memref<125x16xf32, #tpu.memory_space<vmem_shared>>)
        tpu.yield
      }) : () -> ()
      %scan3A_43 = arith.constant 0 : i32
      scf.yield %scan3A_43 : i32
    }
    %scan3A_22 = arith.constant 5 : i32
    %dma_wait3A = arith.constant 0 : i32
    %dma_wait3A_23 = arith.constant 0 : i32
    %dma_wait3A_24 = tpu.memref_slice %arg2[%add3A, %dma_wait3A, %dma_wait3A_23] : memref<32x80x125xi32, #tpu.memory_space<hbm>> -> memref<1x80x125xi32, #tpu.memory_space<hbm>>
    %dma_wait3A_25 = tpu.memref_squeeze %dma_wait3A_24 : memref<1x80x125xi32, #tpu.memory_space<hbm>> -> memref<80x125xi32, #tpu.memory_space<hbm>>
    %dma_wait3A_26 = arith.constant 0 : i32
    %dma_wait3A_27 = arith.constant 0 : i32
    %dma_wait3A_28 = tpu.memref_slice %arg2[%add3A, %dma_wait3A_26, %dma_wait3A_27] : memref<32x80x125xi32, #tpu.memory_space<hbm>> -> memref<1x80x125xi32, #tpu.memory_space<hbm>>
    %dma_wait3A_29 = tpu.memref_squeeze %dma_wait3A_28 : memref<1x80x125xi32, #tpu.memory_space<hbm>> -> memref<80x125xi32, #tpu.memory_space<hbm>>
    tpu.wait_dma2 semaphore(%arg8 : memref<!tpu.dma_semaphore, #tpu.memory_space<semaphore_mem>>) src(%dma_wait3A_29 : memref<80x125xi32, #tpu.memory_space<hbm>>) dst(%arg4 : memref<80x125xi32, #tpu.memory_space<vmem>>)
    %barrier3A = arith.constant 0 : index
    tpu.barrier barrier_id(%barrier3A)
    %scan3A_30 = arith.constant 0 : i32
    %scan3A_31 = arith.constant 0 : i32
    %scan3A_32 = arith.constant 8 : i32
    %scan3A_33 = arith.addi %scan3A_31, %scan3A_32 : i32
    %scan3A_34 = arith.constant 1 : i32
    %scan3A_35 = scf.for %scan3A_38 = %scan3A_31 to %scan3A_33 step %scan3A_34 iter_args(%scan3A_39 = %scan3A_30) -> (i32)  : i32 {
      %mul3A_40 = arith.constant 10 : i32
      %mul3A_41 = arith.muli %scan3A_38, %mul3A_40 : i32
      %add3A_42 = arith.constant 0 : i32
      %add3A_43 = arith.addi %mul3A_41, %add3A_42 : i32
      %dma_start3A_44 = arith.constant 0 : i32
      %dma_start3A_45 = tpu.memref_slice %arg4[%add3A_43, %dma_start3A_44] : memref<80x125xi32, #tpu.memory_space<vmem>> -> memref<1x125xi32, #tpu.memory_space<vmem>>
      %dma_start3A_46 = tpu.memref_squeeze %dma_start3A_45 : memref<1x125xi32, #tpu.memory_space<vmem>> -> memref<125xi32, #tpu.memory_space<vmem>>
      %dma_start3A_47 = arith.constant 0 : i32
      %dma_start3A_48 = arith.constant 0 : i32
      %dma_start3A_49 = tpu.memref_slice %arg7[%dma_start3A_47, %dma_start3A_48] : memref<10000x16xf32, #tpu.memory_space<vmem_shared>> -> memref<10000x16xf32, #tpu.memory_space<vmem_shared>>
      tpu.enqueue_indirect_dma source(%arg5 : memref<125x16xf32, #tpu.memory_space<vmem>>) target(%dma_start3A_49 : memref<10000x16xf32, #tpu.memory_space<vmem_shared>>) offsets(%dma_start3A_46 : memref<125xi32, #tpu.memory_space<vmem>>) semaphore(%arg8 : memref<!tpu.dma_semaphore, #tpu.memory_space<semaphore_mem>>) {add = true}
      %mul3A_50 = arith.constant 10 : i32
      %mul3A_51 = arith.muli %scan3A_38, %mul3A_50 : i32
      %add3A_52 = arith.constant 1 : i32
      %add3A_53 = arith.addi %mul3A_51, %add3A_52 : i32
      %dma_start3A_54 = arith.constant 0 : i32
      %dma_start3A_55 = tpu.memref_slice %arg4[%add3A_53, %dma_start3A_54] : memref<80x125xi32, #tpu.memory_space<vmem>> -> memref<1x125xi32, #tpu.memory_space<vmem>>
      %dma_start3A_56 = tpu.memref_squeeze %dma_start3A_55 : memref<1x125xi32, #tpu.memory_space<vmem>> -> memref<125xi32, #tpu.memory_space<vmem>>
      %dma_start3A_57 = arith.constant 0 : i32
      %dma_start3A_58 = arith.constant 0 : i32
      %dma_start3A_59 = tpu.memref_slice %arg7[%dma_start3A_57, %dma_start3A_58] : memref<10000x16xf32, #tpu.memory_space<vmem_shared>> -> memref<10000x16xf32, #tpu.memory_space<vmem_shared>>
      tpu.enqueue_indirect_dma source(%arg5 : memref<125x16xf32, #tpu.memory_space<vmem>>) target(%dma_start3A_59 : memref<10000x16xf32, #tpu.memory_space<vmem_shared>>) offsets(%dma_start3A_56 : memref<125xi32, #tpu.memory_space<vmem>>) semaphore(%arg8 : memref<!tpu.dma_semaphore, #tpu.memory_space<semaphore_mem>>) {add = true}
      %mul3A_60 = arith.constant 10 : i32
      %mul3A_61 = arith.muli %scan3A_38, %mul3A_60 : i32
      %add3A_62 = arith.constant 2 : i32
      %add3A_63 = arith.addi %mul3A_61, %add3A_62 : i32
      %dma_start3A_64 = arith.constant 0 : i32
      %dma_start3A_65 = tpu.memref_slice %arg4[%add3A_63, %dma_start3A_64] : memref<80x125xi32, #tpu.memory_space<vmem>> -> memref<1x125xi32, #tpu.memory_space<vmem>>
      %dma_start3A_66 = tpu.memref_squeeze %dma_start3A_65 : memref<1x125xi32, #tpu.memory_space<vmem>> -> memref<125xi32, #tpu.memory_space<vmem>>
      %dma_start3A_67 = arith.constant 0 : i32
      %dma_start3A_68 = arith.constant 0 : i32
      %dma_start3A_69 = tpu.memref_slice %arg7[%dma_start3A_67, %dma_start3A_68] : memref<10000x16xf32, #tpu.memory_space<vmem_shared>> -> memref<10000x16xf32, #tpu.memory_space<vmem_shared>>
      tpu.enqueue_indirect_dma source(%arg5 : memref<125x16xf32, #tpu.memory_space<vmem>>) target(%dma_start3A_69 : memref<10000x16xf32, #tpu.memory_space<vmem_shared>>) offsets(%dma_start3A_66 : memref<125xi32, #tpu.memory_space<vmem>>) semaphore(%arg8 : memref<!tpu.dma_semaphore, #tpu.memory_space<semaphore_mem>>) {add = true}
      %mul3A_70 = arith.constant 10 : i32
      %mul3A_71 = arith.muli %scan3A_38, %mul3A_70 : i32
      %add3A_72 = arith.constant 3 : i32
      %add3A_73 = arith.addi %mul3A_71, %add3A_72 : i32
      %dma_start3A_74 = arith.constant 0 : i32
      %dma_start3A_75 = tpu.memref_slice %arg4[%add3A_73, %dma_start3A_74] : memref<80x125xi32, #tpu.memory_space<vmem>> -> memref<1x125xi32, #tpu.memory_space<vmem>>
      %dma_start3A_76 = tpu.memref_squeeze %dma_start3A_75 : memref<1x125xi32, #tpu.memory_space<vmem>> -> memref<125xi32, #tpu.memory_space<vmem>>
      %dma_start3A_77 = arith.constant 0 : i32
      %dma_start3A_78 = arith.constant 0 : i32
      %dma_start3A_79 = tpu.memref_slice %arg7[%dma_start3A_77, %dma_start3A_78] : memref<10000x16xf32, #tpu.memory_space<vmem_shared>> -> memref<10000x16xf32, #tpu.memory_space<vmem_shared>>
      tpu.enqueue_indirect_dma source(%arg5 : memref<125x16xf32, #tpu.memory_space<vmem>>) target(%dma_start3A_79 : memref<10000x16xf32, #tpu.memory_space<vmem_shared>>) offsets(%dma_start3A_76 : memref<125xi32, #tpu.memory_space<vmem>>) semaphore(%arg8 : memref<!tpu.dma_semaphore, #tpu.memory_space<semaphore_mem>>) {add = true}
      %mul3A_80 = arith.constant 10 : i32
      %mul3A_81 = arith.muli %scan3A_38, %mul3A_80 : i32
      %add3A_82 = arith.constant 4 : i32
      %add3A_83 = arith.addi %mul3A_81, %add3A_82 : i32
      %dma_start3A_84 = arith.constant 0 : i32
      %dma_start3A_85 = tpu.memref_slice %arg4[%add3A_83, %dma_start3A_84] : memref<80x125xi32, #tpu.memory_space<vmem>> -> memref<1x125xi32, #tpu.memory_space<vmem>>
      %dma_start3A_86 = tpu.memref_squeeze %dma_start3A_85 : memref<1x125xi32, #tpu.memory_space<vmem>> -> memref<125xi32, #tpu.memory_space<vmem>>
      %dma_start3A_87 = arith.constant 0 : i32
      %dma_start3A_88 = arith.constant 0 : i32
      %dma_start3A_89 = tpu.memref_slice %arg7[%dma_start3A_87, %dma_start3A_88] : memref<10000x16xf32, #tpu.memory_space<vmem_shared>> -> memref<10000x16xf32, #tpu.memory_space<vmem_shared>>
      tpu.enqueue_indirect_dma source(%arg5 : memref<125x16xf32, #tpu.memory_space<vmem>>) target(%dma_start3A_89 : memref<10000x16xf32, #tpu.memory_space<vmem_shared>>) offsets(%dma_start3A_86 : memref<125xi32, #tpu.memory_space<vmem>>) semaphore(%arg8 : memref<!tpu.dma_semaphore, #tpu.memory_space<semaphore_mem>>) {add = true}
      %mul3A_90 = arith.constant 10 : i32
      %mul3A_91 = arith.muli %scan3A_38, %mul3A_90 : i32
      %add3A_92 = arith.constant 5 : i32
      %add3A_93 = arith.addi %mul3A_91, %add3A_92 : i32
      %dma_start3A_94 = arith.constant 0 : i32
      %dma_start3A_95 = tpu.memref_slice %arg4[%add3A_93, %dma_start3A_94] : memref<80x125xi32, #tpu.memory_space<vmem>> -> memref<1x125xi32, #tpu.memory_space<vmem>>
      %dma_start3A_96 = tpu.memref_squeeze %dma_start3A_95 : memref<1x125xi32, #tpu.memory_space<vmem>> -> memref<125xi32, #tpu.memory_space<vmem>>
      %dma_start3A_97 = arith.constant 0 : i32
      %dma_start3A_98 = arith.constant 0 : i32
      %dma_start3A_99 = tpu.memref_slice %arg7[%dma_start3A_97, %dma_start3A_98] : memref<10000x16xf32, #tpu.memory_space<vmem_shared>> -> memref<10000x16xf32, #tpu.memory_space<vmem_shared>>
      tpu.enqueue_indirect_dma source(%arg5 : memref<125x16xf32, #tpu.memory_space<vmem>>) target(%dma_start3A_99 : memref<10000x16xf32, #tpu.memory_space<vmem_shared>>) offsets(%dma_start3A_96 : memref<125xi32, #tpu.memory_space<vmem>>) semaphore(%arg8 : memref<!tpu.dma_semaphore, #tpu.memory_space<semaphore_mem>>) {add = true}
      %mul3A_100 = arith.constant 10 : i32
      %mul3A_101 = arith.muli %scan3A_38, %mul3A_100 : i32
      %add3A_102 = arith.constant 6 : i32
      %add3A_103 = arith.addi %mul3A_101, %add3A_102 : i32
      %dma_start3A_104 = arith.constant 0 : i32
      %dma_start3A_105 = tpu.memref_slice %arg4[%add3A_103, %dma_start3A_104] : memref<80x125xi32, #tpu.memory_space<vmem>> -> memref<1x125xi32, #tpu.memory_space<vmem>>
      %dma_start3A_106 = tpu.memref_squeeze %dma_start3A_105 : memref<1x125xi32, #tpu.memory_space<vmem>> -> memref<125xi32, #tpu.memory_space<vmem>>
      %dma_start3A_107 = arith.constant 0 : i32
      %dma_start3A_108 = arith.constant 0 : i32
      %dma_start3A_109 = tpu.memref_slice %arg7[%dma_start3A_107, %dma_start3A_108] : memref<10000x16xf32, #tpu.memory_space<vmem_shared>> -> memref<10000x16xf32, #tpu.memory_space<vmem_shared>>
      tpu.enqueue_indirect_dma source(%arg5 : memref<125x16xf32, #tpu.memory_space<vmem>>) target(%dma_start3A_109 : memref<10000x16xf32, #tpu.memory_space<vmem_shared>>) offsets(%dma_start3A_106 : memref<125xi32, #tpu.memory_space<vmem>>) semaphore(%arg8 : memref<!tpu.dma_semaphore, #tpu.memory_space<semaphore_mem>>) {add = true}
      %mul3A_110 = arith.constant 10 : i32
      %mul3A_111 = arith.muli %scan3A_38, %mul3A_110 : i32
      %add3A_112 = arith.constant 7 : i32
      %add3A_113 = arith.addi %mul3A_111, %add3A_112 : i32
      %dma_start3A_114 = arith.constant 0 : i32
      %dma_start3A_115 = tpu.memref_slice %arg4[%add3A_113, %dma_start3A_114] : memref<80x125xi32, #tpu.memory_space<vmem>> -> memref<1x125xi32, #tpu.memory_space<vmem>>
      %dma_start3A_116 = tpu.memref_squeeze %dma_start3A_115 : memref<1x125xi32, #tpu.memory_space<vmem>> -> memref<125xi32, #tpu.memory_space<vmem>>
      %dma_start3A_117 = arith.constant 0 : i32
      %dma_start3A_118 = arith.constant 0 : i32
      %dma_start3A_119 = tpu.memref_slice %arg7[%dma_start3A_117, %dma_start3A_118] : memref<10000x16xf32, #tpu.memory_space<vmem_shared>> -> memref<10000x16xf32, #tpu.memory_space<vmem_shared>>
      tpu.enqueue_indirect_dma source(%arg5 : memref<125x16xf32, #tpu.memory_space<vmem>>) target(%dma_start3A_119 : memref<10000x16xf32, #tpu.memory_space<vmem_shared>>) offsets(%dma_start3A_116 : memref<125xi32, #tpu.memory_space<vmem>>) semaphore(%arg8 : memref<!tpu.dma_semaphore, #tpu.memory_space<semaphore_mem>>) {add = true}
      %mul3A_120 = arith.constant 10 : i32
      %mul3A_121 = arith.muli %scan3A_38, %mul3A_120 : i32
      %add3A_122 = arith.constant 8 : i32
      %add3A_123 = arith.addi %mul3A_121, %add3A_122 : i32
      %dma_start3A_124 = arith.constant 0 : i32
      %dma_start3A_125 = tpu.memref_slice %arg4[%add3A_123, %dma_start3A_124] : memref<80x125xi32, #tpu.memory_space<vmem>> -> memref<1x125xi32, #tpu.memory_space<vmem>>
      %dma_start3A_126 = tpu.memref_squeeze %dma_start3A_125 : memref<1x125xi32, #tpu.memory_space<vmem>> -> memref<125xi32, #tpu.memory_space<vmem>>
      %dma_start3A_127 = arith.constant 0 : i32
      %dma_start3A_128 = arith.constant 0 : i32
      %dma_start3A_129 = tpu.memref_slice %arg7[%dma_start3A_127, %dma_start3A_128] : memref<10000x16xf32, #tpu.memory_space<vmem_shared>> -> memref<10000x16xf32, #tpu.memory_space<vmem_shared>>
      tpu.enqueue_indirect_dma source(%arg5 : memref<125x16xf32, #tpu.memory_space<vmem>>) target(%dma_start3A_129 : memref<10000x16xf32, #tpu.memory_space<vmem_shared>>) offsets(%dma_start3A_126 : memref<125xi32, #tpu.memory_space<vmem>>) semaphore(%arg8 : memref<!tpu.dma_semaphore, #tpu.memory_space<semaphore_mem>>) {add = true}
      %mul3A_130 = arith.constant 10 : i32
      %mul3A_131 = arith.muli %scan3A_38, %mul3A_130 : i32
      %add3A_132 = arith.constant 9 : i32
      %add3A_133 = arith.addi %mul3A_131, %add3A_132 : i32
      %dma_start3A_134 = arith.constant 0 : i32
      %dma_start3A_135 = tpu.memref_slice %arg4[%add3A_133, %dma_start3A_134] : memref<80x125xi32, #tpu.memory_space<vmem>> -> memref<1x125xi32, #tpu.memory_space<vmem>>
      %dma_start3A_136 = tpu.memref_squeeze %dma_start3A_135 : memref<1x125xi32, #tpu.memory_space<vmem>> -> memref<125xi32, #tpu.memory_space<vmem>>
      %dma_start3A_137 = arith.constant 0 : i32
      %dma_start3A_138 = arith.constant 0 : i32
      %dma_start3A_139 = tpu.memref_slice %arg7[%dma_start3A_137, %dma_start3A_138] : memref<10000x16xf32, #tpu.memory_space<vmem_shared>> -> memref<10000x16xf32, #tpu.memory_space<vmem_shared>>
      tpu.enqueue_indirect_dma source(%arg5 : memref<125x16xf32, #tpu.memory_space<vmem>>) target(%dma_start3A_139 : memref<10000x16xf32, #tpu.memory_space<vmem_shared>>) offsets(%dma_start3A_136 : memref<125xi32, #tpu.memory_space<vmem>>) semaphore(%arg8 : memref<!tpu.dma_semaphore, #tpu.memory_space<semaphore_mem>>) {add = true}
      %dma_wait3A_140 = arith.constant 0 : i32
      %dma_wait3A_141 = tpu.memref_slice %arg4[%add3A_43, %dma_wait3A_140] : memref<80x125xi32, #tpu.memory_space<vmem>> -> memref<1x125xi32, #tpu.memory_space<vmem>>
      %dma_wait3A_142 = tpu.memref_squeeze %dma_wait3A_141 : memref<1x125xi32, #tpu.memory_space<vmem>> -> memref<125xi32, #tpu.memory_space<vmem>>
      %dma_wait3A_143 = arith.constant 0 : i32
      %dma_wait3A_144 = arith.constant 0 : i32
      %dma_wait3A_145 = tpu.memref_slice %arg7[%dma_wait3A_143, %dma_wait3A_144] : memref<10000x16xf32, #tpu.memory_space<vmem_shared>> -> memref<10000x16xf32, #tpu.memory_space<vmem_shared>>
      tpu.wait_indirect_dma semaphore(%arg8 : memref<!tpu.dma_semaphore, #tpu.memory_space<semaphore_mem>>) src(%arg5 : memref<125x16xf32, #tpu.memory_space<vmem>>) dst(%dma_wait3A_145 : memref<10000x16xf32, #tpu.memory_space<vmem_shared>>)
      %dma_wait3A_146 = arith.constant 0 : i32
      %dma_wait3A_147 = tpu.memref_slice %arg4[%add3A_53, %dma_wait3A_146] : memref<80x125xi32, #tpu.memory_space<vmem>> -> memref<1x125xi32, #tpu.memory_space<vmem>>
      %dma_wait3A_148 = tpu.memref_squeeze %dma_wait3A_147 : memref<1x125xi32, #tpu.memory_space<vmem>> -> memref<125xi32, #tpu.memory_space<vmem>>
      %dma_wait3A_149 = arith.constant 0 : i32
      %dma_wait3A_150 = arith.constant 0 : i32
      %dma_wait3A_151 = tpu.memref_slice %arg7[%dma_wait3A_149, %dma_wait3A_150] : memref<10000x16xf32, #tpu.memory_space<vmem_shared>> -> memref<10000x16xf32, #tpu.memory_space<vmem_shared>>
      tpu.wait_indirect_dma semaphore(%arg8 : memref<!tpu.dma_semaphore, #tpu.memory_space<semaphore_mem>>) src(%arg5 : memref<125x16xf32, #tpu.memory_space<vmem>>) dst(%dma_wait3A_151 : memref<10000x16xf32, #tpu.memory_space<vmem_shared>>)
      %dma_wait3A_152 = arith.constant 0 : i32
      %dma_wait3A_153 = tpu.memref_slice %arg4[%add3A_63, %dma_wait3A_152] : memref<80x125xi32, #tpu.memory_space<vmem>> -> memref<1x125xi32, #tpu.memory_space<vmem>>
      %dma_wait3A_154 = tpu.memref_squeeze %dma_wait3A_153 : memref<1x125xi32, #tpu.memory_space<vmem>> -> memref<125xi32, #tpu.memory_space<vmem>>
      %dma_wait3A_155 = arith.constant 0 : i32
      %dma_wait3A_156 = arith.constant 0 : i32
      %dma_wait3A_157 = tpu.memref_slice %arg7[%dma_wait3A_155, %dma_wait3A_156] : memref<10000x16xf32, #tpu.memory_space<vmem_shared>> -> memref<10000x16xf32, #tpu.memory_space<vmem_shared>>
      tpu.wait_indirect_dma semaphore(%arg8 : memref<!tpu.dma_semaphore, #tpu.memory_space<semaphore_mem>>) src(%arg5 : memref<125x16xf32, #tpu.memory_space<vmem>>) dst(%dma_wait3A_157 : memref<10000x16xf32, #tpu.memory_space<vmem_shared>>)
      %dma_wait3A_158 = arith.constant 0 : i32
      %dma_wait3A_159 = tpu.memref_slice %arg4[%add3A_73, %dma_wait3A_158] : memref<80x125xi32, #tpu.memory_space<vmem>> -> memref<1x125xi32, #tpu.memory_space<vmem>>
      %dma_wait3A_160 = tpu.memref_squeeze %dma_wait3A_159 : memref<1x125xi32, #tpu.memory_space<vmem>> -> memref<125xi32, #tpu.memory_space<vmem>>
      %dma_wait3A_161 = arith.constant 0 : i32
      %dma_wait3A_162 = arith.constant 0 : i32
      %dma_wait3A_163 = tpu.memref_slice %arg7[%dma_wait3A_161, %dma_wait3A_162] : memref<10000x16xf32, #tpu.memory_space<vmem_shared>> -> memref<10000x16xf32, #tpu.memory_space<vmem_shared>>
      tpu.wait_indirect_dma semaphore(%arg8 : memref<!tpu.dma_semaphore, #tpu.memory_space<semaphore_mem>>) src(%arg5 : memref<125x16xf32, #tpu.memory_space<vmem>>) dst(%dma_wait3A_163 : memref<10000x16xf32, #tpu.memory_space<vmem_shared>>)
      %dma_wait3A_164 = arith.constant 0 : i32
      %dma_wait3A_165 = tpu.memref_slice %arg4[%add3A_83, %dma_wait3A_164] : memref<80x125xi32, #tpu.memory_space<vmem>> -> memref<1x125xi32, #tpu.memory_space<vmem>>
      %dma_wait3A_166 = tpu.memref_squeeze %dma_wait3A_165 : memref<1x125xi32, #tpu.memory_space<vmem>> -> memref<125xi32, #tpu.memory_space<vmem>>
      %dma_wait3A_167 = arith.constant 0 : i32
      %dma_wait3A_168 = arith.constant 0 : i32
      %dma_wait3A_169 = tpu.memref_slice %arg7[%dma_wait3A_167, %dma_wait3A_168] : memref<10000x16xf32, #tpu.memory_space<vmem_shared>> -> memref<10000x16xf32, #tpu.memory_space<vmem_shared>>
      tpu.wait_indirect_dma semaphore(%arg8 : memref<!tpu.dma_semaphore, #tpu.memory_space<semaphore_mem>>) src(%arg5 : memref<125x16xf32, #tpu.memory_space<vmem>>) dst(%dma_wait3A_169 : memref<10000x16xf32, #tpu.memory_space<vmem_shared>>)
      %dma_wait3A_170 = arith.constant 0 : i32
      %dma_wait3A_171 = tpu.memref_slice %arg4[%add3A_93, %dma_wait3A_170] : memref<80x125xi32, #tpu.memory_space<vmem>> -> memref<1x125xi32, #tpu.memory_space<vmem>>
      %dma_wait3A_172 = tpu.memref_squeeze %dma_wait3A_171 : memref<1x125xi32, #tpu.memory_space<vmem>> -> memref<125xi32, #tpu.memory_space<vmem>>
      %dma_wait3A_173 = arith.constant 0 : i32
      %dma_wait3A_174 = arith.constant 0 : i32
      %dma_wait3A_175 = tpu.memref_slice %arg7[%dma_wait3A_173, %dma_wait3A_174] : memref<10000x16xf32, #tpu.memory_space<vmem_shared>> -> memref<10000x16xf32, #tpu.memory_space<vmem_shared>>
      tpu.wait_indirect_dma semaphore(%arg8 : memref<!tpu.dma_semaphore, #tpu.memory_space<semaphore_mem>>) src(%arg5 : memref<125x16xf32, #tpu.memory_space<vmem>>) dst(%dma_wait3A_175 : memref<10000x16xf32, #tpu.memory_space<vmem_shared>>)
      %dma_wait3A_176 = arith.constant 0 : i32
      %dma_wait3A_177 = tpu.memref_slice %arg4[%add3A_103, %dma_wait3A_176] : memref<80x125xi32, #tpu.memory_space<vmem>> -> memref<1x125xi32, #tpu.memory_space<vmem>>
      %dma_wait3A_178 = tpu.memref_squeeze %dma_wait3A_177 : memref<1x125xi32, #tpu.memory_space<vmem>> -> memref<125xi32, #tpu.memory_space<vmem>>
      %dma_wait3A_179 = arith.constant 0 : i32
      %dma_wait3A_180 = arith.constant 0 : i32
      %dma_wait3A_181 = tpu.memref_slice %arg7[%dma_wait3A_179, %dma_wait3A_180] : memref<10000x16xf32, #tpu.memory_space<vmem_shared>> -> memref<10000x16xf32, #tpu.memory_space<vmem_shared>>
      tpu.wait_indirect_dma semaphore(%arg8 : memref<!tpu.dma_semaphore, #tpu.memory_space<semaphore_mem>>) src(%arg5 : memref<125x16xf32, #tpu.memory_space<vmem>>) dst(%dma_wait3A_181 : memref<10000x16xf32, #tpu.memory_space<vmem_shared>>)
      %dma_wait3A_182 = arith.constant 0 : i32
      %dma_wait3A_183 = tpu.memref_slice %arg4[%add3A_113, %dma_wait3A_182] : memref<80x125xi32, #tpu.memory_space<vmem>> -> memref<1x125xi32, #tpu.memory_space<vmem>>
      %dma_wait3A_184 = tpu.memref_squeeze %dma_wait3A_183 : memref<1x125xi32, #tpu.memory_space<vmem>> -> memref<125xi32, #tpu.memory_space<vmem>>
      %dma_wait3A_185 = arith.constant 0 : i32
      %dma_wait3A_186 = arith.constant 0 : i32
      %dma_wait3A_187 = tpu.memref_slice %arg7[%dma_wait3A_185, %dma_wait3A_186] : memref<10000x16xf32, #tpu.memory_space<vmem_shared>> -> memref<10000x16xf32, #tpu.memory_space<vmem_shared>>
      tpu.wait_indirect_dma semaphore(%arg8 : memref<!tpu.dma_semaphore, #tpu.memory_space<semaphore_mem>>) src(%arg5 : memref<125x16xf32, #tpu.memory_space<vmem>>) dst(%dma_wait3A_187 : memref<10000x16xf32, #tpu.memory_space<vmem_shared>>)
      %dma_wait3A_188 = arith.constant 0 : i32
      %dma_wait3A_189 = tpu.memref_slice %arg4[%add3A_123, %dma_wait3A_188] : memref<80x125xi32, #tpu.memory_space<vmem>> -> memref<1x125xi32, #tpu.memory_space<vmem>>
      %dma_wait3A_190 = tpu.memref_squeeze %dma_wait3A_189 : memref<1x125xi32, #tpu.memory_space<vmem>> -> memref<125xi32, #tpu.memory_space<vmem>>
      %dma_wait3A_191 = arith.constant 0 : i32
      %dma_wait3A_192 = arith.constant 0 : i32
      %dma_wait3A_193 = tpu.memref_slice %arg7[%dma_wait3A_191, %dma_wait3A_192] : memref<10000x16xf32, #tpu.memory_space<vmem_shared>> -> memref<10000x16xf32, #tpu.memory_space<vmem_shared>>
      tpu.wait_indirect_dma semaphore(%arg8 : memref<!tpu.dma_semaphore, #tpu.memory_space<semaphore_mem>>) src(%arg5 : memref<125x16xf32, #tpu.memory_space<vmem>>) dst(%dma_wait3A_193 : memref<10000x16xf32, #tpu.memory_space<vmem_shared>>)
      %dma_wait3A_194 = arith.constant 0 : i32
      %dma_wait3A_195 = tpu.memref_slice %arg4[%add3A_133, %dma_wait3A_194] : memref<80x125xi32, #tpu.memory_space<vmem>> -> memref<1x125xi32, #tpu.memory_space<vmem>>
      %dma_wait3A_196 = tpu.memref_squeeze %dma_wait3A_195 : memref<1x125xi32, #tpu.memory_space<vmem>> -> memref<125xi32, #tpu.memory_space<vmem>>
      %dma_wait3A_197 = arith.constant 0 : i32
      %dma_wait3A_198 = arith.constant 0 : i32
      %dma_wait3A_199 = tpu.memref_slice %arg7[%dma_wait3A_197, %dma_wait3A_198] : memref<10000x16xf32, #tpu.memory_space<vmem_shared>> -> memref<10000x16xf32, #tpu.memory_space<vmem_shared>>
      tpu.wait_indirect_dma semaphore(%arg8 : memref<!tpu.dma_semaphore, #tpu.memory_space<semaphore_mem>>) src(%arg5 : memref<125x16xf32, #tpu.memory_space<vmem>>) dst(%dma_wait3A_199 : memref<10000x16xf32, #tpu.memory_space<vmem_shared>>)
      %scan3A_200 = arith.constant 0 : i32
      scf.yield %scan3A_200 : i32
    }
    %scan3A_36 = arith.constant 8 : i32
    %barrier3A_37 = arith.constant 0 : index
    tpu.barrier barrier_id(%barrier3A_37)
    "tpu.region"() ({
      %run_scoped3A = tpu.sem_alloc : memref<!tpu.dma_semaphore, #tpu.memory_space<semaphore_mem>>
      %dma_start3A_38 = arith.constant 0 : i32
      %dma_start3A_39 = tpu.memref_slice %arg3[%arg0, %mul3A_2, %dma_start3A_38] : memref<2x10000x16xf32, #tpu.memory_space<hbm>> -> memref<1x625x16xf32, #tpu.memory_space<hbm>>
      %dma_start3A_40 = tpu.memref_squeeze %dma_start3A_39 : memref<1x625x16xf32, #tpu.memory_space<hbm>> -> memref<625x16xf32, #tpu.memory_space<hbm>>
      %dma_start3A_41 = arith.constant 0 : i32
      %dma_start3A_42 = tpu.memref_slice %arg7[%mul3A_2, %dma_start3A_41] : memref<10000x16xf32, #tpu.memory_space<vmem_shared>> -> memref<625x16xf32, #tpu.memory_space<vmem_shared>>
      tpu.enqueue_dma source(%dma_start3A_42 : memref<625x16xf32, #tpu.memory_space<vmem_shared>>) target(%dma_start3A_40 : memref<625x16xf32, #tpu.memory_space<hbm>>) target_semaphore(%run_scoped3A : memref<!tpu.dma_semaphore, #tpu.memory_space<semaphore_mem>>)
      %dma_wait3A_43 = arith.constant 0 : i32
      %dma_wait3A_44 = tpu.memref_slice %arg3[%arg0, %mul3A_2, %dma_wait3A_43] : memref<2x10000x16xf32, #tpu.memory_space<hbm>> -> memref<1x625x16xf32, #tpu.memory_space<hbm>>
      %dma_wait3A_45 = tpu.memref_squeeze %dma_wait3A_44 : memref<1x625x16xf32, #tpu.memory_space<hbm>> -> memref<625x16xf32, #tpu.memory_space<hbm>>
      %dma_wait3A_46 = arith.constant 0 : i32
      %dma_wait3A_47 = tpu.memref_slice %arg7[%mul3A_2, %dma_wait3A_46] : memref<10000x16xf32, #tpu.memory_space<vmem_shared>> -> memref<625x16xf32, #tpu.memory_space<vmem_shared>>
      tpu.wait_dma2 semaphore(%run_scoped3A : memref<!tpu.dma_semaphore, #tpu.memory_space<semaphore_mem>>) src(%dma_wait3A_47 : memref<625x16xf32, #tpu.memory_space<vmem_shared>>) dst(%dma_wait3A_45 : memref<625x16xf32, #tpu.memory_space<hbm>>)
      tpu.yield
    }) : () -> ()
    return
  }
}

#map = affine_map<(d0, d1) -> (0, 0)>
#map1 = affine_map<(d0, d1) -> (0, 0, 0)>
module attributes {stable_mosaic.version = 14 : i64} {
  func.func @kern(%arg0: i32, %arg1: i32, %arg2: memref<10000x16xf32, #tpu.memory_space<hbm>>, %arg3: memref<32x80x125xi32, #tpu.memory_space<hbm>>, %arg4: memref<32x80x125xi32, #tpu.memory_space<hbm>>, %arg5: memref<2x10000x16xf32, #tpu.memory_space<hbm>>, %arg6: memref<80x125xi32, #tpu.memory_space<vmem>>, %arg7: memref<80x125xi32, #tpu.memory_space<vmem>>, %arg8: memref<20x125x16xf32, #tpu.memory_space<vmem>>, %arg9: memref<125x16xf32, #tpu.memory_space<vmem>>, %arg10: memref<10000x16xf32, #tpu.memory_space<vmem_shared>>, %arg11: memref<10000x16xf32, #tpu.memory_space<vmem_shared>>, %arg12: memref<!tpu.dma_semaphore, #tpu.memory_space<semaphore_mem>>, %arg13: memref<!tpu.dma_semaphore, #tpu.memory_space<semaphore_mem>>, %arg14: memref<!tpu.dma_semaphore, #tpu.memory_space<semaphore_mem>>) attributes {dimension_semantics = [#tpu.dimension_semantics<core_parallel>, #tpu.dimension_semantics<subcore_parallel>], iteration_bounds = array<i64: 2, 16>, scalar_prefetch = 0 : i64, scratch_operands = 9 : i64, tpu.core_type = #tpu.core_type<sc_vector_subcore>, window_params = [{transform_indices = #map}, {transform_indices = #map1}, {transform_indices = #map1}, {transform_indices = #map1}]} {
    %mul3A = arith.constant 2 : i32
    %mul3A_0 = arith.muli %arg1, %mul3A : i32
    %add3A = arith.addi %mul3A_0, %arg0 : i32
    %mul3A_1 = arith.constant 625 : i32
    %mul3A_2 = arith.muli %arg1, %mul3A_1 : i32
    %dma_start3A = arith.constant 0 : i32
    %dma_start3A_3 = tpu.memref_slice %arg10[%mul3A_2, %dma_start3A] : memref<10000x16xf32, #tpu.memory_space<vmem_shared>> -> memref<625x16xf32, #tpu.memory_space<vmem_shared>>
    %dma_start3A_4 = arith.constant 0 : i32
    %dma_start3A_5 = tpu.memref_slice %arg2[%mul3A_2, %dma_start3A_4] : memref<10000x16xf32, #tpu.memory_space<hbm>> -> memref<625x16xf32, #tpu.memory_space<hbm>>
    tpu.enqueue_dma source(%dma_start3A_5 : memref<625x16xf32, #tpu.memory_space<hbm>>) target(%dma_start3A_3 : memref<625x16xf32, #tpu.memory_space<vmem_shared>>) target_semaphore(%arg14 : memref<!tpu.dma_semaphore, #tpu.memory_space<semaphore_mem>>)
    %dma_start3A_6 = arith.constant 0 : i32
    %dma_start3A_7 = arith.constant 0 : i32
    %dma_start3A_8 = tpu.memref_slice %arg3[%add3A, %dma_start3A_6, %dma_start3A_7] : memref<32x80x125xi32, #tpu.memory_space<hbm>> -> memref<1x80x125xi32, #tpu.memory_space<hbm>>
    %dma_start3A_9 = tpu.memref_squeeze %dma_start3A_8 : memref<1x80x125xi32, #tpu.memory_space<hbm>> -> memref<80x125xi32, #tpu.memory_space<hbm>>
    %dma_start3A_10 = arith.constant 0 : i32
    %dma_start3A_11 = arith.constant 0 : i32
    %dma_start3A_12 = tpu.memref_slice %arg3[%add3A, %dma_start3A_10, %dma_start3A_11] : memref<32x80x125xi32, #tpu.memory_space<hbm>> -> memref<1x80x125xi32, #tpu.memory_space<hbm>>
    %dma_start3A_13 = tpu.memref_squeeze %dma_start3A_12 : memref<1x80x125xi32, #tpu.memory_space<hbm>> -> memref<80x125xi32, #tpu.memory_space<hbm>>
    tpu.enqueue_dma source(%dma_start3A_13 : memref<80x125xi32, #tpu.memory_space<hbm>>) target(%arg6 : memref<80x125xi32, #tpu.memory_space<vmem>>) target_semaphore(%arg14 : memref<!tpu.dma_semaphore, #tpu.memory_space<semaphore_mem>>)
    %dma_start3A_14 = arith.constant 0 : i32
    %dma_start3A_15 = arith.constant 0 : i32
    %dma_start3A_16 = tpu.memref_slice %arg4[%add3A, %dma_start3A_14, %dma_start3A_15] : memref<32x80x125xi32, #tpu.memory_space<hbm>> -> memref<1x80x125xi32, #tpu.memory_space<hbm>>
    %dma_start3A_17 = tpu.memref_squeeze %dma_start3A_16 : memref<1x80x125xi32, #tpu.memory_space<hbm>> -> memref<80x125xi32, #tpu.memory_space<hbm>>
    %dma_start3A_18 = arith.constant 0 : i32
    %dma_start3A_19 = arith.constant 0 : i32
    %dma_start3A_20 = tpu.memref_slice %arg4[%add3A, %dma_start3A_18, %dma_start3A_19] : memref<32x80x125xi32, #tpu.memory_space<hbm>> -> memref<1x80x125xi32, #tpu.memory_space<hbm>>
    %dma_start3A_21 = tpu.memref_squeeze %dma_start3A_20 : memref<1x80x125xi32, #tpu.memory_space<hbm>> -> memref<80x125xi32, #tpu.memory_space<hbm>>
    tpu.enqueue_dma source(%dma_start3A_21 : memref<80x125xi32, #tpu.memory_space<hbm>>) target(%arg7 : memref<80x125xi32, #tpu.memory_space<vmem>>) target_semaphore(%arg14 : memref<!tpu.dma_semaphore, #tpu.memory_space<semaphore_mem>>)
    %scan3A = arith.constant 0 : i32
    %scan3A_22 = arith.constant 0 : i32
    %scan3A_23 = arith.constant 125 : i32
    %scan3A_24 = arith.addi %scan3A_22, %scan3A_23 : i32
    %scan3A_25 = arith.constant 1 : i32
    %scan3A_26 = scf.for %scan3A_302 = %scan3A_22 to %scan3A_24 step %scan3A_25 iter_args(%scan3A_303 = %scan3A) -> (i32)  : i32 {
      %broadcast_in_dim3A = arith.constant 0.000000e+00 : f32
      %broadcast_in_dim3A_304 = vector.broadcast %broadcast_in_dim3A : f32 to vector<16xf32>
      %swap3A = arith.index_cast %scan3A_302 : i32 to index
      %swap3A_305 = arith.constant 0 : index
      %swap3A_306 = tpu.vector_load %arg9[%swap3A, %swap3A_305] {strides = array<i32>} : memref<125x16xf32, #tpu.memory_space<vmem>>, vector<1x16xf32>,
      %swap3A_307 = vector.shape_cast %swap3A_306 : vector<1x16xf32> to vector<16xf32>
      %swap3A_308 = vector.shape_cast %broadcast_in_dim3A_304 : vector<16xf32> to vector<1x16xf32>
      tpu.vector_store %arg9[%swap3A, %swap3A_305], %swap3A_308 {strides = array<i32>} : memref<125x16xf32, #tpu.memory_space<vmem>>, vector<1x16xf32>,
      %scan3A_309 = arith.constant 0 : i32
      scf.yield %scan3A_309 : i32
    }
    %scan3A_27 = arith.constant 125 : i32
    %scan3A_28 = arith.constant 0 : i32
    %scan3A_29 = arith.constant 0 : i32
    %scan3A_30 = arith.constant 5 : i32
    %scan3A_31 = arith.addi %scan3A_29, %scan3A_30 : i32
    %scan3A_32 = arith.constant 1 : i32
    %scan3A_33 = scf.for %scan3A_302 = %scan3A_29 to %scan3A_31 step %scan3A_32 iter_args(%scan3A_303 = %scan3A_28) -> (i32)  : i32 {
      %mul3A_304 = arith.constant 125 : i32
      %mul3A_305 = arith.muli %scan3A_302, %mul3A_304 : i32
      %add3A_306 = arith.addi %mul3A_2, %mul3A_305 : i32
      "tpu.region"() ({
        %run_scoped3A = tpu.sem_alloc : memref<!tpu.dma_semaphore, #tpu.memory_space<semaphore_mem>>
        %dma_start3A_308 = arith.constant 0 : i32
        %dma_start3A_309 = tpu.memref_slice %arg11[%add3A_306, %dma_start3A_308] : memref<10000x16xf32, #tpu.memory_space<vmem_shared>> -> memref<125x16xf32, #tpu.memory_space<vmem_shared>>
        %dma_start3A_310 = arith.constant 0 : i32
        %dma_start3A_311 = tpu.memref_slice %arg11[%add3A_306, %dma_start3A_310] : memref<10000x16xf32, #tpu.memory_space<vmem_shared>> -> memref<125x16xf32, #tpu.memory_space<vmem_shared>>
        tpu.enqueue_dma source(%arg9 : memref<125x16xf32, #tpu.memory_space<vmem>>) target(%dma_start3A_311 : memref<125x16xf32, #tpu.memory_space<vmem_shared>>) target_semaphore(%run_scoped3A : memref<!tpu.dma_semaphore, #tpu.memory_space<semaphore_mem>>)
        %dma_wait3A_312 = arith.constant 0 : i32
        %dma_wait3A_313 = tpu.memref_slice %arg11[%add3A_306, %dma_wait3A_312] : memref<10000x16xf32, #tpu.memory_space<vmem_shared>> -> memref<125x16xf32, #tpu.memory_space<vmem_shared>>
        %dma_wait3A_314 = arith.constant 0 : i32
        %dma_wait3A_315 = tpu.memref_slice %arg11[%add3A_306, %dma_wait3A_314] : memref<10000x16xf32, #tpu.memory_space<vmem_shared>> -> memref<125x16xf32, #tpu.memory_space<vmem_shared>>
        tpu.wait_dma2 semaphore(%run_scoped3A : memref<!tpu.dma_semaphore, #tpu.memory_space<semaphore_mem>>) src(%arg9 : memref<125x16xf32, #tpu.memory_space<vmem>>) dst(%dma_wait3A_315 : memref<125x16xf32, #tpu.memory_space<vmem_shared>>)
        tpu.yield
      }) : () -> ()
      %scan3A_307 = arith.constant 0 : i32
      scf.yield %scan3A_307 : i32
    }
    %scan3A_34 = arith.constant 5 : i32
    %dma_wait3A = arith.constant 0 : i32
    %dma_wait3A_35 = tpu.memref_slice %arg10[%mul3A_2, %dma_wait3A] : memref<10000x16xf32, #tpu.memory_space<vmem_shared>> -> memref<625x16xf32, #tpu.memory_space<vmem_shared>>
    %dma_wait3A_36 = arith.constant 0 : i32
    %dma_wait3A_37 = tpu.memref_slice %arg2[%mul3A_2, %dma_wait3A_36] : memref<10000x16xf32, #tpu.memory_space<hbm>> -> memref<625x16xf32, #tpu.memory_space<hbm>>
    tpu.wait_dma2 semaphore(%arg14 : memref<!tpu.dma_semaphore, #tpu.memory_space<semaphore_mem>>) src(%dma_wait3A_37 : memref<625x16xf32, #tpu.memory_space<hbm>>) dst(%dma_wait3A_35 : memref<625x16xf32, #tpu.memory_space<vmem_shared>>)
    %dma_wait3A_38 = arith.constant 0 : i32
    %dma_wait3A_39 = arith.constant 0 : i32
    %dma_wait3A_40 = tpu.memref_slice %arg3[%add3A, %dma_wait3A_38, %dma_wait3A_39] : memref<32x80x125xi32, #tpu.memory_space<hbm>> -> memref<1x80x125xi32, #tpu.memory_space<hbm>>
    %dma_wait3A_41 = tpu.memref_squeeze %dma_wait3A_40 : memref<1x80x125xi32, #tpu.memory_space<hbm>> -> memref<80x125xi32, #tpu.memory_space<hbm>>
    %dma_wait3A_42 = arith.constant 0 : i32
    %dma_wait3A_43 = arith.constant 0 : i32
    %dma_wait3A_44 = tpu.memref_slice %arg3[%add3A, %dma_wait3A_42, %dma_wait3A_43] : memref<32x80x125xi32, #tpu.memory_space<hbm>> -> memref<1x80x125xi32, #tpu.memory_space<hbm>>
    %dma_wait3A_45 = tpu.memref_squeeze %dma_wait3A_44 : memref<1x80x125xi32, #tpu.memory_space<hbm>> -> memref<80x125xi32, #tpu.memory_space<hbm>>
    tpu.wait_dma2 semaphore(%arg14 : memref<!tpu.dma_semaphore, #tpu.memory_space<semaphore_mem>>) src(%dma_wait3A_45 : memref<80x125xi32, #tpu.memory_space<hbm>>) dst(%arg6 : memref<80x125xi32, #tpu.memory_space<vmem>>)
    %dma_wait3A_46 = arith.constant 0 : i32
    %dma_wait3A_47 = arith.constant 0 : i32
    %dma_wait3A_48 = tpu.memref_slice %arg4[%add3A, %dma_wait3A_46, %dma_wait3A_47] : memref<32x80x125xi32, #tpu.memory_space<hbm>> -> memref<1x80x125xi32, #tpu.memory_space<hbm>>
    %dma_wait3A_49 = tpu.memref_squeeze %dma_wait3A_48 : memref<1x80x125xi32, #tpu.memory_space<hbm>> -> memref<80x125xi32, #tpu.memory_space<hbm>>
    %dma_wait3A_50 = arith.constant 0 : i32
    %dma_wait3A_51 = arith.constant 0 : i32
    %dma_wait3A_52 = tpu.memref_slice %arg4[%add3A, %dma_wait3A_50, %dma_wait3A_51] : memref<32x80x125xi32, #tpu.memory_space<hbm>> -> memref<1x80x125xi32, #tpu.memory_space<hbm>>
    %dma_wait3A_53 = tpu.memref_squeeze %dma_wait3A_52 : memref<1x80x125xi32, #tpu.memory_space<hbm>> -> memref<80x125xi32, #tpu.memory_space<hbm>>
    tpu.wait_dma2 semaphore(%arg14 : memref<!tpu.dma_semaphore, #tpu.memory_space<semaphore_mem>>) src(%dma_wait3A_53 : memref<80x125xi32, #tpu.memory_space<hbm>>) dst(%arg7 : memref<80x125xi32, #tpu.memory_space<vmem>>)
    %barrier3A = arith.constant 0 : index
    tpu.barrier barrier_id(%barrier3A)
    %scan3A_54 = arith.constant 0 : i32
    %scan3A_55 = arith.constant 0 : i32
    %scan3A_56 = arith.constant 8 : i32
    %scan3A_57 = arith.addi %scan3A_55, %scan3A_56 : i32
    %scan3A_58 = arith.constant 1 : i32
    %scan3A_59 = scf.for %scan3A_302 = %scan3A_55 to %scan3A_57 step %scan3A_58 iter_args(%scan3A_303 = %scan3A_54) -> (i32)  : i32 {
      %jit3A = arith.constant 2 : i32
      %eq3A = arith.constant 0 : i32
      %eq3A_304 = arith.cmpi eq, %jit3A, %eq3A : i32
      %jit3A_305 = arith.constant 1 : i32
      %select_n3A = arith.select %eq3A_304, %jit3A_305, %jit3A : i32
      %rem3A = arith.remsi %scan3A_302, %select_n3A : i32
      %ne3A = arith.constant 0 : i32
      %ne3A_306 = arith.cmpi ne, %rem3A, %ne3A : i32
      %lt3A = arith.constant 0 : i32
      %lt3A_307 = arith.cmpi slt, %rem3A, %lt3A : i32
      %lt3A_308 = arith.constant 0 : i32
      %lt3A_309 = arith.cmpi slt, %select_n3A, %lt3A_308 : i32
      %ne3A_310 = arith.xori %lt3A_307, %lt3A_309 : i1
      %and3A = arith.andi %ne3A_310, %ne3A_306 : i1
      %add3A_311 = arith.addi %rem3A, %select_n3A : i32
      %select_n3A_312 = arith.select %and3A, %add3A_311, %rem3A : i32
      %mul3A_313 = arith.constant 10 : i32
      %mul3A_314 = arith.muli %select_n3A_312, %mul3A_313 : i32
      %ge3A = arith.constant 2 : i32
      %ge3A_315 = arith.cmpi sge, %scan3A_302, %ge3A : i32
      %convert_element_type3A = arith.extui %ge3A_315 : i1 to i32
      %cond3A = arith.constant 0 : i32
      %cond3A_316 = arith.cmpi ne, %convert_element_type3A, %cond3A : i32
      scf.if %cond3A_316 {
        %add3A_738 = arith.constant 0 : i32
        %add3A_739 = arith.addi %mul3A_314, %add3A_738 : i32
        %dma_wait3A_740 = arith.constant 0 : i32
        %dma_wait3A_741 = arith.constant 0 : i32
        %dma_wait3A_742 = arith.constant 0 : i32
        %dma_wait3A_743 = tpu.memref_slice %arg8[%add3A_739, %dma_wait3A_741, %dma_wait3A_742] : memref<20x125x16xf32, #tpu.memory_space<vmem>> -> memref<1x125x16xf32, #tpu.memory_space<vmem>>
        %dma_wait3A_744 = tpu.memref_squeeze %dma_wait3A_743 : memref<1x125x16xf32, #tpu.memory_space<vmem>> -> memref<125x16xf32, #tpu.memory_space<vmem>>
        %dma_wait3A_745 = arith.constant 0 : i32
        %dma_wait3A_746 = tpu.memref_slice %arg7[%dma_wait3A_740, %dma_wait3A_745] : memref<80x125xi32, #tpu.memory_space<vmem>> -> memref<1x125xi32, #tpu.memory_space<vmem>>
        %dma_wait3A_747 = tpu.memref_squeeze %dma_wait3A_746 : memref<1x125xi32, #tpu.memory_space<vmem>> -> memref<125xi32, #tpu.memory_space<vmem>>
        %dma_wait3A_748 = arith.constant 0 : i32
        %dma_wait3A_749 = arith.constant 0 : i32
        %dma_wait3A_750 = tpu.memref_slice %arg11[%dma_wait3A_748, %dma_wait3A_749] : memref<10000x16xf32, #tpu.memory_space<vmem_shared>> -> memref<10000x16xf32, #tpu.memory_space<vmem_shared>>
        tpu.wait_indirect_dma semaphore(%arg13 : memref<!tpu.dma_semaphore, #tpu.memory_space<semaphore_mem>>) src(%dma_wait3A_744 : memref<125x16xf32, #tpu.memory_space<vmem>>) dst(%dma_wait3A_750 : memref<10000x16xf32, #tpu.memory_space<vmem_shared>>)
        %add3A_751 = arith.constant 1 : i32
        %add3A_752 = arith.addi %mul3A_314, %add3A_751 : i32
        %dma_wait3A_753 = arith.constant 0 : i32
        %dma_wait3A_754 = arith.constant 0 : i32
        %dma_wait3A_755 = arith.constant 0 : i32
        %dma_wait3A_756 = tpu.memref_slice %arg8[%add3A_752, %dma_wait3A_754, %dma_wait3A_755] : memref<20x125x16xf32, #tpu.memory_space<vmem>> -> memref<1x125x16xf32, #tpu.memory_space<vmem>>
        %dma_wait3A_757 = tpu.memref_squeeze %dma_wait3A_756 : memref<1x125x16xf32, #tpu.memory_space<vmem>> -> memref<125x16xf32, #tpu.memory_space<vmem>>
        %dma_wait3A_758 = arith.constant 0 : i32
        %dma_wait3A_759 = tpu.memref_slice %arg7[%dma_wait3A_753, %dma_wait3A_758] : memref<80x125xi32, #tpu.memory_space<vmem>> -> memref<1x125xi32, #tpu.memory_space<vmem>>
        %dma_wait3A_760 = tpu.memref_squeeze %dma_wait3A_759 : memref<1x125xi32, #tpu.memory_space<vmem>> -> memref<125xi32, #tpu.memory_space<vmem>>
        %dma_wait3A_761 = arith.constant 0 : i32
        %dma_wait3A_762 = arith.constant 0 : i32
        %dma_wait3A_763 = tpu.memref_slice %arg11[%dma_wait3A_761, %dma_wait3A_762] : memref<10000x16xf32, #tpu.memory_space<vmem_shared>> -> memref<10000x16xf32, #tpu.memory_space<vmem_shared>>
        tpu.wait_indirect_dma semaphore(%arg13 : memref<!tpu.dma_semaphore, #tpu.memory_space<semaphore_mem>>) src(%dma_wait3A_757 : memref<125x16xf32, #tpu.memory_space<vmem>>) dst(%dma_wait3A_763 : memref<10000x16xf32, #tpu.memory_space<vmem_shared>>)
        %add3A_764 = arith.constant 2 : i32
        %add3A_765 = arith.addi %mul3A_314, %add3A_764 : i32
        %dma_wait3A_766 = arith.constant 0 : i32
        %dma_wait3A_767 = arith.constant 0 : i32
        %dma_wait3A_768 = arith.constant 0 : i32
        %dma_wait3A_769 = tpu.memref_slice %arg8[%add3A_765, %dma_wait3A_767, %dma_wait3A_768] : memref<20x125x16xf32, #tpu.memory_space<vmem>> -> memref<1x125x16xf32, #tpu.memory_space<vmem>>
        %dma_wait3A_770 = tpu.memref_squeeze %dma_wait3A_769 : memref<1x125x16xf32, #tpu.memory_space<vmem>> -> memref<125x16xf32, #tpu.memory_space<vmem>>
        %dma_wait3A_771 = arith.constant 0 : i32
        %dma_wait3A_772 = tpu.memref_slice %arg7[%dma_wait3A_766, %dma_wait3A_771] : memref<80x125xi32, #tpu.memory_space<vmem>> -> memref<1x125xi32, #tpu.memory_space<vmem>>
        %dma_wait3A_773 = tpu.memref_squeeze %dma_wait3A_772 : memref<1x125xi32, #tpu.memory_space<vmem>> -> memref<125xi32, #tpu.memory_space<vmem>>
        %dma_wait3A_774 = arith.constant 0 : i32
        %dma_wait3A_775 = arith.constant 0 : i32
        %dma_wait3A_776 = tpu.memref_slice %arg11[%dma_wait3A_774, %dma_wait3A_775] : memref<10000x16xf32, #tpu.memory_space<vmem_shared>> -> memref<10000x16xf32, #tpu.memory_space<vmem_shared>>
        tpu.wait_indirect_dma semaphore(%arg13 : memref<!tpu.dma_semaphore, #tpu.memory_space<semaphore_mem>>) src(%dma_wait3A_770 : memref<125x16xf32, #tpu.memory_space<vmem>>) dst(%dma_wait3A_776 : memref<10000x16xf32, #tpu.memory_space<vmem_shared>>)
        %add3A_777 = arith.constant 3 : i32
        %add3A_778 = arith.addi %mul3A_314, %add3A_777 : i32
        %dma_wait3A_779 = arith.constant 0 : i32
        %dma_wait3A_780 = arith.constant 0 : i32
        %dma_wait3A_781 = arith.constant 0 : i32
        %dma_wait3A_782 = tpu.memref_slice %arg8[%add3A_778, %dma_wait3A_780, %dma_wait3A_781] : memref<20x125x16xf32, #tpu.memory_space<vmem>> -> memref<1x125x16xf32, #tpu.memory_space<vmem>>
        %dma_wait3A_783 = tpu.memref_squeeze %dma_wait3A_782 : memref<1x125x16xf32, #tpu.memory_space<vmem>> -> memref<125x16xf32, #tpu.memory_space<vmem>>
        %dma_wait3A_784 = arith.constant 0 : i32
        %dma_wait3A_785 = tpu.memref_slice %arg7[%dma_wait3A_779, %dma_wait3A_784] : memref<80x125xi32, #tpu.memory_space<vmem>> -> memref<1x125xi32, #tpu.memory_space<vmem>>
        %dma_wait3A_786 = tpu.memref_squeeze %dma_wait3A_785 : memref<1x125xi32, #tpu.memory_space<vmem>> -> memref<125xi32, #tpu.memory_space<vmem>>
        %dma_wait3A_787 = arith.constant 0 : i32
        %dma_wait3A_788 = arith.constant 0 : i32
        %dma_wait3A_789 = tpu.memref_slice %arg11[%dma_wait3A_787, %dma_wait3A_788] : memref<10000x16xf32, #tpu.memory_space<vmem_shared>> -> memref<10000x16xf32, #tpu.memory_space<vmem_shared>>
        tpu.wait_indirect_dma semaphore(%arg13 : memref<!tpu.dma_semaphore, #tpu.memory_space<semaphore_mem>>) src(%dma_wait3A_783 : memref<125x16xf32, #tpu.memory_space<vmem>>) dst(%dma_wait3A_789 : memref<10000x16xf32, #tpu.memory_space<vmem_shared>>)
        %add3A_790 = arith.constant 4 : i32
        %add3A_791 = arith.addi %mul3A_314, %add3A_790 : i32
        %dma_wait3A_792 = arith.constant 0 : i32
        %dma_wait3A_793 = arith.constant 0 : i32
        %dma_wait3A_794 = arith.constant 0 : i32
        %dma_wait3A_795 = tpu.memref_slice %arg8[%add3A_791, %dma_wait3A_793, %dma_wait3A_794] : memref<20x125x16xf32, #tpu.memory_space<vmem>> -> memref<1x125x16xf32, #tpu.memory_space<vmem>>
        %dma_wait3A_796 = tpu.memref_squeeze %dma_wait3A_795 : memref<1x125x16xf32, #tpu.memory_space<vmem>> -> memref<125x16xf32, #tpu.memory_space<vmem>>
        %dma_wait3A_797 = arith.constant 0 : i32
        %dma_wait3A_798 = tpu.memref_slice %arg7[%dma_wait3A_792, %dma_wait3A_797] : memref<80x125xi32, #tpu.memory_space<vmem>> -> memref<1x125xi32, #tpu.memory_space<vmem>>
        %dma_wait3A_799 = tpu.memref_squeeze %dma_wait3A_798 : memref<1x125xi32, #tpu.memory_space<vmem>> -> memref<125xi32, #tpu.memory_space<vmem>>
        %dma_wait3A_800 = arith.constant 0 : i32
        %dma_wait3A_801 = arith.constant 0 : i32
        %dma_wait3A_802 = tpu.memref_slice %arg11[%dma_wait3A_800, %dma_wait3A_801] : memref<10000x16xf32, #tpu.memory_space<vmem_shared>> -> memref<10000x16xf32, #tpu.memory_space<vmem_shared>>
        tpu.wait_indirect_dma semaphore(%arg13 : memref<!tpu.dma_semaphore, #tpu.memory_space<semaphore_mem>>) src(%dma_wait3A_796 : memref<125x16xf32, #tpu.memory_space<vmem>>) dst(%dma_wait3A_802 : memref<10000x16xf32, #tpu.memory_space<vmem_shared>>)
        %add3A_803 = arith.constant 5 : i32
        %add3A_804 = arith.addi %mul3A_314, %add3A_803 : i32
        %dma_wait3A_805 = arith.constant 0 : i32
        %dma_wait3A_806 = arith.constant 0 : i32
        %dma_wait3A_807 = arith.constant 0 : i32
        %dma_wait3A_808 = tpu.memref_slice %arg8[%add3A_804, %dma_wait3A_806, %dma_wait3A_807] : memref<20x125x16xf32, #tpu.memory_space<vmem>> -> memref<1x125x16xf32, #tpu.memory_space<vmem>>
        %dma_wait3A_809 = tpu.memref_squeeze %dma_wait3A_808 : memref<1x125x16xf32, #tpu.memory_space<vmem>> -> memref<125x16xf32, #tpu.memory_space<vmem>>
        %dma_wait3A_810 = arith.constant 0 : i32
        %dma_wait3A_811 = tpu.memref_slice %arg7[%dma_wait3A_805, %dma_wait3A_810] : memref<80x125xi32, #tpu.memory_space<vmem>> -> memref<1x125xi32, #tpu.memory_space<vmem>>
        %dma_wait3A_812 = tpu.memref_squeeze %dma_wait3A_811 : memref<1x125xi32, #tpu.memory_space<vmem>> -> memref<125xi32, #tpu.memory_space<vmem>>
        %dma_wait3A_813 = arith.constant 0 : i32
        %dma_wait3A_814 = arith.constant 0 : i32
        %dma_wait3A_815 = tpu.memref_slice %arg11[%dma_wait3A_813, %dma_wait3A_814] : memref<10000x16xf32, #tpu.memory_space<vmem_shared>> -> memref<10000x16xf32, #tpu.memory_space<vmem_shared>>
        tpu.wait_indirect_dma semaphore(%arg13 : memref<!tpu.dma_semaphore, #tpu.memory_space<semaphore_mem>>) src(%dma_wait3A_809 : memref<125x16xf32, #tpu.memory_space<vmem>>) dst(%dma_wait3A_815 : memref<10000x16xf32, #tpu.memory_space<vmem_shared>>)
        %add3A_816 = arith.constant 6 : i32
        %add3A_817 = arith.addi %mul3A_314, %add3A_816 : i32
        %dma_wait3A_818 = arith.constant 0 : i32
        %dma_wait3A_819 = arith.constant 0 : i32
        %dma_wait3A_820 = arith.constant 0 : i32
        %dma_wait3A_821 = tpu.memref_slice %arg8[%add3A_817, %dma_wait3A_819, %dma_wait3A_820] : memref<20x125x16xf32, #tpu.memory_space<vmem>> -> memref<1x125x16xf32, #tpu.memory_space<vmem>>
        %dma_wait3A_822 = tpu.memref_squeeze %dma_wait3A_821 : memref<1x125x16xf32, #tpu.memory_space<vmem>> -> memref<125x16xf32, #tpu.memory_space<vmem>>
        %dma_wait3A_823 = arith.constant 0 : i32
        %dma_wait3A_824 = tpu.memref_slice %arg7[%dma_wait3A_818, %dma_wait3A_823] : memref<80x125xi32, #tpu.memory_space<vmem>> -> memref<1x125xi32, #tpu.memory_space<vmem>>
        %dma_wait3A_825 = tpu.memref_squeeze %dma_wait3A_824 : memref<1x125xi32, #tpu.memory_space<vmem>> -> memref<125xi32, #tpu.memory_space<vmem>>
        %dma_wait3A_826 = arith.constant 0 : i32
        %dma_wait3A_827 = arith.constant 0 : i32
        %dma_wait3A_828 = tpu.memref_slice %arg11[%dma_wait3A_826, %dma_wait3A_827] : memref<10000x16xf32, #tpu.memory_space<vmem_shared>> -> memref<10000x16xf32, #tpu.memory_space<vmem_shared>>
        tpu.wait_indirect_dma semaphore(%arg13 : memref<!tpu.dma_semaphore, #tpu.memory_space<semaphore_mem>>) src(%dma_wait3A_822 : memref<125x16xf32, #tpu.memory_space<vmem>>) dst(%dma_wait3A_828 : memref<10000x16xf32, #tpu.memory_space<vmem_shared>>)
        %add3A_829 = arith.constant 7 : i32
        %add3A_830 = arith.addi %mul3A_314, %add3A_829 : i32
        %dma_wait3A_831 = arith.constant 0 : i32
        %dma_wait3A_832 = arith.constant 0 : i32
        %dma_wait3A_833 = arith.constant 0 : i32
        %dma_wait3A_834 = tpu.memref_slice %arg8[%add3A_830, %dma_wait3A_832, %dma_wait3A_833] : memref<20x125x16xf32, #tpu.memory_space<vmem>> -> memref<1x125x16xf32, #tpu.memory_space<vmem>>
        %dma_wait3A_835 = tpu.memref_squeeze %dma_wait3A_834 : memref<1x125x16xf32, #tpu.memory_space<vmem>> -> memref<125x16xf32, #tpu.memory_space<vmem>>
        %dma_wait3A_836 = arith.constant 0 : i32
        %dma_wait3A_837 = tpu.memref_slice %arg7[%dma_wait3A_831, %dma_wait3A_836] : memref<80x125xi32, #tpu.memory_space<vmem>> -> memref<1x125xi32, #tpu.memory_space<vmem>>
        %dma_wait3A_838 = tpu.memref_squeeze %dma_wait3A_837 : memref<1x125xi32, #tpu.memory_space<vmem>> -> memref<125xi32, #tpu.memory_space<vmem>>
        %dma_wait3A_839 = arith.constant 0 : i32
        %dma_wait3A_840 = arith.constant 0 : i32
        %dma_wait3A_841 = tpu.memref_slice %arg11[%dma_wait3A_839, %dma_wait3A_840] : memref<10000x16xf32, #tpu.memory_space<vmem_shared>> -> memref<10000x16xf32, #tpu.memory_space<vmem_shared>>
        tpu.wait_indirect_dma semaphore(%arg13 : memref<!tpu.dma_semaphore, #tpu.memory_space<semaphore_mem>>) src(%dma_wait3A_835 : memref<125x16xf32, #tpu.memory_space<vmem>>) dst(%dma_wait3A_841 : memref<10000x16xf32, #tpu.memory_space<vmem_shared>>)
        %add3A_842 = arith.constant 8 : i32
        %add3A_843 = arith.addi %mul3A_314, %add3A_842 : i32
        %dma_wait3A_844 = arith.constant 0 : i32
        %dma_wait3A_845 = arith.constant 0 : i32
        %dma_wait3A_846 = arith.constant 0 : i32
        %dma_wait3A_847 = tpu.memref_slice %arg8[%add3A_843, %dma_wait3A_845, %dma_wait3A_846] : memref<20x125x16xf32, #tpu.memory_space<vmem>> -> memref<1x125x16xf32, #tpu.memory_space<vmem>>
        %dma_wait3A_848 = tpu.memref_squeeze %dma_wait3A_847 : memref<1x125x16xf32, #tpu.memory_space<vmem>> -> memref<125x16xf32, #tpu.memory_space<vmem>>
        %dma_wait3A_849 = arith.constant 0 : i32
        %dma_wait3A_850 = tpu.memref_slice %arg7[%dma_wait3A_844, %dma_wait3A_849] : memref<80x125xi32, #tpu.memory_space<vmem>> -> memref<1x125xi32, #tpu.memory_space<vmem>>
        %dma_wait3A_851 = tpu.memref_squeeze %dma_wait3A_850 : memref<1x125xi32, #tpu.memory_space<vmem>> -> memref<125xi32, #tpu.memory_space<vmem>>
        %dma_wait3A_852 = arith.constant 0 : i32
        %dma_wait3A_853 = arith.constant 0 : i32
        %dma_wait3A_854 = tpu.memref_slice %arg11[%dma_wait3A_852, %dma_wait3A_853] : memref<10000x16xf32, #tpu.memory_space<vmem_shared>> -> memref<10000x16xf32, #tpu.memory_space<vmem_shared>>
        tpu.wait_indirect_dma semaphore(%arg13 : memref<!tpu.dma_semaphore, #tpu.memory_space<semaphore_mem>>) src(%dma_wait3A_848 : memref<125x16xf32, #tpu.memory_space<vmem>>) dst(%dma_wait3A_854 : memref<10000x16xf32, #tpu.memory_space<vmem_shared>>)
        %add3A_855 = arith.constant 9 : i32
        %add3A_856 = arith.addi %mul3A_314, %add3A_855 : i32
        %dma_wait3A_857 = arith.constant 0 : i32
        %dma_wait3A_858 = arith.constant 0 : i32
        %dma_wait3A_859 = arith.constant 0 : i32
        %dma_wait3A_860 = tpu.memref_slice %arg8[%add3A_856, %dma_wait3A_858, %dma_wait3A_859] : memref<20x125x16xf32, #tpu.memory_space<vmem>> -> memref<1x125x16xf32, #tpu.memory_space<vmem>>
        %dma_wait3A_861 = tpu.memref_squeeze %dma_wait3A_860 : memref<1x125x16xf32, #tpu.memory_space<vmem>> -> memref<125x16xf32, #tpu.memory_space<vmem>>
        %dma_wait3A_862 = arith.constant 0 : i32
        %dma_wait3A_863 = tpu.memref_slice %arg7[%dma_wait3A_857, %dma_wait3A_862] : memref<80x125xi32, #tpu.memory_space<vmem>> -> memref<1x125xi32, #tpu.memory_space<vmem>>
        %dma_wait3A_864 = tpu.memref_squeeze %dma_wait3A_863 : memref<1x125xi32, #tpu.memory_space<vmem>> -> memref<125xi32, #tpu.memory_space<vmem>>
        %dma_wait3A_865 = arith.constant 0 : i32
        %dma_wait3A_866 = arith.constant 0 : i32
        %dma_wait3A_867 = tpu.memref_slice %arg11[%dma_wait3A_865, %dma_wait3A_866] : memref<10000x16xf32, #tpu.memory_space<vmem_shared>> -> memref<10000x16xf32, #tpu.memory_space<vmem_shared>>
        tpu.wait_indirect_dma semaphore(%arg13 : memref<!tpu.dma_semaphore, #tpu.memory_space<semaphore_mem>>) src(%dma_wait3A_861 : memref<125x16xf32, #tpu.memory_space<vmem>>) dst(%dma_wait3A_867 : memref<10000x16xf32, #tpu.memory_space<vmem_shared>>)
      } else {
      }
      %mul3A_317 = arith.constant 10 : i32
      %mul3A_318 = arith.muli %scan3A_302, %mul3A_317 : i32
      %add3A_319 = arith.constant 0 : i32
      %add3A_320 = arith.addi %mul3A_318, %add3A_319 : i32
      %add3A_321 = arith.constant 0 : i32
      %add3A_322 = arith.addi %mul3A_314, %add3A_321 : i32
      %dma_start3A_323 = arith.constant 0 : i32
      %dma_start3A_324 = arith.constant 0 : i32
      %dma_start3A_325 = tpu.memref_slice %arg8[%add3A_322, %dma_start3A_323, %dma_start3A_324] : memref<20x125x16xf32, #tpu.memory_space<vmem>> -> memref<1x125x16xf32, #tpu.memory_space<vmem>>
      %dma_start3A_326 = tpu.memref_squeeze %dma_start3A_325 : memref<1x125x16xf32, #tpu.memory_space<vmem>> -> memref<125x16xf32, #tpu.memory_space<vmem>>
      %dma_start3A_327 = arith.constant 0 : i32
      %dma_start3A_328 = tpu.memref_slice %arg6[%add3A_320, %dma_start3A_327] : memref<80x125xi32, #tpu.memory_space<vmem>> -> memref<1x125xi32, #tpu.memory_space<vmem>>
      %dma_start3A_329 = tpu.memref_squeeze %dma_start3A_328 : memref<1x125xi32, #tpu.memory_space<vmem>> -> memref<125xi32, #tpu.memory_space<vmem>>
      %dma_start3A_330 = arith.constant 0 : i32
      %dma_start3A_331 = arith.constant 0 : i32
      %dma_start3A_332 = tpu.memref_slice %arg10[%dma_start3A_330, %dma_start3A_331] : memref<10000x16xf32, #tpu.memory_space<vmem_shared>> -> memref<10000x16xf32, #tpu.memory_space<vmem_shared>>
      tpu.enqueue_indirect_dma source(%dma_start3A_332 : memref<10000x16xf32, #tpu.memory_space<vmem_shared>>) target(%dma_start3A_326 : memref<125x16xf32, #tpu.memory_space<vmem>>) offsets(%dma_start3A_329 : memref<125xi32, #tpu.memory_space<vmem>>) semaphore(%arg12 : memref<!tpu.dma_semaphore, #tpu.memory_space<semaphore_mem>>)
      %mul3A_333 = arith.constant 10 : i32
      %mul3A_334 = arith.muli %scan3A_302, %mul3A_333 : i32
      %add3A_335 = arith.constant 1 : i32
      %add3A_336 = arith.addi %mul3A_334, %add3A_335 : i32
      %add3A_337 = arith.constant 1 : i32
      %add3A_338 = arith.addi %mul3A_314, %add3A_337 : i32
      %dma_start3A_339 = arith.constant 0 : i32
      %dma_start3A_340 = arith.constant 0 : i32
      %dma_start3A_341 = tpu.memref_slice %arg8[%add3A_338, %dma_start3A_339, %dma_start3A_340] : memref<20x125x16xf32, #tpu.memory_space<vmem>> -> memref<1x125x16xf32, #tpu.memory_space<vmem>>
      %dma_start3A_342 = tpu.memref_squeeze %dma_start3A_341 : memref<1x125x16xf32, #tpu.memory_space<vmem>> -> memref<125x16xf32, #tpu.memory_space<vmem>>
      %dma_start3A_343 = arith.constant 0 : i32
      %dma_start3A_344 = tpu.memref_slice %arg6[%add3A_336, %dma_start3A_343] : memref<80x125xi32, #tpu.memory_space<vmem>> -> memref<1x125xi32, #tpu.memory_space<vmem>>
      %dma_start3A_345 = tpu.memref_squeeze %dma_start3A_344 : memref<1x125xi32, #tpu.memory_space<vmem>> -> memref<125xi32, #tpu.memory_space<vmem>>
      %dma_start3A_346 = arith.constant 0 : i32
      %dma_start3A_347 = arith.constant 0 : i32
      %dma_start3A_348 = tpu.memref_slice %arg10[%dma_start3A_346, %dma_start3A_347] : memref<10000x16xf32, #tpu.memory_space<vmem_shared>> -> memref<10000x16xf32, #tpu.memory_space<vmem_shared>>
      tpu.enqueue_indirect_dma source(%dma_start3A_348 : memref<10000x16xf32, #tpu.memory_space<vmem_shared>>) target(%dma_start3A_342 : memref<125x16xf32, #tpu.memory_space<vmem>>) offsets(%dma_start3A_345 : memref<125xi32, #tpu.memory_space<vmem>>) semaphore(%arg12 : memref<!tpu.dma_semaphore, #tpu.memory_space<semaphore_mem>>)
      %mul3A_349 = arith.constant 10 : i32
      %mul3A_350 = arith.muli %scan3A_302, %mul3A_349 : i32
      %add3A_351 = arith.constant 2 : i32
      %add3A_352 = arith.addi %mul3A_350, %add3A_351 : i32
      %add3A_353 = arith.constant 2 : i32
      %add3A_354 = arith.addi %mul3A_314, %add3A_353 : i32
      %dma_start3A_355 = arith.constant 0 : i32
      %dma_start3A_356 = arith.constant 0 : i32
      %dma_start3A_357 = tpu.memref_slice %arg8[%add3A_354, %dma_start3A_355, %dma_start3A_356] : memref<20x125x16xf32, #tpu.memory_space<vmem>> -> memref<1x125x16xf32, #tpu.memory_space<vmem>>
      %dma_start3A_358 = tpu.memref_squeeze %dma_start3A_357 : memref<1x125x16xf32, #tpu.memory_space<vmem>> -> memref<125x16xf32, #tpu.memory_space<vmem>>
      %dma_start3A_359 = arith.constant 0 : i32
      %dma_start3A_360 = tpu.memref_slice %arg6[%add3A_352, %dma_start3A_359] : memref<80x125xi32, #tpu.memory_space<vmem>> -> memref<1x125xi32, #tpu.memory_space<vmem>>
      %dma_start3A_361 = tpu.memref_squeeze %dma_start3A_360 : memref<1x125xi32, #tpu.memory_space<vmem>> -> memref<125xi32, #tpu.memory_space<vmem>>
      %dma_start3A_362 = arith.constant 0 : i32
      %dma_start3A_363 = arith.constant 0 : i32
      %dma_start3A_364 = tpu.memref_slice %arg10[%dma_start3A_362, %dma_start3A_363] : memref<10000x16xf32, #tpu.memory_space<vmem_shared>> -> memref<10000x16xf32, #tpu.memory_space<vmem_shared>>
      tpu.enqueue_indirect_dma source(%dma_start3A_364 : memref<10000x16xf32, #tpu.memory_space<vmem_shared>>) target(%dma_start3A_358 : memref<125x16xf32, #tpu.memory_space<vmem>>) offsets(%dma_start3A_361 : memref<125xi32, #tpu.memory_space<vmem>>) semaphore(%arg12 : memref<!tpu.dma_semaphore, #tpu.memory_space<semaphore_mem>>)
      %mul3A_365 = arith.constant 10 : i32
      %mul3A_366 = arith.muli %scan3A_302, %mul3A_365 : i32
      %add3A_367 = arith.constant 3 : i32
      %add3A_368 = arith.addi %mul3A_366, %add3A_367 : i32
      %add3A_369 = arith.constant 3 : i32
      %add3A_370 = arith.addi %mul3A_314, %add3A_369 : i32
      %dma_start3A_371 = arith.constant 0 : i32
      %dma_start3A_372 = arith.constant 0 : i32
      %dma_start3A_373 = tpu.memref_slice %arg8[%add3A_370, %dma_start3A_371, %dma_start3A_372] : memref<20x125x16xf32, #tpu.memory_space<vmem>> -> memref<1x125x16xf32, #tpu.memory_space<vmem>>
      %dma_start3A_374 = tpu.memref_squeeze %dma_start3A_373 : memref<1x125x16xf32, #tpu.memory_space<vmem>> -> memref<125x16xf32, #tpu.memory_space<vmem>>
      %dma_start3A_375 = arith.constant 0 : i32
      %dma_start3A_376 = tpu.memref_slice %arg6[%add3A_368, %dma_start3A_375] : memref<80x125xi32, #tpu.memory_space<vmem>> -> memref<1x125xi32, #tpu.memory_space<vmem>>
      %dma_start3A_377 = tpu.memref_squeeze %dma_start3A_376 : memref<1x125xi32, #tpu.memory_space<vmem>> -> memref<125xi32, #tpu.memory_space<vmem>>
      %dma_start3A_378 = arith.constant 0 : i32
      %dma_start3A_379 = arith.constant 0 : i32
      %dma_start3A_380 = tpu.memref_slice %arg10[%dma_start3A_378, %dma_start3A_379] : memref<10000x16xf32, #tpu.memory_space<vmem_shared>> -> memref<10000x16xf32, #tpu.memory_space<vmem_shared>>
      tpu.enqueue_indirect_dma source(%dma_start3A_380 : memref<10000x16xf32, #tpu.memory_space<vmem_shared>>) target(%dma_start3A_374 : memref<125x16xf32, #tpu.memory_space<vmem>>) offsets(%dma_start3A_377 : memref<125xi32, #tpu.memory_space<vmem>>) semaphore(%arg12 : memref<!tpu.dma_semaphore, #tpu.memory_space<semaphore_mem>>)
      %mul3A_381 = arith.constant 10 : i32
      %mul3A_382 = arith.muli %scan3A_302, %mul3A_381 : i32
      %add3A_383 = arith.constant 4 : i32
      %add3A_384 = arith.addi %mul3A_382, %add3A_383 : i32
      %add3A_385 = arith.constant 4 : i32
      %add3A_386 = arith.addi %mul3A_314, %add3A_385 : i32
      %dma_start3A_387 = arith.constant 0 : i32
      %dma_start3A_388 = arith.constant 0 : i32
      %dma_start3A_389 = tpu.memref_slice %arg8[%add3A_386, %dma_start3A_387, %dma_start3A_388] : memref<20x125x16xf32, #tpu.memory_space<vmem>> -> memref<1x125x16xf32, #tpu.memory_space<vmem>>
      %dma_start3A_390 = tpu.memref_squeeze %dma_start3A_389 : memref<1x125x16xf32, #tpu.memory_space<vmem>> -> memref<125x16xf32, #tpu.memory_space<vmem>>
      %dma_start3A_391 = arith.constant 0 : i32
      %dma_start3A_392 = tpu.memref_slice %arg6[%add3A_384, %dma_start3A_391] : memref<80x125xi32, #tpu.memory_space<vmem>> -> memref<1x125xi32, #tpu.memory_space<vmem>>
      %dma_start3A_393 = tpu.memref_squeeze %dma_start3A_392 : memref<1x125xi32, #tpu.memory_space<vmem>> -> memref<125xi32, #tpu.memory_space<vmem>>
      %dma_start3A_394 = arith.constant 0 : i32
      %dma_start3A_395 = arith.constant 0 : i32
      %dma_start3A_396 = tpu.memref_slice %arg10[%dma_start3A_394, %dma_start3A_395] : memref<10000x16xf32, #tpu.memory_space<vmem_shared>> -> memref<10000x16xf32, #tpu.memory_space<vmem_shared>>
      tpu.enqueue_indirect_dma source(%dma_start3A_396 : memref<10000x16xf32, #tpu.memory_space<vmem_shared>>) target(%dma_start3A_390 : memref<125x16xf32, #tpu.memory_space<vmem>>) offsets(%dma_start3A_393 : memref<125xi32, #tpu.memory_space<vmem>>) semaphore(%arg12 : memref<!tpu.dma_semaphore, #tpu.memory_space<semaphore_mem>>)
      %mul3A_397 = arith.constant 10 : i32
      %mul3A_398 = arith.muli %scan3A_302, %mul3A_397 : i32
      %add3A_399 = arith.constant 5 : i32
      %add3A_400 = arith.addi %mul3A_398, %add3A_399 : i32
      %add3A_401 = arith.constant 5 : i32
      %add3A_402 = arith.addi %mul3A_314, %add3A_401 : i32
      %dma_start3A_403 = arith.constant 0 : i32
      %dma_start3A_404 = arith.constant 0 : i32
      %dma_start3A_405 = tpu.memref_slice %arg8[%add3A_402, %dma_start3A_403, %dma_start3A_404] : memref<20x125x16xf32, #tpu.memory_space<vmem>> -> memref<1x125x16xf32, #tpu.memory_space<vmem>>
      %dma_start3A_406 = tpu.memref_squeeze %dma_start3A_405 : memref<1x125x16xf32, #tpu.memory_space<vmem>> -> memref<125x16xf32, #tpu.memory_space<vmem>>
      %dma_start3A_407 = arith.constant 0 : i32
      %dma_start3A_408 = tpu.memref_slice %arg6[%add3A_400, %dma_start3A_407] : memref<80x125xi32, #tpu.memory_space<vmem>> -> memref<1x125xi32, #tpu.memory_space<vmem>>
      %dma_start3A_409 = tpu.memref_squeeze %dma_start3A_408 : memref<1x125xi32, #tpu.memory_space<vmem>> -> memref<125xi32, #tpu.memory_space<vmem>>
      %dma_start3A_410 = arith.constant 0 : i32
      %dma_start3A_411 = arith.constant 0 : i32
      %dma_start3A_412 = tpu.memref_slice %arg10[%dma_start3A_410, %dma_start3A_411] : memref<10000x16xf32, #tpu.memory_space<vmem_shared>> -> memref<10000x16xf32, #tpu.memory_space<vmem_shared>>
      tpu.enqueue_indirect_dma source(%dma_start3A_412 : memref<10000x16xf32, #tpu.memory_space<vmem_shared>>) target(%dma_start3A_406 : memref<125x16xf32, #tpu.memory_space<vmem>>) offsets(%dma_start3A_409 : memref<125xi32, #tpu.memory_space<vmem>>) semaphore(%arg12 : memref<!tpu.dma_semaphore, #tpu.memory_space<semaphore_mem>>)
      %mul3A_413 = arith.constant 10 : i32
      %mul3A_414 = arith.muli %scan3A_302, %mul3A_413 : i32
      %add3A_415 = arith.constant 6 : i32
      %add3A_416 = arith.addi %mul3A_414, %add3A_415 : i32
      %add3A_417 = arith.constant 6 : i32
      %add3A_418 = arith.addi %mul3A_314, %add3A_417 : i32
      %dma_start3A_419 = arith.constant 0 : i32
      %dma_start3A_420 = arith.constant 0 : i32
      %dma_start3A_421 = tpu.memref_slice %arg8[%add3A_418, %dma_start3A_419, %dma_start3A_420] : memref<20x125x16xf32, #tpu.memory_space<vmem>> -> memref<1x125x16xf32, #tpu.memory_space<vmem>>
      %dma_start3A_422 = tpu.memref_squeeze %dma_start3A_421 : memref<1x125x16xf32, #tpu.memory_space<vmem>> -> memref<125x16xf32, #tpu.memory_space<vmem>>
      %dma_start3A_423 = arith.constant 0 : i32
      %dma_start3A_424 = tpu.memref_slice %arg6[%add3A_416, %dma_start3A_423] : memref<80x125xi32, #tpu.memory_space<vmem>> -> memref<1x125xi32, #tpu.memory_space<vmem>>
      %dma_start3A_425 = tpu.memref_squeeze %dma_start3A_424 : memref<1x125xi32, #tpu.memory_space<vmem>> -> memref<125xi32, #tpu.memory_space<vmem>>
      %dma_start3A_426 = arith.constant 0 : i32
      %dma_start3A_427 = arith.constant 0 : i32
      %dma_start3A_428 = tpu.memref_slice %arg10[%dma_start3A_426, %dma_start3A_427] : memref<10000x16xf32, #tpu.memory_space<vmem_shared>> -> memref<10000x16xf32, #tpu.memory_space<vmem_shared>>
      tpu.enqueue_indirect_dma source(%dma_start3A_428 : memref<10000x16xf32, #tpu.memory_space<vmem_shared>>) target(%dma_start3A_422 : memref<125x16xf32, #tpu.memory_space<vmem>>) offsets(%dma_start3A_425 : memref<125xi32, #tpu.memory_space<vmem>>) semaphore(%arg12 : memref<!tpu.dma_semaphore, #tpu.memory_space<semaphore_mem>>)
      %mul3A_429 = arith.constant 10 : i32
      %mul3A_430 = arith.muli %scan3A_302, %mul3A_429 : i32
      %add3A_431 = arith.constant 7 : i32
      %add3A_432 = arith.addi %mul3A_430, %add3A_431 : i32
      %add3A_433 = arith.constant 7 : i32
      %add3A_434 = arith.addi %mul3A_314, %add3A_433 : i32
      %dma_start3A_435 = arith.constant 0 : i32
      %dma_start3A_436 = arith.constant 0 : i32
      %dma_start3A_437 = tpu.memref_slice %arg8[%add3A_434, %dma_start3A_435, %dma_start3A_436] : memref<20x125x16xf32, #tpu.memory_space<vmem>> -> memref<1x125x16xf32, #tpu.memory_space<vmem>>
      %dma_start3A_438 = tpu.memref_squeeze %dma_start3A_437 : memref<1x125x16xf32, #tpu.memory_space<vmem>> -> memref<125x16xf32, #tpu.memory_space<vmem>>
      %dma_start3A_439 = arith.constant 0 : i32
      %dma_start3A_440 = tpu.memref_slice %arg6[%add3A_432, %dma_start3A_439] : memref<80x125xi32, #tpu.memory_space<vmem>> -> memref<1x125xi32, #tpu.memory_space<vmem>>
      %dma_start3A_441 = tpu.memref_squeeze %dma_start3A_440 : memref<1x125xi32, #tpu.memory_space<vmem>> -> memref<125xi32, #tpu.memory_space<vmem>>
      %dma_start3A_442 = arith.constant 0 : i32
      %dma_start3A_443 = arith.constant 0 : i32
      %dma_start3A_444 = tpu.memref_slice %arg10[%dma_start3A_442, %dma_start3A_443] : memref<10000x16xf32, #tpu.memory_space<vmem_shared>> -> memref<10000x16xf32, #tpu.memory_space<vmem_shared>>
      tpu.enqueue_indirect_dma source(%dma_start3A_444 : memref<10000x16xf32, #tpu.memory_space<vmem_shared>>) target(%dma_start3A_438 : memref<125x16xf32, #tpu.memory_space<vmem>>) offsets(%dma_start3A_441 : memref<125xi32, #tpu.memory_space<vmem>>) semaphore(%arg12 : memref<!tpu.dma_semaphore, #tpu.memory_space<semaphore_mem>>)
      %mul3A_445 = arith.constant 10 : i32
      %mul3A_446 = arith.muli %scan3A_302, %mul3A_445 : i32
      %add3A_447 = arith.constant 8 : i32
      %add3A_448 = arith.addi %mul3A_446, %add3A_447 : i32
      %add3A_449 = arith.constant 8 : i32
      %add3A_450 = arith.addi %mul3A_314, %add3A_449 : i32
      %dma_start3A_451 = arith.constant 0 : i32
      %dma_start3A_452 = arith.constant 0 : i32
      %dma_start3A_453 = tpu.memref_slice %arg8[%add3A_450, %dma_start3A_451, %dma_start3A_452] : memref<20x125x16xf32, #tpu.memory_space<vmem>> -> memref<1x125x16xf32, #tpu.memory_space<vmem>>
      %dma_start3A_454 = tpu.memref_squeeze %dma_start3A_453 : memref<1x125x16xf32, #tpu.memory_space<vmem>> -> memref<125x16xf32, #tpu.memory_space<vmem>>
      %dma_start3A_455 = arith.constant 0 : i32
      %dma_start3A_456 = tpu.memref_slice %arg6[%add3A_448, %dma_start3A_455] : memref<80x125xi32, #tpu.memory_space<vmem>> -> memref<1x125xi32, #tpu.memory_space<vmem>>
      %dma_start3A_457 = tpu.memref_squeeze %dma_start3A_456 : memref<1x125xi32, #tpu.memory_space<vmem>> -> memref<125xi32, #tpu.memory_space<vmem>>
      %dma_start3A_458 = arith.constant 0 : i32
      %dma_start3A_459 = arith.constant 0 : i32
      %dma_start3A_460 = tpu.memref_slice %arg10[%dma_start3A_458, %dma_start3A_459] : memref<10000x16xf32, #tpu.memory_space<vmem_shared>> -> memref<10000x16xf32, #tpu.memory_space<vmem_shared>>
      tpu.enqueue_indirect_dma source(%dma_start3A_460 : memref<10000x16xf32, #tpu.memory_space<vmem_shared>>) target(%dma_start3A_454 : memref<125x16xf32, #tpu.memory_space<vmem>>) offsets(%dma_start3A_457 : memref<125xi32, #tpu.memory_space<vmem>>) semaphore(%arg12 : memref<!tpu.dma_semaphore, #tpu.memory_space<semaphore_mem>>)
      %mul3A_461 = arith.constant 10 : i32
      %mul3A_462 = arith.muli %scan3A_302, %mul3A_461 : i32
      %add3A_463 = arith.constant 9 : i32
      %add3A_464 = arith.addi %mul3A_462, %add3A_463 : i32
      %add3A_465 = arith.constant 9 : i32
      %add3A_466 = arith.addi %mul3A_314, %add3A_465 : i32
      %dma_start3A_467 = arith.constant 0 : i32
      %dma_start3A_468 = arith.constant 0 : i32
      %dma_start3A_469 = tpu.memref_slice %arg8[%add3A_466, %dma_start3A_467, %dma_start3A_468] : memref<20x125x16xf32, #tpu.memory_space<vmem>> -> memref<1x125x16xf32, #tpu.memory_space<vmem>>
      %dma_start3A_470 = tpu.memref_squeeze %dma_start3A_469 : memref<1x125x16xf32, #tpu.memory_space<vmem>> -> memref<125x16xf32, #tpu.memory_space<vmem>>
      %dma_start3A_471 = arith.constant 0 : i32
      %dma_start3A_472 = tpu.memref_slice %arg6[%add3A_464, %dma_start3A_471] : memref<80x125xi32, #tpu.memory_space<vmem>> -> memref<1x125xi32, #tpu.memory_space<vmem>>
      %dma_start3A_473 = tpu.memref_squeeze %dma_start3A_472 : memref<1x125xi32, #tpu.memory_space<vmem>> -> memref<125xi32, #tpu.memory_space<vmem>>
      %dma_start3A_474 = arith.constant 0 : i32
      %dma_start3A_475 = arith.constant 0 : i32
      %dma_start3A_476 = tpu.memref_slice %arg10[%dma_start3A_474, %dma_start3A_475] : memref<10000x16xf32, #tpu.memory_space<vmem_shared>> -> memref<10000x16xf32, #tpu.memory_space<vmem_shared>>
      tpu.enqueue_indirect_dma source(%dma_start3A_476 : memref<10000x16xf32, #tpu.memory_space<vmem_shared>>) target(%dma_start3A_470 : memref<125x16xf32, #tpu.memory_space<vmem>>) offsets(%dma_start3A_473 : memref<125xi32, #tpu.memory_space<vmem>>) semaphore(%arg12 : memref<!tpu.dma_semaphore, #tpu.memory_space<semaphore_mem>>)
      %dma_wait3A_477 = arith.constant 0 : i32
      %dma_wait3A_478 = arith.constant 0 : i32
      %dma_wait3A_479 = tpu.memref_slice %arg8[%add3A_322, %dma_wait3A_477, %dma_wait3A_478] : memref<20x125x16xf32, #tpu.memory_space<vmem>> -> memref<1x125x16xf32, #tpu.memory_space<vmem>>
      %dma_wait3A_480 = tpu.memref_squeeze %dma_wait3A_479 : memref<1x125x16xf32, #tpu.memory_space<vmem>> -> memref<125x16xf32, #tpu.memory_space<vmem>>
      %dma_wait3A_481 = arith.constant 0 : i32
      %dma_wait3A_482 = tpu.memref_slice %arg6[%add3A_320, %dma_wait3A_481] : memref<80x125xi32, #tpu.memory_space<vmem>> -> memref<1x125xi32, #tpu.memory_space<vmem>>
      %dma_wait3A_483 = tpu.memref_squeeze %dma_wait3A_482 : memref<1x125xi32, #tpu.memory_space<vmem>> -> memref<125xi32, #tpu.memory_space<vmem>>
      %dma_wait3A_484 = arith.constant 0 : i32
      %dma_wait3A_485 = arith.constant 0 : i32
      %dma_wait3A_486 = tpu.memref_slice %arg10[%dma_wait3A_484, %dma_wait3A_485] : memref<10000x16xf32, #tpu.memory_space<vmem_shared>> -> memref<10000x16xf32, #tpu.memory_space<vmem_shared>>
      tpu.wait_indirect_dma semaphore(%arg12 : memref<!tpu.dma_semaphore, #tpu.memory_space<semaphore_mem>>) src(%dma_wait3A_486 : memref<10000x16xf32, #tpu.memory_space<vmem_shared>>) dst(%dma_wait3A_480 : memref<125x16xf32, #tpu.memory_space<vmem>>)
      %dma_wait3A_487 = arith.constant 0 : i32
      %dma_wait3A_488 = arith.constant 0 : i32
      %dma_wait3A_489 = tpu.memref_slice %arg8[%add3A_338, %dma_wait3A_487, %dma_wait3A_488] : memref<20x125x16xf32, #tpu.memory_space<vmem>> -> memref<1x125x16xf32, #tpu.memory_space<vmem>>
      %dma_wait3A_490 = tpu.memref_squeeze %dma_wait3A_489 : memref<1x125x16xf32, #tpu.memory_space<vmem>> -> memref<125x16xf32, #tpu.memory_space<vmem>>
      %dma_wait3A_491 = arith.constant 0 : i32
      %dma_wait3A_492 = tpu.memref_slice %arg6[%add3A_336, %dma_wait3A_491] : memref<80x125xi32, #tpu.memory_space<vmem>> -> memref<1x125xi32, #tpu.memory_space<vmem>>
      %dma_wait3A_493 = tpu.memref_squeeze %dma_wait3A_492 : memref<1x125xi32, #tpu.memory_space<vmem>> -> memref<125xi32, #tpu.memory_space<vmem>>
      %dma_wait3A_494 = arith.constant 0 : i32
      %dma_wait3A_495 = arith.constant 0 : i32
      %dma_wait3A_496 = tpu.memref_slice %arg10[%dma_wait3A_494, %dma_wait3A_495] : memref<10000x16xf32, #tpu.memory_space<vmem_shared>> -> memref<10000x16xf32, #tpu.memory_space<vmem_shared>>
      tpu.wait_indirect_dma semaphore(%arg12 : memref<!tpu.dma_semaphore, #tpu.memory_space<semaphore_mem>>) src(%dma_wait3A_496 : memref<10000x16xf32, #tpu.memory_space<vmem_shared>>) dst(%dma_wait3A_490 : memref<125x16xf32, #tpu.memory_space<vmem>>)
      %dma_wait3A_497 = arith.constant 0 : i32
      %dma_wait3A_498 = arith.constant 0 : i32
      %dma_wait3A_499 = tpu.memref_slice %arg8[%add3A_354, %dma_wait3A_497, %dma_wait3A_498] : memref<20x125x16xf32, #tpu.memory_space<vmem>> -> memref<1x125x16xf32, #tpu.memory_space<vmem>>
      %dma_wait3A_500 = tpu.memref_squeeze %dma_wait3A_499 : memref<1x125x16xf32, #tpu.memory_space<vmem>> -> memref<125x16xf32, #tpu.memory_space<vmem>>
      %dma_wait3A_501 = arith.constant 0 : i32
      %dma_wait3A_502 = tpu.memref_slice %arg6[%add3A_352, %dma_wait3A_501] : memref<80x125xi32, #tpu.memory_space<vmem>> -> memref<1x125xi32, #tpu.memory_space<vmem>>
      %dma_wait3A_503 = tpu.memref_squeeze %dma_wait3A_502 : memref<1x125xi32, #tpu.memory_space<vmem>> -> memref<125xi32, #tpu.memory_space<vmem>>
      %dma_wait3A_504 = arith.constant 0 : i32
      %dma_wait3A_505 = arith.constant 0 : i32
      %dma_wait3A_506 = tpu.memref_slice %arg10[%dma_wait3A_504, %dma_wait3A_505] : memref<10000x16xf32, #tpu.memory_space<vmem_shared>> -> memref<10000x16xf32, #tpu.memory_space<vmem_shared>>
      tpu.wait_indirect_dma semaphore(%arg12 : memref<!tpu.dma_semaphore, #tpu.memory_space<semaphore_mem>>) src(%dma_wait3A_506 : memref<10000x16xf32, #tpu.memory_space<vmem_shared>>) dst(%dma_wait3A_500 : memref<125x16xf32, #tpu.memory_space<vmem>>)
      %dma_wait3A_507 = arith.constant 0 : i32
      %dma_wait3A_508 = arith.constant 0 : i32
      %dma_wait3A_509 = tpu.memref_slice %arg8[%add3A_370, %dma_wait3A_507, %dma_wait3A_508] : memref<20x125x16xf32, #tpu.memory_space<vmem>> -> memref<1x125x16xf32, #tpu.memory_space<vmem>>
      %dma_wait3A_510 = tpu.memref_squeeze %dma_wait3A_509 : memref<1x125x16xf32, #tpu.memory_space<vmem>> -> memref<125x16xf32, #tpu.memory_space<vmem>>
      %dma_wait3A_511 = arith.constant 0 : i32
      %dma_wait3A_512 = tpu.memref_slice %arg6[%add3A_368, %dma_wait3A_511] : memref<80x125xi32, #tpu.memory_space<vmem>> -> memref<1x125xi32, #tpu.memory_space<vmem>>
      %dma_wait3A_513 = tpu.memref_squeeze %dma_wait3A_512 : memref<1x125xi32, #tpu.memory_space<vmem>> -> memref<125xi32, #tpu.memory_space<vmem>>
      %dma_wait3A_514 = arith.constant 0 : i32
      %dma_wait3A_515 = arith.constant 0 : i32
      %dma_wait3A_516 = tpu.memref_slice %arg10[%dma_wait3A_514, %dma_wait3A_515] : memref<10000x16xf32, #tpu.memory_space<vmem_shared>> -> memref<10000x16xf32, #tpu.memory_space<vmem_shared>>
      tpu.wait_indirect_dma semaphore(%arg12 : memref<!tpu.dma_semaphore, #tpu.memory_space<semaphore_mem>>) src(%dma_wait3A_516 : memref<10000x16xf32, #tpu.memory_space<vmem_shared>>) dst(%dma_wait3A_510 : memref<125x16xf32, #tpu.memory_space<vmem>>)
      %dma_wait3A_517 = arith.constant 0 : i32
      %dma_wait3A_518 = arith.constant 0 : i32
      %dma_wait3A_519 = tpu.memref_slice %arg8[%add3A_386, %dma_wait3A_517, %dma_wait3A_518] : memref<20x125x16xf32, #tpu.memory_space<vmem>> -> memref<1x125x16xf32, #tpu.memory_space<vmem>>
      %dma_wait3A_520 = tpu.memref_squeeze %dma_wait3A_519 : memref<1x125x16xf32, #tpu.memory_space<vmem>> -> memref<125x16xf32, #tpu.memory_space<vmem>>
      %dma_wait3A_521 = arith.constant 0 : i32
      %dma_wait3A_522 = tpu.memref_slice %arg6[%add3A_384, %dma_wait3A_521] : memref<80x125xi32, #tpu.memory_space<vmem>> -> memref<1x125xi32, #tpu.memory_space<vmem>>
      %dma_wait3A_523 = tpu.memref_squeeze %dma_wait3A_522 : memref<1x125xi32, #tpu.memory_space<vmem>> -> memref<125xi32, #tpu.memory_space<vmem>>
      %dma_wait3A_524 = arith.constant 0 : i32
      %dma_wait3A_525 = arith.constant 0 : i32
      %dma_wait3A_526 = tpu.memref_slice %arg10[%dma_wait3A_524, %dma_wait3A_525] : memref<10000x16xf32, #tpu.memory_space<vmem_shared>> -> memref<10000x16xf32, #tpu.memory_space<vmem_shared>>
      tpu.wait_indirect_dma semaphore(%arg12 : memref<!tpu.dma_semaphore, #tpu.memory_space<semaphore_mem>>) src(%dma_wait3A_526 : memref<10000x16xf32, #tpu.memory_space<vmem_shared>>) dst(%dma_wait3A_520 : memref<125x16xf32, #tpu.memory_space<vmem>>)
      %dma_wait3A_527 = arith.constant 0 : i32
      %dma_wait3A_528 = arith.constant 0 : i32
      %dma_wait3A_529 = tpu.memref_slice %arg8[%add3A_402, %dma_wait3A_527, %dma_wait3A_528] : memref<20x125x16xf32, #tpu.memory_space<vmem>> -> memref<1x125x16xf32, #tpu.memory_space<vmem>>
      %dma_wait3A_530 = tpu.memref_squeeze %dma_wait3A_529 : memref<1x125x16xf32, #tpu.memory_space<vmem>> -> memref<125x16xf32, #tpu.memory_space<vmem>>
      %dma_wait3A_531 = arith.constant 0 : i32
      %dma_wait3A_532 = tpu.memref_slice %arg6[%add3A_400, %dma_wait3A_531] : memref<80x125xi32, #tpu.memory_space<vmem>> -> memref<1x125xi32, #tpu.memory_space<vmem>>
      %dma_wait3A_533 = tpu.memref_squeeze %dma_wait3A_532 : memref<1x125xi32, #tpu.memory_space<vmem>> -> memref<125xi32, #tpu.memory_space<vmem>>
      %dma_wait3A_534 = arith.constant 0 : i32
      %dma_wait3A_535 = arith.constant 0 : i32
      %dma_wait3A_536 = tpu.memref_slice %arg10[%dma_wait3A_534, %dma_wait3A_535] : memref<10000x16xf32, #tpu.memory_space<vmem_shared>> -> memref<10000x16xf32, #tpu.memory_space<vmem_shared>>
      tpu.wait_indirect_dma semaphore(%arg12 : memref<!tpu.dma_semaphore, #tpu.memory_space<semaphore_mem>>) src(%dma_wait3A_536 : memref<10000x16xf32, #tpu.memory_space<vmem_shared>>) dst(%dma_wait3A_530 : memref<125x16xf32, #tpu.memory_space<vmem>>)
      %dma_wait3A_537 = arith.constant 0 : i32
      %dma_wait3A_538 = arith.constant 0 : i32
      %dma_wait3A_539 = tpu.memref_slice %arg8[%add3A_418, %dma_wait3A_537, %dma_wait3A_538] : memref<20x125x16xf32, #tpu.memory_space<vmem>> -> memref<1x125x16xf32, #tpu.memory_space<vmem>>
      %dma_wait3A_540 = tpu.memref_squeeze %dma_wait3A_539 : memref<1x125x16xf32, #tpu.memory_space<vmem>> -> memref<125x16xf32, #tpu.memory_space<vmem>>
      %dma_wait3A_541 = arith.constant 0 : i32
      %dma_wait3A_542 = tpu.memref_slice %arg6[%add3A_416, %dma_wait3A_541] : memref<80x125xi32, #tpu.memory_space<vmem>> -> memref<1x125xi32, #tpu.memory_space<vmem>>
      %dma_wait3A_543 = tpu.memref_squeeze %dma_wait3A_542 : memref<1x125xi32, #tpu.memory_space<vmem>> -> memref<125xi32, #tpu.memory_space<vmem>>
      %dma_wait3A_544 = arith.constant 0 : i32
      %dma_wait3A_545 = arith.constant 0 : i32
      %dma_wait3A_546 = tpu.memref_slice %arg10[%dma_wait3A_544, %dma_wait3A_545] : memref<10000x16xf32, #tpu.memory_space<vmem_shared>> -> memref<10000x16xf32, #tpu.memory_space<vmem_shared>>
      tpu.wait_indirect_dma semaphore(%arg12 : memref<!tpu.dma_semaphore, #tpu.memory_space<semaphore_mem>>) src(%dma_wait3A_546 : memref<10000x16xf32, #tpu.memory_space<vmem_shared>>) dst(%dma_wait3A_540 : memref<125x16xf32, #tpu.memory_space<vmem>>)
      %dma_wait3A_547 = arith.constant 0 : i32
      %dma_wait3A_548 = arith.constant 0 : i32
      %dma_wait3A_549 = tpu.memref_slice %arg8[%add3A_434, %dma_wait3A_547, %dma_wait3A_548] : memref<20x125x16xf32, #tpu.memory_space<vmem>> -> memref<1x125x16xf32, #tpu.memory_space<vmem>>
      %dma_wait3A_550 = tpu.memref_squeeze %dma_wait3A_549 : memref<1x125x16xf32, #tpu.memory_space<vmem>> -> memref<125x16xf32, #tpu.memory_space<vmem>>
      %dma_wait3A_551 = arith.constant 0 : i32
      %dma_wait3A_552 = tpu.memref_slice %arg6[%add3A_432, %dma_wait3A_551] : memref<80x125xi32, #tpu.memory_space<vmem>> -> memref<1x125xi32, #tpu.memory_space<vmem>>
      %dma_wait3A_553 = tpu.memref_squeeze %dma_wait3A_552 : memref<1x125xi32, #tpu.memory_space<vmem>> -> memref<125xi32, #tpu.memory_space<vmem>>
      %dma_wait3A_554 = arith.constant 0 : i32
      %dma_wait3A_555 = arith.constant 0 : i32
      %dma_wait3A_556 = tpu.memref_slice %arg10[%dma_wait3A_554, %dma_wait3A_555] : memref<10000x16xf32, #tpu.memory_space<vmem_shared>> -> memref<10000x16xf32, #tpu.memory_space<vmem_shared>>
      tpu.wait_indirect_dma semaphore(%arg12 : memref<!tpu.dma_semaphore, #tpu.memory_space<semaphore_mem>>) src(%dma_wait3A_556 : memref<10000x16xf32, #tpu.memory_space<vmem_shared>>) dst(%dma_wait3A_550 : memref<125x16xf32, #tpu.memory_space<vmem>>)
      %dma_wait3A_557 = arith.constant 0 : i32
      %dma_wait3A_558 = arith.constant 0 : i32
      %dma_wait3A_559 = tpu.memref_slice %arg8[%add3A_450, %dma_wait3A_557, %dma_wait3A_558] : memref<20x125x16xf32, #tpu.memory_space<vmem>> -> memref<1x125x16xf32, #tpu.memory_space<vmem>>
      %dma_wait3A_560 = tpu.memref_squeeze %dma_wait3A_559 : memref<1x125x16xf32, #tpu.memory_space<vmem>> -> memref<125x16xf32, #tpu.memory_space<vmem>>
      %dma_wait3A_561 = arith.constant 0 : i32
      %dma_wait3A_562 = tpu.memref_slice %arg6[%add3A_448, %dma_wait3A_561] : memref<80x125xi32, #tpu.memory_space<vmem>> -> memref<1x125xi32, #tpu.memory_space<vmem>>
      %dma_wait3A_563 = tpu.memref_squeeze %dma_wait3A_562 : memref<1x125xi32, #tpu.memory_space<vmem>> -> memref<125xi32, #tpu.memory_space<vmem>>
      %dma_wait3A_564 = arith.constant 0 : i32
      %dma_wait3A_565 = arith.constant 0 : i32
      %dma_wait3A_566 = tpu.memref_slice %arg10[%dma_wait3A_564, %dma_wait3A_565] : memref<10000x16xf32, #tpu.memory_space<vmem_shared>> -> memref<10000x16xf32, #tpu.memory_space<vmem_shared>>
      tpu.wait_indirect_dma semaphore(%arg12 : memref<!tpu.dma_semaphore, #tpu.memory_space<semaphore_mem>>) src(%dma_wait3A_566 : memref<10000x16xf32, #tpu.memory_space<vmem_shared>>) dst(%dma_wait3A_560 : memref<125x16xf32, #tpu.memory_space<vmem>>)
      %dma_wait3A_567 = arith.constant 0 : i32
      %dma_wait3A_568 = arith.constant 0 : i32
      %dma_wait3A_569 = tpu.memref_slice %arg8[%add3A_466, %dma_wait3A_567, %dma_wait3A_568] : memref<20x125x16xf32, #tpu.memory_space<vmem>> -> memref<1x125x16xf32, #tpu.memory_space<vmem>>
      %dma_wait3A_570 = tpu.memref_squeeze %dma_wait3A_569 : memref<1x125x16xf32, #tpu.memory_space<vmem>> -> memref<125x16xf32, #tpu.memory_space<vmem>>
      %dma_wait3A_571 = arith.constant 0 : i32
      %dma_wait3A_572 = tpu.memref_slice %arg6[%add3A_464, %dma_wait3A_571] : memref<80x125xi32, #tpu.memory_space<vmem>> -> memref<1x125xi32, #tpu.memory_space<vmem>>
      %dma_wait3A_573 = tpu.memref_squeeze %dma_wait3A_572 : memref<1x125xi32, #tpu.memory_space<vmem>> -> memref<125xi32, #tpu.memory_space<vmem>>
      %dma_wait3A_574 = arith.constant 0 : i32
      %dma_wait3A_575 = arith.constant 0 : i32
      %dma_wait3A_576 = tpu.memref_slice %arg10[%dma_wait3A_574, %dma_wait3A_575] : memref<10000x16xf32, #tpu.memory_space<vmem_shared>> -> memref<10000x16xf32, #tpu.memory_space<vmem_shared>>
      tpu.wait_indirect_dma semaphore(%arg12 : memref<!tpu.dma_semaphore, #tpu.memory_space<semaphore_mem>>) src(%dma_wait3A_576 : memref<10000x16xf32, #tpu.memory_space<vmem_shared>>) dst(%dma_wait3A_570 : memref<125x16xf32, #tpu.memory_space<vmem>>)
      %mul3A_577 = arith.constant 10 : i32
      %mul3A_578 = arith.muli %scan3A_302, %mul3A_577 : i32
      %add3A_579 = arith.constant 0 : i32
      %add3A_580 = arith.addi %mul3A_578, %add3A_579 : i32
      %add3A_581 = arith.constant 0 : i32
      %add3A_582 = arith.addi %mul3A_314, %add3A_581 : i32
      %dma_start3A_583 = arith.constant 0 : i32
      %dma_start3A_584 = arith.constant 0 : i32
      %dma_start3A_585 = tpu.memref_slice %arg8[%add3A_582, %dma_start3A_583, %dma_start3A_584] : memref<20x125x16xf32, #tpu.memory_space<vmem>> -> memref<1x125x16xf32, #tpu.memory_space<vmem>>
      %dma_start3A_586 = tpu.memref_squeeze %dma_start3A_585 : memref<1x125x16xf32, #tpu.memory_space<vmem>> -> memref<125x16xf32, #tpu.memory_space<vmem>>
      %dma_start3A_587 = arith.constant 0 : i32
      %dma_start3A_588 = tpu.memref_slice %arg7[%add3A_580, %dma_start3A_587] : memref<80x125xi32, #tpu.memory_space<vmem>> -> memref<1x125xi32, #tpu.memory_space<vmem>>
      %dma_start3A_589 = tpu.memref_squeeze %dma_start3A_588 : memref<1x125xi32, #tpu.memory_space<vmem>> -> memref<125xi32, #tpu.memory_space<vmem>>
      %dma_start3A_590 = arith.constant 0 : i32
      %dma_start3A_591 = arith.constant 0 : i32
      %dma_start3A_592 = tpu.memref_slice %arg11[%dma_start3A_590, %dma_start3A_591] : memref<10000x16xf32, #tpu.memory_space<vmem_shared>> -> memref<10000x16xf32, #tpu.memory_space<vmem_shared>>
      tpu.enqueue_indirect_dma source(%dma_start3A_586 : memref<125x16xf32, #tpu.memory_space<vmem>>) target(%dma_start3A_592 : memref<10000x16xf32, #tpu.memory_space<vmem_shared>>) offsets(%dma_start3A_589 : memref<125xi32, #tpu.memory_space<vmem>>) semaphore(%arg13 : memref<!tpu.dma_semaphore, #tpu.memory_space<semaphore_mem>>) {add = true}
      %mul3A_593 = arith.constant 10 : i32
      %mul3A_594 = arith.muli %scan3A_302, %mul3A_593 : i32
      %add3A_595 = arith.constant 1 : i32
      %add3A_596 = arith.addi %mul3A_594, %add3A_595 : i32
      %add3A_597 = arith.constant 1 : i32
      %add3A_598 = arith.addi %mul3A_314, %add3A_597 : i32
      %dma_start3A_599 = arith.constant 0 : i32
      %dma_start3A_600 = arith.constant 0 : i32
      %dma_start3A_601 = tpu.memref_slice %arg8[%add3A_598, %dma_start3A_599, %dma_start3A_600] : memref<20x125x16xf32, #tpu.memory_space<vmem>> -> memref<1x125x16xf32, #tpu.memory_space<vmem>>
      %dma_start3A_602 = tpu.memref_squeeze %dma_start3A_601 : memref<1x125x16xf32, #tpu.memory_space<vmem>> -> memref<125x16xf32, #tpu.memory_space<vmem>>
      %dma_start3A_603 = arith.constant 0 : i32
      %dma_start3A_604 = tpu.memref_slice %arg7[%add3A_596, %dma_start3A_603] : memref<80x125xi32, #tpu.memory_space<vmem>> -> memref<1x125xi32, #tpu.memory_space<vmem>>
      %dma_start3A_605 = tpu.memref_squeeze %dma_start3A_604 : memref<1x125xi32, #tpu.memory_space<vmem>> -> memref<125xi32, #tpu.memory_space<vmem>>
      %dma_start3A_606 = arith.constant 0 : i32
      %dma_start3A_607 = arith.constant 0 : i32
      %dma_start3A_608 = tpu.memref_slice %arg11[%dma_start3A_606, %dma_start3A_607] : memref<10000x16xf32, #tpu.memory_space<vmem_shared>> -> memref<10000x16xf32, #tpu.memory_space<vmem_shared>>
      tpu.enqueue_indirect_dma source(%dma_start3A_602 : memref<125x16xf32, #tpu.memory_space<vmem>>) target(%dma_start3A_608 : memref<10000x16xf32, #tpu.memory_space<vmem_shared>>) offsets(%dma_start3A_605 : memref<125xi32, #tpu.memory_space<vmem>>) semaphore(%arg13 : memref<!tpu.dma_semaphore, #tpu.memory_space<semaphore_mem>>) {add = true}
      %mul3A_609 = arith.constant 10 : i32
      %mul3A_610 = arith.muli %scan3A_302, %mul3A_609 : i32
      %add3A_611 = arith.constant 2 : i32
      %add3A_612 = arith.addi %mul3A_610, %add3A_611 : i32
      %add3A_613 = arith.constant 2 : i32
      %add3A_614 = arith.addi %mul3A_314, %add3A_613 : i32
      %dma_start3A_615 = arith.constant 0 : i32
      %dma_start3A_616 = arith.constant 0 : i32
      %dma_start3A_617 = tpu.memref_slice %arg8[%add3A_614, %dma_start3A_615, %dma_start3A_616] : memref<20x125x16xf32, #tpu.memory_space<vmem>> -> memref<1x125x16xf32, #tpu.memory_space<vmem>>
      %dma_start3A_618 = tpu.memref_squeeze %dma_start3A_617 : memref<1x125x16xf32, #tpu.memory_space<vmem>> -> memref<125x16xf32, #tpu.memory_space<vmem>>
      %dma_start3A_619 = arith.constant 0 : i32
      %dma_start3A_620 = tpu.memref_slice %arg7[%add3A_612, %dma_start3A_619] : memref<80x125xi32, #tpu.memory_space<vmem>> -> memref<1x125xi32, #tpu.memory_space<vmem>>
      %dma_start3A_621 = tpu.memref_squeeze %dma_start3A_620 : memref<1x125xi32, #tpu.memory_space<vmem>> -> memref<125xi32, #tpu.memory_space<vmem>>
      %dma_start3A_622 = arith.constant 0 : i32
      %dma_start3A_623 = arith.constant 0 : i32
      %dma_start3A_624 = tpu.memref_slice %arg11[%dma_start3A_622, %dma_start3A_623] : memref<10000x16xf32, #tpu.memory_space<vmem_shared>> -> memref<10000x16xf32, #tpu.memory_space<vmem_shared>>
      tpu.enqueue_indirect_dma source(%dma_start3A_618 : memref<125x16xf32, #tpu.memory_space<vmem>>) target(%dma_start3A_624 : memref<10000x16xf32, #tpu.memory_space<vmem_shared>>) offsets(%dma_start3A_621 : memref<125xi32, #tpu.memory_space<vmem>>) semaphore(%arg13 : memref<!tpu.dma_semaphore, #tpu.memory_space<semaphore_mem>>) {add = true}
      %mul3A_625 = arith.constant 10 : i32
      %mul3A_626 = arith.muli %scan3A_302, %mul3A_625 : i32
      %add3A_627 = arith.constant 3 : i32
      %add3A_628 = arith.addi %mul3A_626, %add3A_627 : i32
      %add3A_629 = arith.constant 3 : i32
      %add3A_630 = arith.addi %mul3A_314, %add3A_629 : i32
      %dma_start3A_631 = arith.constant 0 : i32
      %dma_start3A_632 = arith.constant 0 : i32
      %dma_start3A_633 = tpu.memref_slice %arg8[%add3A_630, %dma_start3A_631, %dma_start3A_632] : memref<20x125x16xf32, #tpu.memory_space<vmem>> -> memref<1x125x16xf32, #tpu.memory_space<vmem>>
      %dma_start3A_634 = tpu.memref_squeeze %dma_start3A_633 : memref<1x125x16xf32, #tpu.memory_space<vmem>> -> memref<125x16xf32, #tpu.memory_space<vmem>>
      %dma_start3A_635 = arith.constant 0 : i32
      %dma_start3A_636 = tpu.memref_slice %arg7[%add3A_628, %dma_start3A_635] : memref<80x125xi32, #tpu.memory_space<vmem>> -> memref<1x125xi32, #tpu.memory_space<vmem>>
      %dma_start3A_637 = tpu.memref_squeeze %dma_start3A_636 : memref<1x125xi32, #tpu.memory_space<vmem>> -> memref<125xi32, #tpu.memory_space<vmem>>
      %dma_start3A_638 = arith.constant 0 : i32
      %dma_start3A_639 = arith.constant 0 : i32
      %dma_start3A_640 = tpu.memref_slice %arg11[%dma_start3A_638, %dma_start3A_639] : memref<10000x16xf32, #tpu.memory_space<vmem_shared>> -> memref<10000x16xf32, #tpu.memory_space<vmem_shared>>
      tpu.enqueue_indirect_dma source(%dma_start3A_634 : memref<125x16xf32, #tpu.memory_space<vmem>>) target(%dma_start3A_640 : memref<10000x16xf32, #tpu.memory_space<vmem_shared>>) offsets(%dma_start3A_637 : memref<125xi32, #tpu.memory_space<vmem>>) semaphore(%arg13 : memref<!tpu.dma_semaphore, #tpu.memory_space<semaphore_mem>>) {add = true}
      %mul3A_641 = arith.constant 10 : i32
      %mul3A_642 = arith.muli %scan3A_302, %mul3A_641 : i32
      %add3A_643 = arith.constant 4 : i32
      %add3A_644 = arith.addi %mul3A_642, %add3A_643 : i32
      %add3A_645 = arith.constant 4 : i32
      %add3A_646 = arith.addi %mul3A_314, %add3A_645 : i32
      %dma_start3A_647 = arith.constant 0 : i32
      %dma_start3A_648 = arith.constant 0 : i32
      %dma_start3A_649 = tpu.memref_slice %arg8[%add3A_646, %dma_start3A_647, %dma_start3A_648] : memref<20x125x16xf32, #tpu.memory_space<vmem>> -> memref<1x125x16xf32, #tpu.memory_space<vmem>>
      %dma_start3A_650 = tpu.memref_squeeze %dma_start3A_649 : memref<1x125x16xf32, #tpu.memory_space<vmem>> -> memref<125x16xf32, #tpu.memory_space<vmem>>
      %dma_start3A_651 = arith.constant 0 : i32
      %dma_start3A_652 = tpu.memref_slice %arg7[%add3A_644, %dma_start3A_651] : memref<80x125xi32, #tpu.memory_space<vmem>> -> memref<1x125xi32, #tpu.memory_space<vmem>>
      %dma_start3A_653 = tpu.memref_squeeze %dma_start3A_652 : memref<1x125xi32, #tpu.memory_space<vmem>> -> memref<125xi32, #tpu.memory_space<vmem>>
      %dma_start3A_654 = arith.constant 0 : i32
      %dma_start3A_655 = arith.constant 0 : i32
      %dma_start3A_656 = tpu.memref_slice %arg11[%dma_start3A_654, %dma_start3A_655] : memref<10000x16xf32, #tpu.memory_space<vmem_shared>> -> memref<10000x16xf32, #tpu.memory_space<vmem_shared>>
      tpu.enqueue_indirect_dma source(%dma_start3A_650 : memref<125x16xf32, #tpu.memory_space<vmem>>) target(%dma_start3A_656 : memref<10000x16xf32, #tpu.memory_space<vmem_shared>>) offsets(%dma_start3A_653 : memref<125xi32, #tpu.memory_space<vmem>>) semaphore(%arg13 : memref<!tpu.dma_semaphore, #tpu.memory_space<semaphore_mem>>) {add = true}
      %mul3A_657 = arith.constant 10 : i32
      %mul3A_658 = arith.muli %scan3A_302, %mul3A_657 : i32
      %add3A_659 = arith.constant 5 : i32
      %add3A_660 = arith.addi %mul3A_658, %add3A_659 : i32
      %add3A_661 = arith.constant 5 : i32
      %add3A_662 = arith.addi %mul3A_314, %add3A_661 : i32
      %dma_start3A_663 = arith.constant 0 : i32
      %dma_start3A_664 = arith.constant 0 : i32
      %dma_start3A_665 = tpu.memref_slice %arg8[%add3A_662, %dma_start3A_663, %dma_start3A_664] : memref<20x125x16xf32, #tpu.memory_space<vmem>> -> memref<1x125x16xf32, #tpu.memory_space<vmem>>
      %dma_start3A_666 = tpu.memref_squeeze %dma_start3A_665 : memref<1x125x16xf32, #tpu.memory_space<vmem>> -> memref<125x16xf32, #tpu.memory_space<vmem>>
      %dma_start3A_667 = arith.constant 0 : i32
      %dma_start3A_668 = tpu.memref_slice %arg7[%add3A_660, %dma_start3A_667] : memref<80x125xi32, #tpu.memory_space<vmem>> -> memref<1x125xi32, #tpu.memory_space<vmem>>
      %dma_start3A_669 = tpu.memref_squeeze %dma_start3A_668 : memref<1x125xi32, #tpu.memory_space<vmem>> -> memref<125xi32, #tpu.memory_space<vmem>>
      %dma_start3A_670 = arith.constant 0 : i32
      %dma_start3A_671 = arith.constant 0 : i32
      %dma_start3A_672 = tpu.memref_slice %arg11[%dma_start3A_670, %dma_start3A_671] : memref<10000x16xf32, #tpu.memory_space<vmem_shared>> -> memref<10000x16xf32, #tpu.memory_space<vmem_shared>>
      tpu.enqueue_indirect_dma source(%dma_start3A_666 : memref<125x16xf32, #tpu.memory_space<vmem>>) target(%dma_start3A_672 : memref<10000x16xf32, #tpu.memory_space<vmem_shared>>) offsets(%dma_start3A_669 : memref<125xi32, #tpu.memory_space<vmem>>) semaphore(%arg13 : memref<!tpu.dma_semaphore, #tpu.memory_space<semaphore_mem>>) {add = true}
      %mul3A_673 = arith.constant 10 : i32
      %mul3A_674 = arith.muli %scan3A_302, %mul3A_673 : i32
      %add3A_675 = arith.constant 6 : i32
      %add3A_676 = arith.addi %mul3A_674, %add3A_675 : i32
      %add3A_677 = arith.constant 6 : i32
      %add3A_678 = arith.addi %mul3A_314, %add3A_677 : i32
      %dma_start3A_679 = arith.constant 0 : i32
      %dma_start3A_680 = arith.constant 0 : i32
      %dma_start3A_681 = tpu.memref_slice %arg8[%add3A_678, %dma_start3A_679, %dma_start3A_680] : memref<20x125x16xf32, #tpu.memory_space<vmem>> -> memref<1x125x16xf32, #tpu.memory_space<vmem>>
      %dma_start3A_682 = tpu.memref_squeeze %dma_start3A_681 : memref<1x125x16xf32, #tpu.memory_space<vmem>> -> memref<125x16xf32, #tpu.memory_space<vmem>>
      %dma_start3A_683 = arith.constant 0 : i32
      %dma_start3A_684 = tpu.memref_slice %arg7[%add3A_676, %dma_start3A_683] : memref<80x125xi32, #tpu.memory_space<vmem>> -> memref<1x125xi32, #tpu.memory_space<vmem>>
      %dma_start3A_685 = tpu.memref_squeeze %dma_start3A_684 : memref<1x125xi32, #tpu.memory_space<vmem>> -> memref<125xi32, #tpu.memory_space<vmem>>
      %dma_start3A_686 = arith.constant 0 : i32
      %dma_start3A_687 = arith.constant 0 : i32
      %dma_start3A_688 = tpu.memref_slice %arg11[%dma_start3A_686, %dma_start3A_687] : memref<10000x16xf32, #tpu.memory_space<vmem_shared>> -> memref<10000x16xf32, #tpu.memory_space<vmem_shared>>
      tpu.enqueue_indirect_dma source(%dma_start3A_682 : memref<125x16xf32, #tpu.memory_space<vmem>>) target(%dma_start3A_688 : memref<10000x16xf32, #tpu.memory_space<vmem_shared>>) offsets(%dma_start3A_685 : memref<125xi32, #tpu.memory_space<vmem>>) semaphore(%arg13 : memref<!tpu.dma_semaphore, #tpu.memory_space<semaphore_mem>>) {add = true}
      %mul3A_689 = arith.constant 10 : i32
      %mul3A_690 = arith.muli %scan3A_302, %mul3A_689 : i32
      %add3A_691 = arith.constant 7 : i32
      %add3A_692 = arith.addi %mul3A_690, %add3A_691 : i32
      %add3A_693 = arith.constant 7 : i32
      %add3A_694 = arith.addi %mul3A_314, %add3A_693 : i32
      %dma_start3A_695 = arith.constant 0 : i32
      %dma_start3A_696 = arith.constant 0 : i32
      %dma_start3A_697 = tpu.memref_slice %arg8[%add3A_694, %dma_start3A_695, %dma_start3A_696] : memref<20x125x16xf32, #tpu.memory_space<vmem>> -> memref<1x125x16xf32, #tpu.memory_space<vmem>>
      %dma_start3A_698 = tpu.memref_squeeze %dma_start3A_697 : memref<1x125x16xf32, #tpu.memory_space<vmem>> -> memref<125x16xf32, #tpu.memory_space<vmem>>
      %dma_start3A_699 = arith.constant 0 : i32
      %dma_start3A_700 = tpu.memref_slice %arg7[%add3A_692, %dma_start3A_699] : memref<80x125xi32, #tpu.memory_space<vmem>> -> memref<1x125xi32, #tpu.memory_space<vmem>>
      %dma_start3A_701 = tpu.memref_squeeze %dma_start3A_700 : memref<1x125xi32, #tpu.memory_space<vmem>> -> memref<125xi32, #tpu.memory_space<vmem>>
      %dma_start3A_702 = arith.constant 0 : i32
      %dma_start3A_703 = arith.constant 0 : i32
      %dma_start3A_704 = tpu.memref_slice %arg11[%dma_start3A_702, %dma_start3A_703] : memref<10000x16xf32, #tpu.memory_space<vmem_shared>> -> memref<10000x16xf32, #tpu.memory_space<vmem_shared>>
      tpu.enqueue_indirect_dma source(%dma_start3A_698 : memref<125x16xf32, #tpu.memory_space<vmem>>) target(%dma_start3A_704 : memref<10000x16xf32, #tpu.memory_space<vmem_shared>>) offsets(%dma_start3A_701 : memref<125xi32, #tpu.memory_space<vmem>>) semaphore(%arg13 : memref<!tpu.dma_semaphore, #tpu.memory_space<semaphore_mem>>) {add = true}
      %mul3A_705 = arith.constant 10 : i32
      %mul3A_706 = arith.muli %scan3A_302, %mul3A_705 : i32
      %add3A_707 = arith.constant 8 : i32
      %add3A_708 = arith.addi %mul3A_706, %add3A_707 : i32
      %add3A_709 = arith.constant 8 : i32
      %add3A_710 = arith.addi %mul3A_314, %add3A_709 : i32
      %dma_start3A_711 = arith.constant 0 : i32
      %dma_start3A_712 = arith.constant 0 : i32
      %dma_start3A_713 = tpu.memref_slice %arg8[%add3A_710, %dma_start3A_711, %dma_start3A_712] : memref<20x125x16xf32, #tpu.memory_space<vmem>> -> memref<1x125x16xf32, #tpu.memory_space<vmem>>
      %dma_start3A_714 = tpu.memref_squeeze %dma_start3A_713 : memref<1x125x16xf32, #tpu.memory_space<vmem>> -> memref<125x16xf32, #tpu.memory_space<vmem>>
      %dma_start3A_715 = arith.constant 0 : i32
      %dma_start3A_716 = tpu.memref_slice %arg7[%add3A_708, %dma_start3A_715] : memref<80x125xi32, #tpu.memory_space<vmem>> -> memref<1x125xi32, #tpu.memory_space<vmem>>
      %dma_start3A_717 = tpu.memref_squeeze %dma_start3A_716 : memref<1x125xi32, #tpu.memory_space<vmem>> -> memref<125xi32, #tpu.memory_space<vmem>>
      %dma_start3A_718 = arith.constant 0 : i32
      %dma_start3A_719 = arith.constant 0 : i32
      %dma_start3A_720 = tpu.memref_slice %arg11[%dma_start3A_718, %dma_start3A_719] : memref<10000x16xf32, #tpu.memory_space<vmem_shared>> -> memref<10000x16xf32, #tpu.memory_space<vmem_shared>>
      tpu.enqueue_indirect_dma source(%dma_start3A_714 : memref<125x16xf32, #tpu.memory_space<vmem>>) target(%dma_start3A_720 : memref<10000x16xf32, #tpu.memory_space<vmem_shared>>) offsets(%dma_start3A_717 : memref<125xi32, #tpu.memory_space<vmem>>) semaphore(%arg13 : memref<!tpu.dma_semaphore, #tpu.memory_space<semaphore_mem>>) {add = true}
      %mul3A_721 = arith.constant 10 : i32
      %mul3A_722 = arith.muli %scan3A_302, %mul3A_721 : i32
      %add3A_723 = arith.constant 9 : i32
      %add3A_724 = arith.addi %mul3A_722, %add3A_723 : i32
      %add3A_725 = arith.constant 9 : i32
      %add3A_726 = arith.addi %mul3A_314, %add3A_725 : i32
      %dma_start3A_727 = arith.constant 0 : i32
      %dma_start3A_728 = arith.constant 0 : i32
      %dma_start3A_729 = tpu.memref_slice %arg8[%add3A_726, %dma_start3A_727, %dma_start3A_728] : memref<20x125x16xf32, #tpu.memory_space<vmem>> -> memref<1x125x16xf32, #tpu.memory_space<vmem>>
      %dma_start3A_730 = tpu.memref_squeeze %dma_start3A_729 : memref<1x125x16xf32, #tpu.memory_space<vmem>> -> memref<125x16xf32, #tpu.memory_space<vmem>>
      %dma_start3A_731 = arith.constant 0 : i32
      %dma_start3A_732 = tpu.memref_slice %arg7[%add3A_724, %dma_start3A_731] : memref<80x125xi32, #tpu.memory_space<vmem>> -> memref<1x125xi32, #tpu.memory_space<vmem>>
      %dma_start3A_733 = tpu.memref_squeeze %dma_start3A_732 : memref<1x125xi32, #tpu.memory_space<vmem>> -> memref<125xi32, #tpu.memory_space<vmem>>
      %dma_start3A_734 = arith.constant 0 : i32
      %dma_start3A_735 = arith.constant 0 : i32
      %dma_start3A_736 = tpu.memref_slice %arg11[%dma_start3A_734, %dma_start3A_735] : memref<10000x16xf32, #tpu.memory_space<vmem_shared>> -> memref<10000x16xf32, #tpu.memory_space<vmem_shared>>
      tpu.enqueue_indirect_dma source(%dma_start3A_730 : memref<125x16xf32, #tpu.memory_space<vmem>>) target(%dma_start3A_736 : memref<10000x16xf32, #tpu.memory_space<vmem_shared>>) offsets(%dma_start3A_733 : memref<125xi32, #tpu.memory_space<vmem>>) semaphore(%arg13 : memref<!tpu.dma_semaphore, #tpu.memory_space<semaphore_mem>>) {add = true}
      %scan3A_737 = arith.constant 0 : i32
      scf.yield %scan3A_737 : i32
    }
    %scan3A_60 = arith.constant 8 : i32
    %dma_wait3A_61 = arith.constant 0 : i32
    %dma_wait3A_62 = arith.constant 0 : i32
    %dma_wait3A_63 = arith.constant 0 : i32
    %dma_wait3A_64 = arith.constant 0 : i32
    %dma_wait3A_65 = tpu.memref_slice %arg8[%dma_wait3A_61, %dma_wait3A_63, %dma_wait3A_64] : memref<20x125x16xf32, #tpu.memory_space<vmem>> -> memref<1x125x16xf32, #tpu.memory_space<vmem>>
    %dma_wait3A_66 = tpu.memref_squeeze %dma_wait3A_65 : memref<1x125x16xf32, #tpu.memory_space<vmem>> -> memref<125x16xf32, #tpu.memory_space<vmem>>
    %dma_wait3A_67 = arith.constant 0 : i32
    %dma_wait3A_68 = tpu.memref_slice %arg7[%dma_wait3A_62, %dma_wait3A_67] : memref<80x125xi32, #tpu.memory_space<vmem>> -> memref<1x125xi32, #tpu.memory_space<vmem>>
    %dma_wait3A_69 = tpu.memref_squeeze %dma_wait3A_68 : memref<1x125xi32, #tpu.memory_space<vmem>> -> memref<125xi32, #tpu.memory_space<vmem>>
    %dma_wait3A_70 = arith.constant 0 : i32
    %dma_wait3A_71 = arith.constant 0 : i32
    %dma_wait3A_72 = tpu.memref_slice %arg11[%dma_wait3A_70, %dma_wait3A_71] : memref<10000x16xf32, #tpu.memory_space<vmem_shared>> -> memref<10000x16xf32, #tpu.memory_space<vmem_shared>>
    tpu.wait_indirect_dma semaphore(%arg13 : memref<!tpu.dma_semaphore, #tpu.memory_space<semaphore_mem>>) src(%dma_wait3A_66 : memref<125x16xf32, #tpu.memory_space<vmem>>) dst(%dma_wait3A_72 : memref<10000x16xf32, #tpu.memory_space<vmem_shared>>)
    %dma_wait3A_73 = arith.constant 1 : i32
    %dma_wait3A_74 = arith.constant 0 : i32
    %dma_wait3A_75 = arith.constant 0 : i32
    %dma_wait3A_76 = arith.constant 0 : i32
    %dma_wait3A_77 = tpu.memref_slice %arg8[%dma_wait3A_73, %dma_wait3A_75, %dma_wait3A_76] : memref<20x125x16xf32, #tpu.memory_space<vmem>> -> memref<1x125x16xf32, #tpu.memory_space<vmem>>
    %dma_wait3A_78 = tpu.memref_squeeze %dma_wait3A_77 : memref<1x125x16xf32, #tpu.memory_space<vmem>> -> memref<125x16xf32, #tpu.memory_space<vmem>>
    %dma_wait3A_79 = arith.constant 0 : i32
    %dma_wait3A_80 = tpu.memref_slice %arg7[%dma_wait3A_74, %dma_wait3A_79] : memref<80x125xi32, #tpu.memory_space<vmem>> -> memref<1x125xi32, #tpu.memory_space<vmem>>
    %dma_wait3A_81 = tpu.memref_squeeze %dma_wait3A_80 : memref<1x125xi32, #tpu.memory_space<vmem>> -> memref<125xi32, #tpu.memory_space<vmem>>
    %dma_wait3A_82 = arith.constant 0 : i32
    %dma_wait3A_83 = arith.constant 0 : i32
    %dma_wait3A_84 = tpu.memref_slice %arg11[%dma_wait3A_82, %dma_wait3A_83] : memref<10000x16xf32, #tpu.memory_space<vmem_shared>> -> memref<10000x16xf32, #tpu.memory_space<vmem_shared>>
    tpu.wait_indirect_dma semaphore(%arg13 : memref<!tpu.dma_semaphore, #tpu.memory_space<semaphore_mem>>) src(%dma_wait3A_78 : memref<125x16xf32, #tpu.memory_space<vmem>>) dst(%dma_wait3A_84 : memref<10000x16xf32, #tpu.memory_space<vmem_shared>>)
    %dma_wait3A_85 = arith.constant 2 : i32
    %dma_wait3A_86 = arith.constant 0 : i32
    %dma_wait3A_87 = arith.constant 0 : i32
    %dma_wait3A_88 = arith.constant 0 : i32
    %dma_wait3A_89 = tpu.memref_slice %arg8[%dma_wait3A_85, %dma_wait3A_87, %dma_wait3A_88] : memref<20x125x16xf32, #tpu.memory_space<vmem>> -> memref<1x125x16xf32, #tpu.memory_space<vmem>>
    %dma_wait3A_90 = tpu.memref_squeeze %dma_wait3A_89 : memref<1x125x16xf32, #tpu.memory_space<vmem>> -> memref<125x16xf32, #tpu.memory_space<vmem>>
    %dma_wait3A_91 = arith.constant 0 : i32
    %dma_wait3A_92 = tpu.memref_slice %arg7[%dma_wait3A_86, %dma_wait3A_91] : memref<80x125xi32, #tpu.memory_space<vmem>> -> memref<1x125xi32, #tpu.memory_space<vmem>>
    %dma_wait3A_93 = tpu.memref_squeeze %dma_wait3A_92 : memref<1x125xi32, #tpu.memory_space<vmem>> -> memref<125xi32, #tpu.memory_space<vmem>>
    %dma_wait3A_94 = arith.constant 0 : i32
    %dma_wait3A_95 = arith.constant 0 : i32
    %dma_wait3A_96 = tpu.memref_slice %arg11[%dma_wait3A_94, %dma_wait3A_95] : memref<10000x16xf32, #tpu.memory_space<vmem_shared>> -> memref<10000x16xf32, #tpu.memory_space<vmem_shared>>
    tpu.wait_indirect_dma semaphore(%arg13 : memref<!tpu.dma_semaphore, #tpu.memory_space<semaphore_mem>>) src(%dma_wait3A_90 : memref<125x16xf32, #tpu.memory_space<vmem>>) dst(%dma_wait3A_96 : memref<10000x16xf32, #tpu.memory_space<vmem_shared>>)
    %dma_wait3A_97 = arith.constant 3 : i32
    %dma_wait3A_98 = arith.constant 0 : i32
    %dma_wait3A_99 = arith.constant 0 : i32
    %dma_wait3A_100 = arith.constant 0 : i32
    %dma_wait3A_101 = tpu.memref_slice %arg8[%dma_wait3A_97, %dma_wait3A_99, %dma_wait3A_100] : memref<20x125x16xf32, #tpu.memory_space<vmem>> -> memref<1x125x16xf32, #tpu.memory_space<vmem>>
    %dma_wait3A_102 = tpu.memref_squeeze %dma_wait3A_101 : memref<1x125x16xf32, #tpu.memory_space<vmem>> -> memref<125x16xf32, #tpu.memory_space<vmem>>
    %dma_wait3A_103 = arith.constant 0 : i32
    %dma_wait3A_104 = tpu.memref_slice %arg7[%dma_wait3A_98, %dma_wait3A_103] : memref<80x125xi32, #tpu.memory_space<vmem>> -> memref<1x125xi32, #tpu.memory_space<vmem>>
    %dma_wait3A_105 = tpu.memref_squeeze %dma_wait3A_104 : memref<1x125xi32, #tpu.memory_space<vmem>> -> memref<125xi32, #tpu.memory_space<vmem>>
    %dma_wait3A_106 = arith.constant 0 : i32
    %dma_wait3A_107 = arith.constant 0 : i32
    %dma_wait3A_108 = tpu.memref_slice %arg11[%dma_wait3A_106, %dma_wait3A_107] : memref<10000x16xf32, #tpu.memory_space<vmem_shared>> -> memref<10000x16xf32, #tpu.memory_space<vmem_shared>>
    tpu.wait_indirect_dma semaphore(%arg13 : memref<!tpu.dma_semaphore, #tpu.memory_space<semaphore_mem>>) src(%dma_wait3A_102 : memref<125x16xf32, #tpu.memory_space<vmem>>) dst(%dma_wait3A_108 : memref<10000x16xf32, #tpu.memory_space<vmem_shared>>)
    %dma_wait3A_109 = arith.constant 4 : i32
    %dma_wait3A_110 = arith.constant 0 : i32
    %dma_wait3A_111 = arith.constant 0 : i32
    %dma_wait3A_112 = arith.constant 0 : i32
    %dma_wait3A_113 = tpu.memref_slice %arg8[%dma_wait3A_109, %dma_wait3A_111, %dma_wait3A_112] : memref<20x125x16xf32, #tpu.memory_space<vmem>> -> memref<1x125x16xf32, #tpu.memory_space<vmem>>
    %dma_wait3A_114 = tpu.memref_squeeze %dma_wait3A_113 : memref<1x125x16xf32, #tpu.memory_space<vmem>> -> memref<125x16xf32, #tpu.memory_space<vmem>>
    %dma_wait3A_115 = arith.constant 0 : i32
    %dma_wait3A_116 = tpu.memref_slice %arg7[%dma_wait3A_110, %dma_wait3A_115] : memref<80x125xi32, #tpu.memory_space<vmem>> -> memref<1x125xi32, #tpu.memory_space<vmem>>
    %dma_wait3A_117 = tpu.memref_squeeze %dma_wait3A_116 : memref<1x125xi32, #tpu.memory_space<vmem>> -> memref<125xi32, #tpu.memory_space<vmem>>
    %dma_wait3A_118 = arith.constant 0 : i32
    %dma_wait3A_119 = arith.constant 0 : i32
    %dma_wait3A_120 = tpu.memref_slice %arg11[%dma_wait3A_118, %dma_wait3A_119] : memref<10000x16xf32, #tpu.memory_space<vmem_shared>> -> memref<10000x16xf32, #tpu.memory_space<vmem_shared>>
    tpu.wait_indirect_dma semaphore(%arg13 : memref<!tpu.dma_semaphore, #tpu.memory_space<semaphore_mem>>) src(%dma_wait3A_114 : memref<125x16xf32, #tpu.memory_space<vmem>>) dst(%dma_wait3A_120 : memref<10000x16xf32, #tpu.memory_space<vmem_shared>>)
    %dma_wait3A_121 = arith.constant 5 : i32
    %dma_wait3A_122 = arith.constant 0 : i32
    %dma_wait3A_123 = arith.constant 0 : i32
    %dma_wait3A_124 = arith.constant 0 : i32
    %dma_wait3A_125 = tpu.memref_slice %arg8[%dma_wait3A_121, %dma_wait3A_123, %dma_wait3A_124] : memref<20x125x16xf32, #tpu.memory_space<vmem>> -> memref<1x125x16xf32, #tpu.memory_space<vmem>>
    %dma_wait3A_126 = tpu.memref_squeeze %dma_wait3A_125 : memref<1x125x16xf32, #tpu.memory_space<vmem>> -> memref<125x16xf32, #tpu.memory_space<vmem>>
    %dma_wait3A_127 = arith.constant 0 : i32
    %dma_wait3A_128 = tpu.memref_slice %arg7[%dma_wait3A_122, %dma_wait3A_127] : memref<80x125xi32, #tpu.memory_space<vmem>> -> memref<1x125xi32, #tpu.memory_space<vmem>>
    %dma_wait3A_129 = tpu.memref_squeeze %dma_wait3A_128 : memref<1x125xi32, #tpu.memory_space<vmem>> -> memref<125xi32, #tpu.memory_space<vmem>>
    %dma_wait3A_130 = arith.constant 0 : i32
    %dma_wait3A_131 = arith.constant 0 : i32
    %dma_wait3A_132 = tpu.memref_slice %arg11[%dma_wait3A_130, %dma_wait3A_131] : memref<10000x16xf32, #tpu.memory_space<vmem_shared>> -> memref<10000x16xf32, #tpu.memory_space<vmem_shared>>
    tpu.wait_indirect_dma semaphore(%arg13 : memref<!tpu.dma_semaphore, #tpu.memory_space<semaphore_mem>>) src(%dma_wait3A_126 : memref<125x16xf32, #tpu.memory_space<vmem>>) dst(%dma_wait3A_132 : memref<10000x16xf32, #tpu.memory_space<vmem_shared>>)
    %dma_wait3A_133 = arith.constant 6 : i32
    %dma_wait3A_134 = arith.constant 0 : i32
    %dma_wait3A_135 = arith.constant 0 : i32
    %dma_wait3A_136 = arith.constant 0 : i32
    %dma_wait3A_137 = tpu.memref_slice %arg8[%dma_wait3A_133, %dma_wait3A_135, %dma_wait3A_136] : memref<20x125x16xf32, #tpu.memory_space<vmem>> -> memref<1x125x16xf32, #tpu.memory_space<vmem>>
    %dma_wait3A_138 = tpu.memref_squeeze %dma_wait3A_137 : memref<1x125x16xf32, #tpu.memory_space<vmem>> -> memref<125x16xf32, #tpu.memory_space<vmem>>
    %dma_wait3A_139 = arith.constant 0 : i32
    %dma_wait3A_140 = tpu.memref_slice %arg7[%dma_wait3A_134, %dma_wait3A_139] : memref<80x125xi32, #tpu.memory_space<vmem>> -> memref<1x125xi32, #tpu.memory_space<vmem>>
    %dma_wait3A_141 = tpu.memref_squeeze %dma_wait3A_140 : memref<1x125xi32, #tpu.memory_space<vmem>> -> memref<125xi32, #tpu.memory_space<vmem>>
    %dma_wait3A_142 = arith.constant 0 : i32
    %dma_wait3A_143 = arith.constant 0 : i32
    %dma_wait3A_144 = tpu.memref_slice %arg11[%dma_wait3A_142, %dma_wait3A_143] : memref<10000x16xf32, #tpu.memory_space<vmem_shared>> -> memref<10000x16xf32, #tpu.memory_space<vmem_shared>>
    tpu.wait_indirect_dma semaphore(%arg13 : memref<!tpu.dma_semaphore, #tpu.memory_space<semaphore_mem>>) src(%dma_wait3A_138 : memref<125x16xf32, #tpu.memory_space<vmem>>) dst(%dma_wait3A_144 : memref<10000x16xf32, #tpu.memory_space<vmem_shared>>)
    %dma_wait3A_145 = arith.constant 7 : i32
    %dma_wait3A_146 = arith.constant 0 : i32
    %dma_wait3A_147 = arith.constant 0 : i32
    %dma_wait3A_148 = arith.constant 0 : i32
    %dma_wait3A_149 = tpu.memref_slice %arg8[%dma_wait3A_145, %dma_wait3A_147, %dma_wait3A_148] : memref<20x125x16xf32, #tpu.memory_space<vmem>> -> memref<1x125x16xf32, #tpu.memory_space<vmem>>
    %dma_wait3A_150 = tpu.memref_squeeze %dma_wait3A_149 : memref<1x125x16xf32, #tpu.memory_space<vmem>> -> memref<125x16xf32, #tpu.memory_space<vmem>>
    %dma_wait3A_151 = arith.constant 0 : i32
    %dma_wait3A_152 = tpu.memref_slice %arg7[%dma_wait3A_146, %dma_wait3A_151] : memref<80x125xi32, #tpu.memory_space<vmem>> -> memref<1x125xi32, #tpu.memory_space<vmem>>
    %dma_wait3A_153 = tpu.memref_squeeze %dma_wait3A_152 : memref<1x125xi32, #tpu.memory_space<vmem>> -> memref<125xi32, #tpu.memory_space<vmem>>
    %dma_wait3A_154 = arith.constant 0 : i32
    %dma_wait3A_155 = arith.constant 0 : i32
    %dma_wait3A_156 = tpu.memref_slice %arg11[%dma_wait3A_154, %dma_wait3A_155] : memref<10000x16xf32, #tpu.memory_space<vmem_shared>> -> memref<10000x16xf32, #tpu.memory_space<vmem_shared>>
    tpu.wait_indirect_dma semaphore(%arg13 : memref<!tpu.dma_semaphore, #tpu.memory_space<semaphore_mem>>) src(%dma_wait3A_150 : memref<125x16xf32, #tpu.memory_space<vmem>>) dst(%dma_wait3A_156 : memref<10000x16xf32, #tpu.memory_space<vmem_shared>>)
    %dma_wait3A_157 = arith.constant 8 : i32
    %dma_wait3A_158 = arith.constant 0 : i32
    %dma_wait3A_159 = arith.constant 0 : i32
    %dma_wait3A_160 = arith.constant 0 : i32
    %dma_wait3A_161 = tpu.memref_slice %arg8[%dma_wait3A_157, %dma_wait3A_159, %dma_wait3A_160] : memref<20x125x16xf32, #tpu.memory_space<vmem>> -> memref<1x125x16xf32, #tpu.memory_space<vmem>>
    %dma_wait3A_162 = tpu.memref_squeeze %dma_wait3A_161 : memref<1x125x16xf32, #tpu.memory_space<vmem>> -> memref<125x16xf32, #tpu.memory_space<vmem>>
    %dma_wait3A_163 = arith.constant 0 : i32
    %dma_wait3A_164 = tpu.memref_slice %arg7[%dma_wait3A_158, %dma_wait3A_163] : memref<80x125xi32, #tpu.memory_space<vmem>> -> memref<1x125xi32, #tpu.memory_space<vmem>>
    %dma_wait3A_165 = tpu.memref_squeeze %dma_wait3A_164 : memref<1x125xi32, #tpu.memory_space<vmem>> -> memref<125xi32, #tpu.memory_space<vmem>>
    %dma_wait3A_166 = arith.constant 0 : i32
    %dma_wait3A_167 = arith.constant 0 : i32
    %dma_wait3A_168 = tpu.memref_slice %arg11[%dma_wait3A_166, %dma_wait3A_167] : memref<10000x16xf32, #tpu.memory_space<vmem_shared>> -> memref<10000x16xf32, #tpu.memory_space<vmem_shared>>
    tpu.wait_indirect_dma semaphore(%arg13 : memref<!tpu.dma_semaphore, #tpu.memory_space<semaphore_mem>>) src(%dma_wait3A_162 : memref<125x16xf32, #tpu.memory_space<vmem>>) dst(%dma_wait3A_168 : memref<10000x16xf32, #tpu.memory_space<vmem_shared>>)
    %dma_wait3A_169 = arith.constant 9 : i32
    %dma_wait3A_170 = arith.constant 0 : i32
    %dma_wait3A_171 = arith.constant 0 : i32
    %dma_wait3A_172 = arith.constant 0 : i32
    %dma_wait3A_173 = tpu.memref_slice %arg8[%dma_wait3A_169, %dma_wait3A_171, %dma_wait3A_172] : memref<20x125x16xf32, #tpu.memory_space<vmem>> -> memref<1x125x16xf32, #tpu.memory_space<vmem>>
    %dma_wait3A_174 = tpu.memref_squeeze %dma_wait3A_173 : memref<1x125x16xf32, #tpu.memory_space<vmem>> -> memref<125x16xf32, #tpu.memory_space<vmem>>
    %dma_wait3A_175 = arith.constant 0 : i32
    %dma_wait3A_176 = tpu.memref_slice %arg7[%dma_wait3A_170, %dma_wait3A_175] : memref<80x125xi32, #tpu.memory_space<vmem>> -> memref<1x125xi32, #tpu.memory_space<vmem>>
    %dma_wait3A_177 = tpu.memref_squeeze %dma_wait3A_176 : memref<1x125xi32, #tpu.memory_space<vmem>> -> memref<125xi32, #tpu.memory_space<vmem>>
    %dma_wait3A_178 = arith.constant 0 : i32
    %dma_wait3A_179 = arith.constant 0 : i32
    %dma_wait3A_180 = tpu.memref_slice %arg11[%dma_wait3A_178, %dma_wait3A_179] : memref<10000x16xf32, #tpu.memory_space<vmem_shared>> -> memref<10000x16xf32, #tpu.memory_space<vmem_shared>>
    tpu.wait_indirect_dma semaphore(%arg13 : memref<!tpu.dma_semaphore, #tpu.memory_space<semaphore_mem>>) src(%dma_wait3A_174 : memref<125x16xf32, #tpu.memory_space<vmem>>) dst(%dma_wait3A_180 : memref<10000x16xf32, #tpu.memory_space<vmem_shared>>)
    %dma_wait3A_181 = arith.constant 10 : i32
    %dma_wait3A_182 = arith.constant 0 : i32
    %dma_wait3A_183 = arith.constant 0 : i32
    %dma_wait3A_184 = arith.constant 0 : i32
    %dma_wait3A_185 = tpu.memref_slice %arg8[%dma_wait3A_181, %dma_wait3A_183, %dma_wait3A_184] : memref<20x125x16xf32, #tpu.memory_space<vmem>> -> memref<1x125x16xf32, #tpu.memory_space<vmem>>
    %dma_wait3A_186 = tpu.memref_squeeze %dma_wait3A_185 : memref<1x125x16xf32, #tpu.memory_space<vmem>> -> memref<125x16xf32, #tpu.memory_space<vmem>>
    %dma_wait3A_187 = arith.constant 0 : i32
    %dma_wait3A_188 = tpu.memref_slice %arg7[%dma_wait3A_182, %dma_wait3A_187] : memref<80x125xi32, #tpu.memory_space<vmem>> -> memref<1x125xi32, #tpu.memory_space<vmem>>
    %dma_wait3A_189 = tpu.memref_squeeze %dma_wait3A_188 : memref<1x125xi32, #tpu.memory_space<vmem>> -> memref<125xi32, #tpu.memory_space<vmem>>
    %dma_wait3A_190 = arith.constant 0 : i32
    %dma_wait3A_191 = arith.constant 0 : i32
    %dma_wait3A_192 = tpu.memref_slice %arg11[%dma_wait3A_190, %dma_wait3A_191] : memref<10000x16xf32, #tpu.memory_space<vmem_shared>> -> memref<10000x16xf32, #tpu.memory_space<vmem_shared>>
    tpu.wait_indirect_dma semaphore(%arg13 : memref<!tpu.dma_semaphore, #tpu.memory_space<semaphore_mem>>) src(%dma_wait3A_186 : memref<125x16xf32, #tpu.memory_space<vmem>>) dst(%dma_wait3A_192 : memref<10000x16xf32, #tpu.memory_space<vmem_shared>>)
    %dma_wait3A_193 = arith.constant 11 : i32
    %dma_wait3A_194 = arith.constant 0 : i32
    %dma_wait3A_195 = arith.constant 0 : i32
    %dma_wait3A_196 = arith.constant 0 : i32
    %dma_wait3A_197 = tpu.memref_slice %arg8[%dma_wait3A_193, %dma_wait3A_195, %dma_wait3A_196] : memref<20x125x16xf32, #tpu.memory_space<vmem>> -> memref<1x125x16xf32, #tpu.memory_space<vmem>>
    %dma_wait3A_198 = tpu.memref_squeeze %dma_wait3A_197 : memref<1x125x16xf32, #tpu.memory_space<vmem>> -> memref<125x16xf32, #tpu.memory_space<vmem>>
    %dma_wait3A_199 = arith.constant 0 : i32
    %dma_wait3A_200 = tpu.memref_slice %arg7[%dma_wait3A_194, %dma_wait3A_199] : memref<80x125xi32, #tpu.memory_space<vmem>> -> memref<1x125xi32, #tpu.memory_space<vmem>>
    %dma_wait3A_201 = tpu.memref_squeeze %dma_wait3A_200 : memref<1x125xi32, #tpu.memory_space<vmem>> -> memref<125xi32, #tpu.memory_space<vmem>>
    %dma_wait3A_202 = arith.constant 0 : i32
    %dma_wait3A_203 = arith.constant 0 : i32
    %dma_wait3A_204 = tpu.memref_slice %arg11[%dma_wait3A_202, %dma_wait3A_203] : memref<10000x16xf32, #tpu.memory_space<vmem_shared>> -> memref<10000x16xf32, #tpu.memory_space<vmem_shared>>
    tpu.wait_indirect_dma semaphore(%arg13 : memref<!tpu.dma_semaphore, #tpu.memory_space<semaphore_mem>>) src(%dma_wait3A_198 : memref<125x16xf32, #tpu.memory_space<vmem>>) dst(%dma_wait3A_204 : memref<10000x16xf32, #tpu.memory_space<vmem_shared>>)
    %dma_wait3A_205 = arith.constant 12 : i32
    %dma_wait3A_206 = arith.constant 0 : i32
    %dma_wait3A_207 = arith.constant 0 : i32
    %dma_wait3A_208 = arith.constant 0 : i32
    %dma_wait3A_209 = tpu.memref_slice %arg8[%dma_wait3A_205, %dma_wait3A_207, %dma_wait3A_208] : memref<20x125x16xf32, #tpu.memory_space<vmem>> -> memref<1x125x16xf32, #tpu.memory_space<vmem>>
    %dma_wait3A_210 = tpu.memref_squeeze %dma_wait3A_209 : memref<1x125x16xf32, #tpu.memory_space<vmem>> -> memref<125x16xf32, #tpu.memory_space<vmem>>
    %dma_wait3A_211 = arith.constant 0 : i32
    %dma_wait3A_212 = tpu.memref_slice %arg7[%dma_wait3A_206, %dma_wait3A_211] : memref<80x125xi32, #tpu.memory_space<vmem>> -> memref<1x125xi32, #tpu.memory_space<vmem>>
    %dma_wait3A_213 = tpu.memref_squeeze %dma_wait3A_212 : memref<1x125xi32, #tpu.memory_space<vmem>> -> memref<125xi32, #tpu.memory_space<vmem>>
    %dma_wait3A_214 = arith.constant 0 : i32
    %dma_wait3A_215 = arith.constant 0 : i32
    %dma_wait3A_216 = tpu.memref_slice %arg11[%dma_wait3A_214, %dma_wait3A_215] : memref<10000x16xf32, #tpu.memory_space<vmem_shared>> -> memref<10000x16xf32, #tpu.memory_space<vmem_shared>>
    tpu.wait_indirect_dma semaphore(%arg13 : memref<!tpu.dma_semaphore, #tpu.memory_space<semaphore_mem>>) src(%dma_wait3A_210 : memref<125x16xf32, #tpu.memory_space<vmem>>) dst(%dma_wait3A_216 : memref<10000x16xf32, #tpu.memory_space<vmem_shared>>)
    %dma_wait3A_217 = arith.constant 13 : i32
    %dma_wait3A_218 = arith.constant 0 : i32
    %dma_wait3A_219 = arith.constant 0 : i32
    %dma_wait3A_220 = arith.constant 0 : i32
    %dma_wait3A_221 = tpu.memref_slice %arg8[%dma_wait3A_217, %dma_wait3A_219, %dma_wait3A_220] : memref<20x125x16xf32, #tpu.memory_space<vmem>> -> memref<1x125x16xf32, #tpu.memory_space<vmem>>
    %dma_wait3A_222 = tpu.memref_squeeze %dma_wait3A_221 : memref<1x125x16xf32, #tpu.memory_space<vmem>> -> memref<125x16xf32, #tpu.memory_space<vmem>>
    %dma_wait3A_223 = arith.constant 0 : i32
    %dma_wait3A_224 = tpu.memref_slice %arg7[%dma_wait3A_218, %dma_wait3A_223] : memref<80x125xi32, #tpu.memory_space<vmem>> -> memref<1x125xi32, #tpu.memory_space<vmem>>
    %dma_wait3A_225 = tpu.memref_squeeze %dma_wait3A_224 : memref<1x125xi32, #tpu.memory_space<vmem>> -> memref<125xi32, #tpu.memory_space<vmem>>
    %dma_wait3A_226 = arith.constant 0 : i32
    %dma_wait3A_227 = arith.constant 0 : i32
    %dma_wait3A_228 = tpu.memref_slice %arg11[%dma_wait3A_226, %dma_wait3A_227] : memref<10000x16xf32, #tpu.memory_space<vmem_shared>> -> memref<10000x16xf32, #tpu.memory_space<vmem_shared>>
    tpu.wait_indirect_dma semaphore(%arg13 : memref<!tpu.dma_semaphore, #tpu.memory_space<semaphore_mem>>) src(%dma_wait3A_222 : memref<125x16xf32, #tpu.memory_space<vmem>>) dst(%dma_wait3A_228 : memref<10000x16xf32, #tpu.memory_space<vmem_shared>>)
    %dma_wait3A_229 = arith.constant 14 : i32
    %dma_wait3A_230 = arith.constant 0 : i32
    %dma_wait3A_231 = arith.constant 0 : i32
    %dma_wait3A_232 = arith.constant 0 : i32
    %dma_wait3A_233 = tpu.memref_slice %arg8[%dma_wait3A_229, %dma_wait3A_231, %dma_wait3A_232] : memref<20x125x16xf32, #tpu.memory_space<vmem>> -> memref<1x125x16xf32, #tpu.memory_space<vmem>>
    %dma_wait3A_234 = tpu.memref_squeeze %dma_wait3A_233 : memref<1x125x16xf32, #tpu.memory_space<vmem>> -> memref<125x16xf32, #tpu.memory_space<vmem>>
    %dma_wait3A_235 = arith.constant 0 : i32
    %dma_wait3A_236 = tpu.memref_slice %arg7[%dma_wait3A_230, %dma_wait3A_235] : memref<80x125xi32, #tpu.memory_space<vmem>> -> memref<1x125xi32, #tpu.memory_space<vmem>>
    %dma_wait3A_237 = tpu.memref_squeeze %dma_wait3A_236 : memref<1x125xi32, #tpu.memory_space<vmem>> -> memref<125xi32, #tpu.memory_space<vmem>>
    %dma_wait3A_238 = arith.constant 0 : i32
    %dma_wait3A_239 = arith.constant 0 : i32
    %dma_wait3A_240 = tpu.memref_slice %arg11[%dma_wait3A_238, %dma_wait3A_239] : memref<10000x16xf32, #tpu.memory_space<vmem_shared>> -> memref<10000x16xf32, #tpu.memory_space<vmem_shared>>
    tpu.wait_indirect_dma semaphore(%arg13 : memref<!tpu.dma_semaphore, #tpu.memory_space<semaphore_mem>>) src(%dma_wait3A_234 : memref<125x16xf32, #tpu.memory_space<vmem>>) dst(%dma_wait3A_240 : memref<10000x16xf32, #tpu.memory_space<vmem_shared>>)
    %dma_wait3A_241 = arith.constant 15 : i32
    %dma_wait3A_242 = arith.constant 0 : i32
    %dma_wait3A_243 = arith.constant 0 : i32
    %dma_wait3A_244 = arith.constant 0 : i32
    %dma_wait3A_245 = tpu.memref_slice %arg8[%dma_wait3A_241, %dma_wait3A_243, %dma_wait3A_244] : memref<20x125x16xf32, #tpu.memory_space<vmem>> -> memref<1x125x16xf32, #tpu.memory_space<vmem>>
    %dma_wait3A_246 = tpu.memref_squeeze %dma_wait3A_245 : memref<1x125x16xf32, #tpu.memory_space<vmem>> -> memref<125x16xf32, #tpu.memory_space<vmem>>
    %dma_wait3A_247 = arith.constant 0 : i32
    %dma_wait3A_248 = tpu.memref_slice %arg7[%dma_wait3A_242, %dma_wait3A_247] : memref<80x125xi32, #tpu.memory_space<vmem>> -> memref<1x125xi32, #tpu.memory_space<vmem>>
    %dma_wait3A_249 = tpu.memref_squeeze %dma_wait3A_248 : memref<1x125xi32, #tpu.memory_space<vmem>> -> memref<125xi32, #tpu.memory_space<vmem>>
    %dma_wait3A_250 = arith.constant 0 : i32
    %dma_wait3A_251 = arith.constant 0 : i32
    %dma_wait3A_252 = tpu.memref_slice %arg11[%dma_wait3A_250, %dma_wait3A_251] : memref<10000x16xf32, #tpu.memory_space<vmem_shared>> -> memref<10000x16xf32, #tpu.memory_space<vmem_shared>>
    tpu.wait_indirect_dma semaphore(%arg13 : memref<!tpu.dma_semaphore, #tpu.memory_space<semaphore_mem>>) src(%dma_wait3A_246 : memref<125x16xf32, #tpu.memory_space<vmem>>) dst(%dma_wait3A_252 : memref<10000x16xf32, #tpu.memory_space<vmem_shared>>)
    %dma_wait3A_253 = arith.constant 16 : i32
    %dma_wait3A_254 = arith.constant 0 : i32
    %dma_wait3A_255 = arith.constant 0 : i32
    %dma_wait3A_256 = arith.constant 0 : i32
    %dma_wait3A_257 = tpu.memref_slice %arg8[%dma_wait3A_253, %dma_wait3A_255, %dma_wait3A_256] : memref<20x125x16xf32, #tpu.memory_space<vmem>> -> memref<1x125x16xf32, #tpu.memory_space<vmem>>
    %dma_wait3A_258 = tpu.memref_squeeze %dma_wait3A_257 : memref<1x125x16xf32, #tpu.memory_space<vmem>> -> memref<125x16xf32, #tpu.memory_space<vmem>>
    %dma_wait3A_259 = arith.constant 0 : i32
    %dma_wait3A_260 = tpu.memref_slice %arg7[%dma_wait3A_254, %dma_wait3A_259] : memref<80x125xi32, #tpu.memory_space<vmem>> -> memref<1x125xi32, #tpu.memory_space<vmem>>
    %dma_wait3A_261 = tpu.memref_squeeze %dma_wait3A_260 : memref<1x125xi32, #tpu.memory_space<vmem>> -> memref<125xi32, #tpu.memory_space<vmem>>
    %dma_wait3A_262 = arith.constant 0 : i32
    %dma_wait3A_263 = arith.constant 0 : i32
    %dma_wait3A_264 = tpu.memref_slice %arg11[%dma_wait3A_262, %dma_wait3A_263] : memref<10000x16xf32, #tpu.memory_space<vmem_shared>> -> memref<10000x16xf32, #tpu.memory_space<vmem_shared>>
    tpu.wait_indirect_dma semaphore(%arg13 : memref<!tpu.dma_semaphore, #tpu.memory_space<semaphore_mem>>) src(%dma_wait3A_258 : memref<125x16xf32, #tpu.memory_space<vmem>>) dst(%dma_wait3A_264 : memref<10000x16xf32, #tpu.memory_space<vmem_shared>>)
    %dma_wait3A_265 = arith.constant 17 : i32
    %dma_wait3A_266 = arith.constant 0 : i32
    %dma_wait3A_267 = arith.constant 0 : i32
    %dma_wait3A_268 = arith.constant 0 : i32
    %dma_wait3A_269 = tpu.memref_slice %arg8[%dma_wait3A_265, %dma_wait3A_267, %dma_wait3A_268] : memref<20x125x16xf32, #tpu.memory_space<vmem>> -> memref<1x125x16xf32, #tpu.memory_space<vmem>>
    %dma_wait3A_270 = tpu.memref_squeeze %dma_wait3A_269 : memref<1x125x16xf32, #tpu.memory_space<vmem>> -> memref<125x16xf32, #tpu.memory_space<vmem>>
    %dma_wait3A_271 = arith.constant 0 : i32
    %dma_wait3A_272 = tpu.memref_slice %arg7[%dma_wait3A_266, %dma_wait3A_271] : memref<80x125xi32, #tpu.memory_space<vmem>> -> memref<1x125xi32, #tpu.memory_space<vmem>>
    %dma_wait3A_273 = tpu.memref_squeeze %dma_wait3A_272 : memref<1x125xi32, #tpu.memory_space<vmem>> -> memref<125xi32, #tpu.memory_space<vmem>>
    %dma_wait3A_274 = arith.constant 0 : i32
    %dma_wait3A_275 = arith.constant 0 : i32
    %dma_wait3A_276 = tpu.memref_slice %arg11[%dma_wait3A_274, %dma_wait3A_275] : memref<10000x16xf32, #tpu.memory_space<vmem_shared>> -> memref<10000x16xf32, #tpu.memory_space<vmem_shared>>
    tpu.wait_indirect_dma semaphore(%arg13 : memref<!tpu.dma_semaphore, #tpu.memory_space<semaphore_mem>>) src(%dma_wait3A_270 : memref<125x16xf32, #tpu.memory_space<vmem>>) dst(%dma_wait3A_276 : memref<10000x16xf32, #tpu.memory_space<vmem_shared>>)
    %dma_wait3A_277 = arith.constant 18 : i32
    %dma_wait3A_278 = arith.constant 0 : i32
    %dma_wait3A_279 = arith.constant 0 : i32
    %dma_wait3A_280 = arith.constant 0 : i32
    %dma_wait3A_281 = tpu.memref_slice %arg8[%dma_wait3A_277, %dma_wait3A_279, %dma_wait3A_280] : memref<20x125x16xf32, #tpu.memory_space<vmem>> -> memref<1x125x16xf32, #tpu.memory_space<vmem>>
    %dma_wait3A_282 = tpu.memref_squeeze %dma_wait3A_281 : memref<1x125x16xf32, #tpu.memory_space<vmem>> -> memref<125x16xf32, #tpu.memory_space<vmem>>
    %dma_wait3A_283 = arith.constant 0 : i32
    %dma_wait3A_284 = tpu.memref_slice %arg7[%dma_wait3A_278, %dma_wait3A_283] : memref<80x125xi32, #tpu.memory_space<vmem>> -> memref<1x125xi32, #tpu.memory_space<vmem>>
    %dma_wait3A_285 = tpu.memref_squeeze %dma_wait3A_284 : memref<1x125xi32, #tpu.memory_space<vmem>> -> memref<125xi32, #tpu.memory_space<vmem>>
    %dma_wait3A_286 = arith.constant 0 : i32
    %dma_wait3A_287 = arith.constant 0 : i32
    %dma_wait3A_288 = tpu.memref_slice %arg11[%dma_wait3A_286, %dma_wait3A_287] : memref<10000x16xf32, #tpu.memory_space<vmem_shared>> -> memref<10000x16xf32, #tpu.memory_space<vmem_shared>>
    tpu.wait_indirect_dma semaphore(%arg13 : memref<!tpu.dma_semaphore, #tpu.memory_space<semaphore_mem>>) src(%dma_wait3A_282 : memref<125x16xf32, #tpu.memory_space<vmem>>) dst(%dma_wait3A_288 : memref<10000x16xf32, #tpu.memory_space<vmem_shared>>)
    %dma_wait3A_289 = arith.constant 19 : i32
    %dma_wait3A_290 = arith.constant 0 : i32
    %dma_wait3A_291 = arith.constant 0 : i32
    %dma_wait3A_292 = arith.constant 0 : i32
    %dma_wait3A_293 = tpu.memref_slice %arg8[%dma_wait3A_289, %dma_wait3A_291, %dma_wait3A_292] : memref<20x125x16xf32, #tpu.memory_space<vmem>> -> memref<1x125x16xf32, #tpu.memory_space<vmem>>
    %dma_wait3A_294 = tpu.memref_squeeze %dma_wait3A_293 : memref<1x125x16xf32, #tpu.memory_space<vmem>> -> memref<125x16xf32, #tpu.memory_space<vmem>>
    %dma_wait3A_295 = arith.constant 0 : i32
    %dma_wait3A_296 = tpu.memref_slice %arg7[%dma_wait3A_290, %dma_wait3A_295] : memref<80x125xi32, #tpu.memory_space<vmem>> -> memref<1x125xi32, #tpu.memory_space<vmem>>
    %dma_wait3A_297 = tpu.memref_squeeze %dma_wait3A_296 : memref<1x125xi32, #tpu.memory_space<vmem>> -> memref<125xi32, #tpu.memory_space<vmem>>
    %dma_wait3A_298 = arith.constant 0 : i32
    %dma_wait3A_299 = arith.constant 0 : i32
    %dma_wait3A_300 = tpu.memref_slice %arg11[%dma_wait3A_298, %dma_wait3A_299] : memref<10000x16xf32, #tpu.memory_space<vmem_shared>> -> memref<10000x16xf32, #tpu.memory_space<vmem_shared>>
    tpu.wait_indirect_dma semaphore(%arg13 : memref<!tpu.dma_semaphore, #tpu.memory_space<semaphore_mem>>) src(%dma_wait3A_294 : memref<125x16xf32, #tpu.memory_space<vmem>>) dst(%dma_wait3A_300 : memref<10000x16xf32, #tpu.memory_space<vmem_shared>>)
    %barrier3A_301 = arith.constant 0 : index
    tpu.barrier barrier_id(%barrier3A_301)
    "tpu.region"() ({
      %run_scoped3A = tpu.sem_alloc : memref<!tpu.dma_semaphore, #tpu.memory_space<semaphore_mem>>
      %dma_start3A_302 = arith.constant 0 : i32
      %dma_start3A_303 = tpu.memref_slice %arg5[%arg0, %mul3A_2, %dma_start3A_302] : memref<2x10000x16xf32, #tpu.memory_space<hbm>> -> memref<1x625x16xf32, #tpu.memory_space<hbm>>
      %dma_start3A_304 = tpu.memref_squeeze %dma_start3A_303 : memref<1x625x16xf32, #tpu.memory_space<hbm>> -> memref<625x16xf32, #tpu.memory_space<hbm>>
      %dma_start3A_305 = arith.constant 0 : i32
      %dma_start3A_306 = tpu.memref_slice %arg11[%mul3A_2, %dma_start3A_305] : memref<10000x16xf32, #tpu.memory_space<vmem_shared>> -> memref<625x16xf32, #tpu.memory_space<vmem_shared>>
      tpu.enqueue_dma source(%dma_start3A_306 : memref<625x16xf32, #tpu.memory_space<vmem_shared>>) target(%dma_start3A_304 : memref<625x16xf32, #tpu.memory_space<hbm>>) target_semaphore(%run_scoped3A : memref<!tpu.dma_semaphore, #tpu.memory_space<semaphore_mem>>)
      %dma_wait3A_307 = arith.constant 0 : i32
      %dma_wait3A_308 = tpu.memref_slice %arg5[%arg0, %mul3A_2, %dma_wait3A_307] : memref<2x10000x16xf32, #tpu.memory_space<hbm>> -> memref<1x625x16xf32, #tpu.memory_space<hbm>>
      %dma_wait3A_309 = tpu.memref_squeeze %dma_wait3A_308 : memref<1x625x16xf32, #tpu.memory_space<hbm>> -> memref<625x16xf32, #tpu.memory_space<hbm>>
      %dma_wait3A_310 = arith.constant 0 : i32
      %dma_wait3A_311 = tpu.memref_slice %arg11[%mul3A_2, %dma_wait3A_310] : memref<10000x16xf32, #tpu.memory_space<vmem_shared>> -> memref<625x16xf32, #tpu.memory_space<vmem_shared>>
      tpu.wait_dma2 semaphore(%run_scoped3A : memref<!tpu.dma_semaphore, #tpu.memory_space<semaphore_mem>>) src(%dma_wait3A_311 : memref<625x16xf32, #tpu.memory_space<vmem_shared>>) dst(%dma_wait3A_309 : memref<625x16xf32, #tpu.memory_space<hbm>>)
      tpu.yield
    }) : () -> ()
    return
  }
}

#map = affine_map<(d0, d1) -> (0, 0)>
#map1 = affine_map<(d0, d1) -> (0, 0, 0)>
module attributes {stable_mosaic.version = 14 : i64} {
  func.func @kern(%arg0: i32, %arg1: i32, %arg2: memref<10000x16xf32, #tpu.memory_space<hbm>>, %arg3: memref<32x80x125xi32, #tpu.memory_space<hbm>>, %arg4: memref<32x80x125xi32, #tpu.memory_space<hbm>>, %arg5: memref<2x10000x16xf32, #tpu.memory_space<hbm>>, %arg6: memref<80x125xi32, #tpu.memory_space<vmem>>, %arg7: memref<80x125xi32, #tpu.memory_space<vmem>>, %arg8: memref<20x125x16xf32, #tpu.memory_space<vmem>>, %arg9: memref<125x16xf32, #tpu.memory_space<vmem>>, %arg10: memref<10000x16xf32, #tpu.memory_space<vmem_shared>>, %arg11: memref<10000x16xf32, #tpu.memory_space<vmem_shared>>, %arg12: memref<!tpu.dma_semaphore, #tpu.memory_space<semaphore_mem>>, %arg13: memref<!tpu.dma_semaphore, #tpu.memory_space<semaphore_mem>>, %arg14: memref<!tpu.dma_semaphore, #tpu.memory_space<semaphore_mem>>) attributes {dimension_semantics = [#tpu.dimension_semantics<core_parallel>, #tpu.dimension_semantics<subcore_parallel>], iteration_bounds = array<i64: 2, 16>, scalar_prefetch = 0 : i64, scratch_operands = 9 : i64, tpu.core_type = #tpu.core_type<sc_vector_subcore>, window_params = [{transform_indices = #map}, {transform_indices = #map1}, {transform_indices = #map1}, {transform_indices = #map1}]} {
    %mul3A = arith.constant 2 : i32
    %mul3A_0 = arith.muli %arg1, %mul3A : i32
    %add3A = arith.addi %mul3A_0, %arg0 : i32
    %mul3A_1 = arith.constant 625 : i32
    %mul3A_2 = arith.muli %arg1, %mul3A_1 : i32
    %dma_start3A = arith.constant 0 : i32
    %dma_start3A_3 = tpu.memref_slice %arg10[%mul3A_2, %dma_start3A] : memref<10000x16xf32, #tpu.memory_space<vmem_shared>> -> memref<625x16xf32, #tpu.memory_space<vmem_shared>>
    %dma_start3A_4 = arith.constant 0 : i32
    %dma_start3A_5 = tpu.memref_slice %arg2[%mul3A_2, %dma_start3A_4] : memref<10000x16xf32, #tpu.memory_space<hbm>> -> memref<625x16xf32, #tpu.memory_space<hbm>>
    tpu.enqueue_dma source(%dma_start3A_5 : memref<625x16xf32, #tpu.memory_space<hbm>>) target(%dma_start3A_3 : memref<625x16xf32, #tpu.memory_space<vmem_shared>>) target_semaphore(%arg14 : memref<!tpu.dma_semaphore, #tpu.memory_space<semaphore_mem>>)
    %dma_start3A_6 = arith.constant 0 : i32
    %dma_start3A_7 = arith.constant 0 : i32
    %dma_start3A_8 = tpu.memref_slice %arg3[%add3A, %dma_start3A_6, %dma_start3A_7] : memref<32x80x125xi32, #tpu.memory_space<hbm>> -> memref<1x80x125xi32, #tpu.memory_space<hbm>>
    %dma_start3A_9 = tpu.memref_squeeze %dma_start3A_8 : memref<1x80x125xi32, #tpu.memory_space<hbm>> -> memref<80x125xi32, #tpu.memory_space<hbm>>
    %dma_start3A_10 = arith.constant 0 : i32
    %dma_start3A_11 = arith.constant 0 : i32
    %dma_start3A_12 = tpu.memref_slice %arg3[%add3A, %dma_start3A_10, %dma_start3A_11] : memref<32x80x125xi32, #tpu.memory_space<hbm>> -> memref<1x80x125xi32, #tpu.memory_space<hbm>>
    %dma_start3A_13 = tpu.memref_squeeze %dma_start3A_12 : memref<1x80x125xi32, #tpu.memory_space<hbm>> -> memref<80x125xi32, #tpu.memory_space<hbm>>
    tpu.enqueue_dma source(%dma_start3A_13 : memref<80x125xi32, #tpu.memory_space<hbm>>) target(%arg6 : memref<80x125xi32, #tpu.memory_space<vmem>>) target_semaphore(%arg14 : memref<!tpu.dma_semaphore, #tpu.memory_space<semaphore_mem>>)
    %dma_start3A_14 = arith.constant 0 : i32
    %dma_start3A_15 = arith.constant 0 : i32
    %dma_start3A_16 = tpu.memref_slice %arg4[%add3A, %dma_start3A_14, %dma_start3A_15] : memref<32x80x125xi32, #tpu.memory_space<hbm>> -> memref<1x80x125xi32, #tpu.memory_space<hbm>>
    %dma_start3A_17 = tpu.memref_squeeze %dma_start3A_16 : memref<1x80x125xi32, #tpu.memory_space<hbm>> -> memref<80x125xi32, #tpu.memory_space<hbm>>
    %dma_start3A_18 = arith.constant 0 : i32
    %dma_start3A_19 = arith.constant 0 : i32
    %dma_start3A_20 = tpu.memref_slice %arg4[%add3A, %dma_start3A_18, %dma_start3A_19] : memref<32x80x125xi32, #tpu.memory_space<hbm>> -> memref<1x80x125xi32, #tpu.memory_space<hbm>>
    %dma_start3A_21 = tpu.memref_squeeze %dma_start3A_20 : memref<1x80x125xi32, #tpu.memory_space<hbm>> -> memref<80x125xi32, #tpu.memory_space<hbm>>
    tpu.enqueue_dma source(%dma_start3A_21 : memref<80x125xi32, #tpu.memory_space<hbm>>) target(%arg7 : memref<80x125xi32, #tpu.memory_space<vmem>>) target_semaphore(%arg14 : memref<!tpu.dma_semaphore, #tpu.memory_space<semaphore_mem>>)
    %scan3A = arith.constant 0 : i32
    %scan3A_22 = arith.constant 0 : i32
    %scan3A_23 = arith.constant 125 : i32
    %scan3A_24 = arith.addi %scan3A_22, %scan3A_23 : i32
    %scan3A_25 = arith.constant 1 : i32
    %scan3A_26 = scf.for %scan3A_302 = %scan3A_22 to %scan3A_24 step %scan3A_25 iter_args(%scan3A_303 = %scan3A) -> (i32)  : i32 {
      %broadcast_in_dim3A = arith.constant 0.000000e+00 : f32
      %broadcast_in_dim3A_304 = vector.broadcast %broadcast_in_dim3A : f32 to vector<16xf32>
      %swap3A = arith.index_cast %scan3A_302 : i32 to index
      %swap3A_305 = arith.constant 0 : index
      %swap3A_306 = tpu.vector_load %arg9[%swap3A, %swap3A_305] {strides = array<i32>} : memref<125x16xf32, #tpu.memory_space<vmem>>, vector<1x16xf32>,
      %swap3A_307 = vector.shape_cast %swap3A_306 : vector<1x16xf32> to vector<16xf32>
      %swap3A_308 = vector.shape_cast %broadcast_in_dim3A_304 : vector<16xf32> to vector<1x16xf32>
      tpu.vector_store %arg9[%swap3A, %swap3A_305], %swap3A_308 {strides = array<i32>} : memref<125x16xf32, #tpu.memory_space<vmem>>, vector<1x16xf32>,
      %scan3A_309 = arith.constant 0 : i32
      scf.yield %scan3A_309 : i32
    }
    %scan3A_27 = arith.constant 125 : i32
    %scan3A_28 = arith.constant 0 : i32
    %scan3A_29 = arith.constant 0 : i32
    %scan3A_30 = arith.constant 5 : i32
    %scan3A_31 = arith.addi %scan3A_29, %scan3A_30 : i32
    %scan3A_32 = arith.constant 1 : i32
    %scan3A_33 = scf.for %scan3A_302 = %scan3A_29 to %scan3A_31 step %scan3A_32 iter_args(%scan3A_303 = %scan3A_28) -> (i32)  : i32 {
      %mul3A_304 = arith.constant 125 : i32
      %mul3A_305 = arith.muli %scan3A_302, %mul3A_304 : i32
      %add3A_306 = arith.addi %mul3A_2, %mul3A_305 : i32
      "tpu.region"() ({
        %run_scoped3A = tpu.sem_alloc : memref<!tpu.dma_semaphore, #tpu.memory_space<semaphore_mem>>
        %dma_start3A_308 = arith.constant 0 : i32
        %dma_start3A_309 = tpu.memref_slice %arg11[%add3A_306, %dma_start3A_308] : memref<10000x16xf32, #tpu.memory_space<vmem_shared>> -> memref<125x16xf32, #tpu.memory_space<vmem_shared>>
        %dma_start3A_310 = arith.constant 0 : i32
        %dma_start3A_311 = tpu.memref_slice %arg11[%add3A_306, %dma_start3A_310] : memref<10000x16xf32, #tpu.memory_space<vmem_shared>> -> memref<125x16xf32, #tpu.memory_space<vmem_shared>>
        tpu.enqueue_dma source(%arg9 : memref<125x16xf32, #tpu.memory_space<vmem>>) target(%dma_start3A_311 : memref<125x16xf32, #tpu.memory_space<vmem_shared>>) target_semaphore(%run_scoped3A : memref<!tpu.dma_semaphore, #tpu.memory_space<semaphore_mem>>)
        %dma_wait3A_312 = arith.constant 0 : i32
        %dma_wait3A_313 = tpu.memref_slice %arg11[%add3A_306, %dma_wait3A_312] : memref<10000x16xf32, #tpu.memory_space<vmem_shared>> -> memref<125x16xf32, #tpu.memory_space<vmem_shared>>
        %dma_wait3A_314 = arith.constant 0 : i32
        %dma_wait3A_315 = tpu.memref_slice %arg11[%add3A_306, %dma_wait3A_314] : memref<10000x16xf32, #tpu.memory_space<vmem_shared>> -> memref<125x16xf32, #tpu.memory_space<vmem_shared>>
        tpu.wait_dma2 semaphore(%run_scoped3A : memref<!tpu.dma_semaphore, #tpu.memory_space<semaphore_mem>>) src(%arg9 : memref<125x16xf32, #tpu.memory_space<vmem>>) dst(%dma_wait3A_315 : memref<125x16xf32, #tpu.memory_space<vmem_shared>>)
        tpu.yield
      }) : () -> ()
      %scan3A_307 = arith.constant 0 : i32
      scf.yield %scan3A_307 : i32
    }
    %scan3A_34 = arith.constant 5 : i32
    %dma_wait3A = arith.constant 0 : i32
    %dma_wait3A_35 = tpu.memref_slice %arg10[%mul3A_2, %dma_wait3A] : memref<10000x16xf32, #tpu.memory_space<vmem_shared>> -> memref<625x16xf32, #tpu.memory_space<vmem_shared>>
    %dma_wait3A_36 = arith.constant 0 : i32
    %dma_wait3A_37 = tpu.memref_slice %arg2[%mul3A_2, %dma_wait3A_36] : memref<10000x16xf32, #tpu.memory_space<hbm>> -> memref<625x16xf32, #tpu.memory_space<hbm>>
    tpu.wait_dma2 semaphore(%arg14 : memref<!tpu.dma_semaphore, #tpu.memory_space<semaphore_mem>>) src(%dma_wait3A_37 : memref<625x16xf32, #tpu.memory_space<hbm>>) dst(%dma_wait3A_35 : memref<625x16xf32, #tpu.memory_space<vmem_shared>>)
    %dma_wait3A_38 = arith.constant 0 : i32
    %dma_wait3A_39 = arith.constant 0 : i32
    %dma_wait3A_40 = tpu.memref_slice %arg3[%add3A, %dma_wait3A_38, %dma_wait3A_39] : memref<32x80x125xi32, #tpu.memory_space<hbm>> -> memref<1x80x125xi32, #tpu.memory_space<hbm>>
    %dma_wait3A_41 = tpu.memref_squeeze %dma_wait3A_40 : memref<1x80x125xi32, #tpu.memory_space<hbm>> -> memref<80x125xi32, #tpu.memory_space<hbm>>
    %dma_wait3A_42 = arith.constant 0 : i32
    %dma_wait3A_43 = arith.constant 0 : i32
    %dma_wait3A_44 = tpu.memref_slice %arg3[%add3A, %dma_wait3A_42, %dma_wait3A_43] : memref<32x80x125xi32, #tpu.memory_space<hbm>> -> memref<1x80x125xi32, #tpu.memory_space<hbm>>
    %dma_wait3A_45 = tpu.memref_squeeze %dma_wait3A_44 : memref<1x80x125xi32, #tpu.memory_space<hbm>> -> memref<80x125xi32, #tpu.memory_space<hbm>>
    tpu.wait_dma2 semaphore(%arg14 : memref<!tpu.dma_semaphore, #tpu.memory_space<semaphore_mem>>) src(%dma_wait3A_45 : memref<80x125xi32, #tpu.memory_space<hbm>>) dst(%arg6 : memref<80x125xi32, #tpu.memory_space<vmem>>)
    %dma_wait3A_46 = arith.constant 0 : i32
    %dma_wait3A_47 = arith.constant 0 : i32
    %dma_wait3A_48 = tpu.memref_slice %arg4[%add3A, %dma_wait3A_46, %dma_wait3A_47] : memref<32x80x125xi32, #tpu.memory_space<hbm>> -> memref<1x80x125xi32, #tpu.memory_space<hbm>>
    %dma_wait3A_49 = tpu.memref_squeeze %dma_wait3A_48 : memref<1x80x125xi32, #tpu.memory_space<hbm>> -> memref<80x125xi32, #tpu.memory_space<hbm>>
    %dma_wait3A_50 = arith.constant 0 : i32
    %dma_wait3A_51 = arith.constant 0 : i32
    %dma_wait3A_52 = tpu.memref_slice %arg4[%add3A, %dma_wait3A_50, %dma_wait3A_51] : memref<32x80x125xi32, #tpu.memory_space<hbm>> -> memref<1x80x125xi32, #tpu.memory_space<hbm>>
    %dma_wait3A_53 = tpu.memref_squeeze %dma_wait3A_52 : memref<1x80x125xi32, #tpu.memory_space<hbm>> -> memref<80x125xi32, #tpu.memory_space<hbm>>
    tpu.wait_dma2 semaphore(%arg14 : memref<!tpu.dma_semaphore, #tpu.memory_space<semaphore_mem>>) src(%dma_wait3A_53 : memref<80x125xi32, #tpu.memory_space<hbm>>) dst(%arg7 : memref<80x125xi32, #tpu.memory_space<vmem>>)
    %barrier3A = arith.constant 0 : index
    tpu.barrier barrier_id(%barrier3A)
    %scan3A_54 = arith.constant 0 : i32
    %scan3A_55 = arith.constant 0 : i32
    %scan3A_56 = arith.constant 8 : i32
    %scan3A_57 = arith.addi %scan3A_55, %scan3A_56 : i32
    %scan3A_58 = arith.constant 1 : i32
    %scan3A_59 = scf.for %scan3A_302 = %scan3A_55 to %scan3A_57 step %scan3A_58 iter_args(%scan3A_303 = %scan3A_54) -> (i32)  : i32 {
      %jit3A = arith.constant 2 : i32
      %eq3A = arith.constant 0 : i32
      %eq3A_304 = arith.cmpi eq, %jit3A, %eq3A : i32
      %jit3A_305 = arith.constant 1 : i32
      %select_n3A = arith.select %eq3A_304, %jit3A_305, %jit3A : i32
      %rem3A = arith.remsi %scan3A_302, %select_n3A : i32
      %ne3A = arith.constant 0 : i32
      %ne3A_306 = arith.cmpi ne, %rem3A, %ne3A : i32
      %lt3A = arith.constant 0 : i32
      %lt3A_307 = arith.cmpi slt, %rem3A, %lt3A : i32
      %lt3A_308 = arith.constant 0 : i32
      %lt3A_309 = arith.cmpi slt, %select_n3A, %lt3A_308 : i32
      %ne3A_310 = arith.xori %lt3A_307, %lt3A_309 : i1
      %and3A = arith.andi %ne3A_310, %ne3A_306 : i1
      %add3A_311 = arith.addi %rem3A, %select_n3A : i32
      %select_n3A_312 = arith.select %and3A, %add3A_311, %rem3A : i32
      %mul3A_313 = arith.constant 10 : i32
      %mul3A_314 = arith.muli %select_n3A_312, %mul3A_313 : i32
      %ge3A = arith.constant 2 : i32
      %ge3A_315 = arith.cmpi sge, %scan3A_302, %ge3A : i32
      %convert_element_type3A = arith.extui %ge3A_315 : i1 to i32
      %cond3A = arith.constant 0 : i32
      %cond3A_316 = arith.cmpi ne, %convert_element_type3A, %cond3A : i32
      scf.if %cond3A_316 {
        %add3A_738 = arith.constant 0 : i32
        %add3A_739 = arith.addi %mul3A_314, %add3A_738 : i32
        %dma_wait3A_740 = arith.constant 0 : i32
        %dma_wait3A_741 = arith.constant 0 : i32
        %dma_wait3A_742 = arith.constant 0 : i32
        %dma_wait3A_743 = tpu.memref_slice %arg8[%add3A_739, %dma_wait3A_741, %dma_wait3A_742] : memref<20x125x16xf32, #tpu.memory_space<vmem>> -> memref<1x125x16xf32, #tpu.memory_space<vmem>>
        %dma_wait3A_744 = tpu.memref_squeeze %dma_wait3A_743 : memref<1x125x16xf32, #tpu.memory_space<vmem>> -> memref<125x16xf32, #tpu.memory_space<vmem>>
        %dma_wait3A_745 = arith.constant 0 : i32
        %dma_wait3A_746 = tpu.memref_slice %arg7[%dma_wait3A_740, %dma_wait3A_745] : memref<80x125xi32, #tpu.memory_space<vmem>> -> memref<1x125xi32, #tpu.memory_space<vmem>>
        %dma_wait3A_747 = tpu.memref_squeeze %dma_wait3A_746 : memref<1x125xi32, #tpu.memory_space<vmem>> -> memref<125xi32, #tpu.memory_space<vmem>>
        %dma_wait3A_748 = arith.constant 0 : i32
        %dma_wait3A_749 = arith.constant 0 : i32
        %dma_wait3A_750 = tpu.memref_slice %arg11[%dma_wait3A_748, %dma_wait3A_749] : memref<10000x16xf32, #tpu.memory_space<vmem_shared>> -> memref<10000x16xf32, #tpu.memory_space<vmem_shared>>
        tpu.wait_indirect_dma semaphore(%arg13 : memref<!tpu.dma_semaphore, #tpu.memory_space<semaphore_mem>>) src(%dma_wait3A_744 : memref<125x16xf32, #tpu.memory_space<vmem>>) dst(%dma_wait3A_750 : memref<10000x16xf32, #tpu.memory_space<vmem_shared>>)
        %add3A_751 = arith.constant 1 : i32
        %add3A_752 = arith.addi %mul3A_314, %add3A_751 : i32
        %dma_wait3A_753 = arith.constant 0 : i32
        %dma_wait3A_754 = arith.constant 0 : i32
        %dma_wait3A_755 = arith.constant 0 : i32
        %dma_wait3A_756 = tpu.memref_slice %arg8[%add3A_752, %dma_wait3A_754, %dma_wait3A_755] : memref<20x125x16xf32, #tpu.memory_space<vmem>> -> memref<1x125x16xf32, #tpu.memory_space<vmem>>
        %dma_wait3A_757 = tpu.memref_squeeze %dma_wait3A_756 : memref<1x125x16xf32, #tpu.memory_space<vmem>> -> memref<125x16xf32, #tpu.memory_space<vmem>>
        %dma_wait3A_758 = arith.constant 0 : i32
        %dma_wait3A_759 = tpu.memref_slice %arg7[%dma_wait3A_753, %dma_wait3A_758] : memref<80x125xi32, #tpu.memory_space<vmem>> -> memref<1x125xi32, #tpu.memory_space<vmem>>
        %dma_wait3A_760 = tpu.memref_squeeze %dma_wait3A_759 : memref<1x125xi32, #tpu.memory_space<vmem>> -> memref<125xi32, #tpu.memory_space<vmem>>
        %dma_wait3A_761 = arith.constant 0 : i32
        %dma_wait3A_762 = arith.constant 0 : i32
        %dma_wait3A_763 = tpu.memref_slice %arg11[%dma_wait3A_761, %dma_wait3A_762] : memref<10000x16xf32, #tpu.memory_space<vmem_shared>> -> memref<10000x16xf32, #tpu.memory_space<vmem_shared>>
        tpu.wait_indirect_dma semaphore(%arg13 : memref<!tpu.dma_semaphore, #tpu.memory_space<semaphore_mem>>) src(%dma_wait3A_757 : memref<125x16xf32, #tpu.memory_space<vmem>>) dst(%dma_wait3A_763 : memref<10000x16xf32, #tpu.memory_space<vmem_shared>>)
        %add3A_764 = arith.constant 2 : i32
        %add3A_765 = arith.addi %mul3A_314, %add3A_764 : i32
        %dma_wait3A_766 = arith.constant 0 : i32
        %dma_wait3A_767 = arith.constant 0 : i32
        %dma_wait3A_768 = arith.constant 0 : i32
        %dma_wait3A_769 = tpu.memref_slice %arg8[%add3A_765, %dma_wait3A_767, %dma_wait3A_768] : memref<20x125x16xf32, #tpu.memory_space<vmem>> -> memref<1x125x16xf32, #tpu.memory_space<vmem>>
        %dma_wait3A_770 = tpu.memref_squeeze %dma_wait3A_769 : memref<1x125x16xf32, #tpu.memory_space<vmem>> -> memref<125x16xf32, #tpu.memory_space<vmem>>
        %dma_wait3A_771 = arith.constant 0 : i32
        %dma_wait3A_772 = tpu.memref_slice %arg7[%dma_wait3A_766, %dma_wait3A_771] : memref<80x125xi32, #tpu.memory_space<vmem>> -> memref<1x125xi32, #tpu.memory_space<vmem>>
        %dma_wait3A_773 = tpu.memref_squeeze %dma_wait3A_772 : memref<1x125xi32, #tpu.memory_space<vmem>> -> memref<125xi32, #tpu.memory_space<vmem>>
        %dma_wait3A_774 = arith.constant 0 : i32
        %dma_wait3A_775 = arith.constant 0 : i32
        %dma_wait3A_776 = tpu.memref_slice %arg11[%dma_wait3A_774, %dma_wait3A_775] : memref<10000x16xf32, #tpu.memory_space<vmem_shared>> -> memref<10000x16xf32, #tpu.memory_space<vmem_shared>>
        tpu.wait_indirect_dma semaphore(%arg13 : memref<!tpu.dma_semaphore, #tpu.memory_space<semaphore_mem>>) src(%dma_wait3A_770 : memref<125x16xf32, #tpu.memory_space<vmem>>) dst(%dma_wait3A_776 : memref<10000x16xf32, #tpu.memory_space<vmem_shared>>)
        %add3A_777 = arith.constant 3 : i32
        %add3A_778 = arith.addi %mul3A_314, %add3A_777 : i32
        %dma_wait3A_779 = arith.constant 0 : i32
        %dma_wait3A_780 = arith.constant 0 : i32
        %dma_wait3A_781 = arith.constant 0 : i32
        %dma_wait3A_782 = tpu.memref_slice %arg8[%add3A_778, %dma_wait3A_780, %dma_wait3A_781] : memref<20x125x16xf32, #tpu.memory_space<vmem>> -> memref<1x125x16xf32, #tpu.memory_space<vmem>>
        %dma_wait3A_783 = tpu.memref_squeeze %dma_wait3A_782 : memref<1x125x16xf32, #tpu.memory_space<vmem>> -> memref<125x16xf32, #tpu.memory_space<vmem>>
        %dma_wait3A_784 = arith.constant 0 : i32
        %dma_wait3A_785 = tpu.memref_slice %arg7[%dma_wait3A_779, %dma_wait3A_784] : memref<80x125xi32, #tpu.memory_space<vmem>> -> memref<1x125xi32, #tpu.memory_space<vmem>>
        %dma_wait3A_786 = tpu.memref_squeeze %dma_wait3A_785 : memref<1x125xi32, #tpu.memory_space<vmem>> -> memref<125xi32, #tpu.memory_space<vmem>>
        %dma_wait3A_787 = arith.constant 0 : i32
        %dma_wait3A_788 = arith.constant 0 : i32
        %dma_wait3A_789 = tpu.memref_slice %arg11[%dma_wait3A_787, %dma_wait3A_788] : memref<10000x16xf32, #tpu.memory_space<vmem_shared>> -> memref<10000x16xf32, #tpu.memory_space<vmem_shared>>
        tpu.wait_indirect_dma semaphore(%arg13 : memref<!tpu.dma_semaphore, #tpu.memory_space<semaphore_mem>>) src(%dma_wait3A_783 : memref<125x16xf32, #tpu.memory_space<vmem>>) dst(%dma_wait3A_789 : memref<10000x16xf32, #tpu.memory_space<vmem_shared>>)
        %add3A_790 = arith.constant 4 : i32
        %add3A_791 = arith.addi %mul3A_314, %add3A_790 : i32
        %dma_wait3A_792 = arith.constant 0 : i32
        %dma_wait3A_793 = arith.constant 0 : i32
        %dma_wait3A_794 = arith.constant 0 : i32
        %dma_wait3A_795 = tpu.memref_slice %arg8[%add3A_791, %dma_wait3A_793, %dma_wait3A_794] : memref<20x125x16xf32, #tpu.memory_space<vmem>> -> memref<1x125x16xf32, #tpu.memory_space<vmem>>
        %dma_wait3A_796 = tpu.memref_squeeze %dma_wait3A_795 : memref<1x125x16xf32, #tpu.memory_space<vmem>> -> memref<125x16xf32, #tpu.memory_space<vmem>>
        %dma_wait3A_797 = arith.constant 0 : i32
        %dma_wait3A_798 = tpu.memref_slice %arg7[%dma_wait3A_792, %dma_wait3A_797] : memref<80x125xi32, #tpu.memory_space<vmem>> -> memref<1x125xi32, #tpu.memory_space<vmem>>
        %dma_wait3A_799 = tpu.memref_squeeze %dma_wait3A_798 : memref<1x125xi32, #tpu.memory_space<vmem>> -> memref<125xi32, #tpu.memory_space<vmem>>
        %dma_wait3A_800 = arith.constant 0 : i32
        %dma_wait3A_801 = arith.constant 0 : i32
        %dma_wait3A_802 = tpu.memref_slice %arg11[%dma_wait3A_800, %dma_wait3A_801] : memref<10000x16xf32, #tpu.memory_space<vmem_shared>> -> memref<10000x16xf32, #tpu.memory_space<vmem_shared>>
        tpu.wait_indirect_dma semaphore(%arg13 : memref<!tpu.dma_semaphore, #tpu.memory_space<semaphore_mem>>) src(%dma_wait3A_796 : memref<125x16xf32, #tpu.memory_space<vmem>>) dst(%dma_wait3A_802 : memref<10000x16xf32, #tpu.memory_space<vmem_shared>>)
        %add3A_803 = arith.constant 5 : i32
        %add3A_804 = arith.addi %mul3A_314, %add3A_803 : i32
        %dma_wait3A_805 = arith.constant 0 : i32
        %dma_wait3A_806 = arith.constant 0 : i32
        %dma_wait3A_807 = arith.constant 0 : i32
        %dma_wait3A_808 = tpu.memref_slice %arg8[%add3A_804, %dma_wait3A_806, %dma_wait3A_807] : memref<20x125x16xf32, #tpu.memory_space<vmem>> -> memref<1x125x16xf32, #tpu.memory_space<vmem>>
        %dma_wait3A_809 = tpu.memref_squeeze %dma_wait3A_808 : memref<1x125x16xf32, #tpu.memory_space<vmem>> -> memref<125x16xf32, #tpu.memory_space<vmem>>
        %dma_wait3A_810 = arith.constant 0 : i32
        %dma_wait3A_811 = tpu.memref_slice %arg7[%dma_wait3A_805, %dma_wait3A_810] : memref<80x125xi32, #tpu.memory_space<vmem>> -> memref<1x125xi32, #tpu.memory_space<vmem>>
        %dma_wait3A_812 = tpu.memref_squeeze %dma_wait3A_811 : memref<1x125xi32, #tpu.memory_space<vmem>> -> memref<125xi32, #tpu.memory_space<vmem>>
        %dma_wait3A_813 = arith.constant 0 : i32
        %dma_wait3A_814 = arith.constant 0 : i32
        %dma_wait3A_815 = tpu.memref_slice %arg11[%dma_wait3A_813, %dma_wait3A_814] : memref<10000x16xf32, #tpu.memory_space<vmem_shared>> -> memref<10000x16xf32, #tpu.memory_space<vmem_shared>>
        tpu.wait_indirect_dma semaphore(%arg13 : memref<!tpu.dma_semaphore, #tpu.memory_space<semaphore_mem>>) src(%dma_wait3A_809 : memref<125x16xf32, #tpu.memory_space<vmem>>) dst(%dma_wait3A_815 : memref<10000x16xf32, #tpu.memory_space<vmem_shared>>)
        %add3A_816 = arith.constant 6 : i32
        %add3A_817 = arith.addi %mul3A_314, %add3A_816 : i32
        %dma_wait3A_818 = arith.constant 0 : i32
        %dma_wait3A_819 = arith.constant 0 : i32
        %dma_wait3A_820 = arith.constant 0 : i32
        %dma_wait3A_821 = tpu.memref_slice %arg8[%add3A_817, %dma_wait3A_819, %dma_wait3A_820] : memref<20x125x16xf32, #tpu.memory_space<vmem>> -> memref<1x125x16xf32, #tpu.memory_space<vmem>>
        %dma_wait3A_822 = tpu.memref_squeeze %dma_wait3A_821 : memref<1x125x16xf32, #tpu.memory_space<vmem>> -> memref<125x16xf32, #tpu.memory_space<vmem>>
        %dma_wait3A_823 = arith.constant 0 : i32
        %dma_wait3A_824 = tpu.memref_slice %arg7[%dma_wait3A_818, %dma_wait3A_823] : memref<80x125xi32, #tpu.memory_space<vmem>> -> memref<1x125xi32, #tpu.memory_space<vmem>>
        %dma_wait3A_825 = tpu.memref_squeeze %dma_wait3A_824 : memref<1x125xi32, #tpu.memory_space<vmem>> -> memref<125xi32, #tpu.memory_space<vmem>>
        %dma_wait3A_826 = arith.constant 0 : i32
        %dma_wait3A_827 = arith.constant 0 : i32
        %dma_wait3A_828 = tpu.memref_slice %arg11[%dma_wait3A_826, %dma_wait3A_827] : memref<10000x16xf32, #tpu.memory_space<vmem_shared>> -> memref<10000x16xf32, #tpu.memory_space<vmem_shared>>
        tpu.wait_indirect_dma semaphore(%arg13 : memref<!tpu.dma_semaphore, #tpu.memory_space<semaphore_mem>>) src(%dma_wait3A_822 : memref<125x16xf32, #tpu.memory_space<vmem>>) dst(%dma_wait3A_828 : memref<10000x16xf32, #tpu.memory_space<vmem_shared>>)
        %add3A_829 = arith.constant 7 : i32
        %add3A_830 = arith.addi %mul3A_314, %add3A_829 : i32
        %dma_wait3A_831 = arith.constant 0 : i32
        %dma_wait3A_832 = arith.constant 0 : i32
        %dma_wait3A_833 = arith.constant 0 : i32
        %dma_wait3A_834 = tpu.memref_slice %arg8[%add3A_830, %dma_wait3A_832, %dma_wait3A_833] : memref<20x125x16xf32, #tpu.memory_space<vmem>> -> memref<1x125x16xf32, #tpu.memory_space<vmem>>
        %dma_wait3A_835 = tpu.memref_squeeze %dma_wait3A_834 : memref<1x125x16xf32, #tpu.memory_space<vmem>> -> memref<125x16xf32, #tpu.memory_space<vmem>>
        %dma_wait3A_836 = arith.constant 0 : i32
        %dma_wait3A_837 = tpu.memref_slice %arg7[%dma_wait3A_831, %dma_wait3A_836] : memref<80x125xi32, #tpu.memory_space<vmem>> -> memref<1x125xi32, #tpu.memory_space<vmem>>
        %dma_wait3A_838 = tpu.memref_squeeze %dma_wait3A_837 : memref<1x125xi32, #tpu.memory_space<vmem>> -> memref<125xi32, #tpu.memory_space<vmem>>
        %dma_wait3A_839 = arith.constant 0 : i32
        %dma_wait3A_840 = arith.constant 0 : i32
        %dma_wait3A_841 = tpu.memref_slice %arg11[%dma_wait3A_839, %dma_wait3A_840] : memref<10000x16xf32, #tpu.memory_space<vmem_shared>> -> memref<10000x16xf32, #tpu.memory_space<vmem_shared>>
        tpu.wait_indirect_dma semaphore(%arg13 : memref<!tpu.dma_semaphore, #tpu.memory_space<semaphore_mem>>) src(%dma_wait3A_835 : memref<125x16xf32, #tpu.memory_space<vmem>>) dst(%dma_wait3A_841 : memref<10000x16xf32, #tpu.memory_space<vmem_shared>>)
        %add3A_842 = arith.constant 8 : i32
        %add3A_843 = arith.addi %mul3A_314, %add3A_842 : i32
        %dma_wait3A_844 = arith.constant 0 : i32
        %dma_wait3A_845 = arith.constant 0 : i32
        %dma_wait3A_846 = arith.constant 0 : i32
        %dma_wait3A_847 = tpu.memref_slice %arg8[%add3A_843, %dma_wait3A_845, %dma_wait3A_846] : memref<20x125x16xf32, #tpu.memory_space<vmem>> -> memref<1x125x16xf32, #tpu.memory_space<vmem>>
        %dma_wait3A_848 = tpu.memref_squeeze %dma_wait3A_847 : memref<1x125x16xf32, #tpu.memory_space<vmem>> -> memref<125x16xf32, #tpu.memory_space<vmem>>
        %dma_wait3A_849 = arith.constant 0 : i32
        %dma_wait3A_850 = tpu.memref_slice %arg7[%dma_wait3A_844, %dma_wait3A_849] : memref<80x125xi32, #tpu.memory_space<vmem>> -> memref<1x125xi32, #tpu.memory_space<vmem>>
        %dma_wait3A_851 = tpu.memref_squeeze %dma_wait3A_850 : memref<1x125xi32, #tpu.memory_space<vmem>> -> memref<125xi32, #tpu.memory_space<vmem>>
        %dma_wait3A_852 = arith.constant 0 : i32
        %dma_wait3A_853 = arith.constant 0 : i32
        %dma_wait3A_854 = tpu.memref_slice %arg11[%dma_wait3A_852, %dma_wait3A_853] : memref<10000x16xf32, #tpu.memory_space<vmem_shared>> -> memref<10000x16xf32, #tpu.memory_space<vmem_shared>>
        tpu.wait_indirect_dma semaphore(%arg13 : memref<!tpu.dma_semaphore, #tpu.memory_space<semaphore_mem>>) src(%dma_wait3A_848 : memref<125x16xf32, #tpu.memory_space<vmem>>) dst(%dma_wait3A_854 : memref<10000x16xf32, #tpu.memory_space<vmem_shared>>)
        %add3A_855 = arith.constant 9 : i32
        %add3A_856 = arith.addi %mul3A_314, %add3A_855 : i32
        %dma_wait3A_857 = arith.constant 0 : i32
        %dma_wait3A_858 = arith.constant 0 : i32
        %dma_wait3A_859 = arith.constant 0 : i32
        %dma_wait3A_860 = tpu.memref_slice %arg8[%add3A_856, %dma_wait3A_858, %dma_wait3A_859] : memref<20x125x16xf32, #tpu.memory_space<vmem>> -> memref<1x125x16xf32, #tpu.memory_space<vmem>>
        %dma_wait3A_861 = tpu.memref_squeeze %dma_wait3A_860 : memref<1x125x16xf32, #tpu.memory_space<vmem>> -> memref<125x16xf32, #tpu.memory_space<vmem>>
        %dma_wait3A_862 = arith.constant 0 : i32
        %dma_wait3A_863 = tpu.memref_slice %arg7[%dma_wait3A_857, %dma_wait3A_862] : memref<80x125xi32, #tpu.memory_space<vmem>> -> memref<1x125xi32, #tpu.memory_space<vmem>>
        %dma_wait3A_864 = tpu.memref_squeeze %dma_wait3A_863 : memref<1x125xi32, #tpu.memory_space<vmem>> -> memref<125xi32, #tpu.memory_space<vmem>>
        %dma_wait3A_865 = arith.constant 0 : i32
        %dma_wait3A_866 = arith.constant 0 : i32
        %dma_wait3A_867 = tpu.memref_slice %arg11[%dma_wait3A_865, %dma_wait3A_866] : memref<10000x16xf32, #tpu.memory_space<vmem_shared>> -> memref<10000x16xf32, #tpu.memory_space<vmem_shared>>
        tpu.wait_indirect_dma semaphore(%arg13 : memref<!tpu.dma_semaphore, #tpu.memory_space<semaphore_mem>>) src(%dma_wait3A_861 : memref<125x16xf32, #tpu.memory_space<vmem>>) dst(%dma_wait3A_867 : memref<10000x16xf32, #tpu.memory_space<vmem_shared>>)
      } else {
      }
      %mul3A_317 = arith.constant 10 : i32
      %mul3A_318 = arith.muli %scan3A_302, %mul3A_317 : i32
      %add3A_319 = arith.constant 0 : i32
      %add3A_320 = arith.addi %mul3A_318, %add3A_319 : i32
      %add3A_321 = arith.constant 0 : i32
      %add3A_322 = arith.addi %mul3A_314, %add3A_321 : i32
      %dma_start3A_323 = arith.constant 0 : i32
      %dma_start3A_324 = arith.constant 0 : i32
      %dma_start3A_325 = tpu.memref_slice %arg8[%add3A_322, %dma_start3A_323, %dma_start3A_324] : memref<20x125x16xf32, #tpu.memory_space<vmem>> -> memref<1x125x16xf32, #tpu.memory_space<vmem>>
      %dma_start3A_326 = tpu.memref_squeeze %dma_start3A_325 : memref<1x125x16xf32, #tpu.memory_space<vmem>> -> memref<125x16xf32, #tpu.memory_space<vmem>>
      %dma_start3A_327 = arith.constant 0 : i32
      %dma_start3A_328 = tpu.memref_slice %arg6[%add3A_320, %dma_start3A_327] : memref<80x125xi32, #tpu.memory_space<vmem>> -> memref<1x125xi32, #tpu.memory_space<vmem>>
      %dma_start3A_329 = tpu.memref_squeeze %dma_start3A_328 : memref<1x125xi32, #tpu.memory_space<vmem>> -> memref<125xi32, #tpu.memory_space<vmem>>
      %dma_start3A_330 = arith.constant 0 : i32
      %dma_start3A_331 = arith.constant 0 : i32
      %dma_start3A_332 = tpu.memref_slice %arg10[%dma_start3A_330, %dma_start3A_331] : memref<10000x16xf32, #tpu.memory_space<vmem_shared>> -> memref<10000x16xf32, #tpu.memory_space<vmem_shared>>
      tpu.enqueue_indirect_dma source(%dma_start3A_332 : memref<10000x16xf32, #tpu.memory_space<vmem_shared>>) target(%dma_start3A_326 : memref<125x16xf32, #tpu.memory_space<vmem>>) offsets(%dma_start3A_329 : memref<125xi32, #tpu.memory_space<vmem>>) semaphore(%arg12 : memref<!tpu.dma_semaphore, #tpu.memory_space<semaphore_mem>>)
      %mul3A_333 = arith.constant 10 : i32
      %mul3A_334 = arith.muli %scan3A_302, %mul3A_333 : i32
      %add3A_335 = arith.constant 1 : i32
      %add3A_336 = arith.addi %mul3A_334, %add3A_335 : i32
      %add3A_337 = arith.constant 1 : i32
      %add3A_338 = arith.addi %mul3A_314, %add3A_337 : i32
      %dma_start3A_339 = arith.constant 0 : i32
      %dma_start3A_340 = arith.constant 0 : i32
      %dma_start3A_341 = tpu.memref_slice %arg8[%add3A_338, %dma_start3A_339, %dma_start3A_340] : memref<20x125x16xf32, #tpu.memory_space<vmem>> -> memref<1x125x16xf32, #tpu.memory_space<vmem>>
      %dma_start3A_342 = tpu.memref_squeeze %dma_start3A_341 : memref<1x125x16xf32, #tpu.memory_space<vmem>> -> memref<125x16xf32, #tpu.memory_space<vmem>>
      %dma_start3A_343 = arith.constant 0 : i32
      %dma_start3A_344 = tpu.memref_slice %arg6[%add3A_336, %dma_start3A_343] : memref<80x125xi32, #tpu.memory_space<vmem>> -> memref<1x125xi32, #tpu.memory_space<vmem>>
      %dma_start3A_345 = tpu.memref_squeeze %dma_start3A_344 : memref<1x125xi32, #tpu.memory_space<vmem>> -> memref<125xi32, #tpu.memory_space<vmem>>
      %dma_start3A_346 = arith.constant 0 : i32
      %dma_start3A_347 = arith.constant 0 : i32
      %dma_start3A_348 = tpu.memref_slice %arg10[%dma_start3A_346, %dma_start3A_347] : memref<10000x16xf32, #tpu.memory_space<vmem_shared>> -> memref<10000x16xf32, #tpu.memory_space<vmem_shared>>
      tpu.enqueue_indirect_dma source(%dma_start3A_348 : memref<10000x16xf32, #tpu.memory_space<vmem_shared>>) target(%dma_start3A_342 : memref<125x16xf32, #tpu.memory_space<vmem>>) offsets(%dma_start3A_345 : memref<125xi32, #tpu.memory_space<vmem>>) semaphore(%arg12 : memref<!tpu.dma_semaphore, #tpu.memory_space<semaphore_mem>>)
      %mul3A_349 = arith.constant 10 : i32
      %mul3A_350 = arith.muli %scan3A_302, %mul3A_349 : i32
      %add3A_351 = arith.constant 2 : i32
      %add3A_352 = arith.addi %mul3A_350, %add3A_351 : i32
      %add3A_353 = arith.constant 2 : i32
      %add3A_354 = arith.addi %mul3A_314, %add3A_353 : i32
      %dma_start3A_355 = arith.constant 0 : i32
      %dma_start3A_356 = arith.constant 0 : i32
      %dma_start3A_357 = tpu.memref_slice %arg8[%add3A_354, %dma_start3A_355, %dma_start3A_356] : memref<20x125x16xf32, #tpu.memory_space<vmem>> -> memref<1x125x16xf32, #tpu.memory_space<vmem>>
      %dma_start3A_358 = tpu.memref_squeeze %dma_start3A_357 : memref<1x125x16xf32, #tpu.memory_space<vmem>> -> memref<125x16xf32, #tpu.memory_space<vmem>>
      %dma_start3A_359 = arith.constant 0 : i32
      %dma_start3A_360 = tpu.memref_slice %arg6[%add3A_352, %dma_start3A_359] : memref<80x125xi32, #tpu.memory_space<vmem>> -> memref<1x125xi32, #tpu.memory_space<vmem>>
      %dma_start3A_361 = tpu.memref_squeeze %dma_start3A_360 : memref<1x125xi32, #tpu.memory_space<vmem>> -> memref<125xi32, #tpu.memory_space<vmem>>
      %dma_start3A_362 = arith.constant 0 : i32
      %dma_start3A_363 = arith.constant 0 : i32
      %dma_start3A_364 = tpu.memref_slice %arg10[%dma_start3A_362, %dma_start3A_363] : memref<10000x16xf32, #tpu.memory_space<vmem_shared>> -> memref<10000x16xf32, #tpu.memory_space<vmem_shared>>
      tpu.enqueue_indirect_dma source(%dma_start3A_364 : memref<10000x16xf32, #tpu.memory_space<vmem_shared>>) target(%dma_start3A_358 : memref<125x16xf32, #tpu.memory_space<vmem>>) offsets(%dma_start3A_361 : memref<125xi32, #tpu.memory_space<vmem>>) semaphore(%arg12 : memref<!tpu.dma_semaphore, #tpu.memory_space<semaphore_mem>>)
      %mul3A_365 = arith.constant 10 : i32
      %mul3A_366 = arith.muli %scan3A_302, %mul3A_365 : i32
      %add3A_367 = arith.constant 3 : i32
      %add3A_368 = arith.addi %mul3A_366, %add3A_367 : i32
      %add3A_369 = arith.constant 3 : i32
      %add3A_370 = arith.addi %mul3A_314, %add3A_369 : i32
      %dma_start3A_371 = arith.constant 0 : i32
      %dma_start3A_372 = arith.constant 0 : i32
      %dma_start3A_373 = tpu.memref_slice %arg8[%add3A_370, %dma_start3A_371, %dma_start3A_372] : memref<20x125x16xf32, #tpu.memory_space<vmem>> -> memref<1x125x16xf32, #tpu.memory_space<vmem>>
      %dma_start3A_374 = tpu.memref_squeeze %dma_start3A_373 : memref<1x125x16xf32, #tpu.memory_space<vmem>> -> memref<125x16xf32, #tpu.memory_space<vmem>>
      %dma_start3A_375 = arith.constant 0 : i32
      %dma_start3A_376 = tpu.memref_slice %arg6[%add3A_368, %dma_start3A_375] : memref<80x125xi32, #tpu.memory_space<vmem>> -> memref<1x125xi32, #tpu.memory_space<vmem>>
      %dma_start3A_377 = tpu.memref_squeeze %dma_start3A_376 : memref<1x125xi32, #tpu.memory_space<vmem>> -> memref<125xi32, #tpu.memory_space<vmem>>
      %dma_start3A_378 = arith.constant 0 : i32
      %dma_start3A_379 = arith.constant 0 : i32
      %dma_start3A_380 = tpu.memref_slice %arg10[%dma_start3A_378, %dma_start3A_379] : memref<10000x16xf32, #tpu.memory_space<vmem_shared>> -> memref<10000x16xf32, #tpu.memory_space<vmem_shared>>
      tpu.enqueue_indirect_dma source(%dma_start3A_380 : memref<10000x16xf32, #tpu.memory_space<vmem_shared>>) target(%dma_start3A_374 : memref<125x16xf32, #tpu.memory_space<vmem>>) offsets(%dma_start3A_377 : memref<125xi32, #tpu.memory_space<vmem>>) semaphore(%arg12 : memref<!tpu.dma_semaphore, #tpu.memory_space<semaphore_mem>>)
      %mul3A_381 = arith.constant 10 : i32
      %mul3A_382 = arith.muli %scan3A_302, %mul3A_381 : i32
      %add3A_383 = arith.constant 4 : i32
      %add3A_384 = arith.addi %mul3A_382, %add3A_383 : i32
      %add3A_385 = arith.constant 4 : i32
      %add3A_386 = arith.addi %mul3A_314, %add3A_385 : i32
      %dma_start3A_387 = arith.constant 0 : i32
      %dma_start3A_388 = arith.constant 0 : i32
      %dma_start3A_389 = tpu.memref_slice %arg8[%add3A_386, %dma_start3A_387, %dma_start3A_388] : memref<20x125x16xf32, #tpu.memory_space<vmem>> -> memref<1x125x16xf32, #tpu.memory_space<vmem>>
      %dma_start3A_390 = tpu.memref_squeeze %dma_start3A_389 : memref<1x125x16xf32, #tpu.memory_space<vmem>> -> memref<125x16xf32, #tpu.memory_space<vmem>>
      %dma_start3A_391 = arith.constant 0 : i32
      %dma_start3A_392 = tpu.memref_slice %arg6[%add3A_384, %dma_start3A_391] : memref<80x125xi32, #tpu.memory_space<vmem>> -> memref<1x125xi32, #tpu.memory_space<vmem>>
      %dma_start3A_393 = tpu.memref_squeeze %dma_start3A_392 : memref<1x125xi32, #tpu.memory_space<vmem>> -> memref<125xi32, #tpu.memory_space<vmem>>
      %dma_start3A_394 = arith.constant 0 : i32
      %dma_start3A_395 = arith.constant 0 : i32
      %dma_start3A_396 = tpu.memref_slice %arg10[%dma_start3A_394, %dma_start3A_395] : memref<10000x16xf32, #tpu.memory_space<vmem_shared>> -> memref<10000x16xf32, #tpu.memory_space<vmem_shared>>
      tpu.enqueue_indirect_dma source(%dma_start3A_396 : memref<10000x16xf32, #tpu.memory_space<vmem_shared>>) target(%dma_start3A_390 : memref<125x16xf32, #tpu.memory_space<vmem>>) offsets(%dma_start3A_393 : memref<125xi32, #tpu.memory_space<vmem>>) semaphore(%arg12 : memref<!tpu.dma_semaphore, #tpu.memory_space<semaphore_mem>>)
      %mul3A_397 = arith.constant 10 : i32
      %mul3A_398 = arith.muli %scan3A_302, %mul3A_397 : i32
      %add3A_399 = arith.constant 5 : i32
      %add3A_400 = arith.addi %mul3A_398, %add3A_399 : i32
      %add3A_401 = arith.constant 5 : i32
      %add3A_402 = arith.addi %mul3A_314, %add3A_401 : i32
      %dma_start3A_403 = arith.constant 0 : i32
      %dma_start3A_404 = arith.constant 0 : i32
      %dma_start3A_405 = tpu.memref_slice %arg8[%add3A_402, %dma_start3A_403, %dma_start3A_404] : memref<20x125x16xf32, #tpu.memory_space<vmem>> -> memref<1x125x16xf32, #tpu.memory_space<vmem>>
      %dma_start3A_406 = tpu.memref_squeeze %dma_start3A_405 : memref<1x125x16xf32, #tpu.memory_space<vmem>> -> memref<125x16xf32, #tpu.memory_space<vmem>>
      %dma_start3A_407 = arith.constant 0 : i32
      %dma_start3A_408 = tpu.memref_slice %arg6[%add3A_400, %dma_start3A_407] : memref<80x125xi32, #tpu.memory_space<vmem>> -> memref<1x125xi32, #tpu.memory_space<vmem>>
      %dma_start3A_409 = tpu.memref_squeeze %dma_start3A_408 : memref<1x125xi32, #tpu.memory_space<vmem>> -> memref<125xi32, #tpu.memory_space<vmem>>
      %dma_start3A_410 = arith.constant 0 : i32
      %dma_start3A_411 = arith.constant 0 : i32
      %dma_start3A_412 = tpu.memref_slice %arg10[%dma_start3A_410, %dma_start3A_411] : memref<10000x16xf32, #tpu.memory_space<vmem_shared>> -> memref<10000x16xf32, #tpu.memory_space<vmem_shared>>
      tpu.enqueue_indirect_dma source(%dma_start3A_412 : memref<10000x16xf32, #tpu.memory_space<vmem_shared>>) target(%dma_start3A_406 : memref<125x16xf32, #tpu.memory_space<vmem>>) offsets(%dma_start3A_409 : memref<125xi32, #tpu.memory_space<vmem>>) semaphore(%arg12 : memref<!tpu.dma_semaphore, #tpu.memory_space<semaphore_mem>>)
      %mul3A_413 = arith.constant 10 : i32
      %mul3A_414 = arith.muli %scan3A_302, %mul3A_413 : i32
      %add3A_415 = arith.constant 6 : i32
      %add3A_416 = arith.addi %mul3A_414, %add3A_415 : i32
      %add3A_417 = arith.constant 6 : i32
      %add3A_418 = arith.addi %mul3A_314, %add3A_417 : i32
      %dma_start3A_419 = arith.constant 0 : i32
      %dma_start3A_420 = arith.constant 0 : i32
      %dma_start3A_421 = tpu.memref_slice %arg8[%add3A_418, %dma_start3A_419, %dma_start3A_420] : memref<20x125x16xf32, #tpu.memory_space<vmem>> -> memref<1x125x16xf32, #tpu.memory_space<vmem>>
      %dma_start3A_422 = tpu.memref_squeeze %dma_start3A_421 : memref<1x125x16xf32, #tpu.memory_space<vmem>> -> memref<125x16xf32, #tpu.memory_space<vmem>>
      %dma_start3A_423 = arith.constant 0 : i32
      %dma_start3A_424 = tpu.memref_slice %arg6[%add3A_416, %dma_start3A_423] : memref<80x125xi32, #tpu.memory_space<vmem>> -> memref<1x125xi32, #tpu.memory_space<vmem>>
      %dma_start3A_425 = tpu.memref_squeeze %dma_start3A_424 : memref<1x125xi32, #tpu.memory_space<vmem>> -> memref<125xi32, #tpu.memory_space<vmem>>
      %dma_start3A_426 = arith.constant 0 : i32
      %dma_start3A_427 = arith.constant 0 : i32
      %dma_start3A_428 = tpu.memref_slice %arg10[%dma_start3A_426, %dma_start3A_427] : memref<10000x16xf32, #tpu.memory_space<vmem_shared>> -> memref<10000x16xf32, #tpu.memory_space<vmem_shared>>
      tpu.enqueue_indirect_dma source(%dma_start3A_428 : memref<10000x16xf32, #tpu.memory_space<vmem_shared>>) target(%dma_start3A_422 : memref<125x16xf32, #tpu.memory_space<vmem>>) offsets(%dma_start3A_425 : memref<125xi32, #tpu.memory_space<vmem>>) semaphore(%arg12 : memref<!tpu.dma_semaphore, #tpu.memory_space<semaphore_mem>>)
      %mul3A_429 = arith.constant 10 : i32
      %mul3A_430 = arith.muli %scan3A_302, %mul3A_429 : i32
      %add3A_431 = arith.constant 7 : i32
      %add3A_432 = arith.addi %mul3A_430, %add3A_431 : i32
      %add3A_433 = arith.constant 7 : i32
      %add3A_434 = arith.addi %mul3A_314, %add3A_433 : i32
      %dma_start3A_435 = arith.constant 0 : i32
      %dma_start3A_436 = arith.constant 0 : i32
      %dma_start3A_437 = tpu.memref_slice %arg8[%add3A_434, %dma_start3A_435, %dma_start3A_436] : memref<20x125x16xf32, #tpu.memory_space<vmem>> -> memref<1x125x16xf32, #tpu.memory_space<vmem>>
      %dma_start3A_438 = tpu.memref_squeeze %dma_start3A_437 : memref<1x125x16xf32, #tpu.memory_space<vmem>> -> memref<125x16xf32, #tpu.memory_space<vmem>>
      %dma_start3A_439 = arith.constant 0 : i32
      %dma_start3A_440 = tpu.memref_slice %arg6[%add3A_432, %dma_start3A_439] : memref<80x125xi32, #tpu.memory_space<vmem>> -> memref<1x125xi32, #tpu.memory_space<vmem>>
      %dma_start3A_441 = tpu.memref_squeeze %dma_start3A_440 : memref<1x125xi32, #tpu.memory_space<vmem>> -> memref<125xi32, #tpu.memory_space<vmem>>
      %dma_start3A_442 = arith.constant 0 : i32
      %dma_start3A_443 = arith.constant 0 : i32
      %dma_start3A_444 = tpu.memref_slice %arg10[%dma_start3A_442, %dma_start3A_443] : memref<10000x16xf32, #tpu.memory_space<vmem_shared>> -> memref<10000x16xf32, #tpu.memory_space<vmem_shared>>
      tpu.enqueue_indirect_dma source(%dma_start3A_444 : memref<10000x16xf32, #tpu.memory_space<vmem_shared>>) target(%dma_start3A_438 : memref<125x16xf32, #tpu.memory_space<vmem>>) offsets(%dma_start3A_441 : memref<125xi32, #tpu.memory_space<vmem>>) semaphore(%arg12 : memref<!tpu.dma_semaphore, #tpu.memory_space<semaphore_mem>>)
      %mul3A_445 = arith.constant 10 : i32
      %mul3A_446 = arith.muli %scan3A_302, %mul3A_445 : i32
      %add3A_447 = arith.constant 8 : i32
      %add3A_448 = arith.addi %mul3A_446, %add3A_447 : i32
      %add3A_449 = arith.constant 8 : i32
      %add3A_450 = arith.addi %mul3A_314, %add3A_449 : i32
      %dma_start3A_451 = arith.constant 0 : i32
      %dma_start3A_452 = arith.constant 0 : i32
      %dma_start3A_453 = tpu.memref_slice %arg8[%add3A_450, %dma_start3A_451, %dma_start3A_452] : memref<20x125x16xf32, #tpu.memory_space<vmem>> -> memref<1x125x16xf32, #tpu.memory_space<vmem>>
      %dma_start3A_454 = tpu.memref_squeeze %dma_start3A_453 : memref<1x125x16xf32, #tpu.memory_space<vmem>> -> memref<125x16xf32, #tpu.memory_space<vmem>>
      %dma_start3A_455 = arith.constant 0 : i32
      %dma_start3A_456 = tpu.memref_slice %arg6[%add3A_448, %dma_start3A_455] : memref<80x125xi32, #tpu.memory_space<vmem>> -> memref<1x125xi32, #tpu.memory_space<vmem>>
      %dma_start3A_457 = tpu.memref_squeeze %dma_start3A_456 : memref<1x125xi32, #tpu.memory_space<vmem>> -> memref<125xi32, #tpu.memory_space<vmem>>
      %dma_start3A_458 = arith.constant 0 : i32
      %dma_start3A_459 = arith.constant 0 : i32
      %dma_start3A_460 = tpu.memref_slice %arg10[%dma_start3A_458, %dma_start3A_459] : memref<10000x16xf32, #tpu.memory_space<vmem_shared>> -> memref<10000x16xf32, #tpu.memory_space<vmem_shared>>
      tpu.enqueue_indirect_dma source(%dma_start3A_460 : memref<10000x16xf32, #tpu.memory_space<vmem_shared>>) target(%dma_start3A_454 : memref<125x16xf32, #tpu.memory_space<vmem>>) offsets(%dma_start3A_457 : memref<125xi32, #tpu.memory_space<vmem>>) semaphore(%arg12 : memref<!tpu.dma_semaphore, #tpu.memory_space<semaphore_mem>>)
      %mul3A_461 = arith.constant 10 : i32
      %mul3A_462 = arith.muli %scan3A_302, %mul3A_461 : i32
      %add3A_463 = arith.constant 9 : i32
      %add3A_464 = arith.addi %mul3A_462, %add3A_463 : i32
      %add3A_465 = arith.constant 9 : i32
      %add3A_466 = arith.addi %mul3A_314, %add3A_465 : i32
      %dma_start3A_467 = arith.constant 0 : i32
      %dma_start3A_468 = arith.constant 0 : i32
      %dma_start3A_469 = tpu.memref_slice %arg8[%add3A_466, %dma_start3A_467, %dma_start3A_468] : memref<20x125x16xf32, #tpu.memory_space<vmem>> -> memref<1x125x16xf32, #tpu.memory_space<vmem>>
      %dma_start3A_470 = tpu.memref_squeeze %dma_start3A_469 : memref<1x125x16xf32, #tpu.memory_space<vmem>> -> memref<125x16xf32, #tpu.memory_space<vmem>>
      %dma_start3A_471 = arith.constant 0 : i32
      %dma_start3A_472 = tpu.memref_slice %arg6[%add3A_464, %dma_start3A_471] : memref<80x125xi32, #tpu.memory_space<vmem>> -> memref<1x125xi32, #tpu.memory_space<vmem>>
      %dma_start3A_473 = tpu.memref_squeeze %dma_start3A_472 : memref<1x125xi32, #tpu.memory_space<vmem>> -> memref<125xi32, #tpu.memory_space<vmem>>
      %dma_start3A_474 = arith.constant 0 : i32
      %dma_start3A_475 = arith.constant 0 : i32
      %dma_start3A_476 = tpu.memref_slice %arg10[%dma_start3A_474, %dma_start3A_475] : memref<10000x16xf32, #tpu.memory_space<vmem_shared>> -> memref<10000x16xf32, #tpu.memory_space<vmem_shared>>
      tpu.enqueue_indirect_dma source(%dma_start3A_476 : memref<10000x16xf32, #tpu.memory_space<vmem_shared>>) target(%dma_start3A_470 : memref<125x16xf32, #tpu.memory_space<vmem>>) offsets(%dma_start3A_473 : memref<125xi32, #tpu.memory_space<vmem>>) semaphore(%arg12 : memref<!tpu.dma_semaphore, #tpu.memory_space<semaphore_mem>>)
      %dma_wait3A_477 = arith.constant 0 : i32
      %dma_wait3A_478 = arith.constant 0 : i32
      %dma_wait3A_479 = tpu.memref_slice %arg8[%add3A_322, %dma_wait3A_477, %dma_wait3A_478] : memref<20x125x16xf32, #tpu.memory_space<vmem>> -> memref<1x125x16xf32, #tpu.memory_space<vmem>>
      %dma_wait3A_480 = tpu.memref_squeeze %dma_wait3A_479 : memref<1x125x16xf32, #tpu.memory_space<vmem>> -> memref<125x16xf32, #tpu.memory_space<vmem>>
      %dma_wait3A_481 = arith.constant 0 : i32
      %dma_wait3A_482 = tpu.memref_slice %arg6[%add3A_320, %dma_wait3A_481] : memref<80x125xi32, #tpu.memory_space<vmem>> -> memref<1x125xi32, #tpu.memory_space<vmem>>
      %dma_wait3A_483 = tpu.memref_squeeze %dma_wait3A_482 : memref<1x125xi32, #tpu.memory_space<vmem>> -> memref<125xi32, #tpu.memory_space<vmem>>
      %dma_wait3A_484 = arith.constant 0 : i32
      %dma_wait3A_485 = arith.constant 0 : i32
      %dma_wait3A_486 = tpu.memref_slice %arg10[%dma_wait3A_484, %dma_wait3A_485] : memref<10000x16xf32, #tpu.memory_space<vmem_shared>> -> memref<10000x16xf32, #tpu.memory_space<vmem_shared>>
      tpu.wait_indirect_dma semaphore(%arg12 : memref<!tpu.dma_semaphore, #tpu.memory_space<semaphore_mem>>) src(%dma_wait3A_486 : memref<10000x16xf32, #tpu.memory_space<vmem_shared>>) dst(%dma_wait3A_480 : memref<125x16xf32, #tpu.memory_space<vmem>>)
      %dma_wait3A_487 = arith.constant 0 : i32
      %dma_wait3A_488 = arith.constant 0 : i32
      %dma_wait3A_489 = tpu.memref_slice %arg8[%add3A_338, %dma_wait3A_487, %dma_wait3A_488] : memref<20x125x16xf32, #tpu.memory_space<vmem>> -> memref<1x125x16xf32, #tpu.memory_space<vmem>>
      %dma_wait3A_490 = tpu.memref_squeeze %dma_wait3A_489 : memref<1x125x16xf32, #tpu.memory_space<vmem>> -> memref<125x16xf32, #tpu.memory_space<vmem>>
      %dma_wait3A_491 = arith.constant 0 : i32
      %dma_wait3A_492 = tpu.memref_slice %arg6[%add3A_336, %dma_wait3A_491] : memref<80x125xi32, #tpu.memory_space<vmem>> -> memref<1x125xi32, #tpu.memory_space<vmem>>
      %dma_wait3A_493 = tpu.memref_squeeze %dma_wait3A_492 : memref<1x125xi32, #tpu.memory_space<vmem>> -> memref<125xi32, #tpu.memory_space<vmem>>
      %dma_wait3A_494 = arith.constant 0 : i32
      %dma_wait3A_495 = arith.constant 0 : i32
      %dma_wait3A_496 = tpu.memref_slice %arg10[%dma_wait3A_494, %dma_wait3A_495] : memref<10000x16xf32, #tpu.memory_space<vmem_shared>> -> memref<10000x16xf32, #tpu.memory_space<vmem_shared>>
      tpu.wait_indirect_dma semaphore(%arg12 : memref<!tpu.dma_semaphore, #tpu.memory_space<semaphore_mem>>) src(%dma_wait3A_496 : memref<10000x16xf32, #tpu.memory_space<vmem_shared>>) dst(%dma_wait3A_490 : memref<125x16xf32, #tpu.memory_space<vmem>>)
      %dma_wait3A_497 = arith.constant 0 : i32
      %dma_wait3A_498 = arith.constant 0 : i32
      %dma_wait3A_499 = tpu.memref_slice %arg8[%add3A_354, %dma_wait3A_497, %dma_wait3A_498] : memref<20x125x16xf32, #tpu.memory_space<vmem>> -> memref<1x125x16xf32, #tpu.memory_space<vmem>>
      %dma_wait3A_500 = tpu.memref_squeeze %dma_wait3A_499 : memref<1x125x16xf32, #tpu.memory_space<vmem>> -> memref<125x16xf32, #tpu.memory_space<vmem>>
      %dma_wait3A_501 = arith.constant 0 : i32
      %dma_wait3A_502 = tpu.memref_slice %arg6[%add3A_352, %dma_wait3A_501] : memref<80x125xi32, #tpu.memory_space<vmem>> -> memref<1x125xi32, #tpu.memory_space<vmem>>
      %dma_wait3A_503 = tpu.memref_squeeze %dma_wait3A_502 : memref<1x125xi32, #tpu.memory_space<vmem>> -> memref<125xi32, #tpu.memory_space<vmem>>
      %dma_wait3A_504 = arith.constant 0 : i32
      %dma_wait3A_505 = arith.constant 0 : i32
      %dma_wait3A_506 = tpu.memref_slice %arg10[%dma_wait3A_504, %dma_wait3A_505] : memref<10000x16xf32, #tpu.memory_space<vmem_shared>> -> memref<10000x16xf32, #tpu.memory_space<vmem_shared>>
      tpu.wait_indirect_dma semaphore(%arg12 : memref<!tpu.dma_semaphore, #tpu.memory_space<semaphore_mem>>) src(%dma_wait3A_506 : memref<10000x16xf32, #tpu.memory_space<vmem_shared>>) dst(%dma_wait3A_500 : memref<125x16xf32, #tpu.memory_space<vmem>>)
      %dma_wait3A_507 = arith.constant 0 : i32
      %dma_wait3A_508 = arith.constant 0 : i32
      %dma_wait3A_509 = tpu.memref_slice %arg8[%add3A_370, %dma_wait3A_507, %dma_wait3A_508] : memref<20x125x16xf32, #tpu.memory_space<vmem>> -> memref<1x125x16xf32, #tpu.memory_space<vmem>>
      %dma_wait3A_510 = tpu.memref_squeeze %dma_wait3A_509 : memref<1x125x16xf32, #tpu.memory_space<vmem>> -> memref<125x16xf32, #tpu.memory_space<vmem>>
      %dma_wait3A_511 = arith.constant 0 : i32
      %dma_wait3A_512 = tpu.memref_slice %arg6[%add3A_368, %dma_wait3A_511] : memref<80x125xi32, #tpu.memory_space<vmem>> -> memref<1x125xi32, #tpu.memory_space<vmem>>
      %dma_wait3A_513 = tpu.memref_squeeze %dma_wait3A_512 : memref<1x125xi32, #tpu.memory_space<vmem>> -> memref<125xi32, #tpu.memory_space<vmem>>
      %dma_wait3A_514 = arith.constant 0 : i32
      %dma_wait3A_515 = arith.constant 0 : i32
      %dma_wait3A_516 = tpu.memref_slice %arg10[%dma_wait3A_514, %dma_wait3A_515] : memref<10000x16xf32, #tpu.memory_space<vmem_shared>> -> memref<10000x16xf32, #tpu.memory_space<vmem_shared>>
      tpu.wait_indirect_dma semaphore(%arg12 : memref<!tpu.dma_semaphore, #tpu.memory_space<semaphore_mem>>) src(%dma_wait3A_516 : memref<10000x16xf32, #tpu.memory_space<vmem_shared>>) dst(%dma_wait3A_510 : memref<125x16xf32, #tpu.memory_space<vmem>>)
      %dma_wait3A_517 = arith.constant 0 : i32
      %dma_wait3A_518 = arith.constant 0 : i32
      %dma_wait3A_519 = tpu.memref_slice %arg8[%add3A_386, %dma_wait3A_517, %dma_wait3A_518] : memref<20x125x16xf32, #tpu.memory_space<vmem>> -> memref<1x125x16xf32, #tpu.memory_space<vmem>>
      %dma_wait3A_520 = tpu.memref_squeeze %dma_wait3A_519 : memref<1x125x16xf32, #tpu.memory_space<vmem>> -> memref<125x16xf32, #tpu.memory_space<vmem>>
      %dma_wait3A_521 = arith.constant 0 : i32
      %dma_wait3A_522 = tpu.memref_slice %arg6[%add3A_384, %dma_wait3A_521] : memref<80x125xi32, #tpu.memory_space<vmem>> -> memref<1x125xi32, #tpu.memory_space<vmem>>
      %dma_wait3A_523 = tpu.memref_squeeze %dma_wait3A_522 : memref<1x125xi32, #tpu.memory_space<vmem>> -> memref<125xi32, #tpu.memory_space<vmem>>
      %dma_wait3A_524 = arith.constant 0 : i32
      %dma_wait3A_525 = arith.constant 0 : i32
      %dma_wait3A_526 = tpu.memref_slice %arg10[%dma_wait3A_524, %dma_wait3A_525] : memref<10000x16xf32, #tpu.memory_space<vmem_shared>> -> memref<10000x16xf32, #tpu.memory_space<vmem_shared>>
      tpu.wait_indirect_dma semaphore(%arg12 : memref<!tpu.dma_semaphore, #tpu.memory_space<semaphore_mem>>) src(%dma_wait3A_526 : memref<10000x16xf32, #tpu.memory_space<vmem_shared>>) dst(%dma_wait3A_520 : memref<125x16xf32, #tpu.memory_space<vmem>>)
      %dma_wait3A_527 = arith.constant 0 : i32
      %dma_wait3A_528 = arith.constant 0 : i32
      %dma_wait3A_529 = tpu.memref_slice %arg8[%add3A_402, %dma_wait3A_527, %dma_wait3A_528] : memref<20x125x16xf32, #tpu.memory_space<vmem>> -> memref<1x125x16xf32, #tpu.memory_space<vmem>>
      %dma_wait3A_530 = tpu.memref_squeeze %dma_wait3A_529 : memref<1x125x16xf32, #tpu.memory_space<vmem>> -> memref<125x16xf32, #tpu.memory_space<vmem>>
      %dma_wait3A_531 = arith.constant 0 : i32
      %dma_wait3A_532 = tpu.memref_slice %arg6[%add3A_400, %dma_wait3A_531] : memref<80x125xi32, #tpu.memory_space<vmem>> -> memref<1x125xi32, #tpu.memory_space<vmem>>
      %dma_wait3A_533 = tpu.memref_squeeze %dma_wait3A_532 : memref<1x125xi32, #tpu.memory_space<vmem>> -> memref<125xi32, #tpu.memory_space<vmem>>
      %dma_wait3A_534 = arith.constant 0 : i32
      %dma_wait3A_535 = arith.constant 0 : i32
      %dma_wait3A_536 = tpu.memref_slice %arg10[%dma_wait3A_534, %dma_wait3A_535] : memref<10000x16xf32, #tpu.memory_space<vmem_shared>> -> memref<10000x16xf32, #tpu.memory_space<vmem_shared>>
      tpu.wait_indirect_dma semaphore(%arg12 : memref<!tpu.dma_semaphore, #tpu.memory_space<semaphore_mem>>) src(%dma_wait3A_536 : memref<10000x16xf32, #tpu.memory_space<vmem_shared>>) dst(%dma_wait3A_530 : memref<125x16xf32, #tpu.memory_space<vmem>>)
      %dma_wait3A_537 = arith.constant 0 : i32
      %dma_wait3A_538 = arith.constant 0 : i32
      %dma_wait3A_539 = tpu.memref_slice %arg8[%add3A_418, %dma_wait3A_537, %dma_wait3A_538] : memref<20x125x16xf32, #tpu.memory_space<vmem>> -> memref<1x125x16xf32, #tpu.memory_space<vmem>>
      %dma_wait3A_540 = tpu.memref_squeeze %dma_wait3A_539 : memref<1x125x16xf32, #tpu.memory_space<vmem>> -> memref<125x16xf32, #tpu.memory_space<vmem>>
      %dma_wait3A_541 = arith.constant 0 : i32
      %dma_wait3A_542 = tpu.memref_slice %arg6[%add3A_416, %dma_wait3A_541] : memref<80x125xi32, #tpu.memory_space<vmem>> -> memref<1x125xi32, #tpu.memory_space<vmem>>
      %dma_wait3A_543 = tpu.memref_squeeze %dma_wait3A_542 : memref<1x125xi32, #tpu.memory_space<vmem>> -> memref<125xi32, #tpu.memory_space<vmem>>
      %dma_wait3A_544 = arith.constant 0 : i32
      %dma_wait3A_545 = arith.constant 0 : i32
      %dma_wait3A_546 = tpu.memref_slice %arg10[%dma_wait3A_544, %dma_wait3A_545] : memref<10000x16xf32, #tpu.memory_space<vmem_shared>> -> memref<10000x16xf32, #tpu.memory_space<vmem_shared>>
      tpu.wait_indirect_dma semaphore(%arg12 : memref<!tpu.dma_semaphore, #tpu.memory_space<semaphore_mem>>) src(%dma_wait3A_546 : memref<10000x16xf32, #tpu.memory_space<vmem_shared>>) dst(%dma_wait3A_540 : memref<125x16xf32, #tpu.memory_space<vmem>>)
      %dma_wait3A_547 = arith.constant 0 : i32
      %dma_wait3A_548 = arith.constant 0 : i32
      %dma_wait3A_549 = tpu.memref_slice %arg8[%add3A_434, %dma_wait3A_547, %dma_wait3A_548] : memref<20x125x16xf32, #tpu.memory_space<vmem>> -> memref<1x125x16xf32, #tpu.memory_space<vmem>>
      %dma_wait3A_550 = tpu.memref_squeeze %dma_wait3A_549 : memref<1x125x16xf32, #tpu.memory_space<vmem>> -> memref<125x16xf32, #tpu.memory_space<vmem>>
      %dma_wait3A_551 = arith.constant 0 : i32
      %dma_wait3A_552 = tpu.memref_slice %arg6[%add3A_432, %dma_wait3A_551] : memref<80x125xi32, #tpu.memory_space<vmem>> -> memref<1x125xi32, #tpu.memory_space<vmem>>
      %dma_wait3A_553 = tpu.memref_squeeze %dma_wait3A_552 : memref<1x125xi32, #tpu.memory_space<vmem>> -> memref<125xi32, #tpu.memory_space<vmem>>
      %dma_wait3A_554 = arith.constant 0 : i32
      %dma_wait3A_555 = arith.constant 0 : i32
      %dma_wait3A_556 = tpu.memref_slice %arg10[%dma_wait3A_554, %dma_wait3A_555] : memref<10000x16xf32, #tpu.memory_space<vmem_shared>> -> memref<10000x16xf32, #tpu.memory_space<vmem_shared>>
      tpu.wait_indirect_dma semaphore(%arg12 : memref<!tpu.dma_semaphore, #tpu.memory_space<semaphore_mem>>) src(%dma_wait3A_556 : memref<10000x16xf32, #tpu.memory_space<vmem_shared>>) dst(%dma_wait3A_550 : memref<125x16xf32, #tpu.memory_space<vmem>>)
      %dma_wait3A_557 = arith.constant 0 : i32
      %dma_wait3A_558 = arith.constant 0 : i32
      %dma_wait3A_559 = tpu.memref_slice %arg8[%add3A_450, %dma_wait3A_557, %dma_wait3A_558] : memref<20x125x16xf32, #tpu.memory_space<vmem>> -> memref<1x125x16xf32, #tpu.memory_space<vmem>>
      %dma_wait3A_560 = tpu.memref_squeeze %dma_wait3A_559 : memref<1x125x16xf32, #tpu.memory_space<vmem>> -> memref<125x16xf32, #tpu.memory_space<vmem>>
      %dma_wait3A_561 = arith.constant 0 : i32
      %dma_wait3A_562 = tpu.memref_slice %arg6[%add3A_448, %dma_wait3A_561] : memref<80x125xi32, #tpu.memory_space<vmem>> -> memref<1x125xi32, #tpu.memory_space<vmem>>
      %dma_wait3A_563 = tpu.memref_squeeze %dma_wait3A_562 : memref<1x125xi32, #tpu.memory_space<vmem>> -> memref<125xi32, #tpu.memory_space<vmem>>
      %dma_wait3A_564 = arith.constant 0 : i32
      %dma_wait3A_565 = arith.constant 0 : i32
      %dma_wait3A_566 = tpu.memref_slice %arg10[%dma_wait3A_564, %dma_wait3A_565] : memref<10000x16xf32, #tpu.memory_space<vmem_shared>> -> memref<10000x16xf32, #tpu.memory_space<vmem_shared>>
      tpu.wait_indirect_dma semaphore(%arg12 : memref<!tpu.dma_semaphore, #tpu.memory_space<semaphore_mem>>) src(%dma_wait3A_566 : memref<10000x16xf32, #tpu.memory_space<vmem_shared>>) dst(%dma_wait3A_560 : memref<125x16xf32, #tpu.memory_space<vmem>>)
      %dma_wait3A_567 = arith.constant 0 : i32
      %dma_wait3A_568 = arith.constant 0 : i32
      %dma_wait3A_569 = tpu.memref_slice %arg8[%add3A_466, %dma_wait3A_567, %dma_wait3A_568] : memref<20x125x16xf32, #tpu.memory_space<vmem>> -> memref<1x125x16xf32, #tpu.memory_space<vmem>>
      %dma_wait3A_570 = tpu.memref_squeeze %dma_wait3A_569 : memref<1x125x16xf32, #tpu.memory_space<vmem>> -> memref<125x16xf32, #tpu.memory_space<vmem>>
      %dma_wait3A_571 = arith.constant 0 : i32
      %dma_wait3A_572 = tpu.memref_slice %arg6[%add3A_464, %dma_wait3A_571] : memref<80x125xi32, #tpu.memory_space<vmem>> -> memref<1x125xi32, #tpu.memory_space<vmem>>
      %dma_wait3A_573 = tpu.memref_squeeze %dma_wait3A_572 : memref<1x125xi32, #tpu.memory_space<vmem>> -> memref<125xi32, #tpu.memory_space<vmem>>
      %dma_wait3A_574 = arith.constant 0 : i32
      %dma_wait3A_575 = arith.constant 0 : i32
      %dma_wait3A_576 = tpu.memref_slice %arg10[%dma_wait3A_574, %dma_wait3A_575] : memref<10000x16xf32, #tpu.memory_space<vmem_shared>> -> memref<10000x16xf32, #tpu.memory_space<vmem_shared>>
      tpu.wait_indirect_dma semaphore(%arg12 : memref<!tpu.dma_semaphore, #tpu.memory_space<semaphore_mem>>) src(%dma_wait3A_576 : memref<10000x16xf32, #tpu.memory_space<vmem_shared>>) dst(%dma_wait3A_570 : memref<125x16xf32, #tpu.memory_space<vmem>>)
      %mul3A_577 = arith.constant 10 : i32
      %mul3A_578 = arith.muli %scan3A_302, %mul3A_577 : i32
      %add3A_579 = arith.constant 0 : i32
      %add3A_580 = arith.addi %mul3A_578, %add3A_579 : i32
      %add3A_581 = arith.constant 0 : i32
      %add3A_582 = arith.addi %mul3A_314, %add3A_581 : i32
      %dma_start3A_583 = arith.constant 0 : i32
      %dma_start3A_584 = arith.constant 0 : i32
      %dma_start3A_585 = tpu.memref_slice %arg8[%add3A_582, %dma_start3A_583, %dma_start3A_584] : memref<20x125x16xf32, #tpu.memory_space<vmem>> -> memref<1x125x16xf32, #tpu.memory_space<vmem>>
      %dma_start3A_586 = tpu.memref_squeeze %dma_start3A_585 : memref<1x125x16xf32, #tpu.memory_space<vmem>> -> memref<125x16xf32, #tpu.memory_space<vmem>>
      %dma_start3A_587 = arith.constant 0 : i32
      %dma_start3A_588 = tpu.memref_slice %arg7[%add3A_580, %dma_start3A_587] : memref<80x125xi32, #tpu.memory_space<vmem>> -> memref<1x125xi32, #tpu.memory_space<vmem>>
      %dma_start3A_589 = tpu.memref_squeeze %dma_start3A_588 : memref<1x125xi32, #tpu.memory_space<vmem>> -> memref<125xi32, #tpu.memory_space<vmem>>
      %dma_start3A_590 = arith.constant 0 : i32
      %dma_start3A_591 = arith.constant 0 : i32
      %dma_start3A_592 = tpu.memref_slice %arg11[%dma_start3A_590, %dma_start3A_591] : memref<10000x16xf32, #tpu.memory_space<vmem_shared>> -> memref<10000x16xf32, #tpu.memory_space<vmem_shared>>
      tpu.enqueue_indirect_dma source(%dma_start3A_586 : memref<125x16xf32, #tpu.memory_space<vmem>>) target(%dma_start3A_592 : memref<10000x16xf32, #tpu.memory_space<vmem_shared>>) offsets(%dma_start3A_589 : memref<125xi32, #tpu.memory_space<vmem>>) semaphore(%arg13 : memref<!tpu.dma_semaphore, #tpu.memory_space<semaphore_mem>>) {add = true}
      %mul3A_593 = arith.constant 10 : i32
      %mul3A_594 = arith.muli %scan3A_302, %mul3A_593 : i32
      %add3A_595 = arith.constant 1 : i32
      %add3A_596 = arith.addi %mul3A_594, %add3A_595 : i32
      %add3A_597 = arith.constant 1 : i32
      %add3A_598 = arith.addi %mul3A_314, %add3A_597 : i32
      %dma_start3A_599 = arith.constant 0 : i32
      %dma_start3A_600 = arith.constant 0 : i32
      %dma_start3A_601 = tpu.memref_slice %arg8[%add3A_598, %dma_start3A_599, %dma_start3A_600] : memref<20x125x16xf32, #tpu.memory_space<vmem>> -> memref<1x125x16xf32, #tpu.memory_space<vmem>>
      %dma_start3A_602 = tpu.memref_squeeze %dma_start3A_601 : memref<1x125x16xf32, #tpu.memory_space<vmem>> -> memref<125x16xf32, #tpu.memory_space<vmem>>
      %dma_start3A_603 = arith.constant 0 : i32
      %dma_start3A_604 = tpu.memref_slice %arg7[%add3A_596, %dma_start3A_603] : memref<80x125xi32, #tpu.memory_space<vmem>> -> memref<1x125xi32, #tpu.memory_space<vmem>>
      %dma_start3A_605 = tpu.memref_squeeze %dma_start3A_604 : memref<1x125xi32, #tpu.memory_space<vmem>> -> memref<125xi32, #tpu.memory_space<vmem>>
      %dma_start3A_606 = arith.constant 0 : i32
      %dma_start3A_607 = arith.constant 0 : i32
      %dma_start3A_608 = tpu.memref_slice %arg11[%dma_start3A_606, %dma_start3A_607] : memref<10000x16xf32, #tpu.memory_space<vmem_shared>> -> memref<10000x16xf32, #tpu.memory_space<vmem_shared>>
      tpu.enqueue_indirect_dma source(%dma_start3A_602 : memref<125x16xf32, #tpu.memory_space<vmem>>) target(%dma_start3A_608 : memref<10000x16xf32, #tpu.memory_space<vmem_shared>>) offsets(%dma_start3A_605 : memref<125xi32, #tpu.memory_space<vmem>>) semaphore(%arg13 : memref<!tpu.dma_semaphore, #tpu.memory_space<semaphore_mem>>) {add = true}
      %mul3A_609 = arith.constant 10 : i32
      %mul3A_610 = arith.muli %scan3A_302, %mul3A_609 : i32
      %add3A_611 = arith.constant 2 : i32
      %add3A_612 = arith.addi %mul3A_610, %add3A_611 : i32
      %add3A_613 = arith.constant 2 : i32
      %add3A_614 = arith.addi %mul3A_314, %add3A_613 : i32
      %dma_start3A_615 = arith.constant 0 : i32
      %dma_start3A_616 = arith.constant 0 : i32
      %dma_start3A_617 = tpu.memref_slice %arg8[%add3A_614, %dma_start3A_615, %dma_start3A_616] : memref<20x125x16xf32, #tpu.memory_space<vmem>> -> memref<1x125x16xf32, #tpu.memory_space<vmem>>
      %dma_start3A_618 = tpu.memref_squeeze %dma_start3A_617 : memref<1x125x16xf32, #tpu.memory_space<vmem>> -> memref<125x16xf32, #tpu.memory_space<vmem>>
      %dma_start3A_619 = arith.constant 0 : i32
      %dma_start3A_620 = tpu.memref_slice %arg7[%add3A_612, %dma_start3A_619] : memref<80x125xi32, #tpu.memory_space<vmem>> -> memref<1x125xi32, #tpu.memory_space<vmem>>
      %dma_start3A_621 = tpu.memref_squeeze %dma_start3A_620 : memref<1x125xi32, #tpu.memory_space<vmem>> -> memref<125xi32, #tpu.memory_space<vmem>>
      %dma_start3A_622 = arith.constant 0 : i32
      %dma_start3A_623 = arith.constant 0 : i32
      %dma_start3A_624 = tpu.memref_slice %arg11[%dma_start3A_622, %dma_start3A_623] : memref<10000x16xf32, #tpu.memory_space<vmem_shared>> -> memref<10000x16xf32, #tpu.memory_space<vmem_shared>>
      tpu.enqueue_indirect_dma source(%dma_start3A_618 : memref<125x16xf32, #tpu.memory_space<vmem>>) target(%dma_start3A_624 : memref<10000x16xf32, #tpu.memory_space<vmem_shared>>) offsets(%dma_start3A_621 : memref<125xi32, #tpu.memory_space<vmem>>) semaphore(%arg13 : memref<!tpu.dma_semaphore, #tpu.memory_space<semaphore_mem>>) {add = true}
      %mul3A_625 = arith.constant 10 : i32
      %mul3A_626 = arith.muli %scan3A_302, %mul3A_625 : i32
      %add3A_627 = arith.constant 3 : i32
      %add3A_628 = arith.addi %mul3A_626, %add3A_627 : i32
      %add3A_629 = arith.constant 3 : i32
      %add3A_630 = arith.addi %mul3A_314, %add3A_629 : i32
      %dma_start3A_631 = arith.constant 0 : i32
      %dma_start3A_632 = arith.constant 0 : i32
      %dma_start3A_633 = tpu.memref_slice %arg8[%add3A_630, %dma_start3A_631, %dma_start3A_632] : memref<20x125x16xf32, #tpu.memory_space<vmem>> -> memref<1x125x16xf32, #tpu.memory_space<vmem>>
      %dma_start3A_634 = tpu.memref_squeeze %dma_start3A_633 : memref<1x125x16xf32, #tpu.memory_space<vmem>> -> memref<125x16xf32, #tpu.memory_space<vmem>>
      %dma_start3A_635 = arith.constant 0 : i32
      %dma_start3A_636 = tpu.memref_slice %arg7[%add3A_628, %dma_start3A_635] : memref<80x125xi32, #tpu.memory_space<vmem>> -> memref<1x125xi32, #tpu.memory_space<vmem>>
      %dma_start3A_637 = tpu.memref_squeeze %dma_start3A_636 : memref<1x125xi32, #tpu.memory_space<vmem>> -> memref<125xi32, #tpu.memory_space<vmem>>
      %dma_start3A_638 = arith.constant 0 : i32
      %dma_start3A_639 = arith.constant 0 : i32
      %dma_start3A_640 = tpu.memref_slice %arg11[%dma_start3A_638, %dma_start3A_639] : memref<10000x16xf32, #tpu.memory_space<vmem_shared>> -> memref<10000x16xf32, #tpu.memory_space<vmem_shared>>
      tpu.enqueue_indirect_dma source(%dma_start3A_634 : memref<125x16xf32, #tpu.memory_space<vmem>>) target(%dma_start3A_640 : memref<10000x16xf32, #tpu.memory_space<vmem_shared>>) offsets(%dma_start3A_637 : memref<125xi32, #tpu.memory_space<vmem>>) semaphore(%arg13 : memref<!tpu.dma_semaphore, #tpu.memory_space<semaphore_mem>>) {add = true}
      %mul3A_641 = arith.constant 10 : i32
      %mul3A_642 = arith.muli %scan3A_302, %mul3A_641 : i32
      %add3A_643 = arith.constant 4 : i32
      %add3A_644 = arith.addi %mul3A_642, %add3A_643 : i32
      %add3A_645 = arith.constant 4 : i32
      %add3A_646 = arith.addi %mul3A_314, %add3A_645 : i32
      %dma_start3A_647 = arith.constant 0 : i32
      %dma_start3A_648 = arith.constant 0 : i32
      %dma_start3A_649 = tpu.memref_slice %arg8[%add3A_646, %dma_start3A_647, %dma_start3A_648] : memref<20x125x16xf32, #tpu.memory_space<vmem>> -> memref<1x125x16xf32, #tpu.memory_space<vmem>>
      %dma_start3A_650 = tpu.memref_squeeze %dma_start3A_649 : memref<1x125x16xf32, #tpu.memory_space<vmem>> -> memref<125x16xf32, #tpu.memory_space<vmem>>
      %dma_start3A_651 = arith.constant 0 : i32
      %dma_start3A_652 = tpu.memref_slice %arg7[%add3A_644, %dma_start3A_651] : memref<80x125xi32, #tpu.memory_space<vmem>> -> memref<1x125xi32, #tpu.memory_space<vmem>>
      %dma_start3A_653 = tpu.memref_squeeze %dma_start3A_652 : memref<1x125xi32, #tpu.memory_space<vmem>> -> memref<125xi32, #tpu.memory_space<vmem>>
      %dma_start3A_654 = arith.constant 0 : i32
      %dma_start3A_655 = arith.constant 0 : i32
      %dma_start3A_656 = tpu.memref_slice %arg11[%dma_start3A_654, %dma_start3A_655] : memref<10000x16xf32, #tpu.memory_space<vmem_shared>> -> memref<10000x16xf32, #tpu.memory_space<vmem_shared>>
      tpu.enqueue_indirect_dma source(%dma_start3A_650 : memref<125x16xf32, #tpu.memory_space<vmem>>) target(%dma_start3A_656 : memref<10000x16xf32, #tpu.memory_space<vmem_shared>>) offsets(%dma_start3A_653 : memref<125xi32, #tpu.memory_space<vmem>>) semaphore(%arg13 : memref<!tpu.dma_semaphore, #tpu.memory_space<semaphore_mem>>) {add = true}
      %mul3A_657 = arith.constant 10 : i32
      %mul3A_658 = arith.muli %scan3A_302, %mul3A_657 : i32
      %add3A_659 = arith.constant 5 : i32
      %add3A_660 = arith.addi %mul3A_658, %add3A_659 : i32
      %add3A_661 = arith.constant 5 : i32
      %add3A_662 = arith.addi %mul3A_314, %add3A_661 : i32
      %dma_start3A_663 = arith.constant 0 : i32
      %dma_start3A_664 = arith.constant 0 : i32
      %dma_start3A_665 = tpu.memref_slice %arg8[%add3A_662, %dma_start3A_663, %dma_start3A_664] : memref<20x125x16xf32, #tpu.memory_space<vmem>> -> memref<1x125x16xf32, #tpu.memory_space<vmem>>
      %dma_start3A_666 = tpu.memref_squeeze %dma_start3A_665 : memref<1x125x16xf32, #tpu.memory_space<vmem>> -> memref<125x16xf32, #tpu.memory_space<vmem>>
      %dma_start3A_667 = arith.constant 0 : i32
      %dma_start3A_668 = tpu.memref_slice %arg7[%add3A_660, %dma_start3A_667] : memref<80x125xi32, #tpu.memory_space<vmem>> -> memref<1x125xi32, #tpu.memory_space<vmem>>
      %dma_start3A_669 = tpu.memref_squeeze %dma_start3A_668 : memref<1x125xi32, #tpu.memory_space<vmem>> -> memref<125xi32, #tpu.memory_space<vmem>>
      %dma_start3A_670 = arith.constant 0 : i32
      %dma_start3A_671 = arith.constant 0 : i32
      %dma_start3A_672 = tpu.memref_slice %arg11[%dma_start3A_670, %dma_start3A_671] : memref<10000x16xf32, #tpu.memory_space<vmem_shared>> -> memref<10000x16xf32, #tpu.memory_space<vmem_shared>>
      tpu.enqueue_indirect_dma source(%dma_start3A_666 : memref<125x16xf32, #tpu.memory_space<vmem>>) target(%dma_start3A_672 : memref<10000x16xf32, #tpu.memory_space<vmem_shared>>) offsets(%dma_start3A_669 : memref<125xi32, #tpu.memory_space<vmem>>) semaphore(%arg13 : memref<!tpu.dma_semaphore, #tpu.memory_space<semaphore_mem>>) {add = true}
      %mul3A_673 = arith.constant 10 : i32
      %mul3A_674 = arith.muli %scan3A_302, %mul3A_673 : i32
      %add3A_675 = arith.constant 6 : i32
      %add3A_676 = arith.addi %mul3A_674, %add3A_675 : i32
      %add3A_677 = arith.constant 6 : i32
      %add3A_678 = arith.addi %mul3A_314, %add3A_677 : i32
      %dma_start3A_679 = arith.constant 0 : i32
      %dma_start3A_680 = arith.constant 0 : i32
      %dma_start3A_681 = tpu.memref_slice %arg8[%add3A_678, %dma_start3A_679, %dma_start3A_680] : memref<20x125x16xf32, #tpu.memory_space<vmem>> -> memref<1x125x16xf32, #tpu.memory_space<vmem>>
      %dma_start3A_682 = tpu.memref_squeeze %dma_start3A_681 : memref<1x125x16xf32, #tpu.memory_space<vmem>> -> memref<125x16xf32, #tpu.memory_space<vmem>>
      %dma_start3A_683 = arith.constant 0 : i32
      %dma_start3A_684 = tpu.memref_slice %arg7[%add3A_676, %dma_start3A_683] : memref<80x125xi32, #tpu.memory_space<vmem>> -> memref<1x125xi32, #tpu.memory_space<vmem>>
      %dma_start3A_685 = tpu.memref_squeeze %dma_start3A_684 : memref<1x125xi32, #tpu.memory_space<vmem>> -> memref<125xi32, #tpu.memory_space<vmem>>
      %dma_start3A_686 = arith.constant 0 : i32
      %dma_start3A_687 = arith.constant 0 : i32
      %dma_start3A_688 = tpu.memref_slice %arg11[%dma_start3A_686, %dma_start3A_687] : memref<10000x16xf32, #tpu.memory_space<vmem_shared>> -> memref<10000x16xf32, #tpu.memory_space<vmem_shared>>
      tpu.enqueue_indirect_dma source(%dma_start3A_682 : memref<125x16xf32, #tpu.memory_space<vmem>>) target(%dma_start3A_688 : memref<10000x16xf32, #tpu.memory_space<vmem_shared>>) offsets(%dma_start3A_685 : memref<125xi32, #tpu.memory_space<vmem>>) semaphore(%arg13 : memref<!tpu.dma_semaphore, #tpu.memory_space<semaphore_mem>>) {add = true}
      %mul3A_689 = arith.constant 10 : i32
      %mul3A_690 = arith.muli %scan3A_302, %mul3A_689 : i32
      %add3A_691 = arith.constant 7 : i32
      %add3A_692 = arith.addi %mul3A_690, %add3A_691 : i32
      %add3A_693 = arith.constant 7 : i32
      %add3A_694 = arith.addi %mul3A_314, %add3A_693 : i32
      %dma_start3A_695 = arith.constant 0 : i32
      %dma_start3A_696 = arith.constant 0 : i32
      %dma_start3A_697 = tpu.memref_slice %arg8[%add3A_694, %dma_start3A_695, %dma_start3A_696] : memref<20x125x16xf32, #tpu.memory_space<vmem>> -> memref<1x125x16xf32, #tpu.memory_space<vmem>>
      %dma_start3A_698 = tpu.memref_squeeze %dma_start3A_697 : memref<1x125x16xf32, #tpu.memory_space<vmem>> -> memref<125x16xf32, #tpu.memory_space<vmem>>
      %dma_start3A_699 = arith.constant 0 : i32
      %dma_start3A_700 = tpu.memref_slice %arg7[%add3A_692, %dma_start3A_699] : memref<80x125xi32, #tpu.memory_space<vmem>> -> memref<1x125xi32, #tpu.memory_space<vmem>>
      %dma_start3A_701 = tpu.memref_squeeze %dma_start3A_700 : memref<1x125xi32, #tpu.memory_space<vmem>> -> memref<125xi32, #tpu.memory_space<vmem>>
      %dma_start3A_702 = arith.constant 0 : i32
      %dma_start3A_703 = arith.constant 0 : i32
      %dma_start3A_704 = tpu.memref_slice %arg11[%dma_start3A_702, %dma_start3A_703] : memref<10000x16xf32, #tpu.memory_space<vmem_shared>> -> memref<10000x16xf32, #tpu.memory_space<vmem_shared>>
      tpu.enqueue_indirect_dma source(%dma_start3A_698 : memref<125x16xf32, #tpu.memory_space<vmem>>) target(%dma_start3A_704 : memref<10000x16xf32, #tpu.memory_space<vmem_shared>>) offsets(%dma_start3A_701 : memref<125xi32, #tpu.memory_space<vmem>>) semaphore(%arg13 : memref<!tpu.dma_semaphore, #tpu.memory_space<semaphore_mem>>) {add = true}
      %mul3A_705 = arith.constant 10 : i32
      %mul3A_706 = arith.muli %scan3A_302, %mul3A_705 : i32
      %add3A_707 = arith.constant 8 : i32
      %add3A_708 = arith.addi %mul3A_706, %add3A_707 : i32
      %add3A_709 = arith.constant 8 : i32
      %add3A_710 = arith.addi %mul3A_314, %add3A_709 : i32
      %dma_start3A_711 = arith.constant 0 : i32
      %dma_start3A_712 = arith.constant 0 : i32
      %dma_start3A_713 = tpu.memref_slice %arg8[%add3A_710, %dma_start3A_711, %dma_start3A_712] : memref<20x125x16xf32, #tpu.memory_space<vmem>> -> memref<1x125x16xf32, #tpu.memory_space<vmem>>
      %dma_start3A_714 = tpu.memref_squeeze %dma_start3A_713 : memref<1x125x16xf32, #tpu.memory_space<vmem>> -> memref<125x16xf32, #tpu.memory_space<vmem>>
      %dma_start3A_715 = arith.constant 0 : i32
      %dma_start3A_716 = tpu.memref_slice %arg7[%add3A_708, %dma_start3A_715] : memref<80x125xi32, #tpu.memory_space<vmem>> -> memref<1x125xi32, #tpu.memory_space<vmem>>
      %dma_start3A_717 = tpu.memref_squeeze %dma_start3A_716 : memref<1x125xi32, #tpu.memory_space<vmem>> -> memref<125xi32, #tpu.memory_space<vmem>>
      %dma_start3A_718 = arith.constant 0 : i32
      %dma_start3A_719 = arith.constant 0 : i32
      %dma_start3A_720 = tpu.memref_slice %arg11[%dma_start3A_718, %dma_start3A_719] : memref<10000x16xf32, #tpu.memory_space<vmem_shared>> -> memref<10000x16xf32, #tpu.memory_space<vmem_shared>>
      tpu.enqueue_indirect_dma source(%dma_start3A_714 : memref<125x16xf32, #tpu.memory_space<vmem>>) target(%dma_start3A_720 : memref<10000x16xf32, #tpu.memory_space<vmem_shared>>) offsets(%dma_start3A_717 : memref<125xi32, #tpu.memory_space<vmem>>) semaphore(%arg13 : memref<!tpu.dma_semaphore, #tpu.memory_space<semaphore_mem>>) {add = true}
      %mul3A_721 = arith.constant 10 : i32
      %mul3A_722 = arith.muli %scan3A_302, %mul3A_721 : i32
      %add3A_723 = arith.constant 9 : i32
      %add3A_724 = arith.addi %mul3A_722, %add3A_723 : i32
      %add3A_725 = arith.constant 9 : i32
      %add3A_726 = arith.addi %mul3A_314, %add3A_725 : i32
      %dma_start3A_727 = arith.constant 0 : i32
      %dma_start3A_728 = arith.constant 0 : i32
      %dma_start3A_729 = tpu.memref_slice %arg8[%add3A_726, %dma_start3A_727, %dma_start3A_728] : memref<20x125x16xf32, #tpu.memory_space<vmem>> -> memref<1x125x16xf32, #tpu.memory_space<vmem>>
      %dma_start3A_730 = tpu.memref_squeeze %dma_start3A_729 : memref<1x125x16xf32, #tpu.memory_space<vmem>> -> memref<125x16xf32, #tpu.memory_space<vmem>>
      %dma_start3A_731 = arith.constant 0 : i32
      %dma_start3A_732 = tpu.memref_slice %arg7[%add3A_724, %dma_start3A_731] : memref<80x125xi32, #tpu.memory_space<vmem>> -> memref<1x125xi32, #tpu.memory_space<vmem>>
      %dma_start3A_733 = tpu.memref_squeeze %dma_start3A_732 : memref<1x125xi32, #tpu.memory_space<vmem>> -> memref<125xi32, #tpu.memory_space<vmem>>
      %dma_start3A_734 = arith.constant 0 : i32
      %dma_start3A_735 = arith.constant 0 : i32
      %dma_start3A_736 = tpu.memref_slice %arg11[%dma_start3A_734, %dma_start3A_735] : memref<10000x16xf32, #tpu.memory_space<vmem_shared>> -> memref<10000x16xf32, #tpu.memory_space<vmem_shared>>
      tpu.enqueue_indirect_dma source(%dma_start3A_730 : memref<125x16xf32, #tpu.memory_space<vmem>>) target(%dma_start3A_736 : memref<10000x16xf32, #tpu.memory_space<vmem_shared>>) offsets(%dma_start3A_733 : memref<125xi32, #tpu.memory_space<vmem>>) semaphore(%arg13 : memref<!tpu.dma_semaphore, #tpu.memory_space<semaphore_mem>>) {add = true}
      %scan3A_737 = arith.constant 0 : i32
      scf.yield %scan3A_737 : i32
    }
    %scan3A_60 = arith.constant 8 : i32
    %dma_wait3A_61 = arith.constant 0 : i32
    %dma_wait3A_62 = arith.constant 0 : i32
    %dma_wait3A_63 = arith.constant 0 : i32
    %dma_wait3A_64 = arith.constant 0 : i32
    %dma_wait3A_65 = tpu.memref_slice %arg8[%dma_wait3A_61, %dma_wait3A_63, %dma_wait3A_64] : memref<20x125x16xf32, #tpu.memory_space<vmem>> -> memref<1x125x16xf32, #tpu.memory_space<vmem>>
    %dma_wait3A_66 = tpu.memref_squeeze %dma_wait3A_65 : memref<1x125x16xf32, #tpu.memory_space<vmem>> -> memref<125x16xf32, #tpu.memory_space<vmem>>
    %dma_wait3A_67 = arith.constant 0 : i32
    %dma_wait3A_68 = tpu.memref_slice %arg7[%dma_wait3A_62, %dma_wait3A_67] : memref<80x125xi32, #tpu.memory_space<vmem>> -> memref<1x125xi32, #tpu.memory_space<vmem>>
    %dma_wait3A_69 = tpu.memref_squeeze %dma_wait3A_68 : memref<1x125xi32, #tpu.memory_space<vmem>> -> memref<125xi32, #tpu.memory_space<vmem>>
    %dma_wait3A_70 = arith.constant 0 : i32
    %dma_wait3A_71 = arith.constant 0 : i32
    %dma_wait3A_72 = tpu.memref_slice %arg11[%dma_wait3A_70, %dma_wait3A_71] : memref<10000x16xf32, #tpu.memory_space<vmem_shared>> -> memref<10000x16xf32, #tpu.memory_space<vmem_shared>>
    tpu.wait_indirect_dma semaphore(%arg13 : memref<!tpu.dma_semaphore, #tpu.memory_space<semaphore_mem>>) src(%dma_wait3A_66 : memref<125x16xf32, #tpu.memory_space<vmem>>) dst(%dma_wait3A_72 : memref<10000x16xf32, #tpu.memory_space<vmem_shared>>)
    %dma_wait3A_73 = arith.constant 1 : i32
    %dma_wait3A_74 = arith.constant 0 : i32
    %dma_wait3A_75 = arith.constant 0 : i32
    %dma_wait3A_76 = arith.constant 0 : i32
    %dma_wait3A_77 = tpu.memref_slice %arg8[%dma_wait3A_73, %dma_wait3A_75, %dma_wait3A_76] : memref<20x125x16xf32, #tpu.memory_space<vmem>> -> memref<1x125x16xf32, #tpu.memory_space<vmem>>
    %dma_wait3A_78 = tpu.memref_squeeze %dma_wait3A_77 : memref<1x125x16xf32, #tpu.memory_space<vmem>> -> memref<125x16xf32, #tpu.memory_space<vmem>>
    %dma_wait3A_79 = arith.constant 0 : i32
    %dma_wait3A_80 = tpu.memref_slice %arg7[%dma_wait3A_74, %dma_wait3A_79] : memref<80x125xi32, #tpu.memory_space<vmem>> -> memref<1x125xi32, #tpu.memory_space<vmem>>
    %dma_wait3A_81 = tpu.memref_squeeze %dma_wait3A_80 : memref<1x125xi32, #tpu.memory_space<vmem>> -> memref<125xi32, #tpu.memory_space<vmem>>
    %dma_wait3A_82 = arith.constant 0 : i32
    %dma_wait3A_83 = arith.constant 0 : i32
    %dma_wait3A_84 = tpu.memref_slice %arg11[%dma_wait3A_82, %dma_wait3A_83] : memref<10000x16xf32, #tpu.memory_space<vmem_shared>> -> memref<10000x16xf32, #tpu.memory_space<vmem_shared>>
    tpu.wait_indirect_dma semaphore(%arg13 : memref<!tpu.dma_semaphore, #tpu.memory_space<semaphore_mem>>) src(%dma_wait3A_78 : memref<125x16xf32, #tpu.memory_space<vmem>>) dst(%dma_wait3A_84 : memref<10000x16xf32, #tpu.memory_space<vmem_shared>>)
    %dma_wait3A_85 = arith.constant 2 : i32
    %dma_wait3A_86 = arith.constant 0 : i32
    %dma_wait3A_87 = arith.constant 0 : i32
    %dma_wait3A_88 = arith.constant 0 : i32
    %dma_wait3A_89 = tpu.memref_slice %arg8[%dma_wait3A_85, %dma_wait3A_87, %dma_wait3A_88] : memref<20x125x16xf32, #tpu.memory_space<vmem>> -> memref<1x125x16xf32, #tpu.memory_space<vmem>>
    %dma_wait3A_90 = tpu.memref_squeeze %dma_wait3A_89 : memref<1x125x16xf32, #tpu.memory_space<vmem>> -> memref<125x16xf32, #tpu.memory_space<vmem>>
    %dma_wait3A_91 = arith.constant 0 : i32
    %dma_wait3A_92 = tpu.memref_slice %arg7[%dma_wait3A_86, %dma_wait3A_91] : memref<80x125xi32, #tpu.memory_space<vmem>> -> memref<1x125xi32, #tpu.memory_space<vmem>>
    %dma_wait3A_93 = tpu.memref_squeeze %dma_wait3A_92 : memref<1x125xi32, #tpu.memory_space<vmem>> -> memref<125xi32, #tpu.memory_space<vmem>>
    %dma_wait3A_94 = arith.constant 0 : i32
    %dma_wait3A_95 = arith.constant 0 : i32
    %dma_wait3A_96 = tpu.memref_slice %arg11[%dma_wait3A_94, %dma_wait3A_95] : memref<10000x16xf32, #tpu.memory_space<vmem_shared>> -> memref<10000x16xf32, #tpu.memory_space<vmem_shared>>
    tpu.wait_indirect_dma semaphore(%arg13 : memref<!tpu.dma_semaphore, #tpu.memory_space<semaphore_mem>>) src(%dma_wait3A_90 : memref<125x16xf32, #tpu.memory_space<vmem>>) dst(%dma_wait3A_96 : memref<10000x16xf32, #tpu.memory_space<vmem_shared>>)
    %dma_wait3A_97 = arith.constant 3 : i32
    %dma_wait3A_98 = arith.constant 0 : i32
    %dma_wait3A_99 = arith.constant 0 : i32
    %dma_wait3A_100 = arith.constant 0 : i32
    %dma_wait3A_101 = tpu.memref_slice %arg8[%dma_wait3A_97, %dma_wait3A_99, %dma_wait3A_100] : memref<20x125x16xf32, #tpu.memory_space<vmem>> -> memref<1x125x16xf32, #tpu.memory_space<vmem>>
    %dma_wait3A_102 = tpu.memref_squeeze %dma_wait3A_101 : memref<1x125x16xf32, #tpu.memory_space<vmem>> -> memref<125x16xf32, #tpu.memory_space<vmem>>
    %dma_wait3A_103 = arith.constant 0 : i32
    %dma_wait3A_104 = tpu.memref_slice %arg7[%dma_wait3A_98, %dma_wait3A_103] : memref<80x125xi32, #tpu.memory_space<vmem>> -> memref<1x125xi32, #tpu.memory_space<vmem>>
    %dma_wait3A_105 = tpu.memref_squeeze %dma_wait3A_104 : memref<1x125xi32, #tpu.memory_space<vmem>> -> memref<125xi32, #tpu.memory_space<vmem>>
    %dma_wait3A_106 = arith.constant 0 : i32
    %dma_wait3A_107 = arith.constant 0 : i32
    %dma_wait3A_108 = tpu.memref_slice %arg11[%dma_wait3A_106, %dma_wait3A_107] : memref<10000x16xf32, #tpu.memory_space<vmem_shared>> -> memref<10000x16xf32, #tpu.memory_space<vmem_shared>>
    tpu.wait_indirect_dma semaphore(%arg13 : memref<!tpu.dma_semaphore, #tpu.memory_space<semaphore_mem>>) src(%dma_wait3A_102 : memref<125x16xf32, #tpu.memory_space<vmem>>) dst(%dma_wait3A_108 : memref<10000x16xf32, #tpu.memory_space<vmem_shared>>)
    %dma_wait3A_109 = arith.constant 4 : i32
    %dma_wait3A_110 = arith.constant 0 : i32
    %dma_wait3A_111 = arith.constant 0 : i32
    %dma_wait3A_112 = arith.constant 0 : i32
    %dma_wait3A_113 = tpu.memref_slice %arg8[%dma_wait3A_109, %dma_wait3A_111, %dma_wait3A_112] : memref<20x125x16xf32, #tpu.memory_space<vmem>> -> memref<1x125x16xf32, #tpu.memory_space<vmem>>
    %dma_wait3A_114 = tpu.memref_squeeze %dma_wait3A_113 : memref<1x125x16xf32, #tpu.memory_space<vmem>> -> memref<125x16xf32, #tpu.memory_space<vmem>>
    %dma_wait3A_115 = arith.constant 0 : i32
    %dma_wait3A_116 = tpu.memref_slice %arg7[%dma_wait3A_110, %dma_wait3A_115] : memref<80x125xi32, #tpu.memory_space<vmem>> -> memref<1x125xi32, #tpu.memory_space<vmem>>
    %dma_wait3A_117 = tpu.memref_squeeze %dma_wait3A_116 : memref<1x125xi32, #tpu.memory_space<vmem>> -> memref<125xi32, #tpu.memory_space<vmem>>
    %dma_wait3A_118 = arith.constant 0 : i32
    %dma_wait3A_119 = arith.constant 0 : i32
    %dma_wait3A_120 = tpu.memref_slice %arg11[%dma_wait3A_118, %dma_wait3A_119] : memref<10000x16xf32, #tpu.memory_space<vmem_shared>> -> memref<10000x16xf32, #tpu.memory_space<vmem_shared>>
    tpu.wait_indirect_dma semaphore(%arg13 : memref<!tpu.dma_semaphore, #tpu.memory_space<semaphore_mem>>) src(%dma_wait3A_114 : memref<125x16xf32, #tpu.memory_space<vmem>>) dst(%dma_wait3A_120 : memref<10000x16xf32, #tpu.memory_space<vmem_shared>>)
    %dma_wait3A_121 = arith.constant 5 : i32
    %dma_wait3A_122 = arith.constant 0 : i32
    %dma_wait3A_123 = arith.constant 0 : i32
    %dma_wait3A_124 = arith.constant 0 : i32
    %dma_wait3A_125 = tpu.memref_slice %arg8[%dma_wait3A_121, %dma_wait3A_123, %dma_wait3A_124] : memref<20x125x16xf32, #tpu.memory_space<vmem>> -> memref<1x125x16xf32, #tpu.memory_space<vmem>>
    %dma_wait3A_126 = tpu.memref_squeeze %dma_wait3A_125 : memref<1x125x16xf32, #tpu.memory_space<vmem>> -> memref<125x16xf32, #tpu.memory_space<vmem>>
    %dma_wait3A_127 = arith.constant 0 : i32
    %dma_wait3A_128 = tpu.memref_slice %arg7[%dma_wait3A_122, %dma_wait3A_127] : memref<80x125xi32, #tpu.memory_space<vmem>> -> memref<1x125xi32, #tpu.memory_space<vmem>>
    %dma_wait3A_129 = tpu.memref_squeeze %dma_wait3A_128 : memref<1x125xi32, #tpu.memory_space<vmem>> -> memref<125xi32, #tpu.memory_space<vmem>>
    %dma_wait3A_130 = arith.constant 0 : i32
    %dma_wait3A_131 = arith.constant 0 : i32
    %dma_wait3A_132 = tpu.memref_slice %arg11[%dma_wait3A_130, %dma_wait3A_131] : memref<10000x16xf32, #tpu.memory_space<vmem_shared>> -> memref<10000x16xf32, #tpu.memory_space<vmem_shared>>
    tpu.wait_indirect_dma semaphore(%arg13 : memref<!tpu.dma_semaphore, #tpu.memory_space<semaphore_mem>>) src(%dma_wait3A_126 : memref<125x16xf32, #tpu.memory_space<vmem>>) dst(%dma_wait3A_132 : memref<10000x16xf32, #tpu.memory_space<vmem_shared>>)
    %dma_wait3A_133 = arith.constant 6 : i32
    %dma_wait3A_134 = arith.constant 0 : i32
    %dma_wait3A_135 = arith.constant 0 : i32
    %dma_wait3A_136 = arith.constant 0 : i32
    %dma_wait3A_137 = tpu.memref_slice %arg8[%dma_wait3A_133, %dma_wait3A_135, %dma_wait3A_136] : memref<20x125x16xf32, #tpu.memory_space<vmem>> -> memref<1x125x16xf32, #tpu.memory_space<vmem>>
    %dma_wait3A_138 = tpu.memref_squeeze %dma_wait3A_137 : memref<1x125x16xf32, #tpu.memory_space<vmem>> -> memref<125x16xf32, #tpu.memory_space<vmem>>
    %dma_wait3A_139 = arith.constant 0 : i32
    %dma_wait3A_140 = tpu.memref_slice %arg7[%dma_wait3A_134, %dma_wait3A_139] : memref<80x125xi32, #tpu.memory_space<vmem>> -> memref<1x125xi32, #tpu.memory_space<vmem>>
    %dma_wait3A_141 = tpu.memref_squeeze %dma_wait3A_140 : memref<1x125xi32, #tpu.memory_space<vmem>> -> memref<125xi32, #tpu.memory_space<vmem>>
    %dma_wait3A_142 = arith.constant 0 : i32
    %dma_wait3A_143 = arith.constant 0 : i32
    %dma_wait3A_144 = tpu.memref_slice %arg11[%dma_wait3A_142, %dma_wait3A_143] : memref<10000x16xf32, #tpu.memory_space<vmem_shared>> -> memref<10000x16xf32, #tpu.memory_space<vmem_shared>>
    tpu.wait_indirect_dma semaphore(%arg13 : memref<!tpu.dma_semaphore, #tpu.memory_space<semaphore_mem>>) src(%dma_wait3A_138 : memref<125x16xf32, #tpu.memory_space<vmem>>) dst(%dma_wait3A_144 : memref<10000x16xf32, #tpu.memory_space<vmem_shared>>)
    %dma_wait3A_145 = arith.constant 7 : i32
    %dma_wait3A_146 = arith.constant 0 : i32
    %dma_wait3A_147 = arith.constant 0 : i32
    %dma_wait3A_148 = arith.constant 0 : i32
    %dma_wait3A_149 = tpu.memref_slice %arg8[%dma_wait3A_145, %dma_wait3A_147, %dma_wait3A_148] : memref<20x125x16xf32, #tpu.memory_space<vmem>> -> memref<1x125x16xf32, #tpu.memory_space<vmem>>
    %dma_wait3A_150 = tpu.memref_squeeze %dma_wait3A_149 : memref<1x125x16xf32, #tpu.memory_space<vmem>> -> memref<125x16xf32, #tpu.memory_space<vmem>>
    %dma_wait3A_151 = arith.constant 0 : i32
    %dma_wait3A_152 = tpu.memref_slice %arg7[%dma_wait3A_146, %dma_wait3A_151] : memref<80x125xi32, #tpu.memory_space<vmem>> -> memref<1x125xi32, #tpu.memory_space<vmem>>
    %dma_wait3A_153 = tpu.memref_squeeze %dma_wait3A_152 : memref<1x125xi32, #tpu.memory_space<vmem>> -> memref<125xi32, #tpu.memory_space<vmem>>
    %dma_wait3A_154 = arith.constant 0 : i32
    %dma_wait3A_155 = arith.constant 0 : i32
    %dma_wait3A_156 = tpu.memref_slice %arg11[%dma_wait3A_154, %dma_wait3A_155] : memref<10000x16xf32, #tpu.memory_space<vmem_shared>> -> memref<10000x16xf32, #tpu.memory_space<vmem_shared>>
    tpu.wait_indirect_dma semaphore(%arg13 : memref<!tpu.dma_semaphore, #tpu.memory_space<semaphore_mem>>) src(%dma_wait3A_150 : memref<125x16xf32, #tpu.memory_space<vmem>>) dst(%dma_wait3A_156 : memref<10000x16xf32, #tpu.memory_space<vmem_shared>>)
    %dma_wait3A_157 = arith.constant 8 : i32
    %dma_wait3A_158 = arith.constant 0 : i32
    %dma_wait3A_159 = arith.constant 0 : i32
    %dma_wait3A_160 = arith.constant 0 : i32
    %dma_wait3A_161 = tpu.memref_slice %arg8[%dma_wait3A_157, %dma_wait3A_159, %dma_wait3A_160] : memref<20x125x16xf32, #tpu.memory_space<vmem>> -> memref<1x125x16xf32, #tpu.memory_space<vmem>>
    %dma_wait3A_162 = tpu.memref_squeeze %dma_wait3A_161 : memref<1x125x16xf32, #tpu.memory_space<vmem>> -> memref<125x16xf32, #tpu.memory_space<vmem>>
    %dma_wait3A_163 = arith.constant 0 : i32
    %dma_wait3A_164 = tpu.memref_slice %arg7[%dma_wait3A_158, %dma_wait3A_163] : memref<80x125xi32, #tpu.memory_space<vmem>> -> memref<1x125xi32, #tpu.memory_space<vmem>>
    %dma_wait3A_165 = tpu.memref_squeeze %dma_wait3A_164 : memref<1x125xi32, #tpu.memory_space<vmem>> -> memref<125xi32, #tpu.memory_space<vmem>>
    %dma_wait3A_166 = arith.constant 0 : i32
    %dma_wait3A_167 = arith.constant 0 : i32
    %dma_wait3A_168 = tpu.memref_slice %arg11[%dma_wait3A_166, %dma_wait3A_167] : memref<10000x16xf32, #tpu.memory_space<vmem_shared>> -> memref<10000x16xf32, #tpu.memory_space<vmem_shared>>
    tpu.wait_indirect_dma semaphore(%arg13 : memref<!tpu.dma_semaphore, #tpu.memory_space<semaphore_mem>>) src(%dma_wait3A_162 : memref<125x16xf32, #tpu.memory_space<vmem>>) dst(%dma_wait3A_168 : memref<10000x16xf32, #tpu.memory_space<vmem_shared>>)
    %dma_wait3A_169 = arith.constant 9 : i32
    %dma_wait3A_170 = arith.constant 0 : i32
    %dma_wait3A_171 = arith.constant 0 : i32
    %dma_wait3A_172 = arith.constant 0 : i32
    %dma_wait3A_173 = tpu.memref_slice %arg8[%dma_wait3A_169, %dma_wait3A_171, %dma_wait3A_172] : memref<20x125x16xf32, #tpu.memory_space<vmem>> -> memref<1x125x16xf32, #tpu.memory_space<vmem>>
    %dma_wait3A_174 = tpu.memref_squeeze %dma_wait3A_173 : memref<1x125x16xf32, #tpu.memory_space<vmem>> -> memref<125x16xf32, #tpu.memory_space<vmem>>
    %dma_wait3A_175 = arith.constant 0 : i32
    %dma_wait3A_176 = tpu.memref_slice %arg7[%dma_wait3A_170, %dma_wait3A_175] : memref<80x125xi32, #tpu.memory_space<vmem>> -> memref<1x125xi32, #tpu.memory_space<vmem>>
    %dma_wait3A_177 = tpu.memref_squeeze %dma_wait3A_176 : memref<1x125xi32, #tpu.memory_space<vmem>> -> memref<125xi32, #tpu.memory_space<vmem>>
    %dma_wait3A_178 = arith.constant 0 : i32
    %dma_wait3A_179 = arith.constant 0 : i32
    %dma_wait3A_180 = tpu.memref_slice %arg11[%dma_wait3A_178, %dma_wait3A_179] : memref<10000x16xf32, #tpu.memory_space<vmem_shared>> -> memref<10000x16xf32, #tpu.memory_space<vmem_shared>>
    tpu.wait_indirect_dma semaphore(%arg13 : memref<!tpu.dma_semaphore, #tpu.memory_space<semaphore_mem>>) src(%dma_wait3A_174 : memref<125x16xf32, #tpu.memory_space<vmem>>) dst(%dma_wait3A_180 : memref<10000x16xf32, #tpu.memory_space<vmem_shared>>)
    %dma_wait3A_181 = arith.constant 10 : i32
    %dma_wait3A_182 = arith.constant 0 : i32
    %dma_wait3A_183 = arith.constant 0 : i32
    %dma_wait3A_184 = arith.constant 0 : i32
    %dma_wait3A_185 = tpu.memref_slice %arg8[%dma_wait3A_181, %dma_wait3A_183, %dma_wait3A_184] : memref<20x125x16xf32, #tpu.memory_space<vmem>> -> memref<1x125x16xf32, #tpu.memory_space<vmem>>
    %dma_wait3A_186 = tpu.memref_squeeze %dma_wait3A_185 : memref<1x125x16xf32, #tpu.memory_space<vmem>> -> memref<125x16xf32, #tpu.memory_space<vmem>>
    %dma_wait3A_187 = arith.constant 0 : i32
    %dma_wait3A_188 = tpu.memref_slice %arg7[%dma_wait3A_182, %dma_wait3A_187] : memref<80x125xi32, #tpu.memory_space<vmem>> -> memref<1x125xi32, #tpu.memory_space<vmem>>
    %dma_wait3A_189 = tpu.memref_squeeze %dma_wait3A_188 : memref<1x125xi32, #tpu.memory_space<vmem>> -> memref<125xi32, #tpu.memory_space<vmem>>
    %dma_wait3A_190 = arith.constant 0 : i32
    %dma_wait3A_191 = arith.constant 0 : i32
    %dma_wait3A_192 = tpu.memref_slice %arg11[%dma_wait3A_190, %dma_wait3A_191] : memref<10000x16xf32, #tpu.memory_space<vmem_shared>> -> memref<10000x16xf32, #tpu.memory_space<vmem_shared>>
    tpu.wait_indirect_dma semaphore(%arg13 : memref<!tpu.dma_semaphore, #tpu.memory_space<semaphore_mem>>) src(%dma_wait3A_186 : memref<125x16xf32, #tpu.memory_space<vmem>>) dst(%dma_wait3A_192 : memref<10000x16xf32, #tpu.memory_space<vmem_shared>>)
    %dma_wait3A_193 = arith.constant 11 : i32
    %dma_wait3A_194 = arith.constant 0 : i32
    %dma_wait3A_195 = arith.constant 0 : i32
    %dma_wait3A_196 = arith.constant 0 : i32
    %dma_wait3A_197 = tpu.memref_slice %arg8[%dma_wait3A_193, %dma_wait3A_195, %dma_wait3A_196] : memref<20x125x16xf32, #tpu.memory_space<vmem>> -> memref<1x125x16xf32, #tpu.memory_space<vmem>>
    %dma_wait3A_198 = tpu.memref_squeeze %dma_wait3A_197 : memref<1x125x16xf32, #tpu.memory_space<vmem>> -> memref<125x16xf32, #tpu.memory_space<vmem>>
    %dma_wait3A_199 = arith.constant 0 : i32
    %dma_wait3A_200 = tpu.memref_slice %arg7[%dma_wait3A_194, %dma_wait3A_199] : memref<80x125xi32, #tpu.memory_space<vmem>> -> memref<1x125xi32, #tpu.memory_space<vmem>>
    %dma_wait3A_201 = tpu.memref_squeeze %dma_wait3A_200 : memref<1x125xi32, #tpu.memory_space<vmem>> -> memref<125xi32, #tpu.memory_space<vmem>>
    %dma_wait3A_202 = arith.constant 0 : i32
    %dma_wait3A_203 = arith.constant 0 : i32
    %dma_wait3A_204 = tpu.memref_slice %arg11[%dma_wait3A_202, %dma_wait3A_203] : memref<10000x16xf32, #tpu.memory_space<vmem_shared>> -> memref<10000x16xf32, #tpu.memory_space<vmem_shared>>
    tpu.wait_indirect_dma semaphore(%arg13 : memref<!tpu.dma_semaphore, #tpu.memory_space<semaphore_mem>>) src(%dma_wait3A_198 : memref<125x16xf32, #tpu.memory_space<vmem>>) dst(%dma_wait3A_204 : memref<10000x16xf32, #tpu.memory_space<vmem_shared>>)
    %dma_wait3A_205 = arith.constant 12 : i32
    %dma_wait3A_206 = arith.constant 0 : i32
    %dma_wait3A_207 = arith.constant 0 : i32
    %dma_wait3A_208 = arith.constant 0 : i32
    %dma_wait3A_209 = tpu.memref_slice %arg8[%dma_wait3A_205, %dma_wait3A_207, %dma_wait3A_208] : memref<20x125x16xf32, #tpu.memory_space<vmem>> -> memref<1x125x16xf32, #tpu.memory_space<vmem>>
    %dma_wait3A_210 = tpu.memref_squeeze %dma_wait3A_209 : memref<1x125x16xf32, #tpu.memory_space<vmem>> -> memref<125x16xf32, #tpu.memory_space<vmem>>
    %dma_wait3A_211 = arith.constant 0 : i32
    %dma_wait3A_212 = tpu.memref_slice %arg7[%dma_wait3A_206, %dma_wait3A_211] : memref<80x125xi32, #tpu.memory_space<vmem>> -> memref<1x125xi32, #tpu.memory_space<vmem>>
    %dma_wait3A_213 = tpu.memref_squeeze %dma_wait3A_212 : memref<1x125xi32, #tpu.memory_space<vmem>> -> memref<125xi32, #tpu.memory_space<vmem>>
    %dma_wait3A_214 = arith.constant 0 : i32
    %dma_wait3A_215 = arith.constant 0 : i32
    %dma_wait3A_216 = tpu.memref_slice %arg11[%dma_wait3A_214, %dma_wait3A_215] : memref<10000x16xf32, #tpu.memory_space<vmem_shared>> -> memref<10000x16xf32, #tpu.memory_space<vmem_shared>>
    tpu.wait_indirect_dma semaphore(%arg13 : memref<!tpu.dma_semaphore, #tpu.memory_space<semaphore_mem>>) src(%dma_wait3A_210 : memref<125x16xf32, #tpu.memory_space<vmem>>) dst(%dma_wait3A_216 : memref<10000x16xf32, #tpu.memory_space<vmem_shared>>)
    %dma_wait3A_217 = arith.constant 13 : i32
    %dma_wait3A_218 = arith.constant 0 : i32
    %dma_wait3A_219 = arith.constant 0 : i32
    %dma_wait3A_220 = arith.constant 0 : i32
    %dma_wait3A_221 = tpu.memref_slice %arg8[%dma_wait3A_217, %dma_wait3A_219, %dma_wait3A_220] : memref<20x125x16xf32, #tpu.memory_space<vmem>> -> memref<1x125x16xf32, #tpu.memory_space<vmem>>
    %dma_wait3A_222 = tpu.memref_squeeze %dma_wait3A_221 : memref<1x125x16xf32, #tpu.memory_space<vmem>> -> memref<125x16xf32, #tpu.memory_space<vmem>>
    %dma_wait3A_223 = arith.constant 0 : i32
    %dma_wait3A_224 = tpu.memref_slice %arg7[%dma_wait3A_218, %dma_wait3A_223] : memref<80x125xi32, #tpu.memory_space<vmem>> -> memref<1x125xi32, #tpu.memory_space<vmem>>
    %dma_wait3A_225 = tpu.memref_squeeze %dma_wait3A_224 : memref<1x125xi32, #tpu.memory_space<vmem>> -> memref<125xi32, #tpu.memory_space<vmem>>
    %dma_wait3A_226 = arith.constant 0 : i32
    %dma_wait3A_227 = arith.constant 0 : i32
    %dma_wait3A_228 = tpu.memref_slice %arg11[%dma_wait3A_226, %dma_wait3A_227] : memref<10000x16xf32, #tpu.memory_space<vmem_shared>> -> memref<10000x16xf32, #tpu.memory_space<vmem_shared>>
    tpu.wait_indirect_dma semaphore(%arg13 : memref<!tpu.dma_semaphore, #tpu.memory_space<semaphore_mem>>) src(%dma_wait3A_222 : memref<125x16xf32, #tpu.memory_space<vmem>>) dst(%dma_wait3A_228 : memref<10000x16xf32, #tpu.memory_space<vmem_shared>>)
    %dma_wait3A_229 = arith.constant 14 : i32
    %dma_wait3A_230 = arith.constant 0 : i32
    %dma_wait3A_231 = arith.constant 0 : i32
    %dma_wait3A_232 = arith.constant 0 : i32
    %dma_wait3A_233 = tpu.memref_slice %arg8[%dma_wait3A_229, %dma_wait3A_231, %dma_wait3A_232] : memref<20x125x16xf32, #tpu.memory_space<vmem>> -> memref<1x125x16xf32, #tpu.memory_space<vmem>>
    %dma_wait3A_234 = tpu.memref_squeeze %dma_wait3A_233 : memref<1x125x16xf32, #tpu.memory_space<vmem>> -> memref<125x16xf32, #tpu.memory_space<vmem>>
    %dma_wait3A_235 = arith.constant 0 : i32
    %dma_wait3A_236 = tpu.memref_slice %arg7[%dma_wait3A_230, %dma_wait3A_235] : memref<80x125xi32, #tpu.memory_space<vmem>> -> memref<1x125xi32, #tpu.memory_space<vmem>>
    %dma_wait3A_237 = tpu.memref_squeeze %dma_wait3A_236 : memref<1x125xi32, #tpu.memory_space<vmem>> -> memref<125xi32, #tpu.memory_space<vmem>>
    %dma_wait3A_238 = arith.constant 0 : i32
    %dma_wait3A_239 = arith.constant 0 : i32
    %dma_wait3A_240 = tpu.memref_slice %arg11[%dma_wait3A_238, %dma_wait3A_239] : memref<10000x16xf32, #tpu.memory_space<vmem_shared>> -> memref<10000x16xf32, #tpu.memory_space<vmem_shared>>
    tpu.wait_indirect_dma semaphore(%arg13 : memref<!tpu.dma_semaphore, #tpu.memory_space<semaphore_mem>>) src(%dma_wait3A_234 : memref<125x16xf32, #tpu.memory_space<vmem>>) dst(%dma_wait3A_240 : memref<10000x16xf32, #tpu.memory_space<vmem_shared>>)
    %dma_wait3A_241 = arith.constant 15 : i32
    %dma_wait3A_242 = arith.constant 0 : i32
    %dma_wait3A_243 = arith.constant 0 : i32
    %dma_wait3A_244 = arith.constant 0 : i32
    %dma_wait3A_245 = tpu.memref_slice %arg8[%dma_wait3A_241, %dma_wait3A_243, %dma_wait3A_244] : memref<20x125x16xf32, #tpu.memory_space<vmem>> -> memref<1x125x16xf32, #tpu.memory_space<vmem>>
    %dma_wait3A_246 = tpu.memref_squeeze %dma_wait3A_245 : memref<1x125x16xf32, #tpu.memory_space<vmem>> -> memref<125x16xf32, #tpu.memory_space<vmem>>
    %dma_wait3A_247 = arith.constant 0 : i32
    %dma_wait3A_248 = tpu.memref_slice %arg7[%dma_wait3A_242, %dma_wait3A_247] : memref<80x125xi32, #tpu.memory_space<vmem>> -> memref<1x125xi32, #tpu.memory_space<vmem>>
    %dma_wait3A_249 = tpu.memref_squeeze %dma_wait3A_248 : memref<1x125xi32, #tpu.memory_space<vmem>> -> memref<125xi32, #tpu.memory_space<vmem>>
    %dma_wait3A_250 = arith.constant 0 : i32
    %dma_wait3A_251 = arith.constant 0 : i32
    %dma_wait3A_252 = tpu.memref_slice %arg11[%dma_wait3A_250, %dma_wait3A_251] : memref<10000x16xf32, #tpu.memory_space<vmem_shared>> -> memref<10000x16xf32, #tpu.memory_space<vmem_shared>>
    tpu.wait_indirect_dma semaphore(%arg13 : memref<!tpu.dma_semaphore, #tpu.memory_space<semaphore_mem>>) src(%dma_wait3A_246 : memref<125x16xf32, #tpu.memory_space<vmem>>) dst(%dma_wait3A_252 : memref<10000x16xf32, #tpu.memory_space<vmem_shared>>)
    %dma_wait3A_253 = arith.constant 16 : i32
    %dma_wait3A_254 = arith.constant 0 : i32
    %dma_wait3A_255 = arith.constant 0 : i32
    %dma_wait3A_256 = arith.constant 0 : i32
    %dma_wait3A_257 = tpu.memref_slice %arg8[%dma_wait3A_253, %dma_wait3A_255, %dma_wait3A_256] : memref<20x125x16xf32, #tpu.memory_space<vmem>> -> memref<1x125x16xf32, #tpu.memory_space<vmem>>
    %dma_wait3A_258 = tpu.memref_squeeze %dma_wait3A_257 : memref<1x125x16xf32, #tpu.memory_space<vmem>> -> memref<125x16xf32, #tpu.memory_space<vmem>>
    %dma_wait3A_259 = arith.constant 0 : i32
    %dma_wait3A_260 = tpu.memref_slice %arg7[%dma_wait3A_254, %dma_wait3A_259] : memref<80x125xi32, #tpu.memory_space<vmem>> -> memref<1x125xi32, #tpu.memory_space<vmem>>
    %dma_wait3A_261 = tpu.memref_squeeze %dma_wait3A_260 : memref<1x125xi32, #tpu.memory_space<vmem>> -> memref<125xi32, #tpu.memory_space<vmem>>
    %dma_wait3A_262 = arith.constant 0 : i32
    %dma_wait3A_263 = arith.constant 0 : i32
    %dma_wait3A_264 = tpu.memref_slice %arg11[%dma_wait3A_262, %dma_wait3A_263] : memref<10000x16xf32, #tpu.memory_space<vmem_shared>> -> memref<10000x16xf32, #tpu.memory_space<vmem_shared>>
    tpu.wait_indirect_dma semaphore(%arg13 : memref<!tpu.dma_semaphore, #tpu.memory_space<semaphore_mem>>) src(%dma_wait3A_258 : memref<125x16xf32, #tpu.memory_space<vmem>>) dst(%dma_wait3A_264 : memref<10000x16xf32, #tpu.memory_space<vmem_shared>>)
    %dma_wait3A_265 = arith.constant 17 : i32
    %dma_wait3A_266 = arith.constant 0 : i32
    %dma_wait3A_267 = arith.constant 0 : i32
    %dma_wait3A_268 = arith.constant 0 : i32
    %dma_wait3A_269 = tpu.memref_slice %arg8[%dma_wait3A_265, %dma_wait3A_267, %dma_wait3A_268] : memref<20x125x16xf32, #tpu.memory_space<vmem>> -> memref<1x125x16xf32, #tpu.memory_space<vmem>>
    %dma_wait3A_270 = tpu.memref_squeeze %dma_wait3A_269 : memref<1x125x16xf32, #tpu.memory_space<vmem>> -> memref<125x16xf32, #tpu.memory_space<vmem>>
    %dma_wait3A_271 = arith.constant 0 : i32
    %dma_wait3A_272 = tpu.memref_slice %arg7[%dma_wait3A_266, %dma_wait3A_271] : memref<80x125xi32, #tpu.memory_space<vmem>> -> memref<1x125xi32, #tpu.memory_space<vmem>>
    %dma_wait3A_273 = tpu.memref_squeeze %dma_wait3A_272 : memref<1x125xi32, #tpu.memory_space<vmem>> -> memref<125xi32, #tpu.memory_space<vmem>>
    %dma_wait3A_274 = arith.constant 0 : i32
    %dma_wait3A_275 = arith.constant 0 : i32
    %dma_wait3A_276 = tpu.memref_slice %arg11[%dma_wait3A_274, %dma_wait3A_275] : memref<10000x16xf32, #tpu.memory_space<vmem_shared>> -> memref<10000x16xf32, #tpu.memory_space<vmem_shared>>
    tpu.wait_indirect_dma semaphore(%arg13 : memref<!tpu.dma_semaphore, #tpu.memory_space<semaphore_mem>>) src(%dma_wait3A_270 : memref<125x16xf32, #tpu.memory_space<vmem>>) dst(%dma_wait3A_276 : memref<10000x16xf32, #tpu.memory_space<vmem_shared>>)
    %dma_wait3A_277 = arith.constant 18 : i32
    %dma_wait3A_278 = arith.constant 0 : i32
    %dma_wait3A_279 = arith.constant 0 : i32
    %dma_wait3A_280 = arith.constant 0 : i32
    %dma_wait3A_281 = tpu.memref_slice %arg8[%dma_wait3A_277, %dma_wait3A_279, %dma_wait3A_280] : memref<20x125x16xf32, #tpu.memory_space<vmem>> -> memref<1x125x16xf32, #tpu.memory_space<vmem>>
    %dma_wait3A_282 = tpu.memref_squeeze %dma_wait3A_281 : memref<1x125x16xf32, #tpu.memory_space<vmem>> -> memref<125x16xf32, #tpu.memory_space<vmem>>
    %dma_wait3A_283 = arith.constant 0 : i32
    %dma_wait3A_284 = tpu.memref_slice %arg7[%dma_wait3A_278, %dma_wait3A_283] : memref<80x125xi32, #tpu.memory_space<vmem>> -> memref<1x125xi32, #tpu.memory_space<vmem>>
    %dma_wait3A_285 = tpu.memref_squeeze %dma_wait3A_284 : memref<1x125xi32, #tpu.memory_space<vmem>> -> memref<125xi32, #tpu.memory_space<vmem>>
    %dma_wait3A_286 = arith.constant 0 : i32
    %dma_wait3A_287 = arith.constant 0 : i32
    %dma_wait3A_288 = tpu.memref_slice %arg11[%dma_wait3A_286, %dma_wait3A_287] : memref<10000x16xf32, #tpu.memory_space<vmem_shared>> -> memref<10000x16xf32, #tpu.memory_space<vmem_shared>>
    tpu.wait_indirect_dma semaphore(%arg13 : memref<!tpu.dma_semaphore, #tpu.memory_space<semaphore_mem>>) src(%dma_wait3A_282 : memref<125x16xf32, #tpu.memory_space<vmem>>) dst(%dma_wait3A_288 : memref<10000x16xf32, #tpu.memory_space<vmem_shared>>)
    %dma_wait3A_289 = arith.constant 19 : i32
    %dma_wait3A_290 = arith.constant 0 : i32
    %dma_wait3A_291 = arith.constant 0 : i32
    %dma_wait3A_292 = arith.constant 0 : i32
    %dma_wait3A_293 = tpu.memref_slice %arg8[%dma_wait3A_289, %dma_wait3A_291, %dma_wait3A_292] : memref<20x125x16xf32, #tpu.memory_space<vmem>> -> memref<1x125x16xf32, #tpu.memory_space<vmem>>
    %dma_wait3A_294 = tpu.memref_squeeze %dma_wait3A_293 : memref<1x125x16xf32, #tpu.memory_space<vmem>> -> memref<125x16xf32, #tpu.memory_space<vmem>>
    %dma_wait3A_295 = arith.constant 0 : i32
    %dma_wait3A_296 = tpu.memref_slice %arg7[%dma_wait3A_290, %dma_wait3A_295] : memref<80x125xi32, #tpu.memory_space<vmem>> -> memref<1x125xi32, #tpu.memory_space<vmem>>
    %dma_wait3A_297 = tpu.memref_squeeze %dma_wait3A_296 : memref<1x125xi32, #tpu.memory_space<vmem>> -> memref<125xi32, #tpu.memory_space<vmem>>
    %dma_wait3A_298 = arith.constant 0 : i32
    %dma_wait3A_299 = arith.constant 0 : i32
    %dma_wait3A_300 = tpu.memref_slice %arg11[%dma_wait3A_298, %dma_wait3A_299] : memref<10000x16xf32, #tpu.memory_space<vmem_shared>> -> memref<10000x16xf32, #tpu.memory_space<vmem_shared>>
    tpu.wait_indirect_dma semaphore(%arg13 : memref<!tpu.dma_semaphore, #tpu.memory_space<semaphore_mem>>) src(%dma_wait3A_294 : memref<125x16xf32, #tpu.memory_space<vmem>>) dst(%dma_wait3A_300 : memref<10000x16xf32, #tpu.memory_space<vmem_shared>>)
    %barrier3A_301 = arith.constant 0 : index
    tpu.barrier barrier_id(%barrier3A_301)
    "tpu.region"() ({
      %run_scoped3A = tpu.sem_alloc : memref<!tpu.dma_semaphore, #tpu.memory_space<semaphore_mem>>
      %dma_start3A_302 = arith.constant 0 : i32
      %dma_start3A_303 = tpu.memref_slice %arg5[%arg0, %mul3A_2, %dma_start3A_302] : memref<2x10000x16xf32, #tpu.memory_space<hbm>> -> memref<1x625x16xf32, #tpu.memory_space<hbm>>
      %dma_start3A_304 = tpu.memref_squeeze %dma_start3A_303 : memref<1x625x16xf32, #tpu.memory_space<hbm>> -> memref<625x16xf32, #tpu.memory_space<hbm>>
      %dma_start3A_305 = arith.constant 0 : i32
      %dma_start3A_306 = tpu.memref_slice %arg11[%mul3A_2, %dma_start3A_305] : memref<10000x16xf32, #tpu.memory_space<vmem_shared>> -> memref<625x16xf32, #tpu.memory_space<vmem_shared>>
      tpu.enqueue_dma source(%dma_start3A_306 : memref<625x16xf32, #tpu.memory_space<vmem_shared>>) target(%dma_start3A_304 : memref<625x16xf32, #tpu.memory_space<hbm>>) target_semaphore(%run_scoped3A : memref<!tpu.dma_semaphore, #tpu.memory_space<semaphore_mem>>)
      %dma_wait3A_307 = arith.constant 0 : i32
      %dma_wait3A_308 = tpu.memref_slice %arg5[%arg0, %mul3A_2, %dma_wait3A_307] : memref<2x10000x16xf32, #tpu.memory_space<hbm>> -> memref<1x625x16xf32, #tpu.memory_space<hbm>>
      %dma_wait3A_309 = tpu.memref_squeeze %dma_wait3A_308 : memref<1x625x16xf32, #tpu.memory_space<hbm>> -> memref<625x16xf32, #tpu.memory_space<hbm>>
      %dma_wait3A_310 = arith.constant 0 : i32
      %dma_wait3A_311 = tpu.memref_slice %arg11[%mul3A_2, %dma_wait3A_310] : memref<10000x16xf32, #tpu.memory_space<vmem_shared>> -> memref<625x16xf32, #tpu.memory_space<vmem_shared>>
      tpu.wait_dma2 semaphore(%run_scoped3A : memref<!tpu.dma_semaphore, #tpu.memory_space<semaphore_mem>>) src(%dma_wait3A_311 : memref<625x16xf32, #tpu.memory_space<vmem_shared>>) dst(%dma_wait3A_309 : memref<625x16xf32, #tpu.memory_space<hbm>>)
      tpu.yield
    }) : () -> ()
    return
  }
}

module attributes {stable_mosaic.version = 14 : i64} {
  func.func @body(%arg0: memref<10000x128xf32, #tpu.memory_space<vmem>>, %arg1: memref<16x128xf32, #tpu.memory_space<vmem>>, %arg2: memref<2x1250x128xf32, #tpu.memory_space<vmem>>, %arg3: memref<1250x128xf32, #tpu.memory_space<vmem>>, %arg4: memref<1250x128xf32, #tpu.memory_space<vmem>>) attributes {dimension_semantics = [], scalar_prefetch = 0 : i64, scratch_operands = 0 : i64, tpu.core_type = #tpu.core_type<tc>} {
    %get3A = arith.constant 0 : index
    %get3A_0 = arith.constant 0 : index
    %get3A_1 = arith.constant 0 : index
    %get3A_2 = vector.load %arg2[%get3A, %get3A_0, %get3A_1] : memref<2x1250x128xf32, #tpu.memory_space<vmem>>, vector<1x1250x128xf32>
    %get3A_3 = vector.shape_cast %get3A_2 : vector<1x1250x128xf32> to vector<1250x128xf32>
    %get3A_4 = arith.constant 1 : index
    %get3A_5 = arith.constant 0 : index
    %get3A_6 = arith.constant 0 : index
    %get3A_7 = vector.load %arg2[%get3A_4, %get3A_5, %get3A_6] : memref<2x1250x128xf32, #tpu.memory_space<vmem>>, vector<1x1250x128xf32>
    %get3A_8 = vector.shape_cast %get3A_7 : vector<1x1250x128xf32> to vector<1250x128xf32>
    %add3A = arith.addf %get3A_3, %get3A_8 : vector<1250x128xf32>
    %add3A_9 = arith.constant 1.000000e+00 : f32
    %add3A_10 = vector.broadcast %add3A_9 : f32 to vector<1250x128xf32>
    %add3A_11 = arith.addf %add3A, %add3A_10 : vector<1250x128xf32>
    %rsqrt3A = math.rsqrt %add3A_11 : vector<1250x128xf32>
    %get3A_12 = arith.constant 0 : index
    %get3A_13 = arith.constant 0 : index
    %get3A_14 = vector.load %arg0[%get3A_12, %get3A_13] : memref<10000x128xf32, #tpu.memory_space<vmem>>, vector<10000x128xf32>
    %get3A_15 = arith.constant 0 : index
    %get3A_16 = arith.constant 0 : index
    %get3A_17 = vector.load %arg1[%get3A_15, %get3A_16] : memref<16x128xf32, #tpu.memory_space<vmem>>, vector<16x128xf32>
    %dot_general3A = arith.constant dense<0.000000e+00> : vector<10000x16xf32>
    %dot_general3A_18 = tpu.matmul %get3A_14, %get3A_17, %dot_general3A {dimension_numbers = #tpu.dot_dimension_numbers<[1], [1], [0], [0], [0, 0, 1, 0], [], []>, transpose_lhs_hint = false} : vector<10000x128xf32>, vector<16x128xf32>, vector<10000x16xf32> -> vector<10000x16xf32>
    %reshape3A = vector.shape_cast %dot_general3A_18 : vector<10000x16xf32> to vector<1250x8x16xf32>
    %slice3A = vector.extract_strided_slice %reshape3A {offsets = [0, 0, 0], sizes = [1250, 1, 16], strides = [1, 1, 1]} : vector<1250x8x16xf32> to vector<1250x1x16xf32>
    %squeeze3A = vector.shape_cast %slice3A : vector<1250x1x16xf32> to vector<1250x16xf32>
    %slice3A_19 = vector.extract_strided_slice %reshape3A {offsets = [0, 1, 0], sizes = [1250, 1, 16], strides = [1, 1, 1]} : vector<1250x8x16xf32> to vector<1250x1x16xf32>
    %squeeze3A_20 = vector.shape_cast %slice3A_19 : vector<1250x1x16xf32> to vector<1250x16xf32>
    %slice3A_21 = vector.extract_strided_slice %reshape3A {offsets = [0, 2, 0], sizes = [1250, 1, 16], strides = [1, 1, 1]} : vector<1250x8x16xf32> to vector<1250x1x16xf32>
    %squeeze3A_22 = vector.shape_cast %slice3A_21 : vector<1250x1x16xf32> to vector<1250x16xf32>
    %slice3A_23 = vector.extract_strided_slice %reshape3A {offsets = [0, 3, 0], sizes = [1250, 1, 16], strides = [1, 1, 1]} : vector<1250x8x16xf32> to vector<1250x1x16xf32>
    %squeeze3A_24 = vector.shape_cast %slice3A_23 : vector<1250x1x16xf32> to vector<1250x16xf32>
    %slice3A_25 = vector.extract_strided_slice %reshape3A {offsets = [0, 4, 0], sizes = [1250, 1, 16], strides = [1, 1, 1]} : vector<1250x8x16xf32> to vector<1250x1x16xf32>
    %squeeze3A_26 = vector.shape_cast %slice3A_25 : vector<1250x1x16xf32> to vector<1250x16xf32>
    %slice3A_27 = vector.extract_strided_slice %reshape3A {offsets = [0, 5, 0], sizes = [1250, 1, 16], strides = [1, 1, 1]} : vector<1250x8x16xf32> to vector<1250x1x16xf32>
    %squeeze3A_28 = vector.shape_cast %slice3A_27 : vector<1250x1x16xf32> to vector<1250x16xf32>
    %slice3A_29 = vector.extract_strided_slice %reshape3A {offsets = [0, 6, 0], sizes = [1250, 1, 16], strides = [1, 1, 1]} : vector<1250x8x16xf32> to vector<1250x1x16xf32>
    %squeeze3A_30 = vector.shape_cast %slice3A_29 : vector<1250x1x16xf32> to vector<1250x16xf32>
    %slice3A_31 = vector.extract_strided_slice %reshape3A {offsets = [0, 7, 0], sizes = [1250, 1, 16], strides = [1, 1, 1]} : vector<1250x8x16xf32> to vector<1250x1x16xf32>
    %squeeze3A_32 = vector.shape_cast %slice3A_31 : vector<1250x1x16xf32> to vector<1250x16xf32>
    %concatenate3A = tpu.concatenate %squeeze3A, %squeeze3A_20, %squeeze3A_22, %squeeze3A_24, %squeeze3A_26, %squeeze3A_28, %squeeze3A_30, %squeeze3A_32 in 1 : vector<1250x16xf32>, vector<1250x16xf32>, vector<1250x16xf32>, vector<1250x16xf32>, vector<1250x16xf32>, vector<1250x16xf32>, vector<1250x16xf32>, vector<1250x16xf32> -> vector<1250x128xf32>
    %mul3A = arith.mulf %concatenate3A, %rsqrt3A : vector<1250x128xf32>
    %swap3A = arith.constant 0 : index
    %swap3A_33 = arith.constant 0 : index
    %swap3A_34 = vector.load %arg3[%swap3A, %swap3A_33] : memref<1250x128xf32, #tpu.memory_space<vmem>>, vector<1250x128xf32>
    tpu.vector_store %arg3[%swap3A, %swap3A_33], %mul3A {strides = array<i32>} : memref<1250x128xf32, #tpu.memory_space<vmem>>, vector<1250x128xf32>,
    %swap3A_35 = arith.constant 0 : index
    %swap3A_36 = arith.constant 0 : index
    %swap3A_37 = vector.load %arg4[%swap3A_35, %swap3A_36] : memref<1250x128xf32, #tpu.memory_space<vmem>>, vector<1250x128xf32>
    tpu.vector_store %arg4[%swap3A_35, %swap3A_36], %rsqrt3A {strides = array<i32>} : memref<1250x128xf32, #tpu.memory_space<vmem>>, vector<1250x128xf32>,
    return
  }
}

module attributes {stable_mosaic.version = 14 : i64} {
  func.func @body(%arg0: memref<2x1250x128xf32, #tpu.memory_space<vmem>>, %arg1: memref<1250x128xf32, #tpu.memory_space<vmem>>, %arg2: memref<1250x128xf32, #tpu.memory_space<vmem>>, %arg3: memref<1x128xf32, #tpu.memory_space<vmem>>, %arg4: memref<128x128xf32, #tpu.memory_space<vmem>>, %arg5: memref<1250x128xf32, #tpu.memory_space<vmem>>) attributes {dimension_semantics = [], scalar_prefetch = 0 : i64, scratch_operands = 0 : i64, tpu.core_type = #tpu.core_type<tc>} {
    %get3A = arith.constant 0 : index
    %get3A_0 = arith.constant 0 : index
    %get3A_1 = vector.load %arg2[%get3A, %get3A_0] : memref<1250x128xf32, #tpu.memory_space<vmem>>, vector<1250x128xf32>
    %get3A_2 = arith.constant 0 : index
    %get3A_3 = arith.constant 0 : index
    %get3A_4 = arith.constant 0 : index
    %get3A_5 = vector.load %arg0[%get3A_2, %get3A_3, %get3A_4] : memref<2x1250x128xf32, #tpu.memory_space<vmem>>, vector<1x1250x128xf32>
    %get3A_6 = vector.shape_cast %get3A_5 : vector<1x1250x128xf32> to vector<1250x128xf32>
    %get3A_7 = arith.constant 1 : index
    %get3A_8 = arith.constant 0 : index
    %get3A_9 = arith.constant 0 : index
    %get3A_10 = vector.load %arg0[%get3A_7, %get3A_8, %get3A_9] : memref<2x1250x128xf32, #tpu.memory_space<vmem>>, vector<1x1250x128xf32>
    %get3A_11 = vector.shape_cast %get3A_10 : vector<1x1250x128xf32> to vector<1250x128xf32>
    %add3A = arith.addf %get3A_6, %get3A_11 : vector<1250x128xf32>
    %get3A_12 = arith.constant 0 : index
    %get3A_13 = arith.constant 0 : index
    %get3A_14 = vector.load %arg1[%get3A_12, %get3A_13] : memref<1250x128xf32, #tpu.memory_space<vmem>>, vector<1250x128xf32>
    %add3A_15 = arith.addf %add3A, %get3A_14 : vector<1250x128xf32>
    %mul3A = arith.mulf %get3A_1, %add3A_15 : vector<1250x128xf32>
    %get3A_16 = arith.constant 0 : index
    %get3A_17 = arith.constant 0 : index
    %get3A_18 = vector.load %arg3[%get3A_16, %get3A_17] : memref<1x128xf32, #tpu.memory_space<vmem>>, vector<1x128xf32>
    %add3A_19 = vector.broadcast %get3A_18 : vector<1x128xf32> to vector<1250x128xf32>
    %add3A_20 = arith.addf %mul3A, %add3A_19 : vector<1250x128xf32>
    %max3A = arith.constant 0.000000e+00 : f32
    %max3A_21 = vector.broadcast %max3A : f32 to vector<1250x128xf32>
    %max3A_22 = arith.maximumf %add3A_20, %max3A_21 : vector<1250x128xf32>
    %get3A_23 = arith.constant 0 : index
    %get3A_24 = arith.constant 0 : index
    %get3A_25 = vector.load %arg4[%get3A_23, %get3A_24] : memref<128x128xf32, #tpu.memory_space<vmem>>, vector<128x128xf32>
    %dot_general3A = arith.constant dense<0.000000e+00> : vector<1250x128xf32>
    %dot_general3A_26 = tpu.matmul %max3A_22, %get3A_25, %dot_general3A {dimension_numbers = #tpu.dot_dimension_numbers<[1], [0], [0], [1], [0, 0, 1, 1], [], []>, transpose_lhs_hint = false} : vector<1250x128xf32>, vector<128x128xf32>, vector<1250x128xf32> -> vector<1250x128xf32>
    %get3A_27 = arith.constant 0 : index
    %get3A_28 = arith.constant 0 : index
    %get3A_29 = vector.load %arg2[%get3A_27, %get3A_28] : memref<1250x128xf32, #tpu.memory_space<vmem>>, vector<1250x128xf32>
    %mul3A_30 = arith.mulf %dot_general3A_26, %get3A_29 : vector<1250x128xf32>
    %swap3A = arith.constant 0 : index
    %swap3A_31 = arith.constant 0 : index
    %swap3A_32 = vector.load %arg5[%swap3A, %swap3A_31] : memref<1250x128xf32, #tpu.memory_space<vmem>>, vector<1250x128xf32>
    tpu.vector_store %arg5[%swap3A, %swap3A_31], %mul3A_30 {strides = array<i32>} : memref<1250x128xf32, #tpu.memory_space<vmem>>, vector<1250x128xf32>,
    return
  }
}

module attributes {stable_mosaic.version = 14 : i64} {
  func.func @body(%arg0: memref<2x1250x128xf32, #tpu.memory_space<vmem>>, %arg1: memref<1250x128xf32, #tpu.memory_space<vmem>>, %arg2: memref<1250x128xf32, #tpu.memory_space<vmem>>, %arg3: memref<1x128xf32, #tpu.memory_space<vmem>>, %arg4: memref<1250x128xf32, #tpu.memory_space<vmem>>) attributes {dimension_semantics = [], scalar_prefetch = 0 : i64, scratch_operands = 0 : i64, tpu.core_type = #tpu.core_type<tc>} {
    %get3A = arith.constant 0 : index
    %get3A_0 = arith.constant 0 : index
    %get3A_1 = vector.load %arg2[%get3A, %get3A_0] : memref<1250x128xf32, #tpu.memory_space<vmem>>, vector<1250x128xf32>
    %get3A_2 = arith.constant 0 : index
    %get3A_3 = arith.constant 0 : index
    %get3A_4 = arith.constant 0 : index
    %get3A_5 = vector.load %arg0[%get3A_2, %get3A_3, %get3A_4] : memref<2x1250x128xf32, #tpu.memory_space<vmem>>, vector<1x1250x128xf32>
    %get3A_6 = vector.shape_cast %get3A_5 : vector<1x1250x128xf32> to vector<1250x128xf32>
    %get3A_7 = arith.constant 1 : index
    %get3A_8 = arith.constant 0 : index
    %get3A_9 = arith.constant 0 : index
    %get3A_10 = vector.load %arg0[%get3A_7, %get3A_8, %get3A_9] : memref<2x1250x128xf32, #tpu.memory_space<vmem>>, vector<1x1250x128xf32>
    %get3A_11 = vector.shape_cast %get3A_10 : vector<1x1250x128xf32> to vector<1250x128xf32>
    %add3A = arith.addf %get3A_6, %get3A_11 : vector<1250x128xf32>
    %get3A_12 = arith.constant 0 : index
    %get3A_13 = arith.constant 0 : index
    %get3A_14 = vector.load %arg1[%get3A_12, %get3A_13] : memref<1250x128xf32, #tpu.memory_space<vmem>>, vector<1250x128xf32>
    %add3A_15 = arith.addf %add3A, %get3A_14 : vector<1250x128xf32>
    %mul3A = arith.mulf %get3A_1, %add3A_15 : vector<1250x128xf32>
    %get3A_16 = arith.constant 0 : index
    %get3A_17 = arith.constant 0 : index
    %get3A_18 = vector.load %arg3[%get3A_16, %get3A_17] : memref<1x128xf32, #tpu.memory_space<vmem>>, vector<1x128xf32>
    %add3A_19 = vector.broadcast %get3A_18 : vector<1x128xf32> to vector<1250x128xf32>
    %add3A_20 = arith.addf %mul3A, %add3A_19 : vector<1250x128xf32>
    %swap3A = arith.constant 0 : index
    %swap3A_21 = arith.constant 0 : index
    %swap3A_22 = vector.load %arg4[%swap3A, %swap3A_21] : memref<1250x128xf32, #tpu.memory_space<vmem>>, vector<1250x128xf32>
    tpu.vector_store %arg4[%swap3A, %swap3A_21], %add3A_20 {strides = array<i32>} : memref<1250x128xf32, #tpu.memory_space<vmem>>, vector<1250x128xf32>,
    return
  }
}

</mosaic_0001>

<sc_bundles>
// kernel: kernel.11.cloned.1.call-start
scs
__scs_entry_jumppad:
0x0: {  	(pc) =	sbr.rel $0x88, $3  }
0x1: {  	(tag) =	ssettag $0x0;
	lr =	simm.s32 $0x1  }
0x2: {  	[smem:$0x3F9B] =	sst lr;
	_ =	strace $0xD0000000  }
0x3: {  	_ = 	snop  }
0x4: {  	_ = 	snop  }
0x5: {  	_ = 	snop  }
0x6: {  	_ = 	snop  }
0x7: {  	_ = 	snop  }
__scs_overlays_trampoline_lowered:
0x8: {  	[smem:$0x3FAA] =	sst s0  }
0x9: {  	[smem:$0x3FAB] =	sst s1  }
0xa: {  	[smem:$0x3FAC] =	sst s2  }
0xb: {  	[smem:$0x3FAD] =	sst s3  }
0xc: {  	[smem:$0x3FAE] =	sst s4  }
0xd: {  	[smem:$0x3FAF] =	sst s5  }
0xe: {  	[smem:$0x3FB0] =	sst s6  }
0xf: {  	[smem:$0x3FB1] =	sst s7  }
0x10: {  	[smem:$0x3FB2] =	sst s8  }
0x11: {  	[smem:$0x3FB3] =	sst s9;
	s0 =	simm.s32 @!p0 $0x0  }
0x12: {  	s1 =	sld [smem:$0x3F99];
	s0 =	simm.s32 @p0 $0x1  }
0x13: {  	[smem:$0x3FB4] =	sst s0;
	s0 =	simm.s32 @!p1 $0x0  }
0x14: {  	s2 =	sld [smem:$0x3F98];
	s0 =	simm.s32 @p1 $0x1  }
0x15: {  	[smem:$0x3FB5] =	sst s0;
	s0 =	simm.s32 @!p2 $0x0  }
0x16: {  	s3 =	sld [smem:$0x3FDB];
	s0 =	simm.s32 @p2 $0x1  }
0x17: {  	s4 =	simm.s32 $0x1BF5;
	[smem:$0x3FB7] =	sst s0  }
0x18: {  	s0 =	sld [smem:$0x3F9A];
	_ =	swait.ge [sflag:s4], $0x0  }
0x19: {  	s7 =	sld [smem:$0x3F9B]  }
0x1a: {  	s8 =	sadd.s32 $0xFFFFE003, lr  }
0x1b: {  	s9 =	sadd.s32 $0xFFFFFEF7, lr;
	s5 =	simm.s32 $0xFFFFFFFF;
	p2 =	slt.u32 s8, $0xFFFFF086  }
0x1c: {  	p1 =	slt.u32 s9, $0xF7A;
	s5 =	simm.s32 @!p2 $0x0  }
0x1d: {  	s5 =	simm.s32 @p1 $0x1;
	p0 =	seq.s32 s7, s2  }
0x1e: {  	s7 =	smul.u32 @!p0 $0xF7A, s2;
	p2 =	seq.s32 @!p0 s5, $0x0  }
0x1f: {  	s9 =	smul.u32 $0xF7A, s1;
	s8 =	simm.s32 @!p0 $0x1BF5;
	p2 =	por !p2, p0  }
0x20: {  	[sflag:s8] =	ssyncset.s32 @!p0 $0xFFFFF086;
	s6 =	sadd.s32 @!p0 s3, s7;
	s7 =	simm.s32 @!p0 $0x108  }
0x21: {  	s3 =	sadd.s32 s3, s9;
	s6 =	sadd.s32 @!p0 $0x88, s6;
	s7 =	simm.s32 @p2 $0x1082  }
0x22: {  	[simem:s7], [sflag:s8] =	dma.local @!p0 [hbm:s6], $0xF7A  }
0x23: {  	s9 =	sor.u32 $0xD0000000, s2;
	s6 =	simm.s32 $0x108;
	_ =	swait.ge @!p0 [sflag:s8], $0x0  }
0x24: {  	s3 =	sadd.s32 $0x88, s3;
	s6 =	simm.s32 @!p1 $0x1082;
	[sflag:s4] =	ssyncset.s32 $0xFFFFF086  }
0x25: {  	[simem:s6], [sflag:s4] =	dma.local [hbm:s3], $0xF7A  }
0x26: {  	[smem:$0x3F9B] =	sst s1;
	(tag) =	ssettag s2;
	_ =	strace s9  }
0x27: {  	s1 =	sld [smem:$0x3FAB]  }
0x28: {  	s2 =	sld [smem:$0x3FAC]  }
0x29: {  	s4 =	sld [smem:$0x3FAE]  }
0x2a: {  	p0 =	seq.s32 s5, $0x0;
	s5 =	sld [smem:$0x3FAF]  }
0x2b: {  	s6 =	sld [smem:$0x3FB0]  }
0x2c: {  	s7 =	sld [smem:$0x3FB1]  }
0x2d: {  	s3 =	simm.s32 $0x108;
	s8 =	sld [smem:$0x3FB2]  }
0x2e: {  	s3 =	simm.s32 @!p0 $0x1082;
	s9 =	sld [smem:$0x3FB3]  }
0x2f: {  	lr =	sadd.s32 s0, s3;
	s0 =	sld [smem:$0x3FAA]  }
0x30: {  	s3 =	sld [smem:$0x3FAD]  }
0x31: {  	[smem:$0x3FB6] =	sst s10  }
0x32: {  	s10 =	sld [smem:$0x3FB4];
	_ =	sdelay $0x3  }
0x33: {  	p0 =	seq.s32 s10, $0x1;
	s10 =	sld [smem:$0x3FB6];
	_ =	sdelay $0x3  }
0x34: {  	[smem:$0x3FB6] =	sst s10  }
0x35: {  	s10 =	sld [smem:$0x3FB5];
	_ =	sdelay $0x3  }
0x36: {  	p1 =	seq.s32 s10, $0x1;
	s10 =	sld [smem:$0x3FB6];
	_ =	sdelay $0x3  }
0x37: {  	[smem:$0x3FB6] =	sst s10  }
0x38: {  	s10 =	sld [smem:$0x3FB7]  }
0x39: {  	_ = 	snop;
	(pc) =	sbr.ind lr, $3  }
0x3a: {  	_ = 	snop  }
0x3b: {  	_ = 	snop  }
0x3c: {  	p2 =	seq.s32 s10, $0x1;
	s10 =	sld [smem:$0x3FB6]  }
0x3d: {  	_ =	shalt  }
0x3e: {  	_ =	shalt  }
0x3f: {  	_ =	shalt  }
0x40: {  	_ =	shalt  }
0x41: {  	_ =	shalt  }
0x42: {  	_ =	shalt  }
0x43: {  	_ =	shalt  }
0x44: {  	_ =	shalt  }
0x45: {  	_ =	shalt  }
0x46: {  	_ =	shalt  }
0x47: {  	_ =	shalt  }
0x48: {  	_ =	shalt  }
0x49: {  	_ =	shalt  }
0x4a: {  	_ =	shalt  }
0x4b: {  	_ =	shalt  }
0x4c: {  	_ =	shalt  }
0x4d: {  	_ =	shalt  }
0x4e: {  	_ =	shalt  }
0x4f: {  	_ =	shalt  }
0x50: {  	_ =	shalt  }
0x51: {  	_ =	shalt  }
0x52: {  	_ =	shalt  }
0x53: {  	_ =	shalt  }
0x54: {  	_ =	shalt  }
0x55: {  	_ =	shalt  }
0x56: {  	_ =	shalt  }
0x57: {  	_ =	shalt  }
0x58: {  	_ =	shalt  }
0x59: {  	_ =	shalt  }
0x5a: {  	_ =	shalt  }
0x5b: {  	_ =	shalt  }
0x5c: {  	_ =	shalt  }
0x5d: {  	_ =	shalt  }
0x5e: {  	_ =	shalt  }
0x5f: {  	_ =	shalt  }
0x60: {  	_ =	shalt  }
0x61: {  	_ =	shalt  }
0x62: {  	_ =	shalt  }
0x63: {  	_ =	shalt  }
0x64: {  	_ =	shalt  }
0x65: {  	_ =	shalt  }
0x66: {  	_ =	shalt  }
0x67: {  	_ =	shalt  }
0x68: {  	_ =	shalt  }
0x69: {  	_ =	shalt  }
0x6a: {  	_ =	shalt  }
0x6b: {  	_ =	shalt  }
0x6c: {  	_ =	shalt  }
0x6d: {  	_ =	shalt  }
0x6e: {  	_ =	shalt  }
0x6f: {  	_ =	shalt  }
0x70: {  	_ =	shalt  }
0x71: {  	_ =	shalt  }
0x72: {  	_ =	shalt  }
0x73: {  	_ =	shalt  }
0x74: {  	_ =	shalt  }
0x75: {  	_ =	shalt  }
0x76: {  	_ =	shalt  }
0x77: {  	_ =	shalt  }
0x78: {  	_ =	shalt  }
0x79: {  	_ =	shalt  }
0x7a: {  	_ =	shalt  }
0x7b: {  	_ =	shalt  }
0x7c: {  	_ =	shalt  }
0x7d: {  	_ =	shalt  }
0x7e: {  	_ =	shalt  }
0x7f: {  	_ =	shalt  }
0x80: {  	_ =	shalt  }
0x81: {  	_ =	shalt  }
0x82: {  	_ =	shalt  }
0x83: {  	_ =	shalt  }
0x84: {  	_ =	shalt  }
0x85: {  	_ =	shalt  }
0x86: {  	_ =	shalt  }
0x87: {  	_ =	shalt  }
.Lfunc_end0:
.L_simem_size_0:
called_computation.1_lowered:
.L_overlay_start_0:
0x88: {  	s2 =	sld [smem:$0x3FD9]  }
0x89: {  	s3 =	sld [smem:$0x3FFE];
	_ =	sdelay $0x1  }
0x8a: {  	s1 =	srdreg.scid  }
0x8b: {  	s0 =	sand.u32 $0x1, s1  }
0x8c: {  	s17 =	sshll.u32 s0, $0xA;
	s2 =	sadd.s32 s3, s2  }
0x8d: {  	s2 =	sadd.s32 s2, s17  }
0x8e: {  	[smem:$0x3FC2] =	sst s2  }
0x8f: {  	_ = 	snop  }
0x90: {  	s2 =	sld [smem:$0x3FD0];
	(tm) =	ssettm $0x1  }
0x91: {  	s18 =	sld [smem:$0x3FFB];
	_ =	sdelay $0x3  }
0x92: {  	_ =	strace s18  }
0x93: {  	s3 =	sld [smem:$0x3FFC];
	_ =	sdelay $0x3  }
0x94: {  	_ =	strace s3  }
0x95: {  	s3 =	sld [smem:$0x3FFD];
	_ =	sdelay $0x3  }
0x96: {  	_ =	strace s3  }
0x97: {  	_ =	strace $0x8FFFFFFF  }
0x98: {  	s19 =	sld [smem:$0x3FDB];
	_ =	sdelay $0x1  }
0x99: {  	s4 =	simm.s32 $_scs_section_size  }
0x9a: {  	s5 =	simm.s32 $_size__tile_overlayer_lowered;
	s6 =	simm.s32 $_tile_overlayer_lowered  }
0x9b: {  	s22 =	simm.s32 $0x1BFF;
	s21 =	sshll.u32 s6, $0x1;
	s3 =	sadd.s32 s4, s19  }
0x9c: {  	s7 =	simm.s32 $0x0;
	s20 =	sshll.u32 s5, $0x1;
	s5 =	sadd.s32 s21, s3  }
0x9d: {  	[timem:s7], [sflag:s22] =	dma.local [hbm:s5], s20  }
0x9e: {  	_ =	swait.ge [sflag:s22], s20  }
0x9f: {  	s4 =	ssub.s32 $0x0, s20;
	[sflag:s22] =	ssyncset.done $0x0  }
0xa0: {  	[sflag:s22] =	ssyncadd.s32 s4;
	_ =	sdelay $0x1  }
0xa1: {  	s23 =	simm.s32 $0x1B8B  }
0xa2: {  	_ =	swait.ge [sflag:s23], $0x1  }
0xa3: {  	[sflag:s23] =	ssyncset.done $0x0  }
0xa4: {  	s25 =	simm.s32 $0x1B8E;
	s24 =	sld [smem:$0x3FFE];
	[sflag:s23] =	ssyncadd.s32 $0xFFFFFFFF  }
0xa5: {  	s26 =	simm.s32 $execute0_lowered;
	[smem:$0x3FD2] =	sst s25  }
0xa6: {  	s5 =	sshll.u32 s26, $0x1;
	_ =	strace $0x80000049;
	[dreg:$0x1] =	wrdreg $0xFFFFFFFF  }
0xa7: {  	s28 =	simm.s32 $_size_execute0_lowered;
	s3 =	sadd.s32 s3, s5;
	[dreg:$0x0] =	wrdreg $0x0  }
0xa8: {  	s5 =	sshll.u32 s28, $0x1;
	[dreg:$0x2] =	wrdreg s3  }
0xa9: {  	[dreg:$0x3] =	wrdreg s5  }
0xaa: {  	[dreg:$0x4] =	wrdreg $0xC0  }
0xab: {  	_ =	task [dreg:s7], $0x5FFFF  }
0xac: {  	[dreg:$0x1] =	wrdreg $0xFFFFFFFF  }
0xad: {  	[dreg:$0x0] =	wrdreg $0x60  }
0xae: {  	[dreg:$0x2] =	wrdreg s2  }
0xaf: {  	[dreg:$0x3] =	wrdreg s24  }
0xb0: {  	[dreg:$0x4] =	wrdreg $0xF4100  }
0xb1: {  	[dreg:$0x5] =	wrdreg $0x11B200  }
0xb2: {  	[dreg:$0x6] =	wrdreg $0x9  }
0xb3: {  	_ =	task.clear_ibuf [dreg:s7], $0x7FFFF;
	_ =	strace $0x90000049  }
0xb4: {  	s29 =	simm.s32 $0x9;
	_ =	strace $0x8000004B  }
0xb5: {  	_ =	swait.ge [sflag:s29], $0x1  }
0xb6: {  	[sflag:s29] =	ssyncadd.s32 $0xFFFFFFFF  }
0xb7: {  	_ =	strace $0x9000004B  }
0xb8: {  	_ =	sfence  }
0xb9: {  	s30 =	sld [smem:$0x0];
	_ =	sdelay $0x2  }
0xba: {  	s31 =	sshll.u32 s1, $0xD;
	s1 =	sshrl.u32 s1, $0x2  }
0xbb: {  	s3 =	sand.u32 $0x4000, s31;
	s1 =	sadd.s32 s1, s30  }
0xbc: {  	s0 =	sor.u32 s3, s0;
	s1 =	sshll.u32 s1, $0x11  }
0xbd: {  	s0 =	sor.u32 s1, s0  }
0xbe: {  	s0 =	sadd.s32 $0x8F2B, s0  }
0xbf: {  	[sflag:s0] =	ssyncadd.remote.s32 $0x1  }
0xc0: {  	_ =	sfence.sel $0xFFFF  }
0xc1: {  	[dreg:$0x0] =	wrdreg $0xFFFFFFFF;
	(pc) =	sbr.abs _section_cstart, $3  }
0xc2: {  	[dreg:$0x1] =	wrdreg $0xFFFFFFFF  }
0xc3: {  	_ =	task.clear_ibuf [dreg:s7], $0x2FFFF;
	_ =	strace $0x9FFFFFFF  }
0xc4: {  	(tm) =	ssettm $0x7FFFFFFF  }
0xc5: {  	_ =	shalt  }
tec
execute0_lowered:
.L_overlay_start_1:
0x0: {  	(tag) =	ssettag $0x1  }
0x1: {  	s0 =	rddreg [dreg:$0x0]  }
0x2: {  	s1 =	rddreg [dreg:$0x1]  }
0x3: {  	s3 =	srdreg.scid;
	s10 =	stileid.u32  }
0x4: {  	s2 =	rddreg [dreg:$0x2];
	s8 =	simm.s32 $0x0;
	s31 =	simm.s32 $0x4E20  }
0x5: {  	s4 =	sand.u32 $0x1, s3;
	s5 =	smul.u32 $0x2710, s10;
	s3 =	rddreg [dreg:$0x3]  }
0x6: {  	s6 =	sshll.u32 s10, $0x1;
	[smem:$0x7FF] =	sst s8;
	s21 =	smul.u32 $0x9C40, s10  }
0x7: {  	s7 =	smul.u32 $0x27100, s4;
	s6 =	sor.u32 s4, s6;
	_ =	strace $0x8000004A  }
0x8: {  	s4 =	ssub.s32 $0x2, s4;
	[dreg:$0x5] =	wrdreg s31;
	s6 =	smul.u32 $0x500, s6  }
0x9: {  	s19 =	sshrl.u32 s4, $0x1;
	s20 =	sshrl.u32 s5, $0x3;
	s9 =	sadd.s32 s5, s2  }
0xa: {  	s24 =	sshrl.u32 s21, $0x2;
	s26 =	sadd.s32 s5, s3;
	s21 =	simm.s32 $0x3  }
0xb: {  	s7 =	sadd.s32 s5, s7;
	s4 =	ssub.s32 s4, s19;
	s0 =	sadd.s32 s0, s20  }
0xc: {  	s11 =	sadd.s32 s24, s3;
	s17 =	sshrl.u32 s9, $0x3;
	s19 =	simm.s32 $0xEC40  }
0xd: {  	s20 =	simm.s32 $0x4;
	[dreg:$0x6] =	wrdreg s0;
	s28 =	smax.u32 s4, $0x1  }
0xe: {  	s18 =	sadd.s32 s6, s1;
	s29 =	sadd.s32 $0x7D0, s11;
	[dreg:$0xb] =	wrdreg s28  }
0xf: {  	s6 =	sshll.u32 s10, $0x6;
	s30 =	sadd.s32 $0xFA0, s11;
	[dreg:$0xc] =	wrdreg s29  }
0x10: {  	s24 =	simm.s32 $0x2;
	s22 =	sor.u32 $0x1C03, s6;
	[dreg:$0xd] =	wrdreg s30  }
0x11: {  	s7 =	sshrl.u32 s7, $0x3;
	s23 =	sadd.s32 $0x15C00, s18;
	[dreg:$0x7] =	wrdreg s22  }
0x12: {  	s15 =	sadd.s32 $0x1770, s11;
	s25 =	sadd.s32 $0x1E00, s18;
	[dreg:$0x8] =	wrdreg s23  }
0x13: {  	s16 =	sadd.s32 $0x1F40, s11;
	s1 =	sadd.s32 s7, s1;
	[dreg:$0x9] =	wrdreg s25  }
0x14: {  	s1 =	sadd.s32 $0xBE00, s1;
	s22 =	simm.s32 $0x7D;
	s23 =	simm.s32 $0x1  }
0x15: {  	v0 =	vimm.f32 $0.0e+00;
	s25 =	sshrl.u32 s26, $0x3;
	s26 =	simm.s32 $0x0;
	[dreg:$0xa] =	wrdreg s1  }
.LBB2_1:
0x16: {  	s0 =	rddreg [dreg:$0x6]  }
0x17: {  	s1 =	rddreg [dreg:$0x7]  }
0x18: {  	[spmem:s17], [sflag:s1] =	dma.local [hbm:s0], $0x4E2  }
0x19: {  	s30 =	simm.s32 $0x0;
	s4 =	simm.s32 $0x2800;
	s1 =	rddreg [dreg:$0x8]  }
0x1a: {  	[tilespmem:s30], [sflag:$0x3] =	stream.linear.gather [hbm4b:s1+s30], $0x2800, $0x38;
	[tilespmem:$0x14230] =	vst v63  }
0x1b: {  	s0 =	simm.s32 $0x40;
	s31 =	rddreg [dreg:$0x9];
	s1 =	simm.s32 $0x0  }
0x1c: {  	[tilespmem:s4], [sflag:$0x3] =	stream.linear.gather [hbm4b:s31+s30], $0x2800, $0x38;
	[tilespmem:$0x14230] =	vst v63  }
.LBB2_2:
0x1d: {  	p0 =	seq.s32 s0, $0x1F00;
	[tilespmem:s1+$0xEC40] =	vst v0;
	s1 =	smov.u32 s0;
	s0 =	sadd.s32 $0x40, s0  }
.Ltmp0:
0x1e: {  	(pc) =	sbr.rel @!p0 .LBB2_2-.Ltmp0, $2  }
0x1f: {  	_ =	sdelay $0x2  }
0x20: {  	s1 =	sshra.s32 s1, $0x2  }
0x21: {  	[tilespmem:s1+$0xEC40] =	vst v0  }
0x22: {  	[spmem:s11] =	stream.linear.scatter [tilespmem:s19], [sflag:$0x4], $0x7D0, $0x38;
	[tilespmem:$0x14230] =	vst v63  }
0x23: {  	_ =	swait.ge [sflag:s20], $0x7D0  }
0x24: {  	[sflag:s20] =	ssyncset.done $0x0  }
0x25: {  	s0 =	rddreg [dreg:$0xc];
	[sflag:s20] =	ssyncadd.s32 $0xFFFFF830  }
0x26: {  	[spmem:s0] =	stream.linear.scatter [tilespmem:s19], [sflag:$0x4], $0x7D0, $0x38;
	[tilespmem:$0x14230] =	vst v63  }
0x27: {  	_ =	swait.ge [sflag:s20], $0x7D0  }
0x28: {  	[sflag:s20] =	ssyncset.done $0x0  }
0x29: {  	s4 =	rddreg [dreg:$0xd];
	[sflag:s20] =	ssyncadd.s32 $0xFFFFF830  }
0x2a: {  	[spmem:s4] =	stream.linear.scatter [tilespmem:s19], [sflag:$0x4], $0x7D0, $0x38;
	[tilespmem:$0x14230] =	vst v63  }
0x2b: {  	_ =	swait.ge [sflag:s20], $0x7D0  }
0x2c: {  	[sflag:s20] =	ssyncset.done $0x0  }
0x2d: {  	[sflag:s20] =	ssyncadd.s32 $0xFFFFF830  }
0x2e: {  	[spmem:s15] =	stream.linear.scatter [tilespmem:s19], [sflag:$0x4], $0x7D0, $0x38;
	[tilespmem:$0x14230] =	vst v63  }
0x2f: {  	_ =	swait.ge [sflag:s20], $0x7D0  }
0x30: {  	[sflag:s20] =	ssyncset.done $0x0  }
0x31: {  	[sflag:s20] =	ssyncadd.s32 $0xFFFFF830  }
0x32: {  	[spmem:s16] =	stream.linear.scatter [tilespmem:s19], [sflag:$0x4], $0x7D0, $0x38;
	[tilespmem:$0x14230] =	vst v63  }
0x33: {  	_ =	swait.ge [sflag:s20], $0x7D0  }
0x34: {  	[sflag:s20] =	ssyncset.done $0x0  }
0x35: {  	[sflag:s20] =	ssyncadd.s32 $0xFFFFF830  }
0x36: {  	_ =	swait.ge [sflag:s21], $0x4E2  }
0x37: {  	[sflag:s21] =	ssyncset.done $0x0  }
0x38: {  	[sflag:s21] =	ssyncadd.s32 $0xFFFFFB1E  }
0x39: {  	_ =	swait.ge [sflag:s21], $0x2800  }
0x3a: {  	[sflag:s21] =	ssyncset.done $0x0  }
0x3b: {  	[sflag:s21] =	ssyncadd.s32 $0xFFFFD800  }
0x3c: {  	_ =	swait.ge [sflag:s21], $0x2800  }
0x3d: {  	p0 =	por $0x1, $0x1;
	[sflag:s21] =	ssyncset.done $0x0  }
0x3e: {  	p0 =	por p0, p0;
	[sflag:s21] =	ssyncadd.s32 $0xFFFFD800  }
0x3f: {  	s1 =	simm.s32 @!p0 $0x2;
	[bflag:$0x0] =	sbarrier.arrive $0xFFFF  }
0x40: {  	_ =	swait.ge @!p0 [sflag:s1], $0x7D0  }
0x41: {  	[sflag:s1] =	ssyncset.done @!p0 $0x0  }
0x42: {  	[sflag:s1] =	ssyncadd.s32 @!p0 $0xFFFFF830  }
0x43: {  	_ =	swait.ge @!p0 [sflag:s1], $0x7D0  }
0x44: {  	[sflag:s1] =	ssyncset.done @!p0 $0x0  }
0x45: {  	[sflag:s1] =	ssyncadd.s32 @!p0 $0xFFFFF830  }
0x46: {  	_ =	swait.ge @!p0 [sflag:s1], $0x7D0  }
0x47: {  	[sflag:s1] =	ssyncset.done @!p0 $0x0  }
0x48: {  	[sflag:s1] =	ssyncadd.s32 @!p0 $0xFFFFF830  }
0x49: {  	_ =	swait.ge @!p0 [sflag:s1], $0x7D0  }
0x4a: {  	[sflag:s1] =	ssyncset.done @!p0 $0x0  }
0x4b: {  	[sflag:s1] =	ssyncadd.s32 @!p0 $0xFFFFF830  }
0x4c: {  	_ =	swait.ge @!p0 [sflag:s1], $0x7D0  }
0x4d: {  	[sflag:s1] =	ssyncset.done @!p0 $0x0  }
0x4e: {  	[sflag:s1] =	ssyncadd.s32 @!p0 $0xFFFFF830  }
0x4f: {  	_ =	swait.ge @!p0 [sflag:s1], $0x7D0  }
0x50: {  	[sflag:s1] =	ssyncset.done @!p0 $0x0  }
0x51: {  	[sflag:s1] =	ssyncadd.s32 @!p0 $0xFFFFF830  }
0x52: {  	_ =	swait.ge @!p0 [sflag:s1], $0x7D0  }
0x53: {  	[sflag:s1] =	ssyncset.done @!p0 $0x0  }
0x54: {  	[sflag:s1] =	ssyncadd.s32 @!p0 $0xFFFFF830  }
0x55: {  	_ =	swait.ge @!p0 [sflag:s1], $0x7D0  }
0x56: {  	[sflag:s1] =	ssyncset.done @!p0 $0x0  }
0x57: {  	[sflag:s1] =	ssyncadd.s32 @!p0 $0xFFFFF830  }
0x58: {  	_ =	swait.ge @!p0 [sflag:s1], $0x7D0  }
0x59: {  	[sflag:s1] =	ssyncset.done @!p0 $0x0  }
0x5a: {  	s5 =	simm.s32 $0x0;
	[sflag:s1] =	ssyncadd.s32 @!p0 $0xFFFFF830  }
0x5b: {  	s0 =	sand.u32 $0x1, s5;
	_ =	swait.ge @!p0 [sflag:s1], $0x7D0  }
0x5c: {  	p1 =	seq.s32 s0, $0x1;
	s4 =	rddreg [dreg:$0x5]  }
0x5d: {  	[sflag:s1] =	ssyncset.done @!p0 $0x0;
	s4 =	simm.s32 @!p1 $0x0  }
0x5e: {  	s7 =	simm.s32 $0x0;
	[sflag:s1] =	ssyncadd.s32 @!p0 $0xFFFFF830;
	s0 =	sadd.s32 $0x5000, s4  }
0x5f: {  	[tilespmem:s0], [sflag:$0x1] =	stream.indirect.gather [spmem:s2], $0x10, s7, s22, $0xb8;
	[tilespmem:$0x14230] =	vst v63  }
0x60: {  	s8 =	simm.s32 $0x80;
	s5 =	sadd.s32 $0x57D0, s4  }
0x61: {  	[tilespmem:s5], [sflag:$0x1] =	stream.indirect.gather [spmem:s2], $0x10, s8, s22, $0xb8;
	[tilespmem:$0x14230] =	vst v63  }
0x62: {  	s9 =	simm.s32 $0x100;
	s7 =	sadd.s32 $0x5FA0, s4  }
0x63: {  	[tilespmem:s7], [sflag:$0x1] =	stream.indirect.gather [spmem:s2], $0x10, s9, s22, $0xb8;
	[tilespmem:$0x14230] =	vst v63  }
0x64: {  	s10 =	simm.s32 $0x180;
	s8 =	sadd.s32 $0x6770, s4  }
0x65: {  	[tilespmem:s8], [sflag:$0x1] =	stream.indirect.gather [spmem:s2], $0x10, s10, s22, $0xb8;
	[tilespmem:$0x14230] =	vst v63  }
0x66: {  	s12 =	simm.s32 $0x200;
	s9 =	sadd.s32 $0x6F40, s4  }
0x67: {  	[tilespmem:s9], [sflag:$0x1] =	stream.indirect.gather [spmem:s2], $0x10, s12, s22, $0xb8;
	[tilespmem:$0x14230] =	vst v63  }
0x68: {  	s13 =	simm.s32 $0x280;
	s10 =	sadd.s32 $0x7710, s4  }
0x69: {  	[tilespmem:s10], [sflag:$0x1] =	stream.indirect.gather [spmem:s2], $0x10, s13, s22, $0xb8;
	[tilespmem:$0x14230] =	vst v63  }
0x6a: {  	s14 =	simm.s32 $0x300;
	s12 =	sadd.s32 $0x7EE0, s4  }
0x6b: {  	[tilespmem:s12], [sflag:$0x1] =	stream.indirect.gather [spmem:s2], $0x10, s14, s22, $0xb8;
	[tilespmem:$0x14230] =	vst v63  }
0x6c: {  	s18 =	simm.s32 $0x380;
	s13 =	sadd.s32 $0x86B0, s4  }
0x6d: {  	[tilespmem:s13], [sflag:$0x1] =	stream.indirect.gather [spmem:s2], $0x10, s18, s22, $0xb8;
	[tilespmem:$0x14230] =	vst v63  }
0x6e: {  	s14 =	simm.s32 $0x400;
	s18 =	sadd.s32 $0x8E80, s4  }
0x6f: {  	[tilespmem:s18], [sflag:$0x1] =	stream.indirect.gather [spmem:s2], $0x10, s14, s22, $0xb8;
	[tilespmem:$0x14230] =	vst v63  }
0x70: {  	s1 =	sadd.s32 $0x9650, s4;
	s14 =	simm.s32 $0x480  }
0x71: {  	[tilespmem:s1], [sflag:$0x1] =	stream.indirect.gather [spmem:s2], $0x10, s14, s22, $0xb8;
	[tilespmem:$0x14230] =	vst v63  }
0x72: {  	_ =	swait.ge [sflag:s23], $0x7D0  }
0x73: {  	[sflag:s23] =	ssyncset.done $0x0  }
0x74: {  	[sflag:s23] =	ssyncadd.s32 $0xFFFFF830  }
0x75: {  	_ =	swait.ge [sflag:s23], $0x7D0  }
0x76: {  	[sflag:s23] =	ssyncset.done $0x0  }
0x77: {  	[sflag:s23] =	ssyncadd.s32 $0xFFFFF830  }
0x78: {  	_ =	swait.ge [sflag:s23], $0x7D0  }
0x79: {  	[sflag:s23] =	ssyncset.done $0x0  }
0x7a: {  	[sflag:s23] =	ssyncadd.s32 $0xFFFFF830  }
0x7b: {  	_ =	swait.ge [sflag:s23], $0x7D0  }
0x7c: {  	[sflag:s23] =	ssyncset.done $0x0  }
0x7d: {  	[sflag:s23] =	ssyncadd.s32 $0xFFFFF830  }
0x7e: {  	_ =	swait.ge [sflag:s23], $0x7D0  }
0x7f: {  	[sflag:s23] =	ssyncset.done $0x0  }
0x80: {  	[sflag:s23] =	ssyncadd.s32 $0xFFFFF830  }
0x81: {  	_ =	swait.ge [sflag:s23], $0x7D0  }
0x82: {  	[sflag:s23] =	ssyncset.done $0x0  }
0x83: {  	[sflag:s23] =	ssyncadd.s32 $0xFFFFF830  }
0x84: {  	_ =	swait.ge [sflag:s23], $0x7D0  }
0x85: {  	[sflag:s23] =	ssyncset.done $0x0  }
0x86: {  	[sflag:s23] =	ssyncadd.s32 $0xFFFFF830  }
0x87: {  	_ =	swait.ge [sflag:s23], $0x7D0  }
0x88: {  	[sflag:s23] =	ssyncset.done $0x0  }
0x89: {  	[sflag:s23] =	ssyncadd.s32 $0xFFFFF830  }
0x8a: {  	_ =	swait.ge [sflag:s23], $0x7D0  }
0x8b: {  	[sflag:s23] =	ssyncset.done $0x0  }
0x8c: {  	[sflag:s23] =	ssyncadd.s32 $0xFFFFF830  }
0x8d: {  	_ =	swait.ge [sflag:s23], $0x7D0  }
0x8e: {  	[sflag:s23] =	ssyncset.done $0x0  }
0x8f: {  	s14 =	simm.s32 $0x2800;
	[sflag:s23] =	ssyncadd.s32 $0xFFFFF830  }
0x90: {  	[spmem:s3] =	stream.indirect.scatter.add.f32 [tilespmem:s0], [sflag:$0x2], $0x10, s14, s22, $0xb8;
	[tilespmem:$0x14230] =	vst v63  }
0x91: {  	s4 =	simm.s32 $0x2880  }
0x92: {  	[spmem:s3] =	stream.indirect.scatter.add.f32 [tilespmem:s5], [sflag:$0x2], $0x10, s4, s22, $0xb8;
	[tilespmem:$0x14230] =	vst v63  }
0x93: {  	s5 =	simm.s32 $0x2900  }
0x94: {  	[spmem:s3] =	stream.indirect.scatter.add.f32 [tilespmem:s7], [sflag:$0x2], $0x10, s5, s22, $0xb8;
	[tilespmem:$0x14230] =	vst v63  }
0x95: {  	s7 =	simm.s32 $0x2980  }
0x96: {  	[spmem:s3] =	stream.indirect.scatter.add.f32 [tilespmem:s8], [sflag:$0x2], $0x10, s7, s22, $0xb8;
	[tilespmem:$0x14230] =	vst v63  }
0x97: {  	s8 =	simm.s32 $0x2A00  }
0x98: {  	[spmem:s3] =	stream.indirect.scatter.add.f32 [tilespmem:s9], [sflag:$0x2], $0x10, s8, s22, $0xb8;
	[tilespmem:$0x14230] =	vst v63  }
0x99: {  	s28 =	simm.s32 $0x1400;
	s9 =	simm.s32 $0x2A80  }
0x9a: {  	[spmem:s3] =	stream.indirect.scatter.add.f32 [tilespmem:s10], [sflag:$0x2], $0x10, s9, s22, $0xb8;
	[tilespmem:$0x14230] =	vst v63  }
0x9b: {  	s29 =	simm.s32 $0x1;
	p6 =	por $0x1, $0x1;
	s10 =	simm.s32 $0x2B00  }
0x9c: {  	[spmem:s3] =	stream.indirect.scatter.add.f32 [tilespmem:s12], [sflag:$0x2], $0x10, s10, s22, $0xb8;
	[tilespmem:$0x14230] =	vst v63  }
0x9d: {  	s30 =	simm.s32 $0x2800;
	s31 =	simm.s32 $0x2;
	s12 =	simm.s32 $0x2B80  }
0x9e: {  	[spmem:s3] =	stream.indirect.scatter.add.f32 [tilespmem:s13], [sflag:$0x2], $0x10, s12, s22, $0xb8;
	[tilespmem:$0x14230] =	vst v63  }
0x9f: {  	p0 =	por p6, p6;
	s14 =	simm.s32 $0x2C00;
	s0 =	simm.s32 $0x2C80  }
0xa0: {  	[spmem:s3] =	stream.indirect.scatter.add.f32 [tilespmem:s18], [sflag:$0x2], $0x10, s14, s22, $0xb8;
	[tilespmem:$0x14230] =	vst v63  }
.LBB2_4:
0xa1: {  	[spmem:s3] =	stream.indirect.scatter.add.f32 [tilespmem:s1], [sflag:$0x2], $0x10, s0, s22, $0xb8;
	[tilespmem:$0x14230] =	vst v63  }
0xa2: {  	s0 =	simm.s32 @!p0 $0x2  }
0xa3: {  	_ =	swait.ge @!p0 [sflag:s0], $0x7D0  }
0xa4: {  	[sflag:s0] =	ssyncset.done @!p0 $0x0  }
0xa5: {  	[sflag:s0] =	ssyncadd.s32 @!p0 $0xFFFFF830  }
0xa6: {  	_ =	swait.ge @!p0 [sflag:s0], $0x7D0  }
0xa7: {  	[sflag:s0] =	ssyncset.done @!p0 $0x0  }
0xa8: {  	[sflag:s0] =	ssyncadd.s32 @!p0 $0xFFFFF830  }
0xa9: {  	_ =	swait.ge @!p0 [sflag:s0], $0x7D0  }
0xaa: {  	[sflag:s0] =	ssyncset.done @!p0 $0x0  }
0xab: {  	[sflag:s0] =	ssyncadd.s32 @!p0 $0xFFFFF830  }
0xac: {  	_ =	swait.ge @!p0 [sflag:s0], $0x7D0  }
0xad: {  	[sflag:s0] =	ssyncset.done @!p0 $0x0  }
0xae: {  	[sflag:s0] =	ssyncadd.s32 @!p0 $0xFFFFF830  }
0xaf: {  	_ =	swait.ge @!p0 [sflag:s0], $0x7D0  }
0xb0: {  	[sflag:s0] =	ssyncset.done @!p0 $0x0  }
0xb1: {  	[sflag:s0] =	ssyncadd.s32 @!p0 $0xFFFFF830  }
0xb2: {  	_ =	swait.ge @!p0 [sflag:s0], $0x7D0  }
0xb3: {  	[sflag:s0] =	ssyncset.done @!p0 $0x0  }
0xb4: {  	[sflag:s0] =	ssyncadd.s32 @!p0 $0xFFFFF830  }
0xb5: {  	_ =	swait.ge @!p0 [sflag:s0], $0x7D0  }
0xb6: {  	[sflag:s0] =	ssyncset.done @!p0 $0x0  }
0xb7: {  	[sflag:s0] =	ssyncadd.s32 @!p0 $0xFFFFF830  }
0xb8: {  	_ =	swait.ge @!p0 [sflag:s0], $0x7D0  }
0xb9: {  	[sflag:s0] =	ssyncset.done @!p0 $0x0  }
0xba: {  	[sflag:s0] =	ssyncadd.s32 @!p0 $0xFFFFF830  }
0xbb: {  	_ =	swait.ge @!p0 [sflag:s0], $0x7D0  }
0xbc: {  	[sflag:s0] =	ssyncset.done @!p0 $0x0  }
0xbd: {  	[sflag:s0] =	ssyncadd.s32 @!p0 $0xFFFFF830  }
0xbe: {  	s4 =	sand.u32 $0x1, s29;
	_ =	swait.ge @!p0 [sflag:s0], $0x7D0  }
0xbf: {  	p3 =	seq.s32 s4, $0x1;
	s14 =	rddreg [dreg:$0x5]  }
0xc0: {  	[sflag:s0] =	ssyncset.done @!p0 $0x0;
	s14 =	simm.s32 @!p3 $0x0  }
0xc1: {  	[sflag:s0] =	ssyncadd.s32 @!p0 $0xFFFFF830;
	s0 =	sshra.s32 s28, $0x2;
	s18 =	sadd.s32 $0x5000, s14  }
0xc2: {  	[tilespmem:s18], [sflag:$0x1] =	stream.indirect.gather [spmem:s2], $0x10, s0, s22, $0xb8;
	[tilespmem:$0x14230] =	vst v63  }
0xc3: {  	s4 =	sadd.s32 $0x57D0, s14;
	s5 =	sadd.s32 $0x80, s0  }
0xc4: {  	[tilespmem:s4], [sflag:$0x1] =	stream.indirect.gather [spmem:s2], $0x10, s5, s22, $0xb8;
	[tilespmem:$0x14230] =	vst v63  }
0xc5: {  	s7 =	sadd.s32 $0x100, s0;
	s5 =	sadd.s32 $0x5FA0, s14  }
0xc6: {  	[tilespmem:s5], [sflag:$0x1] =	stream.indirect.gather [spmem:s2], $0x10, s7, s22, $0xb8;
	[tilespmem:$0x14230] =	vst v63  }
0xc7: {  	s8 =	sadd.s32 $0x180, s0;
	s7 =	sadd.s32 $0x6770, s14  }
0xc8: {  	[tilespmem:s7], [sflag:$0x1] =	stream.indirect.gather [spmem:s2], $0x10, s8, s22, $0xb8;
	[tilespmem:$0x14230] =	vst v63  }
0xc9: {  	s9 =	sadd.s32 $0x200, s0;
	s8 =	sadd.s32 $0x6F40, s14  }
0xca: {  	[tilespmem:s8], [sflag:$0x1] =	stream.indirect.gather [spmem:s2], $0x10, s9, s22, $0xb8;
	[tilespmem:$0x14230] =	vst v63  }
0xcb: {  	s10 =	sadd.s32 $0x280, s0;
	s9 =	sadd.s32 $0x7710, s14  }
0xcc: {  	[tilespmem:s9], [sflag:$0x1] =	stream.indirect.gather [spmem:s2], $0x10, s10, s22, $0xb8;
	[tilespmem:$0x14230] =	vst v63  }
0xcd: {  	s13 =	smov.u32 s30;
	s12 =	sadd.s32 $0x300, s0;
	s10 =	sadd.s32 $0x7EE0, s14  }
0xce: {  	[tilespmem:s10], [sflag:$0x1] =	stream.indirect.gather [spmem:s2], $0x10, s12, s22, $0xb8;
	[tilespmem:$0x14230] =	vst v63  }
0xcf: {  	s28 =	smov.u32 s13;
	s13 =	sadd.s32 $0x380, s0;
	s12 =	sadd.s32 $0x86B0, s14  }
0xd0: {  	[tilespmem:s12], [sflag:$0x1] =	stream.indirect.gather [spmem:s2], $0x10, s13, s22, $0xb8;
	[tilespmem:$0x14230] =	vst v63  }
0xd1: {  	s1 =	sadd.s32 $0x400, s0;
	s13 =	sadd.s32 $0x8E80, s14  }
0xd2: {  	[tilespmem:s13], [sflag:$0x1] =	stream.indirect.gather [spmem:s2], $0x10, s1, s22, $0xb8;
	[tilespmem:$0x14230] =	vst v63  }
0xd3: {  	s1 =	sadd.s32 $0x9650, s14;
	s14 =	sadd.s32 $0x480, s0  }
0xd4: {  	[tilespmem:s1], [sflag:$0x1] =	stream.indirect.gather [spmem:s2], $0x10, s14, s22, $0xb8;
	[tilespmem:$0x14230] =	vst v63  }
0xd5: {  	_ =	swait.ge [sflag:s23], $0x7D0  }
0xd6: {  	[sflag:s23] =	ssyncset.done $0x0  }
0xd7: {  	[sflag:s23] =	ssyncadd.s32 $0xFFFFF830  }
0xd8: {  	_ =	swait.ge [sflag:s23], $0x7D0  }
0xd9: {  	[sflag:s23] =	ssyncset.done $0x0  }
0xda: {  	[sflag:s23] =	ssyncadd.s32 $0xFFFFF830  }
0xdb: {  	_ =	swait.ge [sflag:s23], $0x7D0  }
0xdc: {  	[sflag:s23] =	ssyncset.done $0x0  }
0xdd: {  	[sflag:s23] =	ssyncadd.s32 $0xFFFFF830  }
0xde: {  	_ =	swait.ge [sflag:s23], $0x7D0  }
0xdf: {  	[sflag:s23] =	ssyncset.done $0x0  }
0xe0: {  	[sflag:s23] =	ssyncadd.s32 $0xFFFFF830  }
0xe1: {  	_ =	swait.ge [sflag:s23], $0x7D0  }
0xe2: {  	[sflag:s23] =	ssyncset.done $0x0  }
0xe3: {  	[sflag:s23] =	ssyncadd.s32 $0xFFFFF830  }
0xe4: {  	_ =	swait.ge [sflag:s23], $0x7D0  }
0xe5: {  	[sflag:s23] =	ssyncset.done $0x0  }
0xe6: {  	[sflag:s23] =	ssyncadd.s32 $0xFFFFF830  }
0xe7: {  	_ =	swait.ge [sflag:s23], $0x7D0  }
0xe8: {  	[sflag:s23] =	ssyncset.done $0x0  }
0xe9: {  	[sflag:s23] =	ssyncadd.s32 $0xFFFFF830  }
0xea: {  	_ =	swait.ge [sflag:s23], $0x7D0  }
0xeb: {  	[sflag:s23] =	ssyncset.done $0x0  }
0xec: {  	[sflag:s23] =	ssyncadd.s32 $0xFFFFF830  }
0xed: {  	_ =	swait.ge [sflag:s23], $0x7D0  }
0xee: {  	[sflag:s23] =	ssyncset.done $0x0  }
0xef: {  	[sflag:s23] =	ssyncadd.s32 $0xFFFFF830  }
0xf0: {  	_ =	swait.ge [sflag:s23], $0x7D0  }
0xf1: {  	[sflag:s23] =	ssyncset.done $0x0  }
0xf2: {  	s14 =	sadd.s32 $0x2800, s0;
	[sflag:s23] =	ssyncadd.s32 $0xFFFFF830  }
0xf3: {  	[spmem:s3] =	stream.indirect.scatter.add.f32 [tilespmem:s18], [sflag:$0x2], $0x10, s14, s22, $0xb8;
	[tilespmem:$0x14230] =	vst v63  }
0xf4: {  	s18 =	sadd.s32 $0x2880, s0  }
0xf5: {  	[spmem:s3] =	stream.indirect.scatter.add.f32 [tilespmem:s4], [sflag:$0x2], $0x10, s18, s22, $0xb8;
	[tilespmem:$0x14230] =	vst v63  }
0xf6: {  	s18 =	sadd.s32 $0x2900, s0  }
0xf7: {  	[spmem:s3] =	stream.indirect.scatter.add.f32 [tilespmem:s5], [sflag:$0x2], $0x10, s18, s22, $0xb8;
	[tilespmem:$0x14230] =	vst v63  }
0xf8: {  	s5 =	sadd.s32 $0x2980, s0  }
0xf9: {  	[spmem:s3] =	stream.indirect.scatter.add.f32 [tilespmem:s7], [sflag:$0x2], $0x10, s5, s22, $0xb8;
	[tilespmem:$0x14230] =	vst v63  }
0xfa: {  	s7 =	sadd.s32 $0x2A00, s0  }
0xfb: {  	[spmem:s3] =	stream.indirect.scatter.add.f32 [tilespmem:s8], [sflag:$0x2], $0x10, s7, s22, $0xb8;
	[tilespmem:$0x14230] =	vst v63  }
0xfc: {  	s30 =	sadd.s32 $0x1400, s30;
	s8 =	sadd.s32 $0x2A80, s0  }
0xfd: {  	[spmem:s3] =	stream.indirect.scatter.add.f32 [tilespmem:s9], [sflag:$0x2], $0x10, s8, s22, $0xb8;
	[tilespmem:$0x14230] =	vst v63  }
0xfe: {  	p1 =	sne.s32 s30, $0xA000;
	s9 =	sadd.s32 $0x2B00, s0  }
0xff: {  	[spmem:s3] =	stream.indirect.scatter.add.f32 [tilespmem:s10], [sflag:$0x2], $0x10, s9, s22, $0xb8;
	[tilespmem:$0x14230] =	vst v63  }
.Ltmp1:
0x100: {  	p2 =	slt.u32 s31, $0x2;
	(pc) =	sbr.rel @p1 .LBB2_4-.Ltmp1, $4  }
0x101: {  	s29 =	smov.u32 s31;
	s31 =	sadd.s32 $0x1, s31;
	s14 =	sadd.s32 $0x2B80, s0  }
0x102: {  	[spmem:s3] =	stream.indirect.scatter.add.f32 [tilespmem:s12], [sflag:$0x2], $0x10, s14, s22, $0xb8;
	[tilespmem:$0x14230] =	vst v63  }
0x103: {  	p0 =	por p2, p2;
	s18 =	sadd.s32 $0x2C00, s0;
	s0 =	sadd.s32 $0x2C80, s0  }
0x104: {  	[spmem:s3] =	stream.indirect.scatter.add.f32 [tilespmem:s13], [sflag:$0x2], $0x10, s18, s22, $0xb8;
	[tilespmem:$0x14230] =	vst v63  }
0x105: {  	[spmem:s3] =	stream.indirect.scatter.add.f32 [tilespmem:s1], [sflag:$0x2], $0x10, s0, s22, $0xb8;
	[tilespmem:$0x14230] =	vst v63  }
0x106: {  	s0 =	simm.s32 @!p0 $0x2  }
0x107: {  	_ =	swait.ge @!p0 [sflag:s0], $0x7D0  }
0x108: {  	[sflag:s0] =	ssyncset.done @!p0 $0x0  }
0x109: {  	[sflag:s0] =	ssyncadd.s32 @!p0 $0xFFFFF830  }
0x10a: {  	_ =	swait.ge @!p0 [sflag:s0], $0x7D0  }
0x10b: {  	[sflag:s0] =	ssyncset.done @!p0 $0x0  }
0x10c: {  	[sflag:s0] =	ssyncadd.s32 @!p0 $0xFFFFF830  }
0x10d: {  	_ =	swait.ge @!p0 [sflag:s0], $0x7D0  }
0x10e: {  	[sflag:s0] =	ssyncset.done @!p0 $0x0  }
0x10f: {  	[sflag:s0] =	ssyncadd.s32 @!p0 $0xFFFFF830  }
0x110: {  	_ =	swait.ge @!p0 [sflag:s0], $0x7D0  }
0x111: {  	[sflag:s0] =	ssyncset.done @!p0 $0x0  }
0x112: {  	[sflag:s0] =	ssyncadd.s32 @!p0 $0xFFFFF830  }
0x113: {  	_ =	swait.ge @!p0 [sflag:s0], $0x7D0  }
0x114: {  	[sflag:s0] =	ssyncset.done @!p0 $0x0  }
0x115: {  	[sflag:s0] =	ssyncadd.s32 @!p0 $0xFFFFF830  }
0x116: {  	_ =	swait.ge @!p0 [sflag:s0], $0x7D0  }
0x117: {  	[sflag:s0] =	ssyncset.done @!p0 $0x0  }
0x118: {  	[sflag:s0] =	ssyncadd.s32 @!p0 $0xFFFFF830  }
0x119: {  	_ =	swait.ge @!p0 [sflag:s0], $0x7D0  }
0x11a: {  	[sflag:s0] =	ssyncset.done @!p0 $0x0  }
0x11b: {  	[sflag:s0] =	ssyncadd.s32 @!p0 $0xFFFFF830  }
0x11c: {  	_ =	swait.ge @!p0 [sflag:s0], $0x7D0  }
0x11d: {  	[sflag:s0] =	ssyncset.done @!p0 $0x0  }
0x11e: {  	[sflag:s0] =	ssyncadd.s32 @!p0 $0xFFFFF830  }
0x11f: {  	_ =	swait.ge @!p0 [sflag:s0], $0x7D0  }
0x120: {  	[sflag:s0] =	ssyncset.done @!p0 $0x0  }
0x121: {  	[sflag:s0] =	ssyncadd.s32 @!p0 $0xFFFFF830  }
0x122: {  	s4 =	sand.u32 $0x1, s29;
	_ =	swait.ge @!p0 [sflag:s0], $0x7D0  }
0x123: {  	p1 =	seq.s32 s4, $0x1;
	s1 =	rddreg [dreg:$0x5]  }
0x124: {  	[sflag:s0] =	ssyncset.done @!p0 $0x0;
	s1 =	simm.s32 @!p1 $0x0  }
0x125: {  	[sflag:s0] =	ssyncadd.s32 @!p0 $0xFFFFF830;
	s0 =	sshra.s32 s28, $0x2;
	s31 =	sadd.s32 $0x5000, s1  }
0x126: {  	[tilespmem:s31], [sflag:$0x1] =	stream.indirect.gather [spmem:s2], $0x10, s0, s22, $0xb8;
	[tilespmem:$0x14230] =	vst v63  }
0x127: {  	s5 =	sadd.s32 $0x57D0, s1;
	s7 =	sadd.s32 $0x80, s0  }
0x128: {  	[tilespmem:s5], [sflag:$0x1] =	stream.indirect.gather [spmem:s2], $0x10, s7, s22, $0xb8;
	[tilespmem:$0x14230] =	vst v63  }
0x129: {  	s8 =	sadd.s32 $0x100, s0;
	s7 =	sadd.s32 $0x5FA0, s1  }
0x12a: {  	[tilespmem:s7], [sflag:$0x1] =	stream.indirect.gather [spmem:s2], $0x10, s8, s22, $0xb8;
	[tilespmem:$0x14230] =	vst v63  }
0x12b: {  	s9 =	sadd.s32 $0x180, s0;
	s8 =	sadd.s32 $0x6770, s1  }
0x12c: {  	[tilespmem:s8], [sflag:$0x1] =	stream.indirect.gather [spmem:s2], $0x10, s9, s22, $0xb8;
	[tilespmem:$0x14230] =	vst v63  }
0x12d: {  	s10 =	sadd.s32 $0x200, s0;
	s9 =	sadd.s32 $0x6F40, s1  }
0x12e: {  	[tilespmem:s9], [sflag:$0x1] =	stream.indirect.gather [spmem:s2], $0x10, s10, s22, $0xb8;
	[tilespmem:$0x14230] =	vst v63  }
0x12f: {  	s12 =	sadd.s32 $0x280, s0;
	s10 =	sadd.s32 $0x7710, s1  }
0x130: {  	[tilespmem:s10], [sflag:$0x1] =	stream.indirect.gather [spmem:s2], $0x10, s12, s22, $0xb8;
	[tilespmem:$0x14230] =	vst v63  }
0x131: {  	s13 =	sadd.s32 $0x300, s0;
	s12 =	sadd.s32 $0x7EE0, s1  }
0x132: {  	[tilespmem:s12], [sflag:$0x1] =	stream.indirect.gather [spmem:s2], $0x10, s13, s22, $0xb8;
	[tilespmem:$0x14230] =	vst v63  }
0x133: {  	s28 =	sadd.s32 $0x86B0, s1;
	s14 =	sadd.s32 $0x380, s0  }
0x134: {  	[tilespmem:s28], [sflag:$0x1] =	stream.indirect.gather [spmem:s2], $0x10, s14, s22, $0xb8;
	[tilespmem:$0x14230] =	vst v63  }
0x135: {  	s18 =	sadd.s32 $0x400, s0;
	s14 =	sadd.s32 $0x8E80, s1  }
0x136: {  	[tilespmem:s14], [sflag:$0x1] =	stream.indirect.gather [spmem:s2], $0x10, s18, s22, $0xb8;
	[tilespmem:$0x14230] =	vst v63  }
0x137: {  	s29 =	sadd.s32 $0x480, s0;
	s1 =	sadd.s32 $0x9650, s1  }
0x138: {  	[tilespmem:s1], [sflag:$0x1] =	stream.indirect.gather [spmem:s2], $0x10, s29, s22, $0xb8;
	[tilespmem:$0x14230] =	vst v63  }
0x139: {  	_ =	swait.ge [sflag:s23], $0x7D0  }
0x13a: {  	[sflag:s23] =	ssyncset.done $0x0  }
0x13b: {  	[sflag:s23] =	ssyncadd.s32 $0xFFFFF830  }
0x13c: {  	_ =	swait.ge [sflag:s23], $0x7D0  }
0x13d: {  	[sflag:s23] =	ssyncset.done $0x0  }
0x13e: {  	[sflag:s23] =	ssyncadd.s32 $0xFFFFF830  }
0x13f: {  	_ =	swait.ge [sflag:s23], $0x7D0  }
0x140: {  	[sflag:s23] =	ssyncset.done $0x0  }
0x141: {  	[sflag:s23] =	ssyncadd.s32 $0xFFFFF830  }
0x142: {  	_ =	swait.ge [sflag:s23], $0x7D0  }
0x143: {  	[sflag:s23] =	ssyncset.done $0x0  }
0x144: {  	[sflag:s23] =	ssyncadd.s32 $0xFFFFF830  }
0x145: {  	_ =	swait.ge [sflag:s23], $0x7D0  }
0x146: {  	[sflag:s23] =	ssyncset.done $0x0  }
0x147: {  	[sflag:s23] =	ssyncadd.s32 $0xFFFFF830  }
0x148: {  	_ =	swait.ge [sflag:s23], $0x7D0  }
0x149: {  	[sflag:s23] =	ssyncset.done $0x0  }
0x14a: {  	[sflag:s23] =	ssyncadd.s32 $0xFFFFF830  }
0x14b: {  	_ =	swait.ge [sflag:s23], $0x7D0  }
0x14c: {  	[sflag:s23] =	ssyncset.done $0x0  }
0x14d: {  	[sflag:s23] =	ssyncadd.s32 $0xFFFFF830  }
0x14e: {  	_ =	swait.ge [sflag:s23], $0x7D0  }
0x14f: {  	[sflag:s23] =	ssyncset.done $0x0  }
0x150: {  	[sflag:s23] =	ssyncadd.s32 $0xFFFFF830  }
0x151: {  	_ =	swait.ge [sflag:s23], $0x7D0  }
0x152: {  	[sflag:s23] =	ssyncset.done $0x0  }
0x153: {  	[sflag:s23] =	ssyncadd.s32 $0xFFFFF830  }
0x154: {  	_ =	swait.ge [sflag:s23], $0x7D0  }
0x155: {  	[sflag:s23] =	ssyncset.done $0x0  }
0x156: {  	s30 =	sadd.s32 $0x2800, s0;
	[sflag:s23] =	ssyncadd.s32 $0xFFFFF830  }
0x157: {  	[spmem:s3] =	stream.indirect.scatter.add.f32 [tilespmem:s31], [sflag:$0x2], $0x10, s30, s22, $0xb8;
	[tilespmem:$0x14230] =	vst v63  }
0x158: {  	s31 =	sadd.s32 $0x2880, s0  }
0x159: {  	[spmem:s3] =	stream.indirect.scatter.add.f32 [tilespmem:s5], [sflag:$0x2], $0x10, s31, s22, $0xb8;
	[tilespmem:$0x14230] =	vst v63  }
0x15a: {  	s5 =	sadd.s32 $0x2900, s0  }
0x15b: {  	[spmem:s3] =	stream.indirect.scatter.add.f32 [tilespmem:s7], [sflag:$0x2], $0x10, s5, s22, $0xb8;
	[tilespmem:$0x14230] =	vst v63  }
0x15c: {  	s7 =	sadd.s32 $0x2980, s0  }
0x15d: {  	[spmem:s3] =	stream.indirect.scatter.add.f32 [tilespmem:s8], [sflag:$0x2], $0x10, s7, s22, $0xb8;
	[tilespmem:$0x14230] =	vst v63  }
0x15e: {  	s8 =	sadd.s32 $0x2A00, s0  }
0x15f: {  	[spmem:s3] =	stream.indirect.scatter.add.f32 [tilespmem:s9], [sflag:$0x2], $0x10, s8, s22, $0xb8;
	[tilespmem:$0x14230] =	vst v63  }
0x160: {  	s9 =	sadd.s32 $0x2A80, s0  }
0x161: {  	[spmem:s3] =	stream.indirect.scatter.add.f32 [tilespmem:s10], [sflag:$0x2], $0x10, s9, s22, $0xb8;
	[tilespmem:$0x14230] =	vst v63  }
0x162: {  	s10 =	sadd.s32 $0x2B00, s0  }
0x163: {  	[spmem:s3] =	stream.indirect.scatter.add.f32 [tilespmem:s12], [sflag:$0x2], $0x10, s10, s22, $0xb8;
	[tilespmem:$0x14230] =	vst v63  }
0x164: {  	s18 =	sadd.s32 $0x2B80, s0  }
0x165: {  	[spmem:s3] =	stream.indirect.scatter.add.f32 [tilespmem:s28], [sflag:$0x2], $0x10, s18, s22, $0xb8;
	[tilespmem:$0x14230] =	vst v63  }
0x166: {  	s28 =	sadd.s32 $0x2C00, s0  }
0x167: {  	[spmem:s3] =	stream.indirect.scatter.add.f32 [tilespmem:s14], [sflag:$0x2], $0x10, s28, s22, $0xb8;
	[tilespmem:$0x14230] =	vst v63  }
0x168: {  	s0 =	sadd.s32 $0x2C80, s0  }
0x169: {  	[spmem:s3] =	stream.indirect.scatter.add.f32 [tilespmem:s1], [sflag:$0x2], $0x10, s0, s22, $0xb8;
	[tilespmem:$0x14230] =	vst v63  }
0x16a: {  	_ =	swait.ge [sflag:s24], $0x7D0  }
0x16b: {  	[sflag:s24] =	ssyncset.done $0x0  }
0x16c: {  	[sflag:s24] =	ssyncadd.s32 $0xFFFFF830  }
0x16d: {  	_ =	swait.ge [sflag:s24], $0x7D0  }
0x16e: {  	[sflag:s24] =	ssyncset.done $0x0  }
0x16f: {  	[sflag:s24] =	ssyncadd.s32 $0xFFFFF830  }
0x170: {  	_ =	swait.ge [sflag:s24], $0x7D0  }
0x171: {  	[sflag:s24] =	ssyncset.done $0x0  }
0x172: {  	[sflag:s24] =	ssyncadd.s32 $0xFFFFF830  }
0x173: {  	_ =	swait.ge [sflag:s24], $0x7D0  }
0x174: {  	[sflag:s24] =	ssyncset.done $0x0  }
0x175: {  	[sflag:s24] =	ssyncadd.s32 $0xFFFFF830  }
0x176: {  	_ =	swait.ge [sflag:s24], $0x7D0  }
0x177: {  	[sflag:s24] =	ssyncset.done $0x0  }
0x178: {  	[sflag:s24] =	ssyncadd.s32 $0xFFFFF830  }
0x179: {  	_ =	swait.ge [sflag:s24], $0x7D0  }
0x17a: {  	[sflag:s24] =	ssyncset.done $0x0  }
0x17b: {  	[sflag:s24] =	ssyncadd.s32 $0xFFFFF830  }
0x17c: {  	_ =	swait.ge [sflag:s24], $0x7D0  }
0x17d: {  	[sflag:s24] =	ssyncset.done $0x0  }
0x17e: {  	[sflag:s24] =	ssyncadd.s32 $0xFFFFF830  }
0x17f: {  	_ =	swait.ge [sflag:s24], $0x7D0  }
0x180: {  	[sflag:s24] =	ssyncset.done $0x0  }
0x181: {  	[sflag:s24] =	ssyncadd.s32 $0xFFFFF830  }
0x182: {  	_ =	swait.ge [sflag:s24], $0x7D0  }
0x183: {  	[sflag:s24] =	ssyncset.done $0x0  }
0x184: {  	[sflag:s24] =	ssyncadd.s32 $0xFFFFF830  }
0x185: {  	_ =	swait.ge [sflag:s24], $0x7D0  }
0x186: {  	[sflag:s24] =	ssyncset.done $0x0  }
0x187: {  	[sflag:s24] =	ssyncadd.s32 $0xFFFFF830  }
0x188: {  	_ =	swait.ge [sflag:s24], $0x7D0  }
0x189: {  	[sflag:s24] =	ssyncset.done $0x0  }
0x18a: {  	[sflag:s24] =	ssyncadd.s32 $0xFFFFF830  }
0x18b: {  	_ =	swait.ge [sflag:s24], $0x7D0  }
0x18c: {  	[sflag:s24] =	ssyncset.done $0x0  }
0x18d: {  	[sflag:s24] =	ssyncadd.s32 $0xFFFFF830  }
0x18e: {  	_ =	swait.ge [sflag:s24], $0x7D0  }
0x18f: {  	[sflag:s24] =	ssyncset.done $0x0  }
0x190: {  	[sflag:s24] =	ssyncadd.s32 $0xFFFFF830  }
0x191: {  	_ =	swait.ge [sflag:s24], $0x7D0  }
0x192: {  	[sflag:s24] =	ssyncset.done $0x0  }
0x193: {  	[sflag:s24] =	ssyncadd.s32 $0xFFFFF830  }
0x194: {  	_ =	swait.ge [sflag:s24], $0x7D0  }
0x195: {  	[sflag:s24] =	ssyncset.done $0x0  }
0x196: {  	[sflag:s24] =	ssyncadd.s32 $0xFFFFF830  }
0x197: {  	_ =	swait.ge [sflag:s24], $0x7D0  }
0x198: {  	[sflag:s24] =	ssyncset.done $0x0  }
0x199: {  	[sflag:s24] =	ssyncadd.s32 $0xFFFFF830  }
0x19a: {  	_ =	swait.ge [sflag:s24], $0x7D0  }
0x19b: {  	[sflag:s24] =	ssyncset.done $0x0  }
0x19c: {  	[sflag:s24] =	ssyncadd.s32 $0xFFFFF830  }
0x19d: {  	_ =	swait.ge [sflag:s24], $0x7D0  }
0x19e: {  	[sflag:s24] =	ssyncset.done $0x0  }
0x19f: {  	[sflag:s24] =	ssyncadd.s32 $0xFFFFF830  }
0x1a0: {  	_ =	swait.ge [sflag:s24], $0x7D0  }
0x1a1: {  	[sflag:s24] =	ssyncset.done $0x0  }
0x1a2: {  	[sflag:s24] =	ssyncadd.s32 $0xFFFFF830  }
0x1a3: {  	_ =	swait.ge [sflag:s24], $0x7D0  }
0x1a4: {  	[sflag:s24] =	ssyncset.done $0x0  }
0x1a5: {  	[sflag:s24] =	ssyncadd.s32 $0xFFFFF830  }
0x1a6: {  	[bflag:$0x0] =	sbarrier.arrive $0xFFFF  }
0x1a7: {  	s29 =	sor.u32 $0x1C04, s6;
	s30 =	rddreg [dreg:$0xa]  }
0x1a8: {  	[hbm:s30], [sflag:s29] =	dma.local [spmem:s25], $0x4E2  }
0x1a9: {  	_ =	swait.ge [sflag:s20], $0x4E2  }
0x1aa: {  	s26 =	sadd.s32 $0x1, s26;
	s31 =	rddreg [dreg:$0xb]  }
0x1ab: {  	p0 =	sne.s32 s26, s31  }
.Ltmp2:
0x1ac: {  	_ = 	snop;
	(pc) =	sbr.rel @p0 .LBB2_1-.Ltmp2, $3  }
0x1ad: {  	_ =	sdelay $0x1  }
0x1ae: {  	[sflag:s20] =	ssyncset.done $0x0  }
0x1af: {  	[sflag:s20] =	ssyncadd.s32 $0xFFFFFB1E  }
0x1b0: {  	_ =	sfence.sel $0x180000  }
0x1b1: {  	[bflag:$0x0] =	sbarrier.arrive $0xFFFF  }
0x1b2: {  	_ =	strace $0x9000004A  }
0x1b3: {  	s0 =	stileid.u32;
	[bflag:$0x2] =	sbarrier.arrive $0xFFFF  }
0x1b4: {  	p0 =	sne.s32 s0, $0x0;
	s0 =	rddreg [dreg:$0x4]  }
0x1b5: {  	s0 =	sadd.s32 @!p0 $0x100000, s0  }
0x1b6: {  	[sflag:s0] =	ssyncadd.tile.s32 @!p0 $0x1;
	_ =	shalt  }
.Lfunc_end2:
_tile_overlayer_lowered:
.L_overlay_start_2:
0x1b7: {  	(tag) =	ssettag $0x2  }
0x1b8: {  	s0 =	rddreg [dreg:$0x0];
	s2 =	stileid.u32  }
0x1b9: {  	s1 =	rddreg [dreg:$0x1];
	p0 =	sne.s32 s2, $0x0  }
0x1ba: {  	s3 =	rddreg [dreg:$0x2];
	[bflag:$0x3] =	sbarrier.arrive $0xFFFF;
	s2 =	simm.s32 @!p0 $0x1C04  }
0x1bb: {  	[timem:s3], [sflag:s2] =	dma.local @!p0 [hbm:s0], s1  }
0x1bc: {  	s0 =	simm.s32 @!p0 $0x4  }
0x1bd: {  	_ =	swait.ge @!p0 [sflag:s0], s1  }
0x1be: {  	s1 =	ssub.s32 @!p0 $0x0, s1;
	[sflag:s0] =	ssyncset.done @!p0 $0x0  }
0x1bf: {  	[sflag:s0] =	ssyncadd.s32 @!p0 s1  }
0x1c0: {  	[bflag:$0x3] =	sbarrier.arrive $0xFFFF  }
0x1c1: {  	_ =	shalt  }

// kernel: kernel.14.cloned.1.call-start
scs
__scs_entry_jumppad:
0x0: {  	(pc) =	sbr.rel $0x88, $3  }
0x1: {  	(tag) =	ssettag $0x0;
	lr =	simm.s32 $0x1  }
0x2: {  	[smem:$0x3F9B] =	sst lr;
	_ =	strace $0xD0000000  }
0x3: {  	_ = 	snop  }
0x4: {  	_ = 	snop  }
0x5: {  	_ = 	snop  }
0x6: {  	_ = 	snop  }
0x7: {  	_ = 	snop  }
__scs_overlays_trampoline_lowered:
0x8: {  	[smem:$0x3FAA] =	sst s0  }
0x9: {  	[smem:$0x3FAB] =	sst s1  }
0xa: {  	[smem:$0x3FAC] =	sst s2  }
0xb: {  	[smem:$0x3FAD] =	sst s3  }
0xc: {  	[smem:$0x3FAE] =	sst s4  }
0xd: {  	[smem:$0x3FAF] =	sst s5  }
0xe: {  	[smem:$0x3FB0] =	sst s6  }
0xf: {  	[smem:$0x3FB1] =	sst s7  }
0x10: {  	[smem:$0x3FB2] =	sst s8  }
0x11: {  	[smem:$0x3FB3] =	sst s9;
	s0 =	simm.s32 @!p0 $0x0  }
0x12: {  	s1 =	sld [smem:$0x3F99];
	s0 =	simm.s32 @p0 $0x1  }
0x13: {  	[smem:$0x3FB4] =	sst s0;
	s0 =	simm.s32 @!p1 $0x0  }
0x14: {  	s2 =	sld [smem:$0x3F98];
	s0 =	simm.s32 @p1 $0x1  }
0x15: {  	[smem:$0x3FB5] =	sst s0;
	s0 =	simm.s32 @!p2 $0x0  }
0x16: {  	s3 =	sld [smem:$0x3FDB];
	s0 =	simm.s32 @p2 $0x1  }
0x17: {  	s4 =	simm.s32 $0x1BF5;
	[smem:$0x3FB7] =	sst s0  }
0x18: {  	s0 =	sld [smem:$0x3F9A];
	_ =	swait.ge [sflag:s4], $0x0  }
0x19: {  	s7 =	sld [smem:$0x3F9B]  }
0x1a: {  	s8 =	sadd.s32 $0xFFFFE003, lr  }
0x1b: {  	s9 =	sadd.s32 $0xFFFFFEF7, lr;
	s5 =	simm.s32 $0xFFFFFFFF;
	p2 =	slt.u32 s8, $0xFFFFF086  }
0x1c: {  	p1 =	slt.u32 s9, $0xF7A;
	s5 =	simm.s32 @!p2 $0x0  }
0x1d: {  	s5 =	simm.s32 @p1 $0x1;
	p0 =	seq.s32 s7, s2  }
0x1e: {  	s7 =	smul.u32 @!p0 $0xF7A, s2;
	p2 =	seq.s32 @!p0 s5, $0x0  }
0x1f: {  	s9 =	smul.u32 $0xF7A, s1;
	s8 =	simm.s32 @!p0 $0x1BF5;
	p2 =	por !p2, p0  }
0x20: {  	[sflag:s8] =	ssyncset.s32 @!p0 $0xFFFFF086;
	s6 =	sadd.s32 @!p0 s3, s7;
	s7 =	simm.s32 @!p0 $0x108  }
0x21: {  	s3 =	sadd.s32 s3, s9;
	s6 =	sadd.s32 @!p0 $0x88, s6;
	s7 =	simm.s32 @p2 $0x1082  }
0x22: {  	[simem:s7], [sflag:s8] =	dma.local @!p0 [hbm:s6], $0xF7A  }
0x23: {  	s9 =	sor.u32 $0xD0000000, s2;
	s6 =	simm.s32 $0x108;
	_ =	swait.ge @!p0 [sflag:s8], $0x0  }
0x24: {  	s3 =	sadd.s32 $0x88, s3;
	s6 =	simm.s32 @!p1 $0x1082;
	[sflag:s4] =	ssyncset.s32 $0xFFFFF086  }
0x25: {  	[simem:s6], [sflag:s4] =	dma.local [hbm:s3], $0xF7A  }
0x26: {  	[smem:$0x3F9B] =	sst s1;
	(tag) =	ssettag s2;
	_ =	strace s9  }
0x27: {  	s1 =	sld [smem:$0x3FAB]  }
0x28: {  	s2 =	sld [smem:$0x3FAC]  }
0x29: {  	s4 =	sld [smem:$0x3FAE]  }
0x2a: {  	p0 =	seq.s32 s5, $0x0;
	s5 =	sld [smem:$0x3FAF]  }
0x2b: {  	s6 =	sld [smem:$0x3FB0]  }
0x2c: {  	s7 =	sld [smem:$0x3FB1]  }
0x2d: {  	s3 =	simm.s32 $0x108;
	s8 =	sld [smem:$0x3FB2]  }
0x2e: {  	s3 =	simm.s32 @!p0 $0x1082;
	s9 =	sld [smem:$0x3FB3]  }
0x2f: {  	lr =	sadd.s32 s0, s3;
	s0 =	sld [smem:$0x3FAA]  }
0x30: {  	s3 =	sld [smem:$0x3FAD]  }
0x31: {  	[smem:$0x3FB6] =	sst s10  }
0x32: {  	s10 =	sld [smem:$0x3FB4];
	_ =	sdelay $0x3  }
0x33: {  	p0 =	seq.s32 s10, $0x1;
	s10 =	sld [smem:$0x3FB6];
	_ =	sdelay $0x3  }
0x34: {  	[smem:$0x3FB6] =	sst s10  }
0x35: {  	s10 =	sld [smem:$0x3FB5];
	_ =	sdelay $0x3  }
0x36: {  	p1 =	seq.s32 s10, $0x1;
	s10 =	sld [smem:$0x3FB6];
	_ =	sdelay $0x3  }
0x37: {  	[smem:$0x3FB6] =	sst s10  }
0x38: {  	s10 =	sld [smem:$0x3FB7]  }
0x39: {  	_ = 	snop;
	(pc) =	sbr.ind lr, $3  }
0x3a: {  	_ = 	snop  }
0x3b: {  	_ = 	snop  }
0x3c: {  	p2 =	seq.s32 s10, $0x1;
	s10 =	sld [smem:$0x3FB6]  }
0x3d: {  	_ =	shalt  }
0x3e: {  	_ =	shalt  }
0x3f: {  	_ =	shalt  }
0x40: {  	_ =	shalt  }
0x41: {  	_ =	shalt  }
0x42: {  	_ =	shalt  }
0x43: {  	_ =	shalt  }
0x44: {  	_ =	shalt  }
0x45: {  	_ =	shalt  }
0x46: {  	_ =	shalt  }
0x47: {  	_ =	shalt  }
0x48: {  	_ =	shalt  }
0x49: {  	_ =	shalt  }
0x4a: {  	_ =	shalt  }
0x4b: {  	_ =	shalt  }
0x4c: {  	_ =	shalt  }
0x4d: {  	_ =	shalt  }
0x4e: {  	_ =	shalt  }
0x4f: {  	_ =	shalt  }
0x50: {  	_ =	shalt  }
0x51: {  	_ =	shalt  }
0x52: {  	_ =	shalt  }
0x53: {  	_ =	shalt  }
0x54: {  	_ =	shalt  }
0x55: {  	_ =	shalt  }
0x56: {  	_ =	shalt  }
0x57: {  	_ =	shalt  }
0x58: {  	_ =	shalt  }
0x59: {  	_ =	shalt  }
0x5a: {  	_ =	shalt  }
0x5b: {  	_ =	shalt  }
0x5c: {  	_ =	shalt  }
0x5d: {  	_ =	shalt  }
0x5e: {  	_ =	shalt  }
0x5f: {  	_ =	shalt  }
0x60: {  	_ =	shalt  }
0x61: {  	_ =	shalt  }
0x62: {  	_ =	shalt  }
0x63: {  	_ =	shalt  }
0x64: {  	_ =	shalt  }
0x65: {  	_ =	shalt  }
0x66: {  	_ =	shalt  }
0x67: {  	_ =	shalt  }
0x68: {  	_ =	shalt  }
0x69: {  	_ =	shalt  }
0x6a: {  	_ =	shalt  }
0x6b: {  	_ =	shalt  }
0x6c: {  	_ =	shalt  }
0x6d: {  	_ =	shalt  }
0x6e: {  	_ =	shalt  }
0x6f: {  	_ =	shalt  }
0x70: {  	_ =	shalt  }
0x71: {  	_ =	shalt  }
0x72: {  	_ =	shalt  }
0x73: {  	_ =	shalt  }
0x74: {  	_ =	shalt  }
0x75: {  	_ =	shalt  }
0x76: {  	_ =	shalt  }
0x77: {  	_ =	shalt  }
0x78: {  	_ =	shalt  }
0x79: {  	_ =	shalt  }
0x7a: {  	_ =	shalt  }
0x7b: {  	_ =	shalt  }
0x7c: {  	_ =	shalt  }
0x7d: {  	_ =	shalt  }
0x7e: {  	_ =	shalt  }
0x7f: {  	_ =	shalt  }
0x80: {  	_ =	shalt  }
0x81: {  	_ =	shalt  }
0x82: {  	_ =	shalt  }
0x83: {  	_ =	shalt  }
0x84: {  	_ =	shalt  }
0x85: {  	_ =	shalt  }
0x86: {  	_ =	shalt  }
0x87: {  	_ =	shalt  }
.Lfunc_end0:
.L_simem_size_0:
called_computation.2_lowered:
.L_overlay_start_0:
0x88: {  	s2 =	sld [smem:$0x3FD9]  }
0x89: {  	s3 =	sld [smem:$0x3FFE];
	_ =	sdelay $0x1  }
0x8a: {  	s1 =	srdreg.scid  }
0x8b: {  	s0 =	sand.u32 $0x1, s1  }
0x8c: {  	s17 =	sshll.u32 s0, $0xA;
	s2 =	sadd.s32 s3, s2  }
0x8d: {  	s2 =	sadd.s32 s2, s17  }
0x8e: {  	[smem:$0x3FC2] =	sst s2  }
0x8f: {  	_ = 	snop  }
0x90: {  	s2 =	sld [smem:$0x3FD0];
	(tm) =	ssettm $0x1  }
0x91: {  	s18 =	sld [smem:$0x3FFB];
	_ =	sdelay $0x3  }
0x92: {  	_ =	strace s18  }
0x93: {  	s3 =	sld [smem:$0x3FFC];
	_ =	sdelay $0x3  }
0x94: {  	_ =	strace s3  }
0x95: {  	s3 =	sld [smem:$0x3FFD];
	_ =	sdelay $0x3  }
0x96: {  	_ =	strace s3  }
0x97: {  	_ =	strace $0x8FFFFFFF  }
0x98: {  	s19 =	sld [smem:$0x3FDB];
	_ =	sdelay $0x1  }
0x99: {  	s4 =	simm.s32 $_scs_section_size  }
0x9a: {  	s5 =	simm.s32 $_size__tile_overlayer_lowered;
	s6 =	simm.s32 $_tile_overlayer_lowered  }
0x9b: {  	s22 =	simm.s32 $0x1BFF;
	s21 =	sshll.u32 s6, $0x1;
	s3 =	sadd.s32 s4, s19  }
0x9c: {  	s7 =	simm.s32 $0x0;
	s20 =	sshll.u32 s5, $0x1;
	s5 =	sadd.s32 s21, s3  }
0x9d: {  	[timem:s7], [sflag:s22] =	dma.local [hbm:s5], s20  }
0x9e: {  	_ =	swait.ge [sflag:s22], s20  }
0x9f: {  	s4 =	ssub.s32 $0x0, s20;
	[sflag:s22] =	ssyncset.done $0x0  }
0xa0: {  	[sflag:s22] =	ssyncadd.s32 s4;
	_ =	sdelay $0x1  }
0xa1: {  	s23 =	simm.s32 $0x1B8B  }
0xa2: {  	_ =	swait.ge [sflag:s23], $0x1  }
0xa3: {  	[sflag:s23] =	ssyncset.done $0x0  }
0xa4: {  	s25 =	simm.s32 $0x1B8E;
	s24 =	sld [smem:$0x3FFE];
	[sflag:s23] =	ssyncadd.s32 $0xFFFFFFFF  }
0xa5: {  	s26 =	simm.s32 $execute0_lowered;
	[smem:$0x3FD2] =	sst s25  }
0xa6: {  	s5 =	sshll.u32 s26, $0x1;
	_ =	strace $0x8000004C;
	[dreg:$0x1] =	wrdreg $0xFFFFFFFF  }
0xa7: {  	s28 =	simm.s32 $_size_execute0_lowered;
	s3 =	sadd.s32 s3, s5;
	[dreg:$0x0] =	wrdreg $0x0  }
0xa8: {  	s5 =	sshll.u32 s28, $0x1;
	[dreg:$0x2] =	wrdreg s3  }
0xa9: {  	[dreg:$0x3] =	wrdreg s5  }
0xaa: {  	[dreg:$0x4] =	wrdreg $0xC0  }
0xab: {  	_ =	task [dreg:s7], $0x5FFFF  }
0xac: {  	[dreg:$0x1] =	wrdreg $0xFFFFFFFF  }
0xad: {  	[dreg:$0x0] =	wrdreg $0x60  }
0xae: {  	[dreg:$0x2] =	wrdreg s2  }
0xaf: {  	[dreg:$0x3] =	wrdreg s24  }
0xb0: {  	[dreg:$0x4] =	wrdreg $0xF4100  }
0xb1: {  	[dreg:$0x5] =	wrdreg $0x11B200  }
0xb2: {  	[dreg:$0x6] =	wrdreg $0x9  }
0xb3: {  	_ =	task.clear_ibuf [dreg:s7], $0x7FFFF;
	_ =	strace $0x9000004C  }
0xb4: {  	s29 =	simm.s32 $0x9;
	_ =	strace $0x8000004E  }
0xb5: {  	_ =	swait.ge [sflag:s29], $0x1  }
0xb6: {  	[sflag:s29] =	ssyncadd.s32 $0xFFFFFFFF  }
0xb7: {  	_ =	strace $0x9000004E  }
0xb8: {  	_ =	sfence  }
0xb9: {  	s30 =	sld [smem:$0x0];
	_ =	sdelay $0x2  }
0xba: {  	s31 =	sshll.u32 s1, $0xD;
	s1 =	sshrl.u32 s1, $0x2  }
0xbb: {  	s3 =	sand.u32 $0x4000, s31;
	s1 =	sadd.s32 s1, s30  }
0xbc: {  	s0 =	sor.u32 s3, s0;
	s1 =	sshll.u32 s1, $0x11  }
0xbd: {  	s0 =	sor.u32 s1, s0  }
0xbe: {  	s0 =	sadd.s32 $0x8F2B, s0  }
0xbf: {  	[sflag:s0] =	ssyncadd.remote.s32 $0x1  }
0xc0: {  	_ =	sfence.sel $0xFFFF  }
0xc1: {  	[dreg:$0x0] =	wrdreg $0xFFFFFFFF;
	(pc) =	sbr.abs _section_cstart, $3  }
0xc2: {  	[dreg:$0x1] =	wrdreg $0xFFFFFFFF  }
0xc3: {  	_ =	task.clear_ibuf [dreg:s7], $0x2FFFF;
	_ =	strace $0x9FFFFFFF  }
0xc4: {  	(tm) =	ssettm $0x7FFFFFFF  }
0xc5: {  	_ =	shalt  }
tec
execute0_lowered:
.L_overlay_start_1:
0x0: {  	(tag) =	ssettag $0x1  }
0x1: {  	s0 =	rddreg [dreg:$0x0]  }
0x2: {  	s1 =	rddreg [dreg:$0x1]  }
0x3: {  	s3 =	srdreg.scid;
	s10 =	stileid.u32  }
0x4: {  	s2 =	rddreg [dreg:$0x2];
	s8 =	simm.s32 $0x0;
	s31 =	simm.s32 $0x4E20  }
0x5: {  	s4 =	sand.u32 $0x1, s3;
	s5 =	smul.u32 $0x2710, s10;
	s3 =	rddreg [dreg:$0x3]  }
0x6: {  	s6 =	sshll.u32 s10, $0x1;
	[smem:$0x7FF] =	sst s8;
	s21 =	smul.u32 $0x9C40, s10  }
0x7: {  	s7 =	smul.u32 $0x27100, s4;
	s6 =	sor.u32 s4, s6;
	_ =	strace $0x8000004D  }
0x8: {  	s4 =	ssub.s32 $0x2, s4;
	[dreg:$0x5] =	wrdreg s31;
	s6 =	smul.u32 $0x500, s6  }
0x9: {  	s19 =	sshrl.u32 s4, $0x1;
	s20 =	sshrl.u32 s5, $0x3;
	s9 =	sadd.s32 s5, s2  }
0xa: {  	s24 =	sshrl.u32 s21, $0x2;
	s26 =	sadd.s32 s5, s3;
	s21 =	simm.s32 $0x3  }
0xb: {  	s7 =	sadd.s32 s5, s7;
	s4 =	ssub.s32 s4, s19;
	s0 =	sadd.s32 s0, s20  }
0xc: {  	s11 =	sadd.s32 s24, s3;
	s17 =	sshrl.u32 s9, $0x3;
	s19 =	simm.s32 $0xEC40  }
0xd: {  	s20 =	simm.s32 $0x4;
	[dreg:$0x6] =	wrdreg s0;
	s28 =	smax.u32 s4, $0x1  }
0xe: {  	s18 =	sadd.s32 s6, s1;
	s29 =	sadd.s32 $0x7D0, s11;
	[dreg:$0xb] =	wrdreg s28  }
0xf: {  	s6 =	sshll.u32 s10, $0x6;
	s30 =	sadd.s32 $0xFA0, s11;
	[dreg:$0xc] =	wrdreg s29  }
0x10: {  	s24 =	simm.s32 $0x2;
	s22 =	sor.u32 $0x1C03, s6;
	[dreg:$0xd] =	wrdreg s30  }
0x11: {  	s7 =	sshrl.u32 s7, $0x3;
	s23 =	sadd.s32 $0x15C00, s18;
	[dreg:$0x7] =	wrdreg s22  }
0x12: {  	s15 =	sadd.s32 $0x1770, s11;
	s25 =	sadd.s32 $0x1E00, s18;
	[dreg:$0x8] =	wrdreg s23  }
0x13: {  	s16 =	sadd.s32 $0x1F40, s11;
	s1 =	sadd.s32 s7, s1;
	[dreg:$0x9] =	wrdreg s25  }
0x14: {  	s1 =	sadd.s32 $0xBE00, s1;
	s22 =	simm.s32 $0x7D;
	s23 =	simm.s32 $0x1  }
0x15: {  	v0 =	vimm.f32 $0.0e+00;
	s25 =	sshrl.u32 s26, $0x3;
	s26 =	simm.s32 $0x0;
	[dreg:$0xa] =	wrdreg s1  }
.LBB2_1:
0x16: {  	s0 =	rddreg [dreg:$0x6]  }
0x17: {  	s1 =	rddreg [dreg:$0x7]  }
0x18: {  	[spmem:s17], [sflag:s1] =	dma.local [hbm:s0], $0x4E2  }
0x19: {  	s30 =	simm.s32 $0x0;
	s4 =	simm.s32 $0x2800;
	s1 =	rddreg [dreg:$0x8]  }
0x1a: {  	[tilespmem:s30], [sflag:$0x3] =	stream.linear.gather [hbm4b:s1+s30], $0x2800, $0x38;
	[tilespmem:$0x14230] =	vst v63  }
0x1b: {  	s0 =	simm.s32 $0x40;
	s31 =	rddreg [dreg:$0x9];
	s1 =	simm.s32 $0x0  }
0x1c: {  	[tilespmem:s4], [sflag:$0x3] =	stream.linear.gather [hbm4b:s31+s30], $0x2800, $0x38;
	[tilespmem:$0x14230] =	vst v63  }
.LBB2_2:
0x1d: {  	p0 =	seq.s32 s0, $0x1F00;
	[tilespmem:s1+$0xEC40] =	vst v0;
	s1 =	smov.u32 s0;
	s0 =	sadd.s32 $0x40, s0  }
.Ltmp0:
0x1e: {  	(pc) =	sbr.rel @!p0 .LBB2_2-.Ltmp0, $2  }
0x1f: {  	_ =	sdelay $0x2  }
0x20: {  	s1 =	sshra.s32 s1, $0x2  }
0x21: {  	[tilespmem:s1+$0xEC40] =	vst v0  }
0x22: {  	[spmem:s11] =	stream.linear.scatter [tilespmem:s19], [sflag:$0x4], $0x7D0, $0x38;
	[tilespmem:$0x14230] =	vst v63  }
0x23: {  	_ =	swait.ge [sflag:s20], $0x7D0  }
0x24: {  	[sflag:s20] =	ssyncset.done $0x0  }
0x25: {  	s0 =	rddreg [dreg:$0xc];
	[sflag:s20] =	ssyncadd.s32 $0xFFFFF830  }
0x26: {  	[spmem:s0] =	stream.linear.scatter [tilespmem:s19], [sflag:$0x4], $0x7D0, $0x38;
	[tilespmem:$0x14230] =	vst v63  }
0x27: {  	_ =	swait.ge [sflag:s20], $0x7D0  }
0x28: {  	[sflag:s20] =	ssyncset.done $0x0  }
0x29: {  	s4 =	rddreg [dreg:$0xd];
	[sflag:s20] =	ssyncadd.s32 $0xFFFFF830  }
0x2a: {  	[spmem:s4] =	stream.linear.scatter [tilespmem:s19], [sflag:$0x4], $0x7D0, $0x38;
	[tilespmem:$0x14230] =	vst v63  }
0x2b: {  	_ =	swait.ge [sflag:s20], $0x7D0  }
0x2c: {  	[sflag:s20] =	ssyncset.done $0x0  }
0x2d: {  	[sflag:s20] =	ssyncadd.s32 $0xFFFFF830  }
0x2e: {  	[spmem:s15] =	stream.linear.scatter [tilespmem:s19], [sflag:$0x4], $0x7D0, $0x38;
	[tilespmem:$0x14230] =	vst v63  }
0x2f: {  	_ =	swait.ge [sflag:s20], $0x7D0  }
0x30: {  	[sflag:s20] =	ssyncset.done $0x0  }
0x31: {  	[sflag:s20] =	ssyncadd.s32 $0xFFFFF830  }
0x32: {  	[spmem:s16] =	stream.linear.scatter [tilespmem:s19], [sflag:$0x4], $0x7D0, $0x38;
	[tilespmem:$0x14230] =	vst v63  }
0x33: {  	_ =	swait.ge [sflag:s20], $0x7D0  }
0x34: {  	[sflag:s20] =	ssyncset.done $0x0  }
0x35: {  	[sflag:s20] =	ssyncadd.s32 $0xFFFFF830  }
0x36: {  	_ =	swait.ge [sflag:s21], $0x4E2  }
0x37: {  	[sflag:s21] =	ssyncset.done $0x0  }
0x38: {  	[sflag:s21] =	ssyncadd.s32 $0xFFFFFB1E  }
0x39: {  	_ =	swait.ge [sflag:s21], $0x2800  }
0x3a: {  	[sflag:s21] =	ssyncset.done $0x0  }
0x3b: {  	[sflag:s21] =	ssyncadd.s32 $0xFFFFD800  }
0x3c: {  	_ =	swait.ge [sflag:s21], $0x2800  }
0x3d: {  	p0 =	por $0x1, $0x1;
	[sflag:s21] =	ssyncset.done $0x0  }
0x3e: {  	p0 =	por p0, p0;
	[sflag:s21] =	ssyncadd.s32 $0xFFFFD800  }
0x3f: {  	s1 =	simm.s32 @!p0 $0x2;
	[bflag:$0x0] =	sbarrier.arrive $0xFFFF  }
0x40: {  	_ =	swait.ge @!p0 [sflag:s1], $0x7D0  }
0x41: {  	[sflag:s1] =	ssyncset.done @!p0 $0x0  }
0x42: {  	[sflag:s1] =	ssyncadd.s32 @!p0 $0xFFFFF830  }
0x43: {  	_ =	swait.ge @!p0 [sflag:s1], $0x7D0  }
0x44: {  	[sflag:s1] =	ssyncset.done @!p0 $0x0  }
0x45: {  	[sflag:s1] =	ssyncadd.s32 @!p0 $0xFFFFF830  }
0x46: {  	_ =	swait.ge @!p0 [sflag:s1], $0x7D0  }
0x47: {  	[sflag:s1] =	ssyncset.done @!p0 $0x0  }
0x48: {  	[sflag:s1] =	ssyncadd.s32 @!p0 $0xFFFFF830  }
0x49: {  	_ =	swait.ge @!p0 [sflag:s1], $0x7D0  }
0x4a: {  	[sflag:s1] =	ssyncset.done @!p0 $0x0  }
0x4b: {  	[sflag:s1] =	ssyncadd.s32 @!p0 $0xFFFFF830  }
0x4c: {  	_ =	swait.ge @!p0 [sflag:s1], $0x7D0  }
0x4d: {  	[sflag:s1] =	ssyncset.done @!p0 $0x0  }
0x4e: {  	[sflag:s1] =	ssyncadd.s32 @!p0 $0xFFFFF830  }
0x4f: {  	_ =	swait.ge @!p0 [sflag:s1], $0x7D0  }
0x50: {  	[sflag:s1] =	ssyncset.done @!p0 $0x0  }
0x51: {  	[sflag:s1] =	ssyncadd.s32 @!p0 $0xFFFFF830  }
0x52: {  	_ =	swait.ge @!p0 [sflag:s1], $0x7D0  }
0x53: {  	[sflag:s1] =	ssyncset.done @!p0 $0x0  }
0x54: {  	[sflag:s1] =	ssyncadd.s32 @!p0 $0xFFFFF830  }
0x55: {  	_ =	swait.ge @!p0 [sflag:s1], $0x7D0  }
0x56: {  	[sflag:s1] =	ssyncset.done @!p0 $0x0  }
0x57: {  	[sflag:s1] =	ssyncadd.s32 @!p0 $0xFFFFF830  }
0x58: {  	_ =	swait.ge @!p0 [sflag:s1], $0x7D0  }
0x59: {  	[sflag:s1] =	ssyncset.done @!p0 $0x0  }
0x5a: {  	s5 =	simm.s32 $0x0;
	[sflag:s1] =	ssyncadd.s32 @!p0 $0xFFFFF830  }
0x5b: {  	s0 =	sand.u32 $0x1, s5;
	_ =	swait.ge @!p0 [sflag:s1], $0x7D0  }
0x5c: {  	p1 =	seq.s32 s0, $0x1;
	s4 =	rddreg [dreg:$0x5]  }
0x5d: {  	[sflag:s1] =	ssyncset.done @!p0 $0x0;
	s4 =	simm.s32 @!p1 $0x0  }
0x5e: {  	s7 =	simm.s32 $0x0;
	[sflag:s1] =	ssyncadd.s32 @!p0 $0xFFFFF830;
	s0 =	sadd.s32 $0x5000, s4  }
0x5f: {  	[tilespmem:s0], [sflag:$0x1] =	stream.indirect.gather [spmem:s2], $0x10, s7, s22, $0xb8;
	[tilespmem:$0x14230] =	vst v63  }
0x60: {  	s8 =	simm.s32 $0x80;
	s5 =	sadd.s32 $0x57D0, s4  }
0x61: {  	[tilespmem:s5], [sflag:$0x1] =	stream.indirect.gather [spmem:s2], $0x10, s8, s22, $0xb8;
	[tilespmem:$0x14230] =	vst v63  }
0x62: {  	s9 =	simm.s32 $0x100;
	s7 =	sadd.s32 $0x5FA0, s4  }
0x63: {  	[tilespmem:s7], [sflag:$0x1] =	stream.indirect.gather [spmem:s2], $0x10, s9, s22, $0xb8;
	[tilespmem:$0x14230] =	vst v63  }
0x64: {  	s10 =	simm.s32 $0x180;
	s8 =	sadd.s32 $0x6770, s4  }
0x65: {  	[tilespmem:s8], [sflag:$0x1] =	stream.indirect.gather [spmem:s2], $0x10, s10, s22, $0xb8;
	[tilespmem:$0x14230] =	vst v63  }
0x66: {  	s12 =	simm.s32 $0x200;
	s9 =	sadd.s32 $0x6F40, s4  }
0x67: {  	[tilespmem:s9], [sflag:$0x1] =	stream.indirect.gather [spmem:s2], $0x10, s12, s22, $0xb8;
	[tilespmem:$0x14230] =	vst v63  }
0x68: {  	s13 =	simm.s32 $0x280;
	s10 =	sadd.s32 $0x7710, s4  }
0x69: {  	[tilespmem:s10], [sflag:$0x1] =	stream.indirect.gather [spmem:s2], $0x10, s13, s22, $0xb8;
	[tilespmem:$0x14230] =	vst v63  }
0x6a: {  	s14 =	simm.s32 $0x300;
	s12 =	sadd.s32 $0x7EE0, s4  }
0x6b: {  	[tilespmem:s12], [sflag:$0x1] =	stream.indirect.gather [spmem:s2], $0x10, s14, s22, $0xb8;
	[tilespmem:$0x14230] =	vst v63  }
0x6c: {  	s18 =	simm.s32 $0x380;
	s13 =	sadd.s32 $0x86B0, s4  }
0x6d: {  	[tilespmem:s13], [sflag:$0x1] =	stream.indirect.gather [spmem:s2], $0x10, s18, s22, $0xb8;
	[tilespmem:$0x14230] =	vst v63  }
0x6e: {  	s14 =	simm.s32 $0x400;
	s18 =	sadd.s32 $0x8E80, s4  }
0x6f: {  	[tilespmem:s18], [sflag:$0x1] =	stream.indirect.gather [spmem:s2], $0x10, s14, s22, $0xb8;
	[tilespmem:$0x14230] =	vst v63  }
0x70: {  	s1 =	sadd.s32 $0x9650, s4;
	s14 =	simm.s32 $0x480  }
0x71: {  	[tilespmem:s1], [sflag:$0x1] =	stream.indirect.gather [spmem:s2], $0x10, s14, s22, $0xb8;
	[tilespmem:$0x14230] =	vst v63  }
0x72: {  	_ =	swait.ge [sflag:s23], $0x7D0  }
0x73: {  	[sflag:s23] =	ssyncset.done $0x0  }
0x74: {  	[sflag:s23] =	ssyncadd.s32 $0xFFFFF830  }
0x75: {  	_ =	swait.ge [sflag:s23], $0x7D0  }
0x76: {  	[sflag:s23] =	ssyncset.done $0x0  }
0x77: {  	[sflag:s23] =	ssyncadd.s32 $0xFFFFF830  }
0x78: {  	_ =	swait.ge [sflag:s23], $0x7D0  }
0x79: {  	[sflag:s23] =	ssyncset.done $0x0  }
0x7a: {  	[sflag:s23] =	ssyncadd.s32 $0xFFFFF830  }
0x7b: {  	_ =	swait.ge [sflag:s23], $0x7D0  }
0x7c: {  	[sflag:s23] =	ssyncset.done $0x0  }
0x7d: {  	[sflag:s23] =	ssyncadd.s32 $0xFFFFF830  }
0x7e: {  	_ =	swait.ge [sflag:s23], $0x7D0  }
0x7f: {  	[sflag:s23] =	ssyncset.done $0x0  }
0x80: {  	[sflag:s23] =	ssyncadd.s32 $0xFFFFF830  }
0x81: {  	_ =	swait.ge [sflag:s23], $0x7D0  }
0x82: {  	[sflag:s23] =	ssyncset.done $0x0  }
0x83: {  	[sflag:s23] =	ssyncadd.s32 $0xFFFFF830  }
0x84: {  	_ =	swait.ge [sflag:s23], $0x7D0  }
0x85: {  	[sflag:s23] =	ssyncset.done $0x0  }
0x86: {  	[sflag:s23] =	ssyncadd.s32 $0xFFFFF830  }
0x87: {  	_ =	swait.ge [sflag:s23], $0x7D0  }
0x88: {  	[sflag:s23] =	ssyncset.done $0x0  }
0x89: {  	[sflag:s23] =	ssyncadd.s32 $0xFFFFF830  }
0x8a: {  	_ =	swait.ge [sflag:s23], $0x7D0  }
0x8b: {  	[sflag:s23] =	ssyncset.done $0x0  }
0x8c: {  	[sflag:s23] =	ssyncadd.s32 $0xFFFFF830  }
0x8d: {  	_ =	swait.ge [sflag:s23], $0x7D0  }
0x8e: {  	[sflag:s23] =	ssyncset.done $0x0  }
0x8f: {  	s14 =	simm.s32 $0x2800;
	[sflag:s23] =	ssyncadd.s32 $0xFFFFF830  }
0x90: {  	[spmem:s3] =	stream.indirect.scatter.add.f32 [tilespmem:s0], [sflag:$0x2], $0x10, s14, s22, $0xb8;
	[tilespmem:$0x14230] =	vst v63  }
0x91: {  	s4 =	simm.s32 $0x2880  }
0x92: {  	[spmem:s3] =	stream.indirect.scatter.add.f32 [tilespmem:s5], [sflag:$0x2], $0x10, s4, s22, $0xb8;
	[tilespmem:$0x14230] =	vst v63  }
0x93: {  	s5 =	simm.s32 $0x2900  }
0x94: {  	[spmem:s3] =	stream.indirect.scatter.add.f32 [tilespmem:s7], [sflag:$0x2], $0x10, s5, s22, $0xb8;
	[tilespmem:$0x14230] =	vst v63  }
0x95: {  	s7 =	simm.s32 $0x2980  }
0x96: {  	[spmem:s3] =	stream.indirect.scatter.add.f32 [tilespmem:s8], [sflag:$0x2], $0x10, s7, s22, $0xb8;
	[tilespmem:$0x14230] =	vst v63  }
0x97: {  	s8 =	simm.s32 $0x2A00  }
0x98: {  	[spmem:s3] =	stream.indirect.scatter.add.f32 [tilespmem:s9], [sflag:$0x2], $0x10, s8, s22, $0xb8;
	[tilespmem:$0x14230] =	vst v63  }
0x99: {  	s28 =	simm.s32 $0x1400;
	s9 =	simm.s32 $0x2A80  }
0x9a: {  	[spmem:s3] =	stream.indirect.scatter.add.f32 [tilespmem:s10], [sflag:$0x2], $0x10, s9, s22, $0xb8;
	[tilespmem:$0x14230] =	vst v63  }
0x9b: {  	s29 =	simm.s32 $0x1;
	p6 =	por $0x1, $0x1;
	s10 =	simm.s32 $0x2B00  }
0x9c: {  	[spmem:s3] =	stream.indirect.scatter.add.f32 [tilespmem:s12], [sflag:$0x2], $0x10, s10, s22, $0xb8;
	[tilespmem:$0x14230] =	vst v63  }
0x9d: {  	s30 =	simm.s32 $0x2800;
	s31 =	simm.s32 $0x2;
	s12 =	simm.s32 $0x2B80  }
0x9e: {  	[spmem:s3] =	stream.indirect.scatter.add.f32 [tilespmem:s13], [sflag:$0x2], $0x10, s12, s22, $0xb8;
	[tilespmem:$0x14230] =	vst v63  }
0x9f: {  	p0 =	por p6, p6;
	s14 =	simm.s32 $0x2C00;
	s0 =	simm.s32 $0x2C80  }
0xa0: {  	[spmem:s3] =	stream.indirect.scatter.add.f32 [tilespmem:s18], [sflag:$0x2], $0x10, s14, s22, $0xb8;
	[tilespmem:$0x14230] =	vst v63  }
.LBB2_4:
0xa1: {  	[spmem:s3] =	stream.indirect.scatter.add.f32 [tilespmem:s1], [sflag:$0x2], $0x10, s0, s22, $0xb8;
	[tilespmem:$0x14230] =	vst v63  }
0xa2: {  	s0 =	simm.s32 @!p0 $0x2  }
0xa3: {  	_ =	swait.ge @!p0 [sflag:s0], $0x7D0  }
0xa4: {  	[sflag:s0] =	ssyncset.done @!p0 $0x0  }
0xa5: {  	[sflag:s0] =	ssyncadd.s32 @!p0 $0xFFFFF830  }
0xa6: {  	_ =	swait.ge @!p0 [sflag:s0], $0x7D0  }
0xa7: {  	[sflag:s0] =	ssyncset.done @!p0 $0x0  }
0xa8: {  	[sflag:s0] =	ssyncadd.s32 @!p0 $0xFFFFF830  }
0xa9: {  	_ =	swait.ge @!p0 [sflag:s0], $0x7D0  }
0xaa: {  	[sflag:s0] =	ssyncset.done @!p0 $0x0  }
0xab: {  	[sflag:s0] =	ssyncadd.s32 @!p0 $0xFFFFF830  }
0xac: {  	_ =	swait.ge @!p0 [sflag:s0], $0x7D0  }
0xad: {  	[sflag:s0] =	ssyncset.done @!p0 $0x0  }
0xae: {  	[sflag:s0] =	ssyncadd.s32 @!p0 $0xFFFFF830  }
0xaf: {  	_ =	swait.ge @!p0 [sflag:s0], $0x7D0  }
0xb0: {  	[sflag:s0] =	ssyncset.done @!p0 $0x0  }
0xb1: {  	[sflag:s0] =	ssyncadd.s32 @!p0 $0xFFFFF830  }
0xb2: {  	_ =	swait.ge @!p0 [sflag:s0], $0x7D0  }
0xb3: {  	[sflag:s0] =	ssyncset.done @!p0 $0x0  }
0xb4: {  	[sflag:s0] =	ssyncadd.s32 @!p0 $0xFFFFF830  }
0xb5: {  	_ =	swait.ge @!p0 [sflag:s0], $0x7D0  }
0xb6: {  	[sflag:s0] =	ssyncset.done @!p0 $0x0  }
0xb7: {  	[sflag:s0] =	ssyncadd.s32 @!p0 $0xFFFFF830  }
0xb8: {  	_ =	swait.ge @!p0 [sflag:s0], $0x7D0  }
0xb9: {  	[sflag:s0] =	ssyncset.done @!p0 $0x0  }
0xba: {  	[sflag:s0] =	ssyncadd.s32 @!p0 $0xFFFFF830  }
0xbb: {  	_ =	swait.ge @!p0 [sflag:s0], $0x7D0  }
0xbc: {  	[sflag:s0] =	ssyncset.done @!p0 $0x0  }
0xbd: {  	[sflag:s0] =	ssyncadd.s32 @!p0 $0xFFFFF830  }
0xbe: {  	s4 =	sand.u32 $0x1, s29;
	_ =	swait.ge @!p0 [sflag:s0], $0x7D0  }
0xbf: {  	p3 =	seq.s32 s4, $0x1;
	s14 =	rddreg [dreg:$0x5]  }
0xc0: {  	[sflag:s0] =	ssyncset.done @!p0 $0x0;
	s14 =	simm.s32 @!p3 $0x0  }
0xc1: {  	[sflag:s0] =	ssyncadd.s32 @!p0 $0xFFFFF830;
	s0 =	sshra.s32 s28, $0x2;
	s18 =	sadd.s32 $0x5000, s14  }
0xc2: {  	[tilespmem:s18], [sflag:$0x1] =	stream.indirect.gather [spmem:s2], $0x10, s0, s22, $0xb8;
	[tilespmem:$0x14230] =	vst v63  }
0xc3: {  	s4 =	sadd.s32 $0x57D0, s14;
	s5 =	sadd.s32 $0x80, s0  }
0xc4: {  	[tilespmem:s4], [sflag:$0x1] =	stream.indirect.gather [spmem:s2], $0x10, s5, s22, $0xb8;
	[tilespmem:$0x14230] =	vst v63  }
0xc5: {  	s7 =	sadd.s32 $0x100, s0;
	s5 =	sadd.s32 $0x5FA0, s14  }
0xc6: {  	[tilespmem:s5], [sflag:$0x1] =	stream.indirect.gather [spmem:s2], $0x10, s7, s22, $0xb8;
	[tilespmem:$0x14230] =	vst v63  }
0xc7: {  	s8 =	sadd.s32 $0x180, s0;
	s7 =	sadd.s32 $0x6770, s14  }
0xc8: {  	[tilespmem:s7], [sflag:$0x1] =	stream.indirect.gather [spmem:s2], $0x10, s8, s22, $0xb8;
	[tilespmem:$0x14230] =	vst v63  }
0xc9: {  	s9 =	sadd.s32 $0x200, s0;
	s8 =	sadd.s32 $0x6F40, s14  }
0xca: {  	[tilespmem:s8], [sflag:$0x1] =	stream.indirect.gather [spmem:s2], $0x10, s9, s22, $0xb8;
	[tilespmem:$0x14230] =	vst v63  }
0xcb: {  	s10 =	sadd.s32 $0x280, s0;
	s9 =	sadd.s32 $0x7710, s14  }
0xcc: {  	[tilespmem:s9], [sflag:$0x1] =	stream.indirect.gather [spmem:s2], $0x10, s10, s22, $0xb8;
	[tilespmem:$0x14230] =	vst v63  }
0xcd: {  	s13 =	smov.u32 s30;
	s12 =	sadd.s32 $0x300, s0;
	s10 =	sadd.s32 $0x7EE0, s14  }
0xce: {  	[tilespmem:s10], [sflag:$0x1] =	stream.indirect.gather [spmem:s2], $0x10, s12, s22, $0xb8;
	[tilespmem:$0x14230] =	vst v63  }
0xcf: {  	s28 =	smov.u32 s13;
	s13 =	sadd.s32 $0x380, s0;
	s12 =	sadd.s32 $0x86B0, s14  }
0xd0: {  	[tilespmem:s12], [sflag:$0x1] =	stream.indirect.gather [spmem:s2], $0x10, s13, s22, $0xb8;
	[tilespmem:$0x14230] =	vst v63  }
0xd1: {  	s1 =	sadd.s32 $0x400, s0;
	s13 =	sadd.s32 $0x8E80, s14  }
0xd2: {  	[tilespmem:s13], [sflag:$0x1] =	stream.indirect.gather [spmem:s2], $0x10, s1, s22, $0xb8;
	[tilespmem:$0x14230] =	vst v63  }
0xd3: {  	s1 =	sadd.s32 $0x9650, s14;
	s14 =	sadd.s32 $0x480, s0  }
0xd4: {  	[tilespmem:s1], [sflag:$0x1] =	stream.indirect.gather [spmem:s2], $0x10, s14, s22, $0xb8;
	[tilespmem:$0x14230] =	vst v63  }
0xd5: {  	_ =	swait.ge [sflag:s23], $0x7D0  }
0xd6: {  	[sflag:s23] =	ssyncset.done $0x0  }
0xd7: {  	[sflag:s23] =	ssyncadd.s32 $0xFFFFF830  }
0xd8: {  	_ =	swait.ge [sflag:s23], $0x7D0  }
0xd9: {  	[sflag:s23] =	ssyncset.done $0x0  }
0xda: {  	[sflag:s23] =	ssyncadd.s32 $0xFFFFF830  }
0xdb: {  	_ =	swait.ge [sflag:s23], $0x7D0  }
0xdc: {  	[sflag:s23] =	ssyncset.done $0x0  }
0xdd: {  	[sflag:s23] =	ssyncadd.s32 $0xFFFFF830  }
0xde: {  	_ =	swait.ge [sflag:s23], $0x7D0  }
0xdf: {  	[sflag:s23] =	ssyncset.done $0x0  }
0xe0: {  	[sflag:s23] =	ssyncadd.s32 $0xFFFFF830  }
0xe1: {  	_ =	swait.ge [sflag:s23], $0x7D0  }
0xe2: {  	[sflag:s23] =	ssyncset.done $0x0  }
0xe3: {  	[sflag:s23] =	ssyncadd.s32 $0xFFFFF830  }
0xe4: {  	_ =	swait.ge [sflag:s23], $0x7D0  }
0xe5: {  	[sflag:s23] =	ssyncset.done $0x0  }
0xe6: {  	[sflag:s23] =	ssyncadd.s32 $0xFFFFF830  }
0xe7: {  	_ =	swait.ge [sflag:s23], $0x7D0  }
0xe8: {  	[sflag:s23] =	ssyncset.done $0x0  }
0xe9: {  	[sflag:s23] =	ssyncadd.s32 $0xFFFFF830  }
0xea: {  	_ =	swait.ge [sflag:s23], $0x7D0  }
0xeb: {  	[sflag:s23] =	ssyncset.done $0x0  }
0xec: {  	[sflag:s23] =	ssyncadd.s32 $0xFFFFF830  }
0xed: {  	_ =	swait.ge [sflag:s23], $0x7D0  }
0xee: {  	[sflag:s23] =	ssyncset.done $0x0  }
0xef: {  	[sflag:s23] =	ssyncadd.s32 $0xFFFFF830  }
0xf0: {  	_ =	swait.ge [sflag:s23], $0x7D0  }
0xf1: {  	[sflag:s23] =	ssyncset.done $0x0  }
0xf2: {  	s14 =	sadd.s32 $0x2800, s0;
	[sflag:s23] =	ssyncadd.s32 $0xFFFFF830  }
0xf3: {  	[spmem:s3] =	stream.indirect.scatter.add.f32 [tilespmem:s18], [sflag:$0x2], $0x10, s14, s22, $0xb8;
	[tilespmem:$0x14230] =	vst v63  }
0xf4: {  	s18 =	sadd.s32 $0x2880, s0  }
0xf5: {  	[spmem:s3] =	stream.indirect.scatter.add.f32 [tilespmem:s4], [sflag:$0x2], $0x10, s18, s22, $0xb8;
	[tilespmem:$0x14230] =	vst v63  }
0xf6: {  	s18 =	sadd.s32 $0x2900, s0  }
0xf7: {  	[spmem:s3] =	stream.indirect.scatter.add.f32 [tilespmem:s5], [sflag:$0x2], $0x10, s18, s22, $0xb8;
	[tilespmem:$0x14230] =	vst v63  }
0xf8: {  	s5 =	sadd.s32 $0x2980, s0  }
0xf9: {  	[spmem:s3] =	stream.indirect.scatter.add.f32 [tilespmem:s7], [sflag:$0x2], $0x10, s5, s22, $0xb8;
	[tilespmem:$0x14230] =	vst v63  }
0xfa: {  	s7 =	sadd.s32 $0x2A00, s0  }
0xfb: {  	[spmem:s3] =	stream.indirect.scatter.add.f32 [tilespmem:s8], [sflag:$0x2], $0x10, s7, s22, $0xb8;
	[tilespmem:$0x14230] =	vst v63  }
0xfc: {  	s30 =	sadd.s32 $0x1400, s30;
	s8 =	sadd.s32 $0x2A80, s0  }
0xfd: {  	[spmem:s3] =	stream.indirect.scatter.add.f32 [tilespmem:s9], [sflag:$0x2], $0x10, s8, s22, $0xb8;
	[tilespmem:$0x14230] =	vst v63  }
0xfe: {  	p1 =	sne.s32 s30, $0xA000;
	s9 =	sadd.s32 $0x2B00, s0  }
0xff: {  	[spmem:s3] =	stream.indirect.scatter.add.f32 [tilespmem:s10], [sflag:$0x2], $0x10, s9, s22, $0xb8;
	[tilespmem:$0x14230] =	vst v63  }
.Ltmp1:
0x100: {  	p2 =	slt.u32 s31, $0x2;
	(pc) =	sbr.rel @p1 .LBB2_4-.Ltmp1, $4  }
0x101: {  	s29 =	smov.u32 s31;
	s31 =	sadd.s32 $0x1, s31;
	s14 =	sadd.s32 $0x2B80, s0  }
0x102: {  	[spmem:s3] =	stream.indirect.scatter.add.f32 [tilespmem:s12], [sflag:$0x2], $0x10, s14, s22, $0xb8;
	[tilespmem:$0x14230] =	vst v63  }
0x103: {  	p0 =	por p2, p2;
	s18 =	sadd.s32 $0x2C00, s0;
	s0 =	sadd.s32 $0x2C80, s0  }
0x104: {  	[spmem:s3] =	stream.indirect.scatter.add.f32 [tilespmem:s13], [sflag:$0x2], $0x10, s18, s22, $0xb8;
	[tilespmem:$0x14230] =	vst v63  }
0x105: {  	[spmem:s3] =	stream.indirect.scatter.add.f32 [tilespmem:s1], [sflag:$0x2], $0x10, s0, s22, $0xb8;
	[tilespmem:$0x14230] =	vst v63  }
0x106: {  	s0 =	simm.s32 @!p0 $0x2  }
0x107: {  	_ =	swait.ge @!p0 [sflag:s0], $0x7D0  }
0x108: {  	[sflag:s0] =	ssyncset.done @!p0 $0x0  }
0x109: {  	[sflag:s0] =	ssyncadd.s32 @!p0 $0xFFFFF830  }
0x10a: {  	_ =	swait.ge @!p0 [sflag:s0], $0x7D0  }
0x10b: {  	[sflag:s0] =	ssyncset.done @!p0 $0x0  }
0x10c: {  	[sflag:s0] =	ssyncadd.s32 @!p0 $0xFFFFF830  }
0x10d: {  	_ =	swait.ge @!p0 [sflag:s0], $0x7D0  }
0x10e: {  	[sflag:s0] =	ssyncset.done @!p0 $0x0  }
0x10f: {  	[sflag:s0] =	ssyncadd.s32 @!p0 $0xFFFFF830  }
0x110: {  	_ =	swait.ge @!p0 [sflag:s0], $0x7D0  }
0x111: {  	[sflag:s0] =	ssyncset.done @!p0 $0x0  }
0x112: {  	[sflag:s0] =	ssyncadd.s32 @!p0 $0xFFFFF830  }
0x113: {  	_ =	swait.ge @!p0 [sflag:s0], $0x7D0  }
0x114: {  	[sflag:s0] =	ssyncset.done @!p0 $0x0  }
0x115: {  	[sflag:s0] =	ssyncadd.s32 @!p0 $0xFFFFF830  }
0x116: {  	_ =	swait.ge @!p0 [sflag:s0], $0x7D0  }
0x117: {  	[sflag:s0] =	ssyncset.done @!p0 $0x0  }
0x118: {  	[sflag:s0] =	ssyncadd.s32 @!p0 $0xFFFFF830  }
0x119: {  	_ =	swait.ge @!p0 [sflag:s0], $0x7D0  }
0x11a: {  	[sflag:s0] =	ssyncset.done @!p0 $0x0  }
0x11b: {  	[sflag:s0] =	ssyncadd.s32 @!p0 $0xFFFFF830  }
0x11c: {  	_ =	swait.ge @!p0 [sflag:s0], $0x7D0  }
0x11d: {  	[sflag:s0] =	ssyncset.done @!p0 $0x0  }
0x11e: {  	[sflag:s0] =	ssyncadd.s32 @!p0 $0xFFFFF830  }
0x11f: {  	_ =	swait.ge @!p0 [sflag:s0], $0x7D0  }
0x120: {  	[sflag:s0] =	ssyncset.done @!p0 $0x0  }
0x121: {  	[sflag:s0] =	ssyncadd.s32 @!p0 $0xFFFFF830  }
0x122: {  	s4 =	sand.u32 $0x1, s29;
	_ =	swait.ge @!p0 [sflag:s0], $0x7D0  }
0x123: {  	p1 =	seq.s32 s4, $0x1;
	s1 =	rddreg [dreg:$0x5]  }
0x124: {  	[sflag:s0] =	ssyncset.done @!p0 $0x0;
	s1 =	simm.s32 @!p1 $0x0  }
0x125: {  	[sflag:s0] =	ssyncadd.s32 @!p0 $0xFFFFF830;
	s0 =	sshra.s32 s28, $0x2;
	s31 =	sadd.s32 $0x5000, s1  }
0x126: {  	[tilespmem:s31], [sflag:$0x1] =	stream.indirect.gather [spmem:s2], $0x10, s0, s22, $0xb8;
	[tilespmem:$0x14230] =	vst v63  }
0x127: {  	s5 =	sadd.s32 $0x57D0, s1;
	s7 =	sadd.s32 $0x80, s0  }
0x128: {  	[tilespmem:s5], [sflag:$0x1] =	stream.indirect.gather [spmem:s2], $0x10, s7, s22, $0xb8;
	[tilespmem:$0x14230] =	vst v63  }
0x129: {  	s8 =	sadd.s32 $0x100, s0;
	s7 =	sadd.s32 $0x5FA0, s1  }
0x12a: {  	[tilespmem:s7], [sflag:$0x1] =	stream.indirect.gather [spmem:s2], $0x10, s8, s22, $0xb8;
	[tilespmem:$0x14230] =	vst v63  }
0x12b: {  	s9 =	sadd.s32 $0x180, s0;
	s8 =	sadd.s32 $0x6770, s1  }
0x12c: {  	[tilespmem:s8], [sflag:$0x1] =	stream.indirect.gather [spmem:s2], $0x10, s9, s22, $0xb8;
	[tilespmem:$0x14230] =	vst v63  }
0x12d: {  	s10 =	sadd.s32 $0x200, s0;
	s9 =	sadd.s32 $0x6F40, s1  }
0x12e: {  	[tilespmem:s9], [sflag:$0x1] =	stream.indirect.gather [spmem:s2], $0x10, s10, s22, $0xb8;
	[tilespmem:$0x14230] =	vst v63  }
0x12f: {  	s12 =	sadd.s32 $0x280, s0;
	s10 =	sadd.s32 $0x7710, s1  }
0x130: {  	[tilespmem:s10], [sflag:$0x1] =	stream.indirect.gather [spmem:s2], $0x10, s12, s22, $0xb8;
	[tilespmem:$0x14230] =	vst v63  }
0x131: {  	s13 =	sadd.s32 $0x300, s0;
	s12 =	sadd.s32 $0x7EE0, s1  }
0x132: {  	[tilespmem:s12], [sflag:$0x1] =	stream.indirect.gather [spmem:s2], $0x10, s13, s22, $0xb8;
	[tilespmem:$0x14230] =	vst v63  }
0x133: {  	s28 =	sadd.s32 $0x86B0, s1;
	s14 =	sadd.s32 $0x380, s0  }
0x134: {  	[tilespmem:s28], [sflag:$0x1] =	stream.indirect.gather [spmem:s2], $0x10, s14, s22, $0xb8;
	[tilespmem:$0x14230] =	vst v63  }
0x135: {  	s18 =	sadd.s32 $0x400, s0;
	s14 =	sadd.s32 $0x8E80, s1  }
0x136: {  	[tilespmem:s14], [sflag:$0x1] =	stream.indirect.gather [spmem:s2], $0x10, s18, s22, $0xb8;
	[tilespmem:$0x14230] =	vst v63  }
0x137: {  	s29 =	sadd.s32 $0x480, s0;
	s1 =	sadd.s32 $0x9650, s1  }
0x138: {  	[tilespmem:s1], [sflag:$0x1] =	stream.indirect.gather [spmem:s2], $0x10, s29, s22, $0xb8;
	[tilespmem:$0x14230] =	vst v63  }
0x139: {  	_ =	swait.ge [sflag:s23], $0x7D0  }
0x13a: {  	[sflag:s23] =	ssyncset.done $0x0  }
0x13b: {  	[sflag:s23] =	ssyncadd.s32 $0xFFFFF830  }
0x13c: {  	_ =	swait.ge [sflag:s23], $0x7D0  }
0x13d: {  	[sflag:s23] =	ssyncset.done $0x0  }
0x13e: {  	[sflag:s23] =	ssyncadd.s32 $0xFFFFF830  }
0x13f: {  	_ =	swait.ge [sflag:s23], $0x7D0  }
0x140: {  	[sflag:s23] =	ssyncset.done $0x0  }
0x141: {  	[sflag:s23] =	ssyncadd.s32 $0xFFFFF830  }
0x142: {  	_ =	swait.ge [sflag:s23], $0x7D0  }
0x143: {  	[sflag:s23] =	ssyncset.done $0x0  }
0x144: {  	[sflag:s23] =	ssyncadd.s32 $0xFFFFF830  }
0x145: {  	_ =	swait.ge [sflag:s23], $0x7D0  }
0x146: {  	[sflag:s23] =	ssyncset.done $0x0  }
0x147: {  	[sflag:s23] =	ssyncadd.s32 $0xFFFFF830  }
0x148: {  	_ =	swait.ge [sflag:s23], $0x7D0  }
0x149: {  	[sflag:s23] =	ssyncset.done $0x0  }
0x14a: {  	[sflag:s23] =	ssyncadd.s32 $0xFFFFF830  }
0x14b: {  	_ =	swait.ge [sflag:s23], $0x7D0  }
0x14c: {  	[sflag:s23] =	ssyncset.done $0x0  }
0x14d: {  	[sflag:s23] =	ssyncadd.s32 $0xFFFFF830  }
0x14e: {  	_ =	swait.ge [sflag:s23], $0x7D0  }
0x14f: {  	[sflag:s23] =	ssyncset.done $0x0  }
0x150: {  	[sflag:s23] =	ssyncadd.s32 $0xFFFFF830  }
0x151: {  	_ =	swait.ge [sflag:s23], $0x7D0  }
0x152: {  	[sflag:s23] =	ssyncset.done $0x0  }
0x153: {  	[sflag:s23] =	ssyncadd.s32 $0xFFFFF830  }
0x154: {  	_ =	swait.ge [sflag:s23], $0x7D0  }
0x155: {  	[sflag:s23] =	ssyncset.done $0x0  }
0x156: {  	s30 =	sadd.s32 $0x2800, s0;
	[sflag:s23] =	ssyncadd.s32 $0xFFFFF830  }
0x157: {  	[spmem:s3] =	stream.indirect.scatter.add.f32 [tilespmem:s31], [sflag:$0x2], $0x10, s30, s22, $0xb8;
	[tilespmem:$0x14230] =	vst v63  }
0x158: {  	s31 =	sadd.s32 $0x2880, s0  }
0x159: {  	[spmem:s3] =	stream.indirect.scatter.add.f32 [tilespmem:s5], [sflag:$0x2], $0x10, s31, s22, $0xb8;
	[tilespmem:$0x14230] =	vst v63  }
0x15a: {  	s5 =	sadd.s32 $0x2900, s0  }
0x15b: {  	[spmem:s3] =	stream.indirect.scatter.add.f32 [tilespmem:s7], [sflag:$0x2], $0x10, s5, s22, $0xb8;
	[tilespmem:$0x14230] =	vst v63  }
0x15c: {  	s7 =	sadd.s32 $0x2980, s0  }
0x15d: {  	[spmem:s3] =	stream.indirect.scatter.add.f32 [tilespmem:s8], [sflag:$0x2], $0x10, s7, s22, $0xb8;
	[tilespmem:$0x14230] =	vst v63  }
0x15e: {  	s8 =	sadd.s32 $0x2A00, s0  }
0x15f: {  	[spmem:s3] =	stream.indirect.scatter.add.f32 [tilespmem:s9], [sflag:$0x2], $0x10, s8, s22, $0xb8;
	[tilespmem:$0x14230] =	vst v63  }
0x160: {  	s9 =	sadd.s32 $0x2A80, s0  }
0x161: {  	[spmem:s3] =	stream.indirect.scatter.add.f32 [tilespmem:s10], [sflag:$0x2], $0x10, s9, s22, $0xb8;
	[tilespmem:$0x14230] =	vst v63  }
0x162: {  	s10 =	sadd.s32 $0x2B00, s0  }
0x163: {  	[spmem:s3] =	stream.indirect.scatter.add.f32 [tilespmem:s12], [sflag:$0x2], $0x10, s10, s22, $0xb8;
	[tilespmem:$0x14230] =	vst v63  }
0x164: {  	s18 =	sadd.s32 $0x2B80, s0  }
0x165: {  	[spmem:s3] =	stream.indirect.scatter.add.f32 [tilespmem:s28], [sflag:$0x2], $0x10, s18, s22, $0xb8;
	[tilespmem:$0x14230] =	vst v63  }
0x166: {  	s28 =	sadd.s32 $0x2C00, s0  }
0x167: {  	[spmem:s3] =	stream.indirect.scatter.add.f32 [tilespmem:s14], [sflag:$0x2], $0x10, s28, s22, $0xb8;
	[tilespmem:$0x14230] =	vst v63  }
0x168: {  	s0 =	sadd.s32 $0x2C80, s0  }
0x169: {  	[spmem:s3] =	stream.indirect.scatter.add.f32 [tilespmem:s1], [sflag:$0x2], $0x10, s0, s22, $0xb8;
	[tilespmem:$0x14230] =	vst v63  }
0x16a: {  	_ =	swait.ge [sflag:s24], $0x7D0  }
0x16b: {  	[sflag:s24] =	ssyncset.done $0x0  }
0x16c: {  	[sflag:s24] =	ssyncadd.s32 $0xFFFFF830  }
0x16d: {  	_ =	swait.ge [sflag:s24], $0x7D0  }
0x16e: {  	[sflag:s24] =	ssyncset.done $0x0  }
0x16f: {  	[sflag:s24] =	ssyncadd.s32 $0xFFFFF830  }
0x170: {  	_ =	swait.ge [sflag:s24], $0x7D0  }
0x171: {  	[sflag:s24] =	ssyncset.done $0x0  }
0x172: {  	[sflag:s24] =	ssyncadd.s32 $0xFFFFF830  }
0x173: {  	_ =	swait.ge [sflag:s24], $0x7D0  }
0x174: {  	[sflag:s24] =	ssyncset.done $0x0  }
0x175: {  	[sflag:s24] =	ssyncadd.s32 $0xFFFFF830  }
0x176: {  	_ =	swait.ge [sflag:s24], $0x7D0  }
0x177: {  	[sflag:s24] =	ssyncset.done $0x0  }
0x178: {  	[sflag:s24] =	ssyncadd.s32 $0xFFFFF830  }
0x179: {  	_ =	swait.ge [sflag:s24], $0x7D0  }
0x17a: {  	[sflag:s24] =	ssyncset.done $0x0  }
0x17b: {  	[sflag:s24] =	ssyncadd.s32 $0xFFFFF830  }
0x17c: {  	_ =	swait.ge [sflag:s24], $0x7D0  }
0x17d: {  	[sflag:s24] =	ssyncset.done $0x0  }
0x17e: {  	[sflag:s24] =	ssyncadd.s32 $0xFFFFF830  }
0x17f: {  	_ =	swait.ge [sflag:s24], $0x7D0  }
0x180: {  	[sflag:s24] =	ssyncset.done $0x0  }
0x181: {  	[sflag:s24] =	ssyncadd.s32 $0xFFFFF830  }
0x182: {  	_ =	swait.ge [sflag:s24], $0x7D0  }
0x183: {  	[sflag:s24] =	ssyncset.done $0x0  }
0x184: {  	[sflag:s24] =	ssyncadd.s32 $0xFFFFF830  }
0x185: {  	_ =	swait.ge [sflag:s24], $0x7D0  }
0x186: {  	[sflag:s24] =	ssyncset.done $0x0  }
0x187: {  	[sflag:s24] =	ssyncadd.s32 $0xFFFFF830  }
0x188: {  	_ =	swait.ge [sflag:s24], $0x7D0  }
0x189: {  	[sflag:s24] =	ssyncset.done $0x0  }
0x18a: {  	[sflag:s24] =	ssyncadd.s32 $0xFFFFF830  }
0x18b: {  	_ =	swait.ge [sflag:s24], $0x7D0  }
0x18c: {  	[sflag:s24] =	ssyncset.done $0x0  }
0x18d: {  	[sflag:s24] =	ssyncadd.s32 $0xFFFFF830  }
0x18e: {  	_ =	swait.ge [sflag:s24], $0x7D0  }
0x18f: {  	[sflag:s24] =	ssyncset.done $0x0  }
0x190: {  	[sflag:s24] =	ssyncadd.s32 $0xFFFFF830  }
0x191: {  	_ =	swait.ge [sflag:s24], $0x7D0  }
0x192: {  	[sflag:s24] =	ssyncset.done $0x0  }
0x193: {  	[sflag:s24] =	ssyncadd.s32 $0xFFFFF830  }
0x194: {  	_ =	swait.ge [sflag:s24], $0x7D0  }
0x195: {  	[sflag:s24] =	ssyncset.done $0x0  }
0x196: {  	[sflag:s24] =	ssyncadd.s32 $0xFFFFF830  }
0x197: {  	_ =	swait.ge [sflag:s24], $0x7D0  }
0x198: {  	[sflag:s24] =	ssyncset.done $0x0  }
0x199: {  	[sflag:s24] =	ssyncadd.s32 $0xFFFFF830  }
0x19a: {  	_ =	swait.ge [sflag:s24], $0x7D0  }
0x19b: {  	[sflag:s24] =	ssyncset.done $0x0  }
0x19c: {  	[sflag:s24] =	ssyncadd.s32 $0xFFFFF830  }
0x19d: {  	_ =	swait.ge [sflag:s24], $0x7D0  }
0x19e: {  	[sflag:s24] =	ssyncset.done $0x0  }
0x19f: {  	[sflag:s24] =	ssyncadd.s32 $0xFFFFF830  }
0x1a0: {  	_ =	swait.ge [sflag:s24], $0x7D0  }
0x1a1: {  	[sflag:s24] =	ssyncset.done $0x0  }
0x1a2: {  	[sflag:s24] =	ssyncadd.s32 $0xFFFFF830  }
0x1a3: {  	_ =	swait.ge [sflag:s24], $0x7D0  }
0x1a4: {  	[sflag:s24] =	ssyncset.done $0x0  }
0x1a5: {  	[sflag:s24] =	ssyncadd.s32 $0xFFFFF830  }
0x1a6: {  	[bflag:$0x0] =	sbarrier.arrive $0xFFFF  }
0x1a7: {  	s29 =	sor.u32 $0x1C04, s6;
	s30 =	rddreg [dreg:$0xa]  }
0x1a8: {  	[hbm:s30], [sflag:s29] =	dma.local [spmem:s25], $0x4E2  }
0x1a9: {  	_ =	swait.ge [sflag:s20], $0x4E2  }
0x1aa: {  	s26 =	sadd.s32 $0x1, s26;
	s31 =	rddreg [dreg:$0xb]  }
0x1ab: {  	p0 =	sne.s32 s26, s31  }
.Ltmp2:
0x1ac: {  	_ = 	snop;
	(pc) =	sbr.rel @p0 .LBB2_1-.Ltmp2, $3  }
0x1ad: {  	_ =	sdelay $0x1  }
0x1ae: {  	[sflag:s20] =	ssyncset.done $0x0  }
0x1af: {  	[sflag:s20] =	ssyncadd.s32 $0xFFFFFB1E  }
0x1b0: {  	_ =	sfence.sel $0x180000  }
0x1b1: {  	[bflag:$0x0] =	sbarrier.arrive $0xFFFF  }
0x1b2: {  	_ =	strace $0x9000004D  }
0x1b3: {  	s0 =	stileid.u32;
	[bflag:$0x2] =	sbarrier.arrive $0xFFFF  }
0x1b4: {  	p0 =	sne.s32 s0, $0x0;
	s0 =	rddreg [dreg:$0x4]  }
0x1b5: {  	s0 =	sadd.s32 @!p0 $0x100000, s0  }
0x1b6: {  	[sflag:s0] =	ssyncadd.tile.s32 @!p0 $0x1;
	_ =	shalt  }
.Lfunc_end2:
_tile_overlayer_lowered:
.L_overlay_start_2:
0x1b7: {  	(tag) =	ssettag $0x2  }
0x1b8: {  	s0 =	rddreg [dreg:$0x0];
	s2 =	stileid.u32  }
0x1b9: {  	s1 =	rddreg [dreg:$0x1];
	p0 =	sne.s32 s2, $0x0  }
0x1ba: {  	s3 =	rddreg [dreg:$0x2];
	[bflag:$0x3] =	sbarrier.arrive $0xFFFF;
	s2 =	simm.s32 @!p0 $0x1C04  }
0x1bb: {  	[timem:s3], [sflag:s2] =	dma.local @!p0 [hbm:s0], s1  }
0x1bc: {  	s0 =	simm.s32 @!p0 $0x4  }
0x1bd: {  	_ =	swait.ge @!p0 [sflag:s0], s1  }
0x1be: {  	s1 =	ssub.s32 @!p0 $0x0, s1;
	[sflag:s0] =	ssyncset.done @!p0 $0x0  }
0x1bf: {  	[sflag:s0] =	ssyncadd.s32 @!p0 s1  }
0x1c0: {  	[bflag:$0x3] =	sbarrier.arrive $0xFFFF  }
0x1c1: {  	_ =	shalt  }

// kernel: kernel.8.cloned.1.call-start
scs
__scs_entry_jumppad:
0x0: {  	(pc) =	sbr.rel $0x88, $3  }
0x1: {  	(tag) =	ssettag $0x0;
	lr =	simm.s32 $0x1  }
0x2: {  	[smem:$0x3F9B] =	sst lr;
	_ =	strace $0xD0000000  }
0x3: {  	_ = 	snop  }
0x4: {  	_ = 	snop  }
0x5: {  	_ = 	snop  }
0x6: {  	_ = 	snop  }
0x7: {  	_ = 	snop  }
__scs_overlays_trampoline_lowered:
0x8: {  	[smem:$0x3FAA] =	sst s0  }
0x9: {  	[smem:$0x3FAB] =	sst s1  }
0xa: {  	[smem:$0x3FAC] =	sst s2  }
0xb: {  	[smem:$0x3FAD] =	sst s3  }
0xc: {  	[smem:$0x3FAE] =	sst s4  }
0xd: {  	[smem:$0x3FAF] =	sst s5  }
0xe: {  	[smem:$0x3FB0] =	sst s6  }
0xf: {  	[smem:$0x3FB1] =	sst s7  }
0x10: {  	[smem:$0x3FB2] =	sst s8  }
0x11: {  	[smem:$0x3FB3] =	sst s9;
	s0 =	simm.s32 @!p0 $0x0  }
0x12: {  	s1 =	sld [smem:$0x3F99];
	s0 =	simm.s32 @p0 $0x1  }
0x13: {  	[smem:$0x3FB4] =	sst s0;
	s0 =	simm.s32 @!p1 $0x0  }
0x14: {  	s2 =	sld [smem:$0x3F98];
	s0 =	simm.s32 @p1 $0x1  }
0x15: {  	[smem:$0x3FB5] =	sst s0;
	s0 =	simm.s32 @!p2 $0x0  }
0x16: {  	s3 =	sld [smem:$0x3FDB];
	s0 =	simm.s32 @p2 $0x1  }
0x17: {  	s4 =	simm.s32 $0x1BF5;
	[smem:$0x3FB7] =	sst s0  }
0x18: {  	s0 =	sld [smem:$0x3F9A];
	_ =	swait.ge [sflag:s4], $0x0  }
0x19: {  	s7 =	sld [smem:$0x3F9B]  }
0x1a: {  	s8 =	sadd.s32 $0xFFFFE003, lr  }
0x1b: {  	s9 =	sadd.s32 $0xFFFFFEF7, lr;
	s5 =	simm.s32 $0xFFFFFFFF;
	p2 =	slt.u32 s8, $0xFFFFF086  }
0x1c: {  	p1 =	slt.u32 s9, $0xF7A;
	s5 =	simm.s32 @!p2 $0x0  }
0x1d: {  	s5 =	simm.s32 @p1 $0x1;
	p0 =	seq.s32 s7, s2  }
0x1e: {  	s7 =	smul.u32 @!p0 $0xF7A, s2;
	p2 =	seq.s32 @!p0 s5, $0x0  }
0x1f: {  	s9 =	smul.u32 $0xF7A, s1;
	s8 =	simm.s32 @!p0 $0x1BF5;
	p2 =	por !p2, p0  }
0x20: {  	[sflag:s8] =	ssyncset.s32 @!p0 $0xFFFFF086;
	s6 =	sadd.s32 @!p0 s3, s7;
	s7 =	simm.s32 @!p0 $0x108  }
0x21: {  	s3 =	sadd.s32 s3, s9;
	s6 =	sadd.s32 @!p0 $0x88, s6;
	s7 =	simm.s32 @p2 $0x1082  }
0x22: {  	[simem:s7], [sflag:s8] =	dma.local @!p0 [hbm:s6], $0xF7A  }
0x23: {  	s9 =	sor.u32 $0xD0000000, s2;
	s6 =	simm.s32 $0x108;
	_ =	swait.ge @!p0 [sflag:s8], $0x0  }
0x24: {  	s3 =	sadd.s32 $0x88, s3;
	s6 =	simm.s32 @!p1 $0x1082;
	[sflag:s4] =	ssyncset.s32 $0xFFFFF086  }
0x25: {  	[simem:s6], [sflag:s4] =	dma.local [hbm:s3], $0xF7A  }
0x26: {  	[smem:$0x3F9B] =	sst s1;
	(tag) =	ssettag s2;
	_ =	strace s9  }
0x27: {  	s1 =	sld [smem:$0x3FAB]  }
0x28: {  	s2 =	sld [smem:$0x3FAC]  }
0x29: {  	s4 =	sld [smem:$0x3FAE]  }
0x2a: {  	p0 =	seq.s32 s5, $0x0;
	s5 =	sld [smem:$0x3FAF]  }
0x2b: {  	s6 =	sld [smem:$0x3FB0]  }
0x2c: {  	s7 =	sld [smem:$0x3FB1]  }
0x2d: {  	s3 =	simm.s32 $0x108;
	s8 =	sld [smem:$0x3FB2]  }
0x2e: {  	s3 =	simm.s32 @!p0 $0x1082;
	s9 =	sld [smem:$0x3FB3]  }
0x2f: {  	lr =	sadd.s32 s0, s3;
	s0 =	sld [smem:$0x3FAA]  }
0x30: {  	s3 =	sld [smem:$0x3FAD]  }
0x31: {  	[smem:$0x3FB6] =	sst s10  }
0x32: {  	s10 =	sld [smem:$0x3FB4];
	_ =	sdelay $0x3  }
0x33: {  	p0 =	seq.s32 s10, $0x1;
	s10 =	sld [smem:$0x3FB6];
	_ =	sdelay $0x3  }
0x34: {  	[smem:$0x3FB6] =	sst s10  }
0x35: {  	s10 =	sld [smem:$0x3FB5];
	_ =	sdelay $0x3  }
0x36: {  	p1 =	seq.s32 s10, $0x1;
	s10 =	sld [smem:$0x3FB6];
	_ =	sdelay $0x3  }
0x37: {  	[smem:$0x3FB6] =	sst s10  }
0x38: {  	s10 =	sld [smem:$0x3FB7]  }
0x39: {  	_ = 	snop;
	(pc) =	sbr.ind lr, $3  }
0x3a: {  	_ = 	snop  }
0x3b: {  	_ = 	snop  }
0x3c: {  	p2 =	seq.s32 s10, $0x1;
	s10 =	sld [smem:$0x3FB6]  }
0x3d: {  	_ =	shalt  }
0x3e: {  	_ =	shalt  }
0x3f: {  	_ =	shalt  }
0x40: {  	_ =	shalt  }
0x41: {  	_ =	shalt  }
0x42: {  	_ =	shalt  }
0x43: {  	_ =	shalt  }
0x44: {  	_ =	shalt  }
0x45: {  	_ =	shalt  }
0x46: {  	_ =	shalt  }
0x47: {  	_ =	shalt  }
0x48: {  	_ =	shalt  }
0x49: {  	_ =	shalt  }
0x4a: {  	_ =	shalt  }
0x4b: {  	_ =	shalt  }
0x4c: {  	_ =	shalt  }
0x4d: {  	_ =	shalt  }
0x4e: {  	_ =	shalt  }
0x4f: {  	_ =	shalt  }
0x50: {  	_ =	shalt  }
0x51: {  	_ =	shalt  }
0x52: {  	_ =	shalt  }
0x53: {  	_ =	shalt  }
0x54: {  	_ =	shalt  }
0x55: {  	_ =	shalt  }
0x56: {  	_ =	shalt  }
0x57: {  	_ =	shalt  }
0x58: {  	_ =	shalt  }
0x59: {  	_ =	shalt  }
0x5a: {  	_ =	shalt  }
0x5b: {  	_ =	shalt  }
0x5c: {  	_ =	shalt  }
0x5d: {  	_ =	shalt  }
0x5e: {  	_ =	shalt  }
0x5f: {  	_ =	shalt  }
0x60: {  	_ =	shalt  }
0x61: {  	_ =	shalt  }
0x62: {  	_ =	shalt  }
0x63: {  	_ =	shalt  }
0x64: {  	_ =	shalt  }
0x65: {  	_ =	shalt  }
0x66: {  	_ =	shalt  }
0x67: {  	_ =	shalt  }
0x68: {  	_ =	shalt  }
0x69: {  	_ =	shalt  }
0x6a: {  	_ =	shalt  }
0x6b: {  	_ =	shalt  }
0x6c: {  	_ =	shalt  }
0x6d: {  	_ =	shalt  }
0x6e: {  	_ =	shalt  }
0x6f: {  	_ =	shalt  }
0x70: {  	_ =	shalt  }
0x71: {  	_ =	shalt  }
0x72: {  	_ =	shalt  }
0x73: {  	_ =	shalt  }
0x74: {  	_ =	shalt  }
0x75: {  	_ =	shalt  }
0x76: {  	_ =	shalt  }
0x77: {  	_ =	shalt  }
0x78: {  	_ =	shalt  }
0x79: {  	_ =	shalt  }
0x7a: {  	_ =	shalt  }
0x7b: {  	_ =	shalt  }
0x7c: {  	_ =	shalt  }
0x7d: {  	_ =	shalt  }
0x7e: {  	_ =	shalt  }
0x7f: {  	_ =	shalt  }
0x80: {  	_ =	shalt  }
0x81: {  	_ =	shalt  }
0x82: {  	_ =	shalt  }
0x83: {  	_ =	shalt  }
0x84: {  	_ =	shalt  }
0x85: {  	_ =	shalt  }
0x86: {  	_ =	shalt  }
0x87: {  	_ =	shalt  }
.Lfunc_end0:
.L_simem_size_0:
called_computation_lowered:
.L_overlay_start_0:
0x88: {  	s2 =	sld [smem:$0x3FD9]  }
0x89: {  	s3 =	sld [smem:$0x3FFE];
	_ =	sdelay $0x1  }
0x8a: {  	s1 =	srdreg.scid  }
0x8b: {  	s0 =	sand.u32 $0x1, s1  }
0x8c: {  	s16 =	sshll.u32 s0, $0xA;
	s2 =	sadd.s32 s3, s2  }
0x8d: {  	s2 =	sadd.s32 s2, s16  }
0x8e: {  	[smem:$0x3FC2] =	sst s2  }
0x8f: {  	_ = 	snop  }
0x90: {  	(tm) =	ssettm $0x1  }
0x91: {  	s17 =	sld [smem:$0x3FFB];
	_ =	sdelay $0x3  }
0x92: {  	_ =	strace s17  }
0x93: {  	s2 =	sld [smem:$0x3FFC];
	_ =	sdelay $0x3  }
0x94: {  	_ =	strace s2  }
0x95: {  	s2 =	sld [smem:$0x3FFD];
	_ =	sdelay $0x3  }
0x96: {  	_ =	strace s2  }
0x97: {  	_ =	strace $0x8FFFFFFF  }
0x98: {  	s18 =	sld [smem:$0x3FDB];
	_ =	sdelay $0x1  }
0x99: {  	s19 =	simm.s32 $_scs_section_size  }
0x9a: {  	s4 =	simm.s32 $_size__tile_overlayer_lowered;
	s5 =	simm.s32 $_tile_overlayer_lowered  }
0x9b: {  	s22 =	simm.s32 $0x1BFF;
	s21 =	sshll.u32 s5, $0x1;
	s2 =	sadd.s32 s19, s18  }
0x9c: {  	s6 =	simm.s32 $0x0;
	s20 =	sshll.u32 s4, $0x1;
	s4 =	sadd.s32 s21, s2  }
0x9d: {  	[timem:s6], [sflag:s22] =	dma.local [hbm:s4], s20  }
0x9e: {  	_ =	swait.ge [sflag:s22], s20  }
0x9f: {  	s3 =	ssub.s32 $0x0, s20;
	[sflag:s22] =	ssyncset.done $0x0  }
0xa0: {  	[sflag:s22] =	ssyncadd.s32 s3;
	_ =	sdelay $0x1  }
0xa1: {  	s23 =	simm.s32 $0x1B8B  }
0xa2: {  	_ =	swait.ge [sflag:s23], $0x1  }
0xa3: {  	[sflag:s23] =	ssyncset.done $0x0  }
0xa4: {  	s25 =	simm.s32 $0x1B8E;
	s24 =	sld [smem:$0x3FFE];
	[sflag:s23] =	ssyncadd.s32 $0xFFFFFFFF  }
0xa5: {  	s26 =	simm.s32 $execute0_lowered;
	[smem:$0x3FD2] =	sst s25  }
0xa6: {  	s4 =	sshll.u32 s26, $0x1;
	_ =	strace $0x80000046;
	[dreg:$0x1] =	wrdreg $0xFFFFFFFF  }
0xa7: {  	s28 =	simm.s32 $_size_execute0_lowered;
	s2 =	sadd.s32 s2, s4;
	[dreg:$0x0] =	wrdreg $0x0  }
0xa8: {  	s4 =	sshll.u32 s28, $0x1;
	[dreg:$0x2] =	wrdreg s2  }
0xa9: {  	[dreg:$0x3] =	wrdreg s4  }
0xaa: {  	[dreg:$0x4] =	wrdreg $0xC0  }
0xab: {  	_ =	task [dreg:s6], $0x5FFFF  }
0xac: {  	[dreg:$0x1] =	wrdreg $0xFFFFFFFF  }
0xad: {  	[dreg:$0x0] =	wrdreg $0x60  }
0xae: {  	[dreg:$0x2] =	wrdreg s24  }
0xaf: {  	[dreg:$0x3] =	wrdreg $0x37A00  }
0xb0: {  	[dreg:$0x4] =	wrdreg $0x9  }
0xb1: {  	_ =	task.clear_ibuf [dreg:s6], $0x5FFFF;
	_ =	strace $0x90000046  }
0xb2: {  	s29 =	simm.s32 $0x9;
	_ =	strace $0x80000048  }
0xb3: {  	_ =	swait.ge [sflag:s29], $0x1  }
0xb4: {  	[sflag:s29] =	ssyncadd.s32 $0xFFFFFFFF  }
0xb5: {  	_ =	strace $0x90000048  }
0xb6: {  	_ =	sfence  }
0xb7: {  	s30 =	sld [smem:$0x0];
	_ =	sdelay $0x2  }
0xb8: {  	s31 =	sshll.u32 s1, $0xD;
	s1 =	sshrl.u32 s1, $0x2  }
0xb9: {  	s3 =	sand.u32 $0x4000, s31;
	s1 =	sadd.s32 s1, s30  }
0xba: {  	s0 =	sor.u32 s3, s0;
	s1 =	sshll.u32 s1, $0x11  }
0xbb: {  	s0 =	sor.u32 s1, s0  }
0xbc: {  	s0 =	sadd.s32 $0x8F2B, s0  }
0xbd: {  	[sflag:s0] =	ssyncadd.remote.s32 $0x1  }
0xbe: {  	_ =	sfence.sel $0xFFFF  }
0xbf: {  	[dreg:$0x0] =	wrdreg $0xFFFFFFFF;
	(pc) =	sbr.abs _section_cstart, $3  }
0xc0: {  	[dreg:$0x1] =	wrdreg $0xFFFFFFFF  }
0xc1: {  	_ =	task.clear_ibuf [dreg:s6], $0x2FFFF;
	_ =	strace $0x9FFFFFFF  }
0xc2: {  	(tm) =	ssettm $0x7FFFFFFF  }
0xc3: {  	_ =	shalt  }
tec
execute0_lowered:
.L_overlay_start_1:
0x0: {  	(tag) =	ssettag $0x1  }
0x1: {  	s4 =	rddreg [dreg:$0x0]  }
0x2: {  	s2 =	rddreg [dreg:$0x1];
	s3 =	srdreg.scid  }
0x3: {  	s0 =	rddreg [dreg:$0x2];
	s1 =	stileid.u32  }
0x4: {  	s12 =	simm.s32 $0x2FD0;
	s13 =	simm.s32 $0x2;
	s14 =	simm.s32 $0x1  }
0x5: {  	s15 =	simm.s32 $0x7D;
	s16 =	simm.s32 $0x2800;
	s19 =	simm.s32 $0x0  }
0x6: {  	s5 =	sand.u32 $0x1, s3;
	s3 =	simm.s32 $0x0;
	s8 =	smul.u32 $0x2710, s1  }
0x7: {  	s6 =	sshll.u32 s1, $0x1;
	s9 =	smul.u32 $0x9C40, s1;
	s17 =	sshll.u32 s1, $0x6  }
0x8: {  	s7 =	smul.u32 $0x27100, s5;
	[smem:$0x7FF] =	sst s3;
	s6 =	sor.u32 s5, s6  }
0x9: {  	s5 =	ssub.s32 $0x2, s5;
	s17 =	sor.u32 $0x1C02, s17;
	_ =	strace $0x80000047  }
0xa: {  	s6 =	smul.u32 $0x500, s6;
	s10 =	sshrl.u32 s5, $0x1;
	s9 =	sshrl.u32 s9, $0x2  }
0xb: {  	s18 =	sadd.s32 s8, s2;
	s7 =	sadd.s32 s8, s7;
	s10 =	ssub.s32 s5, s10  }
0xc: {  	s18 =	sshrl.u32 s18, $0x3;
	s6 =	sadd.s32 s6, s4;
	s7 =	sshrl.u32 s7, $0x3  }
0xd: {  	s7 =	sadd.s32 s7, s4;
	s4 =	sadd.s32 $0x1E00, s6;
	s6 =	sadd.s32 s9, s2  }
0xe: {  	s5 =	sadd.s32 $0xBE00, s7;
	s7 =	smax.u32 s10, $0x1;
	s8 =	sadd.s32 $0x7D0, s6  }
0xf: {  	v0 =	vimm.f32 $0.0e+00;
	v1 =	vimm.f32 $1.000000000e+00;
	s9 =	sadd.s32 $0xFA0, s6;
	s10 =	sadd.s32 $0x1770, s6;
	s11 =	sadd.s32 $0x1F40, s6  }
.LBB2_1:
0x10: {  	[tilespmem:s3], [sflag:$0x1] =	stream.linear.gather [hbm4b:s4+s3], $0x2800, $0x38;
	[tilespmem:$0x5EB0] =	vst v63  }
0x11: {  	s20 =	simm.s32 $0x40;
	s21 =	simm.s32 $0x0  }
.LBB2_2:
0x12: {  	p0 =	sne.s32 s20, $0x1F00;
	[tilespmem:s21+$0x2FD0] =	vst v0;
	s22 =	smov.u32 s20;
	s20 =	sadd.s32 $0x40, s20  }
.Ltmp0:
0x13: {  	[tilespmem:s21+$0x2800] =	vst v1;
	(pc) =	sbr.rel @p0 .LBB2_2-.Ltmp0, $2  }
0x14: {  	_ =	sdelay $0x2  }
0x15: {  	s21 =	sshra.s32 s22, $0x2  }
0x16: {  	[tilespmem:s21+$0x2FD0] =	vst v0  }
0x17: {  	[tilespmem:s21+$0x2800] =	vst v1  }
0x18: {  	[spmem:s6] =	stream.linear.scatter [tilespmem:s12], [sflag:$0x2], $0x7D0, $0x38;
	[tilespmem:$0x5EB0] =	vst v63  }
0x19: {  	_ =	swait.ge [sflag:s13], $0x7D0  }
0x1a: {  	[sflag:s13] =	ssyncset.done $0x0  }
0x1b: {  	[sflag:s13] =	ssyncadd.s32 $0xFFFFF830  }
0x1c: {  	[spmem:s8] =	stream.linear.scatter [tilespmem:s12], [sflag:$0x2], $0x7D0, $0x38;
	[tilespmem:$0x5EB0] =	vst v63  }
0x1d: {  	_ =	swait.ge [sflag:s13], $0x7D0  }
0x1e: {  	[sflag:s13] =	ssyncset.done $0x0  }
0x1f: {  	[sflag:s13] =	ssyncadd.s32 $0xFFFFF830  }
0x20: {  	[spmem:s9] =	stream.linear.scatter [tilespmem:s12], [sflag:$0x2], $0x7D0, $0x38;
	[tilespmem:$0x5EB0] =	vst v63  }
0x21: {  	_ =	swait.ge [sflag:s13], $0x7D0  }
0x22: {  	[sflag:s13] =	ssyncset.done $0x0  }
0x23: {  	[sflag:s13] =	ssyncadd.s32 $0xFFFFF830  }
0x24: {  	[spmem:s10] =	stream.linear.scatter [tilespmem:s12], [sflag:$0x2], $0x7D0, $0x38;
	[tilespmem:$0x5EB0] =	vst v63  }
0x25: {  	_ =	swait.ge [sflag:s13], $0x7D0  }
0x26: {  	[sflag:s13] =	ssyncset.done $0x0  }
0x27: {  	[sflag:s13] =	ssyncadd.s32 $0xFFFFF830  }
0x28: {  	[spmem:s11] =	stream.linear.scatter [tilespmem:s12], [sflag:$0x2], $0x7D0, $0x38;
	[tilespmem:$0x5EB0] =	vst v63  }
0x29: {  	_ =	swait.ge [sflag:s13], $0x7D0  }
0x2a: {  	[sflag:s13] =	ssyncset.done $0x0  }
0x2b: {  	[sflag:s13] =	ssyncadd.s32 $0xFFFFF830  }
0x2c: {  	_ =	swait.ge [sflag:s14], $0x2800  }
0x2d: {  	[sflag:s14] =	ssyncset.done $0x0  }
0x2e: {  	[sflag:s14] =	ssyncadd.s32 $0xFFFFD800  }
0x2f: {  	s20 =	simm.s32 $0x0;
	[bflag:$0x0] =	sbarrier.arrive $0xFFFF  }
0x30: {  	[spmem:s2] =	stream.indirect.scatter.add.f32 [tilespmem:s16], [sflag:$0x1], $0x10, s20, s15, $0xb8;
	[tilespmem:$0x5EB0] =	vst v63  }
0x31: {  	s22 =	simm.s32 $0x80  }
0x32: {  	[spmem:s2] =	stream.indirect.scatter.add.f32 [tilespmem:s16], [sflag:$0x1], $0x10, s22, s15, $0xb8;
	[tilespmem:$0x5EB0] =	vst v63  }
0x33: {  	s23 =	simm.s32 $0x100  }
0x34: {  	[spmem:s2] =	stream.indirect.scatter.add.f32 [tilespmem:s16], [sflag:$0x1], $0x10, s23, s15, $0xb8;
	[tilespmem:$0x5EB0] =	vst v63  }
0x35: {  	s24 =	simm.s32 $0x180  }
0x36: {  	[spmem:s2] =	stream.indirect.scatter.add.f32 [tilespmem:s16], [sflag:$0x1], $0x10, s24, s15, $0xb8;
	[tilespmem:$0x5EB0] =	vst v63  }
0x37: {  	s25 =	simm.s32 $0x200  }
0x38: {  	[spmem:s2] =	stream.indirect.scatter.add.f32 [tilespmem:s16], [sflag:$0x1], $0x10, s25, s15, $0xb8;
	[tilespmem:$0x5EB0] =	vst v63  }
0x39: {  	s26 =	simm.s32 $0x280  }
0x3a: {  	[spmem:s2] =	stream.indirect.scatter.add.f32 [tilespmem:s16], [sflag:$0x1], $0x10, s26, s15, $0xb8;
	[tilespmem:$0x5EB0] =	vst v63  }
0x3b: {  	s28 =	simm.s32 $0x300  }
0x3c: {  	[spmem:s2] =	stream.indirect.scatter.add.f32 [tilespmem:s16], [sflag:$0x1], $0x10, s28, s15, $0xb8;
	[tilespmem:$0x5EB0] =	vst v63  }
0x3d: {  	s29 =	simm.s32 $0x380  }
0x3e: {  	[spmem:s2] =	stream.indirect.scatter.add.f32 [tilespmem:s16], [sflag:$0x1], $0x10, s29, s15, $0xb8;
	[tilespmem:$0x5EB0] =	vst v63  }
0x3f: {  	s30 =	simm.s32 $0x400  }
0x40: {  	[spmem:s2] =	stream.indirect.scatter.add.f32 [tilespmem:s16], [sflag:$0x1], $0x10, s30, s15, $0xb8;
	[tilespmem:$0x5EB0] =	vst v63  }
0x41: {  	s31 =	simm.s32 $0x480  }
0x42: {  	[spmem:s2] =	stream.indirect.scatter.add.f32 [tilespmem:s16], [sflag:$0x1], $0x10, s31, s15, $0xb8;
	[tilespmem:$0x5EB0] =	vst v63  }
0x43: {  	_ =	swait.ge [sflag:s14], $0x7D0  }
0x44: {  	[sflag:s14] =	ssyncset.done $0x0  }
0x45: {  	[sflag:s14] =	ssyncadd.s32 $0xFFFFF830  }
0x46: {  	_ =	swait.ge [sflag:s14], $0x7D0  }
0x47: {  	[sflag:s14] =	ssyncset.done $0x0  }
0x48: {  	[sflag:s14] =	ssyncadd.s32 $0xFFFFF830  }
0x49: {  	_ =	swait.ge [sflag:s14], $0x7D0  }
0x4a: {  	[sflag:s14] =	ssyncset.done $0x0  }
0x4b: {  	[sflag:s14] =	ssyncadd.s32 $0xFFFFF830  }
0x4c: {  	_ =	swait.ge [sflag:s14], $0x7D0  }
0x4d: {  	[sflag:s14] =	ssyncset.done $0x0  }
0x4e: {  	[sflag:s14] =	ssyncadd.s32 $0xFFFFF830  }
0x4f: {  	_ =	swait.ge [sflag:s14], $0x7D0  }
0x50: {  	[sflag:s14] =	ssyncset.done $0x0  }
0x51: {  	[sflag:s14] =	ssyncadd.s32 $0xFFFFF830  }
0x52: {  	_ =	swait.ge [sflag:s14], $0x7D0  }
0x53: {  	[sflag:s14] =	ssyncset.done $0x0  }
0x54: {  	[sflag:s14] =	ssyncadd.s32 $0xFFFFF830  }
0x55: {  	_ =	swait.ge [sflag:s14], $0x7D0  }
0x56: {  	[sflag:s14] =	ssyncset.done $0x0  }
0x57: {  	[sflag:s14] =	ssyncadd.s32 $0xFFFFF830  }
0x58: {  	_ =	swait.ge [sflag:s14], $0x7D0  }
0x59: {  	[sflag:s14] =	ssyncset.done $0x0  }
0x5a: {  	[sflag:s14] =	ssyncadd.s32 $0xFFFFF830  }
0x5b: {  	_ =	swait.ge [sflag:s14], $0x7D0  }
0x5c: {  	[sflag:s14] =	ssyncset.done $0x0  }
0x5d: {  	[sflag:s14] =	ssyncadd.s32 $0xFFFFF830  }
0x5e: {  	_ =	swait.ge [sflag:s14], $0x7D0  }
0x5f: {  	s20 =	simm.s32 $0x1400;
	s22 =	simm.s32 $0x2800;
	[sflag:s14] =	ssyncset.done $0x0  }
.LBB2_4:
0x60: {  	s23 =	sshra.s32 s20, $0x2  }
0x61: {  	[sflag:s14] =	ssyncadd.s32 $0xFFFFF830;
	s20 =	smov.u32 s22;
	s21 =	sadd.s32 $0x1400, s22  }
0x62: {  	[spmem:s2] =	stream.indirect.scatter.add.f32 [tilespmem:s16], [sflag:$0x1], $0x10, s23, s15, $0xb8;
	[tilespmem:$0x5EB0] =	vst v63  }
0x63: {  	p0 =	sne.s32 s22, $0x8C00;
	s22 =	sadd.s32 $0x80, s23  }
0x64: {  	[spmem:s2] =	stream.indirect.scatter.add.f32 [tilespmem:s16], [sflag:$0x1], $0x10, s22, s15, $0xb8;
	[tilespmem:$0x5EB0] =	vst v63  }
0x65: {  	s22 =	sadd.s32 $0x100, s23  }
0x66: {  	[spmem:s2] =	stream.indirect.scatter.add.f32 [tilespmem:s16], [sflag:$0x1], $0x10, s22, s15, $0xb8;
	[tilespmem:$0x5EB0] =	vst v63  }
0x67: {  	s22 =	sadd.s32 $0x180, s23  }
0x68: {  	[spmem:s2] =	stream.indirect.scatter.add.f32 [tilespmem:s16], [sflag:$0x1], $0x10, s22, s15, $0xb8;
	[tilespmem:$0x5EB0] =	vst v63  }
0x69: {  	s22 =	sadd.s32 $0x200, s23  }
0x6a: {  	[spmem:s2] =	stream.indirect.scatter.add.f32 [tilespmem:s16], [sflag:$0x1], $0x10, s22, s15, $0xb8;
	[tilespmem:$0x5EB0] =	vst v63  }
0x6b: {  	s22 =	sadd.s32 $0x280, s23  }
0x6c: {  	[spmem:s2] =	stream.indirect.scatter.add.f32 [tilespmem:s16], [sflag:$0x1], $0x10, s22, s15, $0xb8;
	[tilespmem:$0x5EB0] =	vst v63  }
0x6d: {  	s22 =	sadd.s32 $0x300, s23  }
0x6e: {  	[spmem:s2] =	stream.indirect.scatter.add.f32 [tilespmem:s16], [sflag:$0x1], $0x10, s22, s15, $0xb8;
	[tilespmem:$0x5EB0] =	vst v63  }
0x6f: {  	s22 =	sadd.s32 $0x380, s23  }
0x70: {  	[spmem:s2] =	stream.indirect.scatter.add.f32 [tilespmem:s16], [sflag:$0x1], $0x10, s22, s15, $0xb8;
	[tilespmem:$0x5EB0] =	vst v63  }
0x71: {  	s22 =	sadd.s32 $0x400, s23  }
0x72: {  	[spmem:s2] =	stream.indirect.scatter.add.f32 [tilespmem:s16], [sflag:$0x1], $0x10, s22, s15, $0xb8;
	[tilespmem:$0x5EB0] =	vst v63  }
0x73: {  	s22 =	sadd.s32 $0x480, s23  }
0x74: {  	[spmem:s2] =	stream.indirect.scatter.add.f32 [tilespmem:s16], [sflag:$0x1], $0x10, s22, s15, $0xb8;
	[tilespmem:$0x5EB0] =	vst v63  }
0x75: {  	_ =	swait.ge [sflag:s14], $0x7D0  }
0x76: {  	[sflag:s14] =	ssyncset.done $0x0  }
0x77: {  	[sflag:s14] =	ssyncadd.s32 $0xFFFFF830  }
0x78: {  	_ =	swait.ge [sflag:s14], $0x7D0  }
0x79: {  	[sflag:s14] =	ssyncset.done $0x0  }
0x7a: {  	[sflag:s14] =	ssyncadd.s32 $0xFFFFF830  }
0x7b: {  	_ =	swait.ge [sflag:s14], $0x7D0  }
0x7c: {  	[sflag:s14] =	ssyncset.done $0x0  }
0x7d: {  	[sflag:s14] =	ssyncadd.s32 $0xFFFFF830  }
0x7e: {  	_ =	swait.ge [sflag:s14], $0x7D0  }
0x7f: {  	[sflag:s14] =	ssyncset.done $0x0  }
0x80: {  	[sflag:s14] =	ssyncadd.s32 $0xFFFFF830  }
0x81: {  	_ =	swait.ge [sflag:s14], $0x7D0  }
0x82: {  	[sflag:s14] =	ssyncset.done $0x0  }
0x83: {  	[sflag:s14] =	ssyncadd.s32 $0xFFFFF830  }
0x84: {  	_ =	swait.ge [sflag:s14], $0x7D0  }
0x85: {  	[sflag:s14] =	ssyncset.done $0x0  }
0x86: {  	[sflag:s14] =	ssyncadd.s32 $0xFFFFF830  }
0x87: {  	_ =	swait.ge [sflag:s14], $0x7D0  }
0x88: {  	[sflag:s14] =	ssyncset.done $0x0  }
0x89: {  	[sflag:s14] =	ssyncadd.s32 $0xFFFFF830  }
0x8a: {  	_ =	swait.ge [sflag:s14], $0x7D0  }
0x8b: {  	[sflag:s14] =	ssyncset.done $0x0  }
0x8c: {  	[sflag:s14] =	ssyncadd.s32 $0xFFFFF830  }
.Ltmp1:
0x8d: {  	_ =	swait.ge [sflag:s14], $0x7D0;
	(pc) =	sbr.rel @p0 .LBB2_4-.Ltmp1, $4  }
0x8e: {  	[sflag:s14] =	ssyncset.done $0x0  }
0x8f: {  	[sflag:s14] =	ssyncadd.s32 $0xFFFFF830  }
0x90: {  	_ =	swait.ge [sflag:s14], $0x7D0  }
0x91: {  	s22 =	smov.u32 s21;
	[sflag:s14] =	ssyncset.done $0x0  }
0x92: {  	s20 =	sshra.s32 s20, $0x2;
	[sflag:s14] =	ssyncadd.s32 $0xFFFFF830  }
0x93: {  	[spmem:s2] =	stream.indirect.scatter.add.f32 [tilespmem:s16], [sflag:$0x1], $0x10, s20, s15, $0xb8;
	[tilespmem:$0x5EB0] =	vst v63  }
0x94: {  	s21 =	sadd.s32 $0x80, s20  }
0x95: {  	[spmem:s2] =	stream.indirect.scatter.add.f32 [tilespmem:s16], [sflag:$0x1], $0x10, s21, s15, $0xb8;
	[tilespmem:$0x5EB0] =	vst v63  }
0x96: {  	s24 =	sadd.s32 $0x100, s20  }
0x97: {  	[spmem:s2] =	stream.indirect.scatter.add.f32 [tilespmem:s16], [sflag:$0x1], $0x10, s24, s15, $0xb8;
	[tilespmem:$0x5EB0] =	vst v63  }
0x98: {  	s25 =	sadd.s32 $0x180, s20  }
0x99: {  	[spmem:s2] =	stream.indirect.scatter.add.f32 [tilespmem:s16], [sflag:$0x1], $0x10, s25, s15, $0xb8;
	[tilespmem:$0x5EB0] =	vst v63  }
0x9a: {  	s26 =	sadd.s32 $0x200, s20  }
0x9b: {  	[spmem:s2] =	stream.indirect.scatter.add.f32 [tilespmem:s16], [sflag:$0x1], $0x10, s26, s15, $0xb8;
	[tilespmem:$0x5EB0] =	vst v63  }
0x9c: {  	s28 =	sadd.s32 $0x280, s20  }
0x9d: {  	[spmem:s2] =	stream.indirect.scatter.add.f32 [tilespmem:s16], [sflag:$0x1], $0x10, s28, s15, $0xb8;
	[tilespmem:$0x5EB0] =	vst v63  }
0x9e: {  	s29 =	sadd.s32 $0x300, s20  }
0x9f: {  	[spmem:s2] =	stream.indirect.scatter.add.f32 [tilespmem:s16], [sflag:$0x1], $0x10, s29, s15, $0xb8;
	[tilespmem:$0x5EB0] =	vst v63  }
0xa0: {  	s30 =	sadd.s32 $0x380, s20  }
0xa1: {  	[spmem:s2] =	stream.indirect.scatter.add.f32 [tilespmem:s16], [sflag:$0x1], $0x10, s30, s15, $0xb8;
	[tilespmem:$0x5EB0] =	vst v63  }
0xa2: {  	s31 =	sadd.s32 $0x400, s20  }
0xa3: {  	[spmem:s2] =	stream.indirect.scatter.add.f32 [tilespmem:s16], [sflag:$0x1], $0x10, s31, s15, $0xb8;
	[tilespmem:$0x5EB0] =	vst v63  }
0xa4: {  	s20 =	sadd.s32 $0x480, s20  }
0xa5: {  	[spmem:s2] =	stream.indirect.scatter.add.f32 [tilespmem:s16], [sflag:$0x1], $0x10, s20, s15, $0xb8;
	[tilespmem:$0x5EB0] =	vst v63  }
0xa6: {  	_ =	swait.ge [sflag:s14], $0x7D0  }
0xa7: {  	[sflag:s14] =	ssyncset.done $0x0  }
0xa8: {  	[sflag:s14] =	ssyncadd.s32 $0xFFFFF830  }
0xa9: {  	_ =	swait.ge [sflag:s14], $0x7D0  }
0xaa: {  	[sflag:s14] =	ssyncset.done $0x0  }
0xab: {  	[sflag:s14] =	ssyncadd.s32 $0xFFFFF830  }
0xac: {  	_ =	swait.ge [sflag:s14], $0x7D0  }
0xad: {  	[sflag:s14] =	ssyncset.done $0x0  }
0xae: {  	[sflag:s14] =	ssyncadd.s32 $0xFFFFF830  }
0xaf: {  	_ =	swait.ge [sflag:s14], $0x7D0  }
0xb0: {  	[sflag:s14] =	ssyncset.done $0x0  }
0xb1: {  	[sflag:s14] =	ssyncadd.s32 $0xFFFFF830  }
0xb2: {  	_ =	swait.ge [sflag:s14], $0x7D0  }
0xb3: {  	[sflag:s14] =	ssyncset.done $0x0  }
0xb4: {  	[sflag:s14] =	ssyncadd.s32 $0xFFFFF830  }
0xb5: {  	_ =	swait.ge [sflag:s14], $0x7D0  }
0xb6: {  	[sflag:s14] =	ssyncset.done $0x0  }
0xb7: {  	[sflag:s14] =	ssyncadd.s32 $0xFFFFF830  }
0xb8: {  	_ =	swait.ge [sflag:s14], $0x7D0  }
0xb9: {  	[sflag:s14] =	ssyncset.done $0x0  }
0xba: {  	[sflag:s14] =	ssyncadd.s32 $0xFFFFF830  }
0xbb: {  	_ =	swait.ge [sflag:s14], $0x7D0  }
0xbc: {  	[sflag:s14] =	ssyncset.done $0x0  }
0xbd: {  	[sflag:s14] =	ssyncadd.s32 $0xFFFFF830  }
0xbe: {  	_ =	swait.ge [sflag:s14], $0x7D0  }
0xbf: {  	[sflag:s14] =	ssyncset.done $0x0  }
0xc0: {  	[sflag:s14] =	ssyncadd.s32 $0xFFFFF830  }
0xc1: {  	_ =	swait.ge [sflag:s14], $0x7D0  }
0xc2: {  	s19 =	sadd.s32 $0x1, s19;
	[sflag:s14] =	ssyncset.done $0x0  }
0xc3: {  	p0 =	sne.s32 s19, s7;
	[sflag:s14] =	ssyncadd.s32 $0xFFFFF830  }
.Ltmp2:
0xc4: {  	[bflag:$0x0] =	sbarrier.arrive $0xFFFF;
	(pc) =	sbr.rel @p0 .LBB2_1-.Ltmp2, $4  }
0xc5: {  	[hbm:s5], [sflag:s17] =	dma.local [spmem:s18], $0x4E2  }
0xc6: {  	_ =	swait.ge [sflag:s13], $0x4E2  }
0xc7: {  	[sflag:s13] =	ssyncset.done $0x0  }
0xc8: {  	[sflag:s13] =	ssyncadd.s32 $0xFFFFFB1E  }
0xc9: {  	_ =	sfence.sel $0x180000  }
0xca: {  	[bflag:$0x0] =	sbarrier.arrive $0xFFFF  }
0xcb: {  	p0 =	sne.s32 s1, $0x0;
	_ =	strace $0x90000047  }
0xcc: {  	s0 =	sadd.s32 @!p0 $0x100000, s0;
	[bflag:$0x2] =	sbarrier.arrive $0xFFFF  }
0xcd: {  	[sflag:s0] =	ssyncadd.tile.s32 @!p0 $0x1;
	_ =	shalt  }
.Lfunc_end2:
_tile_overlayer_lowered:
.L_overlay_start_2:
0xce: {  	(tag) =	ssettag $0x2  }
0xcf: {  	s0 =	rddreg [dreg:$0x0];
	s2 =	stileid.u32  }
0xd0: {  	s1 =	rddreg [dreg:$0x1];
	p0 =	sne.s32 s2, $0x0  }
0xd1: {  	s3 =	rddreg [dreg:$0x2];
	[bflag:$0x3] =	sbarrier.arrive $0xFFFF;
	s2 =	simm.s32 @!p0 $0x1C02  }
0xd2: {  	[timem:s3], [sflag:s2] =	dma.local @!p0 [hbm:s0], s1  }
0xd3: {  	s0 =	simm.s32 @!p0 $0x2  }
0xd4: {  	_ =	swait.ge @!p0 [sflag:s0], s1  }
0xd5: {  	s1 =	ssub.s32 @!p0 $0x0, s1;
	[sflag:s0] =	ssyncset.done @!p0 $0x0  }
0xd6: {  	[sflag:s0] =	ssyncadd.s32 @!p0 s1  }
0xd7: {  	[bflag:$0x3] =	sbarrier.arrive $0xFFFF  }
0xd8: {  	_ =	shalt  }

</sc_bundles>
